<compile_context>
chip_gen: v7x
topology: tpu7x:2x2x1
jax: 0.10.2.dev20260603
libtpu: 0.0.44.dev20260713+nightly
codegen_flags: <defaults>
</compile_context>

<pallas_src>
import functools

import jax
import jax.numpy as jnp
from jax import lax
from jax.experimental import pallas as pl
from jax.experimental.pallas import tpu as pltpu
from jax.experimental.pallas import tpu_sc as plsc

_N = 10000
_NP = 10240
_E = 320000
_W = 128
_NC = 2
_NS = 16
_NW = _NC * _NS
_WPW = 80
_WINDP = _NW * _WPW
_EP = _WINDP * _W
_D = 128
_DH = _D // 2
_WPT = _WINDP // _NS
_RPT = _NP // _NS

_mesh = plsc.VectorSubcoreMesh(
    core_axis_name="c", subcore_axis_name="s",
    num_cores=_NC, num_subcores=_NS)


_CW = 16


def _sc_row_agg_body(xs_hbm, src_hbm, dst_hbm, out_hbm, sidx, didx,
                     r0, r1, acc, gsem, ssem):
    cid = lax.axis_index("c")
    sid = lax.axis_index("s")
    wid = cid * _NS + sid

    def zb(i, _):
        for c in range(_D // 16):
            r0[i, pl.ds(c * 16, 16)] = jnp.zeros((16,), jnp.float32)
        return 0
    lax.fori_loop(0, _W, zb, 0)
    base = sid * _RPT
    for j in range(_RPT // _W):
        pltpu.sync_copy(r0, acc.at[pl.ds(base + j * _W, _W)])
    plsc.subcore_barrier()

    wstart = wid * _WPW

    def gfire(w, buf):
        pltpu.async_copy(xs_hbm.at[sidx.at[w]], buf, gsem)

    def gwait(w, buf):
        pltpu.make_async_copy(xs_hbm.at[sidx.at[w]], buf, gsem).wait()

    def sfire(w, buf):
        pltpu.async_copy(buf, acc.at[didx.at[w]], ssem, add=True)

    def swait(w, buf):
        pltpu.make_async_copy(buf, acc.at[didx.at[w]], ssem).wait()

    pltpu.sync_copy(dst_hbm.at[pl.ds(wstart, _WPW)], didx)

    for c in range(_WPW // _CW):
        pltpu.sync_copy(src_hbm.at[pl.ds(wstart + c * _CW, _CW)], sidx)
        gfire(0, r0)

        def step(j, _):
            w = 2 * j
            g = c * _CW + w
            gwait(w, r0)

            @pl.when(g > 0)
            def _():
                swait(g - 1, r1)

            gfire(w + 1, r1)
            sfire(g, r0)
            gwait(w + 1, r1)
            sfire(g + 1, r1)
            swait(g, r0)

            @pl.when(j < _CW // 2 - 1)
            def _():
                gfire(w + 2, r0)

            return 0

        lax.fori_loop(0, _CW // 2, step, 0)

    swait(_WPW - 1, r1)
    plsc.subcore_barrier()
    pltpu.sync_copy(acc.at[pl.ds(base, _RPT)], out_hbm.at[cid, pl.ds(base, _RPT)])


_row_agg = pl.kernel(
    _sc_row_agg_body,
    out_type=jax.ShapeDtypeStruct((_NC, _NP, _D), jnp.float32),
    mesh=_mesh,
    scratch_types=[
        pltpu.VMEM((_CW, _W), jnp.int32),
        pltpu.VMEM((_WPW, _W), jnp.int32),
        pltpu.VMEM((_W, _D), jnp.float32),
        pltpu.VMEM((_W, _D), jnp.float32),
        pltpu.VMEM_SHARED((_NP, _D), jnp.float32),
        pltpu.SemaphoreType.DMA,
        pltpu.SemaphoreType.DMA,
    ],
)

_RING = 10


def _zero_acc_slice(zbuf, acc, sid):
    def zb(i, _):
        zbuf[pl.ds(i * 16, 16)] = jnp.zeros((16,), jnp.float32)
        return 0
    lax.fori_loop(0, _RPT // 16, zb, 0)
    pltpu.sync_copy(zbuf, acc.at[pl.ds(sid * _RPT, _RPT)])


def _sc_deg_body(src_hbm, dst_hbm, out_hbm, didx, upd, zbuf, acc, ssem):
    cid = lax.axis_index("c")
    sid = lax.axis_index("s")
    wid = cid * _NS + sid

    _zero_acc_slice(zbuf, acc, sid)
    def ob(i, _):
        upd[pl.ds(i * 16, 16)] = jnp.ones((16,), jnp.float32)
        return 0
    lax.fori_loop(0, _W // 16, ob, 0)
    plsc.subcore_barrier()

    wstart = wid * _WPW
    pltpu.sync_copy(dst_hbm.at[pl.ds(wstart, _WPW)], didx)

    def step(j, _):
        w = j * _RING

        @pl.when(j > 0)
        def _():
            for b in range(_RING):
                pltpu.make_async_copy(
                    upd, acc.at[didx.at[w - _RING + b]], ssem).wait()

        for b in range(_RING):
            pltpu.async_copy(upd, acc.at[didx.at[w + b]], ssem, add=True)
        return 0

    lax.fori_loop(0, _WPW // _RING, step, 0)
    for b in range(_RING):
        pltpu.make_async_copy(upd, acc.at[didx.at[_WPW - _RING + b]], ssem).wait()
    plsc.subcore_barrier()

    base = sid * _RPT
    pltpu.sync_copy(acc.at[pl.ds(base, _RPT)], out_hbm.at[cid, pl.ds(base, _RPT)])


_deg_agg = pl.kernel(
    _sc_deg_body,
    out_type=jax.ShapeDtypeStruct((_NC, _NP), jnp.float32),
    mesh=_mesh,
    scratch_types=[
        pltpu.VMEM((_WPW, _W), jnp.int32),
        pltpu.VMEM((_W,), jnp.float32),
        pltpu.VMEM((_RPT,), jnp.float32),
        pltpu.VMEM_SHARED((_NP,), jnp.float32),
        pltpu.SemaphoreType.DMA,
    ],
)


def _sc_elem_agg_body(vals_hbm, src_hbm, dst_hbm, out_hbm, sidx, didx,
                      upds, zbuf, acc, gsem, ssem):
    cid = lax.axis_index("c")
    sid = lax.axis_index("s")
    wid = cid * _NS + sid

    _zero_acc_slice(zbuf, acc, sid)
    plsc.subcore_barrier()

    wstart = wid * _WPW
    pltpu.sync_copy(src_hbm.at[pl.ds(wstart, _WPW)], sidx)
    pltpu.sync_copy(dst_hbm.at[pl.ds(wstart, _WPW)], didx)

    def gfire(w, b):
        pltpu.async_copy(vals_hbm.at[sidx.at[w]], upds.at[b], gsem)

    def gwait(w, b):
        pltpu.make_async_copy(vals_hbm.at[sidx.at[w]], upds.at[b], gsem).wait()

    def sfire(w, b):
        pltpu.async_copy(upds.at[b], acc.at[didx.at[w]], ssem, add=True)

    def swait(w, b):
        pltpu.make_async_copy(upds.at[b], acc.at[didx.at[w]], ssem).wait()

    def step(t, _):
        w = t * 2 * _RING
        for b in range(_RING):
            gfire(w + b, b)
        for b in range(_RING):
            gwait(w + b, b)

        @pl.when(t > 0)
        def _():
            for b in range(_RING):
                swait(w - _RING + b, _RING + b)

        for b in range(_RING):
            sfire(w + b, b)
        for b in range(_RING):
            gfire(w + _RING + b, _RING + b)
        for b in range(_RING):
            gwait(w + _RING + b, _RING + b)
        for b in range(_RING):
            swait(w + b, b)
        for b in range(_RING):
            sfire(w + _RING + b, _RING + b)
        return 0

    lax.fori_loop(0, _WPW // (2 * _RING), step, 0)
    for b in range(_RING):
        swait(_WPW - _RING + b, _RING + b)
    plsc.subcore_barrier()

    base = sid * _RPT
    pltpu.sync_copy(acc.at[pl.ds(base, _RPT)], out_hbm.at[cid, pl.ds(base, _RPT)])


_elem_agg = pl.kernel(
    _sc_elem_agg_body,
    out_type=jax.ShapeDtypeStruct((_NC, _NP), jnp.float32),
    mesh=_mesh,
    scratch_types=[
        pltpu.VMEM((_WPW, _W), jnp.int32),
        pltpu.VMEM((_WPW, _W), jnp.int32),
        pltpu.VMEM((2 * _RING, _W), jnp.float32),
        pltpu.VMEM((_RPT,), jnp.float32),
        pltpu.VMEM_SHARED((_NP,), jnp.float32),
        pltpu.SemaphoreType.DMA,
        pltpu.SemaphoreType.DMA,
    ],
)



_R = 5000
_G = _N // _R


def _scale_body(x_ref, d0_ref, d1_ref, xs_ref, dv_ref):
    deg = d0_ref[...] + d1_ref[...] + 1.0
    dinv = 1.0 / jnp.sqrt(deg)
    xb = x_ref[...].astype(jnp.bfloat16).astype(jnp.float32)
    xs_ref[...] = xb * dinv
    dv_ref[...] = dinv


_scale_call = pl.pallas_call(
    _scale_body,
    grid=(_G,),
    in_specs=[
        pl.BlockSpec((_R, _D), lambda i: (i, 0)),
        pl.BlockSpec((_R, 1), lambda i: (i, 0)),
        pl.BlockSpec((_R, 1), lambda i: (i, 0)),
    ],
    out_specs=[
        pl.BlockSpec((_R, _D), lambda i: (i, 0)),
        pl.BlockSpec((_R, 1), lambda i: (i, 0)),
    ],
    out_shape=[
        jax.ShapeDtypeStruct((_N, _D), jnp.float32),
        jax.ShapeDtypeStruct((_N, 1), jnp.float32),
    ],
)


def _mlp_body(a0_ref, a1_ref, xs_ref, dv_ref, w1_ref, b1_ref, w2_ref, zs_ref):
    dinv = dv_ref[...]
    y = (a0_ref[0] + a1_ref[0] + xs_ref[...]) * dinv
    w1b = w1_ref[...].astype(jnp.bfloat16)
    y_hi = y.astype(jnp.bfloat16)
    y_lo = (y - y_hi.astype(jnp.float32)).astype(jnp.bfloat16)
    h = (jnp.dot(y_hi, w1b, preferred_element_type=jnp.float32)
         + jnp.dot(y_lo, w1b, preferred_element_type=jnp.float32))
    h = jnp.maximum(h + b1_ref[...], 0.0)
    hb = h.astype(jnp.bfloat16).astype(jnp.float32)
    w2b = w2_ref[...].astype(jnp.bfloat16).astype(jnp.float32)
    z = jnp.sum(hb * w2b, axis=1, keepdims=True)
    zs_ref[...] = z * dinv


def _make_mlp(d_hid):
    return pl.pallas_call(
        _mlp_body,
        grid=(_G,),
        in_specs=[
            pl.BlockSpec((1, _R, _D), lambda i: (0, i, 0)),
            pl.BlockSpec((1, _R, _D), lambda i: (1, i, 0)),
            pl.BlockSpec((_R, _D), lambda i: (i, 0)),
            pl.BlockSpec((_R, 1), lambda i: (i, 0)),
            pl.BlockSpec((_D, d_hid), lambda i: (0, 0)),
            pl.BlockSpec((1, d_hid), lambda i: (0, 0)),
            pl.BlockSpec((1, d_hid), lambda i: (0, 0)),
        ],
        out_specs=pl.BlockSpec((_R, 1), lambda i: (i, 0)),
        out_shape=jax.ShapeDtypeStruct((_NP, 1), jnp.float32),
    )


def _final_body(z0_ref, z1_ref, zs_ref, dv_ref, b2_ref, out_ref):
    out_ref[...] = (z0_ref[...] + z1_ref[...] + zs_ref[...]) * dv_ref[...] + b2_ref[...]


_final_call = pl.pallas_call(
    _final_body,
    grid=(_G,),
    in_specs=[
        pl.BlockSpec((_R, 1), lambda i: (i, 0)),
        pl.BlockSpec((_R, 1), lambda i: (i, 0)),
        pl.BlockSpec((_R, 1), lambda i: (i, 0)),
        pl.BlockSpec((_R, 1), lambda i: (i, 0)),
        pl.BlockSpec((1, 1), lambda i: (0, 0)),
    ],
    out_specs=pl.BlockSpec((_R, 1), lambda i: (i, 0)),
    out_shape=jax.ShapeDtypeStruct((_N, 1), jnp.float32),
)


def kernel(x, edge_index, W1, b1, W2, b2):
    src = edge_index[0].astype(jnp.int32)
    dst = edge_index[1].astype(jnp.int32)

    pad_n = _EP - _E
    ar = jnp.arange(pad_n, dtype=jnp.int32)
    pad_src = (ar * 37) % _N
    pad_dst = _N + ar % (_NP - _N)
    src2d = jnp.concatenate([src, pad_src]).reshape(_WINDP, _W)
    dst2d = jnp.concatenate([dst, pad_dst]).reshape(_WINDP, _W)

    degp = _deg_agg(src2d, dst2d)
    xs, dinv = _scale_call(x, degp[0, :_N, None], degp[1, :_N, None])

    aggp = _row_agg(xs, src2d, dst2d)

    d_hid = W1.shape[1]
    zs = _make_mlp(d_hid)(aggp, aggp, xs, dinv, W1, b1.reshape(1, d_hid),
                          W2.reshape(1, d_hid))

    azp = _elem_agg(zs.reshape(_NP), src2d, dst2d)
    out = _final_call(azp[0, :_N, None], azp[1, :_N, None], zs, dinv,
                      b2.reshape(1, 1))
    return out

# --- scband reference (transcript-rebuilt; emitter-appended) ---
"""Pipeline reference for scband-net-11312943858272 (READ-ONLY COPY).

The authoritative reference and input builder live on the scoring server;
editing this copy changes nothing except your own understanding.
"""

import jax, jax.numpy as jnp
import numpy as np

N = 10000
E = 320000
D_IN = 128
D_HID = 500
D_OUT = 1


def setup_inputs(seed: int = 0) -> dict:
    key = jax.random.key(seed)
    k1, k2, k3, k4 = jax.random.split(key, 4)
    x = jax.random.normal(k1, (N, D_IN), dtype=jnp.float32)
    edge_index = jax.random.randint(k2, (2, E), 0, N, dtype=jnp.int64)
    # GCNConv weights (glorot-style init)
    W1 = jax.random.normal(k3, (D_IN, D_HID), dtype=jnp.float32) * (1.0 / np.sqrt(D_IN))
    b1 = jnp.zeros((D_HID,), dtype=jnp.float32)
    W2 = jax.random.normal(k4, (D_HID, D_OUT), dtype=jnp.float32) * (1.0 / np.sqrt(D_HID))
    b2 = jnp.zeros((D_OUT,), dtype=jnp.float32)
    return {"x": x, "edge_index": edge_index, "W1": W1, "b1": b1, "W2": W2, "b2": b2}


def _gcn_conv(x, edge_index, W, b, num_nodes):
    # Linear transform first (PyG GCNConv semantics)
    h = x @ W
    # Add self-loops
    loop = jnp.arange(num_nodes, dtype=edge_index.dtype)
    src = jnp.concatenate([edge_index[0], loop])
    dst = jnp.concatenate([edge_index[1], loop])
    # Symmetric normalization: deg computed on dst with unit edge weights
    deg = jnp.zeros((num_nodes,), dtype=h.dtype).at[dst].add(1.0)
    deg_inv_sqrt = jnp.where(deg > 0, 1.0 / jnp.sqrt(deg), 0.0)
    norm = deg_inv_sqrt[src] * deg_inv_sqrt[dst]
    # Gather messages from src, scale, scatter-add into dst
    msg = h[src] * norm[:, None]
    out = jnp.zeros((num_nodes, h.shape[1]), dtype=h.dtype).at[dst].add(msg)
    return out + b


def reference(x, edge_index, W1, b1, W2, b2):
    num_nodes = x.shape[0]
    h = _gcn_conv(x, edge_index, W1, b1, num_nodes)
    h = jax.nn.relu(h)
    # F.dropout(training=self.training): identity in eval mode
    out = _gcn_conv(h, edge_index, W2, b2, num_nodes)
    return out

if __name__ == "__main__":
    import jax
    _d = setup_inputs()
    print(jax.jit(kernel)(*tuple(_d.values())))

</pallas_src>

<mosaic_0001>
#map = affine_map<(d0, d1) -> (0)>
#map1 = affine_map<(d0, d1) -> (0, 0)>
module attributes {stable_mosaic.version = 14 : i64} {
  func.func @_sc_elem_agg_body(%arg0: i32, %arg1: i32, %arg2: memref<10240xf32, #tpu.memory_space<hbm>>, %arg3: memref<2560x128xi32, #tpu.memory_space<hbm>>, %arg4: memref<2560x128xi32, #tpu.memory_space<hbm>>, %arg5: memref<2x10240xf32, #tpu.memory_space<hbm>>, %arg6: memref<80x128xi32, #tpu.memory_space<vmem>>, %arg7: memref<80x128xi32, #tpu.memory_space<vmem>>, %arg8: memref<20x128xf32, #tpu.memory_space<vmem>>, %arg9: memref<640xf32, #tpu.memory_space<vmem>>, %arg10: memref<10240xf32, #tpu.memory_space<vmem_shared>>, %arg11: memref<!tpu.dma_semaphore, #tpu.memory_space<semaphore_mem>>, %arg12: memref<!tpu.dma_semaphore, #tpu.memory_space<semaphore_mem>>) attributes {dimension_semantics = [#tpu.dimension_semantics<core_parallel>, #tpu.dimension_semantics<subcore_parallel>], iteration_bounds = array<i64: 2, 16>, scalar_prefetch = 0 : i64, scratch_operands = 7 : i64, tpu.core_type = #tpu.core_type<sc_vector_subcore>, window_params = [{transform_indices = #map}, {transform_indices = #map1}, {transform_indices = #map1}, {transform_indices = #map1}]} {
    %mul3A = arith.constant 16 : i32
    %mul3A_0 = arith.muli %arg0, %mul3A : i32
    %add3A = arith.addi %mul3A_0, %arg1 : i32
    %scan3A = arith.constant 0 : i32
    %scan3A_1 = arith.constant 0 : i32
    %scan3A_2 = arith.constant 40 : i32
    %scan3A_3 = arith.addi %scan3A_1, %scan3A_2 : i32
    %scan3A_4 = arith.constant 1 : i32
    %scan3A_5 = scf.for %scan3A_120 = %scan3A_1 to %scan3A_3 step %scan3A_4 iter_args(%scan3A_121 = %scan3A) -> (i32)  : i32 {
      %broadcast_in_dim3A = arith.constant 0.000000e+00 : f32
      %broadcast_in_dim3A_122 = vector.broadcast %broadcast_in_dim3A : f32 to vector<16xf32>
      %mul3A_123 = arith.constant 16 : i32
      %mul3A_124 = arith.muli %scan3A_120, %mul3A_123 : i32
      %swap3A = arith.index_cast %mul3A_124 : i32 to index
      %swap3A_125 = tpu.vector_load %arg9[%swap3A] {strides = array<i32>} : memref<640xf32, #tpu.memory_space<vmem>>, vector<16xf32>,
      %swap3A_126 = vector.shape_cast %swap3A_125 : vector<16xf32> to vector<16xf32>
      %swap3A_127 = vector.shape_cast %broadcast_in_dim3A_122 : vector<16xf32> to vector<16xf32>
      tpu.vector_store %arg9[%swap3A], %swap3A_127 {strides = array<i32>} : memref<640xf32, #tpu.memory_space<vmem>>, vector<16xf32>,
      %scan3A_128 = arith.constant 0 : i32
      scf.yield %scan3A_128 : i32
    }
    %scan3A_6 = arith.constant 40 : i32
    %mul3A_7 = arith.constant 640 : i32
    %mul3A_8 = arith.muli %arg1, %mul3A_7 : i32
    "tpu.region"() ({
      %run_scoped3A = tpu.sem_alloc : memref<!tpu.dma_semaphore, #tpu.memory_space<semaphore_mem>>
      %dma_start3A = tpu.memref_slice %arg10[%mul3A_8] : memref<10240xf32, #tpu.memory_space<vmem_shared>> -> memref<640xf32, #tpu.memory_space<vmem_shared>>
      %dma_start3A_120 = tpu.memref_slice %arg10[%mul3A_8] : memref<10240xf32, #tpu.memory_space<vmem_shared>> -> memref<640xf32, #tpu.memory_space<vmem_shared>>
      tpu.enqueue_dma source(%arg9 : memref<640xf32, #tpu.memory_space<vmem>>) target(%dma_start3A_120 : memref<640xf32, #tpu.memory_space<vmem_shared>>) target_semaphore(%run_scoped3A : memref<!tpu.dma_semaphore, #tpu.memory_space<semaphore_mem>>)
      %dma_wait3A_121 = tpu.memref_slice %arg10[%mul3A_8] : memref<10240xf32, #tpu.memory_space<vmem_shared>> -> memref<640xf32, #tpu.memory_space<vmem_shared>>
      %dma_wait3A_122 = tpu.memref_slice %arg10[%mul3A_8] : memref<10240xf32, #tpu.memory_space<vmem_shared>> -> memref<640xf32, #tpu.memory_space<vmem_shared>>
      tpu.wait_dma2 semaphore(%run_scoped3A : memref<!tpu.dma_semaphore, #tpu.memory_space<semaphore_mem>>) src(%arg9 : memref<640xf32, #tpu.memory_space<vmem>>) dst(%dma_wait3A_122 : memref<640xf32, #tpu.memory_space<vmem_shared>>)
      tpu.yield
    }) : () -> ()
    %barrier3A = arith.constant 0 : index
    tpu.barrier barrier_id(%barrier3A)
    %mul3A_9 = arith.constant 80 : i32
    %mul3A_10 = arith.muli %add3A, %mul3A_9 : i32
    "tpu.region"() ({
      %run_scoped3A = tpu.sem_alloc : memref<!tpu.dma_semaphore, #tpu.memory_space<semaphore_mem>>
      %dma_start3A = arith.constant 0 : i32
      %dma_start3A_120 = tpu.memref_slice %arg3[%mul3A_10, %dma_start3A] : memref<2560x128xi32, #tpu.memory_space<hbm>> -> memref<80x128xi32, #tpu.memory_space<hbm>>
      %dma_start3A_121 = arith.constant 0 : i32
      %dma_start3A_122 = tpu.memref_slice %arg3[%mul3A_10, %dma_start3A_121] : memref<2560x128xi32, #tpu.memory_space<hbm>> -> memref<80x128xi32, #tpu.memory_space<hbm>>
      tpu.enqueue_dma source(%dma_start3A_122 : memref<80x128xi32, #tpu.memory_space<hbm>>) target(%arg6 : memref<80x128xi32, #tpu.memory_space<vmem>>) target_semaphore(%run_scoped3A : memref<!tpu.dma_semaphore, #tpu.memory_space<semaphore_mem>>)
      %dma_wait3A_123 = arith.constant 0 : i32
      %dma_wait3A_124 = tpu.memref_slice %arg3[%mul3A_10, %dma_wait3A_123] : memref<2560x128xi32, #tpu.memory_space<hbm>> -> memref<80x128xi32, #tpu.memory_space<hbm>>
      %dma_wait3A_125 = arith.constant 0 : i32
      %dma_wait3A_126 = tpu.memref_slice %arg3[%mul3A_10, %dma_wait3A_125] : memref<2560x128xi32, #tpu.memory_space<hbm>> -> memref<80x128xi32, #tpu.memory_space<hbm>>
      tpu.wait_dma2 semaphore(%run_scoped3A : memref<!tpu.dma_semaphore, #tpu.memory_space<semaphore_mem>>) src(%dma_wait3A_126 : memref<80x128xi32, #tpu.memory_space<hbm>>) dst(%arg6 : memref<80x128xi32, #tpu.memory_space<vmem>>)
      tpu.yield
    }) : () -> ()
    "tpu.region"() ({
      %run_scoped3A = tpu.sem_alloc : memref<!tpu.dma_semaphore, #tpu.memory_space<semaphore_mem>>
      %dma_start3A = arith.constant 0 : i32
      %dma_start3A_120 = tpu.memref_slice %arg4[%mul3A_10, %dma_start3A] : memref<2560x128xi32, #tpu.memory_space<hbm>> -> memref<80x128xi32, #tpu.memory_space<hbm>>
      %dma_start3A_121 = arith.constant 0 : i32
      %dma_start3A_122 = tpu.memref_slice %arg4[%mul3A_10, %dma_start3A_121] : memref<2560x128xi32, #tpu.memory_space<hbm>> -> memref<80x128xi32, #tpu.memory_space<hbm>>
      tpu.enqueue_dma source(%dma_start3A_122 : memref<80x128xi32, #tpu.memory_space<hbm>>) target(%arg7 : memref<80x128xi32, #tpu.memory_space<vmem>>) target_semaphore(%run_scoped3A : memref<!tpu.dma_semaphore, #tpu.memory_space<semaphore_mem>>)
      %dma_wait3A_123 = arith.constant 0 : i32
      %dma_wait3A_124 = tpu.memref_slice %arg4[%mul3A_10, %dma_wait3A_123] : memref<2560x128xi32, #tpu.memory_space<hbm>> -> memref<80x128xi32, #tpu.memory_space<hbm>>
      %dma_wait3A_125 = arith.constant 0 : i32
      %dma_wait3A_126 = tpu.memref_slice %arg4[%mul3A_10, %dma_wait3A_125] : memref<2560x128xi32, #tpu.memory_space<hbm>> -> memref<80x128xi32, #tpu.memory_space<hbm>>
      tpu.wait_dma2 semaphore(%run_scoped3A : memref<!tpu.dma_semaphore, #tpu.memory_space<semaphore_mem>>) src(%dma_wait3A_126 : memref<80x128xi32, #tpu.memory_space<hbm>>) dst(%arg7 : memref<80x128xi32, #tpu.memory_space<vmem>>)
      tpu.yield
    }) : () -> ()
    %scan3A_11 = arith.constant 0 : i32
    %scan3A_12 = arith.constant 0 : i32
    %scan3A_13 = arith.constant 4 : i32
    %scan3A_14 = arith.addi %scan3A_12, %scan3A_13 : i32
    %scan3A_15 = arith.constant 1 : i32
    %scan3A_16 = scf.for %scan3A_120 = %scan3A_12 to %scan3A_14 step %scan3A_15 iter_args(%scan3A_121 = %scan3A_11) -> (i32)  : i32 {
      %mul3A_122 = arith.constant 2 : i32
      %mul3A_123 = arith.muli %scan3A_120, %mul3A_122 : i32
      %mul3A_124 = arith.constant 10 : i32
      %mul3A_125 = arith.muli %mul3A_123, %mul3A_124 : i32
      %add3A_126 = arith.constant 0 : i32
      %add3A_127 = arith.addi %mul3A_125, %add3A_126 : i32
      %dma_start3A = arith.constant 0 : i32
      %dma_start3A_128 = arith.constant 0 : i32
      %dma_start3A_129 = tpu.memref_slice %arg8[%dma_start3A, %dma_start3A_128] : memref<20x128xf32, #tpu.memory_space<vmem>> -> memref<1x128xf32, #tpu.memory_space<vmem>>
      %dma_start3A_130 = tpu.memref_squeeze %dma_start3A_129 : memref<1x128xf32, #tpu.memory_space<vmem>> -> memref<128xf32, #tpu.memory_space<vmem>>
      %dma_start3A_131 = arith.constant 0 : i32
      %dma_start3A_132 = tpu.memref_slice %arg6[%add3A_127, %dma_start3A_131] : memref<80x128xi32, #tpu.memory_space<vmem>> -> memref<1x128xi32, #tpu.memory_space<vmem>>
      %dma_start3A_133 = tpu.memref_squeeze %dma_start3A_132 : memref<1x128xi32, #tpu.memory_space<vmem>> -> memref<128xi32, #tpu.memory_space<vmem>>
      %dma_start3A_134 = arith.constant 0 : i32
      %dma_start3A_135 = tpu.memref_slice %arg2[%dma_start3A_134] : memref<10240xf32, #tpu.memory_space<hbm>> -> memref<10240xf32, #tpu.memory_space<hbm>>
      tpu.enqueue_indirect_dma source(%dma_start3A_135 : memref<10240xf32, #tpu.memory_space<hbm>>) target(%dma_start3A_130 : memref<128xf32, #tpu.memory_space<vmem>>) offsets(%dma_start3A_133 : memref<128xi32, #tpu.memory_space<vmem>>) semaphore(%arg11 : memref<!tpu.dma_semaphore, #tpu.memory_space<semaphore_mem>>)
      %add3A_136 = arith.constant 1 : i32
      %add3A_137 = arith.addi %mul3A_125, %add3A_136 : i32
      %dma_start3A_138 = arith.constant 1 : i32
      %dma_start3A_139 = arith.constant 0 : i32
      %dma_start3A_140 = tpu.memref_slice %arg8[%dma_start3A_138, %dma_start3A_139] : memref<20x128xf32, #tpu.memory_space<vmem>> -> memref<1x128xf32, #tpu.memory_space<vmem>>
      %dma_start3A_141 = tpu.memref_squeeze %dma_start3A_140 : memref<1x128xf32, #tpu.memory_space<vmem>> -> memref<128xf32, #tpu.memory_space<vmem>>
      %dma_start3A_142 = arith.constant 0 : i32
      %dma_start3A_143 = tpu.memref_slice %arg6[%add3A_137, %dma_start3A_142] : memref<80x128xi32, #tpu.memory_space<vmem>> -> memref<1x128xi32, #tpu.memory_space<vmem>>
      %dma_start3A_144 = tpu.memref_squeeze %dma_start3A_143 : memref<1x128xi32, #tpu.memory_space<vmem>> -> memref<128xi32, #tpu.memory_space<vmem>>
      %dma_start3A_145 = arith.constant 0 : i32
      %dma_start3A_146 = tpu.memref_slice %arg2[%dma_start3A_145] : memref<10240xf32, #tpu.memory_space<hbm>> -> memref<10240xf32, #tpu.memory_space<hbm>>
      tpu.enqueue_indirect_dma source(%dma_start3A_146 : memref<10240xf32, #tpu.memory_space<hbm>>) target(%dma_start3A_141 : memref<128xf32, #tpu.memory_space<vmem>>) offsets(%dma_start3A_144 : memref<128xi32, #tpu.memory_space<vmem>>) semaphore(%arg11 : memref<!tpu.dma_semaphore, #tpu.memory_space<semaphore_mem>>)
      %add3A_147 = arith.constant 2 : i32
      %add3A_148 = arith.addi %mul3A_125, %add3A_147 : i32
      %dma_start3A_149 = arith.constant 2 : i32
      %dma_start3A_150 = arith.constant 0 : i32
      %dma_start3A_151 = tpu.memref_slice %arg8[%dma_start3A_149, %dma_start3A_150] : memref<20x128xf32, #tpu.memory_space<vmem>> -> memref<1x128xf32, #tpu.memory_space<vmem>>
      %dma_start3A_152 = tpu.memref_squeeze %dma_start3A_151 : memref<1x128xf32, #tpu.memory_space<vmem>> -> memref<128xf32, #tpu.memory_space<vmem>>
      %dma_start3A_153 = arith.constant 0 : i32
      %dma_start3A_154 = tpu.memref_slice %arg6[%add3A_148, %dma_start3A_153] : memref<80x128xi32, #tpu.memory_space<vmem>> -> memref<1x128xi32, #tpu.memory_space<vmem>>
      %dma_start3A_155 = tpu.memref_squeeze %dma_start3A_154 : memref<1x128xi32, #tpu.memory_space<vmem>> -> memref<128xi32, #tpu.memory_space<vmem>>
      %dma_start3A_156 = arith.constant 0 : i32
      %dma_start3A_157 = tpu.memref_slice %arg2[%dma_start3A_156] : memref<10240xf32, #tpu.memory_space<hbm>> -> memref<10240xf32, #tpu.memory_space<hbm>>
      tpu.enqueue_indirect_dma source(%dma_start3A_157 : memref<10240xf32, #tpu.memory_space<hbm>>) target(%dma_start3A_152 : memref<128xf32, #tpu.memory_space<vmem>>) offsets(%dma_start3A_155 : memref<128xi32, #tpu.memory_space<vmem>>) semaphore(%arg11 : memref<!tpu.dma_semaphore, #tpu.memory_space<semaphore_mem>>)
      %add3A_158 = arith.constant 3 : i32
      %add3A_159 = arith.addi %mul3A_125, %add3A_158 : i32
      %dma_start3A_160 = arith.constant 3 : i32
      %dma_start3A_161 = arith.constant 0 : i32
      %dma_start3A_162 = tpu.memref_slice %arg8[%dma_start3A_160, %dma_start3A_161] : memref<20x128xf32, #tpu.memory_space<vmem>> -> memref<1x128xf32, #tpu.memory_space<vmem>>
      %dma_start3A_163 = tpu.memref_squeeze %dma_start3A_162 : memref<1x128xf32, #tpu.memory_space<vmem>> -> memref<128xf32, #tpu.memory_space<vmem>>
      %dma_start3A_164 = arith.constant 0 : i32
      %dma_start3A_165 = tpu.memref_slice %arg6[%add3A_159, %dma_start3A_164] : memref<80x128xi32, #tpu.memory_space<vmem>> -> memref<1x128xi32, #tpu.memory_space<vmem>>
      %dma_start3A_166 = tpu.memref_squeeze %dma_start3A_165 : memref<1x128xi32, #tpu.memory_space<vmem>> -> memref<128xi32, #tpu.memory_space<vmem>>
      %dma_start3A_167 = arith.constant 0 : i32
      %dma_start3A_168 = tpu.memref_slice %arg2[%dma_start3A_167] : memref<10240xf32, #tpu.memory_space<hbm>> -> memref<10240xf32, #tpu.memory_space<hbm>>
      tpu.enqueue_indirect_dma source(%dma_start3A_168 : memref<10240xf32, #tpu.memory_space<hbm>>) target(%dma_start3A_163 : memref<128xf32, #tpu.memory_space<vmem>>) offsets(%dma_start3A_166 : memref<128xi32, #tpu.memory_space<vmem>>) semaphore(%arg11 : memref<!tpu.dma_semaphore, #tpu.memory_space<semaphore_mem>>)
      %add3A_169 = arith.constant 4 : i32
      %add3A_170 = arith.addi %mul3A_125, %add3A_169 : i32
      %dma_start3A_171 = arith.constant 4 : i32
      %dma_start3A_172 = arith.constant 0 : i32
      %dma_start3A_173 = tpu.memref_slice %arg8[%dma_start3A_171, %dma_start3A_172] : memref<20x128xf32, #tpu.memory_space<vmem>> -> memref<1x128xf32, #tpu.memory_space<vmem>>
      %dma_start3A_174 = tpu.memref_squeeze %dma_start3A_173 : memref<1x128xf32, #tpu.memory_space<vmem>> -> memref<128xf32, #tpu.memory_space<vmem>>
      %dma_start3A_175 = arith.constant 0 : i32
      %dma_start3A_176 = tpu.memref_slice %arg6[%add3A_170, %dma_start3A_175] : memref<80x128xi32, #tpu.memory_space<vmem>> -> memref<1x128xi32, #tpu.memory_space<vmem>>
      %dma_start3A_177 = tpu.memref_squeeze %dma_start3A_176 : memref<1x128xi32, #tpu.memory_space<vmem>> -> memref<128xi32, #tpu.memory_space<vmem>>
      %dma_start3A_178 = arith.constant 0 : i32
      %dma_start3A_179 = tpu.memref_slice %arg2[%dma_start3A_178] : memref<10240xf32, #tpu.memory_space<hbm>> -> memref<10240xf32, #tpu.memory_space<hbm>>
      tpu.enqueue_indirect_dma source(%dma_start3A_179 : memref<10240xf32, #tpu.memory_space<hbm>>) target(%dma_start3A_174 : memref<128xf32, #tpu.memory_space<vmem>>) offsets(%dma_start3A_177 : memref<128xi32, #tpu.memory_space<vmem>>) semaphore(%arg11 : memref<!tpu.dma_semaphore, #tpu.memory_space<semaphore_mem>>)
      %add3A_180 = arith.constant 5 : i32
      %add3A_181 = arith.addi %mul3A_125, %add3A_180 : i32
      %dma_start3A_182 = arith.constant 5 : i32
      %dma_start3A_183 = arith.constant 0 : i32
      %dma_start3A_184 = tpu.memref_slice %arg8[%dma_start3A_182, %dma_start3A_183] : memref<20x128xf32, #tpu.memory_space<vmem>> -> memref<1x128xf32, #tpu.memory_space<vmem>>
      %dma_start3A_185 = tpu.memref_squeeze %dma_start3A_184 : memref<1x128xf32, #tpu.memory_space<vmem>> -> memref<128xf32, #tpu.memory_space<vmem>>
      %dma_start3A_186 = arith.constant 0 : i32
      %dma_start3A_187 = tpu.memref_slice %arg6[%add3A_181, %dma_start3A_186] : memref<80x128xi32, #tpu.memory_space<vmem>> -> memref<1x128xi32, #tpu.memory_space<vmem>>
      %dma_start3A_188 = tpu.memref_squeeze %dma_start3A_187 : memref<1x128xi32, #tpu.memory_space<vmem>> -> memref<128xi32, #tpu.memory_space<vmem>>
      %dma_start3A_189 = arith.constant 0 : i32
      %dma_start3A_190 = tpu.memref_slice %arg2[%dma_start3A_189] : memref<10240xf32, #tpu.memory_space<hbm>> -> memref<10240xf32, #tpu.memory_space<hbm>>
      tpu.enqueue_indirect_dma source(%dma_start3A_190 : memref<10240xf32, #tpu.memory_space<hbm>>) target(%dma_start3A_185 : memref<128xf32, #tpu.memory_space<vmem>>) offsets(%dma_start3A_188 : memref<128xi32, #tpu.memory_space<vmem>>) semaphore(%arg11 : memref<!tpu.dma_semaphore, #tpu.memory_space<semaphore_mem>>)
      %add3A_191 = arith.constant 6 : i32
      %add3A_192 = arith.addi %mul3A_125, %add3A_191 : i32
      %dma_start3A_193 = arith.constant 6 : i32
      %dma_start3A_194 = arith.constant 0 : i32
      %dma_start3A_195 = tpu.memref_slice %arg8[%dma_start3A_193, %dma_start3A_194] : memref<20x128xf32, #tpu.memory_space<vmem>> -> memref<1x128xf32, #tpu.memory_space<vmem>>
      %dma_start3A_196 = tpu.memref_squeeze %dma_start3A_195 : memref<1x128xf32, #tpu.memory_space<vmem>> -> memref<128xf32, #tpu.memory_space<vmem>>
      %dma_start3A_197 = arith.constant 0 : i32
      %dma_start3A_198 = tpu.memref_slice %arg6[%add3A_192, %dma_start3A_197] : memref<80x128xi32, #tpu.memory_space<vmem>> -> memref<1x128xi32, #tpu.memory_space<vmem>>
      %dma_start3A_199 = tpu.memref_squeeze %dma_start3A_198 : memref<1x128xi32, #tpu.memory_space<vmem>> -> memref<128xi32, #tpu.memory_space<vmem>>
      %dma_start3A_200 = arith.constant 0 : i32
      %dma_start3A_201 = tpu.memref_slice %arg2[%dma_start3A_200] : memref<10240xf32, #tpu.memory_space<hbm>> -> memref<10240xf32, #tpu.memory_space<hbm>>
      tpu.enqueue_indirect_dma source(%dma_start3A_201 : memref<10240xf32, #tpu.memory_space<hbm>>) target(%dma_start3A_196 : memref<128xf32, #tpu.memory_space<vmem>>) offsets(%dma_start3A_199 : memref<128xi32, #tpu.memory_space<vmem>>) semaphore(%arg11 : memref<!tpu.dma_semaphore, #tpu.memory_space<semaphore_mem>>)
      %add3A_202 = arith.constant 7 : i32
      %add3A_203 = arith.addi %mul3A_125, %add3A_202 : i32
      %dma_start3A_204 = arith.constant 7 : i32
      %dma_start3A_205 = arith.constant 0 : i32
      %dma_start3A_206 = tpu.memref_slice %arg8[%dma_start3A_204, %dma_start3A_205] : memref<20x128xf32, #tpu.memory_space<vmem>> -> memref<1x128xf32, #tpu.memory_space<vmem>>
      %dma_start3A_207 = tpu.memref_squeeze %dma_start3A_206 : memref<1x128xf32, #tpu.memory_space<vmem>> -> memref<128xf32, #tpu.memory_space<vmem>>
      %dma_start3A_208 = arith.constant 0 : i32
      %dma_start3A_209 = tpu.memref_slice %arg6[%add3A_203, %dma_start3A_208] : memref<80x128xi32, #tpu.memory_space<vmem>> -> memref<1x128xi32, #tpu.memory_space<vmem>>
      %dma_start3A_210 = tpu.memref_squeeze %dma_start3A_209 : memref<1x128xi32, #tpu.memory_space<vmem>> -> memref<128xi32, #tpu.memory_space<vmem>>
      %dma_start3A_211 = arith.constant 0 : i32
      %dma_start3A_212 = tpu.memref_slice %arg2[%dma_start3A_211] : memref<10240xf32, #tpu.memory_space<hbm>> -> memref<10240xf32, #tpu.memory_space<hbm>>
      tpu.enqueue_indirect_dma source(%dma_start3A_212 : memref<10240xf32, #tpu.memory_space<hbm>>) target(%dma_start3A_207 : memref<128xf32, #tpu.memory_space<vmem>>) offsets(%dma_start3A_210 : memref<128xi32, #tpu.memory_space<vmem>>) semaphore(%arg11 : memref<!tpu.dma_semaphore, #tpu.memory_space<semaphore_mem>>)
      %add3A_213 = arith.constant 8 : i32
      %add3A_214 = arith.addi %mul3A_125, %add3A_213 : i32
      %dma_start3A_215 = arith.constant 8 : i32
      %dma_start3A_216 = arith.constant 0 : i32
      %dma_start3A_217 = tpu.memref_slice %arg8[%dma_start3A_215, %dma_start3A_216] : memref<20x128xf32, #tpu.memory_space<vmem>> -> memref<1x128xf32, #tpu.memory_space<vmem>>
      %dma_start3A_218 = tpu.memref_squeeze %dma_start3A_217 : memref<1x128xf32, #tpu.memory_space<vmem>> -> memref<128xf32, #tpu.memory_space<vmem>>
      %dma_start3A_219 = arith.constant 0 : i32
      %dma_start3A_220 = tpu.memref_slice %arg6[%add3A_214, %dma_start3A_219] : memref<80x128xi32, #tpu.memory_space<vmem>> -> memref<1x128xi32, #tpu.memory_space<vmem>>
      %dma_start3A_221 = tpu.memref_squeeze %dma_start3A_220 : memref<1x128xi32, #tpu.memory_space<vmem>> -> memref<128xi32, #tpu.memory_space<vmem>>
      %dma_start3A_222 = arith.constant 0 : i32
      %dma_start3A_223 = tpu.memref_slice %arg2[%dma_start3A_222] : memref<10240xf32, #tpu.memory_space<hbm>> -> memref<10240xf32, #tpu.memory_space<hbm>>
      tpu.enqueue_indirect_dma source(%dma_start3A_223 : memref<10240xf32, #tpu.memory_space<hbm>>) target(%dma_start3A_218 : memref<128xf32, #tpu.memory_space<vmem>>) offsets(%dma_start3A_221 : memref<128xi32, #tpu.memory_space<vmem>>) semaphore(%arg11 : memref<!tpu.dma_semaphore, #tpu.memory_space<semaphore_mem>>)
      %add3A_224 = arith.constant 9 : i32
      %add3A_225 = arith.addi %mul3A_125, %add3A_224 : i32
      %dma_start3A_226 = arith.constant 9 : i32
      %dma_start3A_227 = arith.constant 0 : i32
      %dma_start3A_228 = tpu.memref_slice %arg8[%dma_start3A_226, %dma_start3A_227] : memref<20x128xf32, #tpu.memory_space<vmem>> -> memref<1x128xf32, #tpu.memory_space<vmem>>
      %dma_start3A_229 = tpu.memref_squeeze %dma_start3A_228 : memref<1x128xf32, #tpu.memory_space<vmem>> -> memref<128xf32, #tpu.memory_space<vmem>>
      %dma_start3A_230 = arith.constant 0 : i32
      %dma_start3A_231 = tpu.memref_slice %arg6[%add3A_225, %dma_start3A_230] : memref<80x128xi32, #tpu.memory_space<vmem>> -> memref<1x128xi32, #tpu.memory_space<vmem>>
      %dma_start3A_232 = tpu.memref_squeeze %dma_start3A_231 : memref<1x128xi32, #tpu.memory_space<vmem>> -> memref<128xi32, #tpu.memory_space<vmem>>
      %dma_start3A_233 = arith.constant 0 : i32
      %dma_start3A_234 = tpu.memref_slice %arg2[%dma_start3A_233] : memref<10240xf32, #tpu.memory_space<hbm>> -> memref<10240xf32, #tpu.memory_space<hbm>>
      tpu.enqueue_indirect_dma source(%dma_start3A_234 : memref<10240xf32, #tpu.memory_space<hbm>>) target(%dma_start3A_229 : memref<128xf32, #tpu.memory_space<vmem>>) offsets(%dma_start3A_232 : memref<128xi32, #tpu.memory_space<vmem>>) semaphore(%arg11 : memref<!tpu.dma_semaphore, #tpu.memory_space<semaphore_mem>>)
      %add3A_235 = arith.constant 0 : i32
      %add3A_236 = arith.addi %mul3A_125, %add3A_235 : i32
      %dma_wait3A_237 = arith.constant 0 : i32
      %dma_wait3A_238 = arith.constant 0 : i32
      %dma_wait3A_239 = tpu.memref_slice %arg8[%dma_wait3A_237, %dma_wait3A_238] : memref<20x128xf32, #tpu.memory_space<vmem>> -> memref<1x128xf32, #tpu.memory_space<vmem>>
      %dma_wait3A_240 = tpu.memref_squeeze %dma_wait3A_239 : memref<1x128xf32, #tpu.memory_space<vmem>> -> memref<128xf32, #tpu.memory_space<vmem>>
      %dma_wait3A_241 = arith.constant 0 : i32
      %dma_wait3A_242 = tpu.memref_slice %arg6[%add3A_236, %dma_wait3A_241] : memref<80x128xi32, #tpu.memory_space<vmem>> -> memref<1x128xi32, #tpu.memory_space<vmem>>
      %dma_wait3A_243 = tpu.memref_squeeze %dma_wait3A_242 : memref<1x128xi32, #tpu.memory_space<vmem>> -> memref<128xi32, #tpu.memory_space<vmem>>
      %dma_wait3A_244 = arith.constant 0 : i32
      %dma_wait3A_245 = tpu.memref_slice %arg2[%dma_wait3A_244] : memref<10240xf32, #tpu.memory_space<hbm>> -> memref<10240xf32, #tpu.memory_space<hbm>>
      tpu.wait_indirect_dma semaphore(%arg11 : memref<!tpu.dma_semaphore, #tpu.memory_space<semaphore_mem>>) src(%dma_wait3A_245 : memref<10240xf32, #tpu.memory_space<hbm>>) dst(%dma_wait3A_240 : memref<128xf32, #tpu.memory_space<vmem>>)
      %add3A_246 = arith.constant 1 : i32
      %add3A_247 = arith.addi %mul3A_125, %add3A_246 : i32
      %dma_wait3A_248 = arith.constant 1 : i32
      %dma_wait3A_249 = arith.constant 0 : i32
      %dma_wait3A_250 = tpu.memref_slice %arg8[%dma_wait3A_248, %dma_wait3A_249] : memref<20x128xf32, #tpu.memory_space<vmem>> -> memref<1x128xf32, #tpu.memory_space<vmem>>
      %dma_wait3A_251 = tpu.memref_squeeze %dma_wait3A_250 : memref<1x128xf32, #tpu.memory_space<vmem>> -> memref<128xf32, #tpu.memory_space<vmem>>
      %dma_wait3A_252 = arith.constant 0 : i32
      %dma_wait3A_253 = tpu.memref_slice %arg6[%add3A_247, %dma_wait3A_252] : memref<80x128xi32, #tpu.memory_space<vmem>> -> memref<1x128xi32, #tpu.memory_space<vmem>>
      %dma_wait3A_254 = tpu.memref_squeeze %dma_wait3A_253 : memref<1x128xi32, #tpu.memory_space<vmem>> -> memref<128xi32, #tpu.memory_space<vmem>>
      %dma_wait3A_255 = arith.constant 0 : i32
      %dma_wait3A_256 = tpu.memref_slice %arg2[%dma_wait3A_255] : memref<10240xf32, #tpu.memory_space<hbm>> -> memref<10240xf32, #tpu.memory_space<hbm>>
      tpu.wait_indirect_dma semaphore(%arg11 : memref<!tpu.dma_semaphore, #tpu.memory_space<semaphore_mem>>) src(%dma_wait3A_256 : memref<10240xf32, #tpu.memory_space<hbm>>) dst(%dma_wait3A_251 : memref<128xf32, #tpu.memory_space<vmem>>)
      %add3A_257 = arith.constant 2 : i32
      %add3A_258 = arith.addi %mul3A_125, %add3A_257 : i32
      %dma_wait3A_259 = arith.constant 2 : i32
      %dma_wait3A_260 = arith.constant 0 : i32
      %dma_wait3A_261 = tpu.memref_slice %arg8[%dma_wait3A_259, %dma_wait3A_260] : memref<20x128xf32, #tpu.memory_space<vmem>> -> memref<1x128xf32, #tpu.memory_space<vmem>>
      %dma_wait3A_262 = tpu.memref_squeeze %dma_wait3A_261 : memref<1x128xf32, #tpu.memory_space<vmem>> -> memref<128xf32, #tpu.memory_space<vmem>>
      %dma_wait3A_263 = arith.constant 0 : i32
      %dma_wait3A_264 = tpu.memref_slice %arg6[%add3A_258, %dma_wait3A_263] : memref<80x128xi32, #tpu.memory_space<vmem>> -> memref<1x128xi32, #tpu.memory_space<vmem>>
      %dma_wait3A_265 = tpu.memref_squeeze %dma_wait3A_264 : memref<1x128xi32, #tpu.memory_space<vmem>> -> memref<128xi32, #tpu.memory_space<vmem>>
      %dma_wait3A_266 = arith.constant 0 : i32
      %dma_wait3A_267 = tpu.memref_slice %arg2[%dma_wait3A_266] : memref<10240xf32, #tpu.memory_space<hbm>> -> memref<10240xf32, #tpu.memory_space<hbm>>
      tpu.wait_indirect_dma semaphore(%arg11 : memref<!tpu.dma_semaphore, #tpu.memory_space<semaphore_mem>>) src(%dma_wait3A_267 : memref<10240xf32, #tpu.memory_space<hbm>>) dst(%dma_wait3A_262 : memref<128xf32, #tpu.memory_space<vmem>>)
      %add3A_268 = arith.constant 3 : i32
      %add3A_269 = arith.addi %mul3A_125, %add3A_268 : i32
      %dma_wait3A_270 = arith.constant 3 : i32
      %dma_wait3A_271 = arith.constant 0 : i32
      %dma_wait3A_272 = tpu.memref_slice %arg8[%dma_wait3A_270, %dma_wait3A_271] : memref<20x128xf32, #tpu.memory_space<vmem>> -> memref<1x128xf32, #tpu.memory_space<vmem>>
      %dma_wait3A_273 = tpu.memref_squeeze %dma_wait3A_272 : memref<1x128xf32, #tpu.memory_space<vmem>> -> memref<128xf32, #tpu.memory_space<vmem>>
      %dma_wait3A_274 = arith.constant 0 : i32
      %dma_wait3A_275 = tpu.memref_slice %arg6[%add3A_269, %dma_wait3A_274] : memref<80x128xi32, #tpu.memory_space<vmem>> -> memref<1x128xi32, #tpu.memory_space<vmem>>
      %dma_wait3A_276 = tpu.memref_squeeze %dma_wait3A_275 : memref<1x128xi32, #tpu.memory_space<vmem>> -> memref<128xi32, #tpu.memory_space<vmem>>
      %dma_wait3A_277 = arith.constant 0 : i32
      %dma_wait3A_278 = tpu.memref_slice %arg2[%dma_wait3A_277] : memref<10240xf32, #tpu.memory_space<hbm>> -> memref<10240xf32, #tpu.memory_space<hbm>>
      tpu.wait_indirect_dma semaphore(%arg11 : memref<!tpu.dma_semaphore, #tpu.memory_space<semaphore_mem>>) src(%dma_wait3A_278 : memref<10240xf32, #tpu.memory_space<hbm>>) dst(%dma_wait3A_273 : memref<128xf32, #tpu.memory_space<vmem>>)
      %add3A_279 = arith.constant 4 : i32
      %add3A_280 = arith.addi %mul3A_125, %add3A_279 : i32
      %dma_wait3A_281 = arith.constant 4 : i32
      %dma_wait3A_282 = arith.constant 0 : i32
      %dma_wait3A_283 = tpu.memref_slice %arg8[%dma_wait3A_281, %dma_wait3A_282] : memref<20x128xf32, #tpu.memory_space<vmem>> -> memref<1x128xf32, #tpu.memory_space<vmem>>
      %dma_wait3A_284 = tpu.memref_squeeze %dma_wait3A_283 : memref<1x128xf32, #tpu.memory_space<vmem>> -> memref<128xf32, #tpu.memory_space<vmem>>
      %dma_wait3A_285 = arith.constant 0 : i32
      %dma_wait3A_286 = tpu.memref_slice %arg6[%add3A_280, %dma_wait3A_285] : memref<80x128xi32, #tpu.memory_space<vmem>> -> memref<1x128xi32, #tpu.memory_space<vmem>>
      %dma_wait3A_287 = tpu.memref_squeeze %dma_wait3A_286 : memref<1x128xi32, #tpu.memory_space<vmem>> -> memref<128xi32, #tpu.memory_space<vmem>>
      %dma_wait3A_288 = arith.constant 0 : i32
      %dma_wait3A_289 = tpu.memref_slice %arg2[%dma_wait3A_288] : memref<10240xf32, #tpu.memory_space<hbm>> -> memref<10240xf32, #tpu.memory_space<hbm>>
      tpu.wait_indirect_dma semaphore(%arg11 : memref<!tpu.dma_semaphore, #tpu.memory_space<semaphore_mem>>) src(%dma_wait3A_289 : memref<10240xf32, #tpu.memory_space<hbm>>) dst(%dma_wait3A_284 : memref<128xf32, #tpu.memory_space<vmem>>)
      %add3A_290 = arith.constant 5 : i32
      %add3A_291 = arith.addi %mul3A_125, %add3A_290 : i32
      %dma_wait3A_292 = arith.constant 5 : i32
      %dma_wait3A_293 = arith.constant 0 : i32
      %dma_wait3A_294 = tpu.memref_slice %arg8[%dma_wait3A_292, %dma_wait3A_293] : memref<20x128xf32, #tpu.memory_space<vmem>> -> memref<1x128xf32, #tpu.memory_space<vmem>>
      %dma_wait3A_295 = tpu.memref_squeeze %dma_wait3A_294 : memref<1x128xf32, #tpu.memory_space<vmem>> -> memref<128xf32, #tpu.memory_space<vmem>>
      %dma_wait3A_296 = arith.constant 0 : i32
      %dma_wait3A_297 = tpu.memref_slice %arg6[%add3A_291, %dma_wait3A_296] : memref<80x128xi32, #tpu.memory_space<vmem>> -> memref<1x128xi32, #tpu.memory_space<vmem>>
      %dma_wait3A_298 = tpu.memref_squeeze %dma_wait3A_297 : memref<1x128xi32, #tpu.memory_space<vmem>> -> memref<128xi32, #tpu.memory_space<vmem>>
      %dma_wait3A_299 = arith.constant 0 : i32
      %dma_wait3A_300 = tpu.memref_slice %arg2[%dma_wait3A_299] : memref<10240xf32, #tpu.memory_space<hbm>> -> memref<10240xf32, #tpu.memory_space<hbm>>
      tpu.wait_indirect_dma semaphore(%arg11 : memref<!tpu.dma_semaphore, #tpu.memory_space<semaphore_mem>>) src(%dma_wait3A_300 : memref<10240xf32, #tpu.memory_space<hbm>>) dst(%dma_wait3A_295 : memref<128xf32, #tpu.memory_space<vmem>>)
      %add3A_301 = arith.constant 6 : i32
      %add3A_302 = arith.addi %mul3A_125, %add3A_301 : i32
      %dma_wait3A_303 = arith.constant 6 : i32
      %dma_wait3A_304 = arith.constant 0 : i32
      %dma_wait3A_305 = tpu.memref_slice %arg8[%dma_wait3A_303, %dma_wait3A_304] : memref<20x128xf32, #tpu.memory_space<vmem>> -> memref<1x128xf32, #tpu.memory_space<vmem>>
      %dma_wait3A_306 = tpu.memref_squeeze %dma_wait3A_305 : memref<1x128xf32, #tpu.memory_space<vmem>> -> memref<128xf32, #tpu.memory_space<vmem>>
      %dma_wait3A_307 = arith.constant 0 : i32
      %dma_wait3A_308 = tpu.memref_slice %arg6[%add3A_302, %dma_wait3A_307] : memref<80x128xi32, #tpu.memory_space<vmem>> -> memref<1x128xi32, #tpu.memory_space<vmem>>
      %dma_wait3A_309 = tpu.memref_squeeze %dma_wait3A_308 : memref<1x128xi32, #tpu.memory_space<vmem>> -> memref<128xi32, #tpu.memory_space<vmem>>
      %dma_wait3A_310 = arith.constant 0 : i32
      %dma_wait3A_311 = tpu.memref_slice %arg2[%dma_wait3A_310] : memref<10240xf32, #tpu.memory_space<hbm>> -> memref<10240xf32, #tpu.memory_space<hbm>>
      tpu.wait_indirect_dma semaphore(%arg11 : memref<!tpu.dma_semaphore, #tpu.memory_space<semaphore_mem>>) src(%dma_wait3A_311 : memref<10240xf32, #tpu.memory_space<hbm>>) dst(%dma_wait3A_306 : memref<128xf32, #tpu.memory_space<vmem>>)
      %add3A_312 = arith.constant 7 : i32
      %add3A_313 = arith.addi %mul3A_125, %add3A_312 : i32
      %dma_wait3A_314 = arith.constant 7 : i32
      %dma_wait3A_315 = arith.constant 0 : i32
      %dma_wait3A_316 = tpu.memref_slice %arg8[%dma_wait3A_314, %dma_wait3A_315] : memref<20x128xf32, #tpu.memory_space<vmem>> -> memref<1x128xf32, #tpu.memory_space<vmem>>
      %dma_wait3A_317 = tpu.memref_squeeze %dma_wait3A_316 : memref<1x128xf32, #tpu.memory_space<vmem>> -> memref<128xf32, #tpu.memory_space<vmem>>
      %dma_wait3A_318 = arith.constant 0 : i32
      %dma_wait3A_319 = tpu.memref_slice %arg6[%add3A_313, %dma_wait3A_318] : memref<80x128xi32, #tpu.memory_space<vmem>> -> memref<1x128xi32, #tpu.memory_space<vmem>>
      %dma_wait3A_320 = tpu.memref_squeeze %dma_wait3A_319 : memref<1x128xi32, #tpu.memory_space<vmem>> -> memref<128xi32, #tpu.memory_space<vmem>>
      %dma_wait3A_321 = arith.constant 0 : i32
      %dma_wait3A_322 = tpu.memref_slice %arg2[%dma_wait3A_321] : memref<10240xf32, #tpu.memory_space<hbm>> -> memref<10240xf32, #tpu.memory_space<hbm>>
      tpu.wait_indirect_dma semaphore(%arg11 : memref<!tpu.dma_semaphore, #tpu.memory_space<semaphore_mem>>) src(%dma_wait3A_322 : memref<10240xf32, #tpu.memory_space<hbm>>) dst(%dma_wait3A_317 : memref<128xf32, #tpu.memory_space<vmem>>)
      %add3A_323 = arith.constant 8 : i32
      %add3A_324 = arith.addi %mul3A_125, %add3A_323 : i32
      %dma_wait3A_325 = arith.constant 8 : i32
      %dma_wait3A_326 = arith.constant 0 : i32
      %dma_wait3A_327 = tpu.memref_slice %arg8[%dma_wait3A_325, %dma_wait3A_326] : memref<20x128xf32, #tpu.memory_space<vmem>> -> memref<1x128xf32, #tpu.memory_space<vmem>>
      %dma_wait3A_328 = tpu.memref_squeeze %dma_wait3A_327 : memref<1x128xf32, #tpu.memory_space<vmem>> -> memref<128xf32, #tpu.memory_space<vmem>>
      %dma_wait3A_329 = arith.constant 0 : i32
      %dma_wait3A_330 = tpu.memref_slice %arg6[%add3A_324, %dma_wait3A_329] : memref<80x128xi32, #tpu.memory_space<vmem>> -> memref<1x128xi32, #tpu.memory_space<vmem>>
      %dma_wait3A_331 = tpu.memref_squeeze %dma_wait3A_330 : memref<1x128xi32, #tpu.memory_space<vmem>> -> memref<128xi32, #tpu.memory_space<vmem>>
      %dma_wait3A_332 = arith.constant 0 : i32
      %dma_wait3A_333 = tpu.memref_slice %arg2[%dma_wait3A_332] : memref<10240xf32, #tpu.memory_space<hbm>> -> memref<10240xf32, #tpu.memory_space<hbm>>
      tpu.wait_indirect_dma semaphore(%arg11 : memref<!tpu.dma_semaphore, #tpu.memory_space<semaphore_mem>>) src(%dma_wait3A_333 : memref<10240xf32, #tpu.memory_space<hbm>>) dst(%dma_wait3A_328 : memref<128xf32, #tpu.memory_space<vmem>>)
      %add3A_334 = arith.constant 9 : i32
      %add3A_335 = arith.addi %mul3A_125, %add3A_334 : i32
      %dma_wait3A_336 = arith.constant 9 : i32
      %dma_wait3A_337 = arith.constant 0 : i32
      %dma_wait3A_338 = tpu.memref_slice %arg8[%dma_wait3A_336, %dma_wait3A_337] : memref<20x128xf32, #tpu.memory_space<vmem>> -> memref<1x128xf32, #tpu.memory_space<vmem>>
      %dma_wait3A_339 = tpu.memref_squeeze %dma_wait3A_338 : memref<1x128xf32, #tpu.memory_space<vmem>> -> memref<128xf32, #tpu.memory_space<vmem>>
      %dma_wait3A_340 = arith.constant 0 : i32
      %dma_wait3A_341 = tpu.memref_slice %arg6[%add3A_335, %dma_wait3A_340] : memref<80x128xi32, #tpu.memory_space<vmem>> -> memref<1x128xi32, #tpu.memory_space<vmem>>
      %dma_wait3A_342 = tpu.memref_squeeze %dma_wait3A_341 : memref<1x128xi32, #tpu.memory_space<vmem>> -> memref<128xi32, #tpu.memory_space<vmem>>
      %dma_wait3A_343 = arith.constant 0 : i32
      %dma_wait3A_344 = tpu.memref_slice %arg2[%dma_wait3A_343] : memref<10240xf32, #tpu.memory_space<hbm>> -> memref<10240xf32, #tpu.memory_space<hbm>>
      tpu.wait_indirect_dma semaphore(%arg11 : memref<!tpu.dma_semaphore, #tpu.memory_space<semaphore_mem>>) src(%dma_wait3A_344 : memref<10240xf32, #tpu.memory_space<hbm>>) dst(%dma_wait3A_339 : memref<128xf32, #tpu.memory_space<vmem>>)
      %gt3A = arith.constant 0 : i32
      %gt3A_345 = arith.cmpi sgt, %scan3A_120, %gt3A : i32
      %convert_element_type3A = arith.extui %gt3A_345 : i1 to i32
      %cond3A = arith.constant 0 : i32
      %cond3A_346 = arith.cmpi ne, %convert_element_type3A, %cond3A : i32
      scf.if %cond3A_346 {
        %sub3A = arith.constant 10 : i32
        %sub3A_958 = arith.subi %mul3A_125, %sub3A : i32
        %add3A_959 = arith.constant 0 : i32
        %add3A_960 = arith.addi %sub3A_958, %add3A_959 : i32
        %dma_wait3A_961 = arith.constant 10 : i32
        %dma_wait3A_962 = arith.constant 0 : i32
        %dma_wait3A_963 = tpu.memref_slice %arg8[%dma_wait3A_961, %dma_wait3A_962] : memref<20x128xf32, #tpu.memory_space<vmem>> -> memref<1x128xf32, #tpu.memory_space<vmem>>
        %dma_wait3A_964 = tpu.memref_squeeze %dma_wait3A_963 : memref<1x128xf32, #tpu.memory_space<vmem>> -> memref<128xf32, #tpu.memory_space<vmem>>
        %dma_wait3A_965 = arith.constant 0 : i32
        %dma_wait3A_966 = tpu.memref_slice %arg7[%add3A_960, %dma_wait3A_965] : memref<80x128xi32, #tpu.memory_space<vmem>> -> memref<1x128xi32, #tpu.memory_space<vmem>>
        %dma_wait3A_967 = tpu.memref_squeeze %dma_wait3A_966 : memref<1x128xi32, #tpu.memory_space<vmem>> -> memref<128xi32, #tpu.memory_space<vmem>>
        %dma_wait3A_968 = arith.constant 0 : i32
        %dma_wait3A_969 = tpu.memref_slice %arg10[%dma_wait3A_968] : memref<10240xf32, #tpu.memory_space<vmem_shared>> -> memref<10240xf32, #tpu.memory_space<vmem_shared>>
        tpu.wait_indirect_dma semaphore(%arg12 : memref<!tpu.dma_semaphore, #tpu.memory_space<semaphore_mem>>) src(%dma_wait3A_964 : memref<128xf32, #tpu.memory_space<vmem>>) dst(%dma_wait3A_969 : memref<10240xf32, #tpu.memory_space<vmem_shared>>)
        %sub3A_970 = arith.constant 10 : i32
        %sub3A_971 = arith.subi %mul3A_125, %sub3A_970 : i32
        %add3A_972 = arith.constant 1 : i32
        %add3A_973 = arith.addi %sub3A_971, %add3A_972 : i32
        %dma_wait3A_974 = arith.constant 11 : i32
        %dma_wait3A_975 = arith.constant 0 : i32
        %dma_wait3A_976 = tpu.memref_slice %arg8[%dma_wait3A_974, %dma_wait3A_975] : memref<20x128xf32, #tpu.memory_space<vmem>> -> memref<1x128xf32, #tpu.memory_space<vmem>>
        %dma_wait3A_977 = tpu.memref_squeeze %dma_wait3A_976 : memref<1x128xf32, #tpu.memory_space<vmem>> -> memref<128xf32, #tpu.memory_space<vmem>>
        %dma_wait3A_978 = arith.constant 0 : i32
        %dma_wait3A_979 = tpu.memref_slice %arg7[%add3A_973, %dma_wait3A_978] : memref<80x128xi32, #tpu.memory_space<vmem>> -> memref<1x128xi32, #tpu.memory_space<vmem>>
        %dma_wait3A_980 = tpu.memref_squeeze %dma_wait3A_979 : memref<1x128xi32, #tpu.memory_space<vmem>> -> memref<128xi32, #tpu.memory_space<vmem>>
        %dma_wait3A_981 = arith.constant 0 : i32
        %dma_wait3A_982 = tpu.memref_slice %arg10[%dma_wait3A_981] : memref<10240xf32, #tpu.memory_space<vmem_shared>> -> memref<10240xf32, #tpu.memory_space<vmem_shared>>
        tpu.wait_indirect_dma semaphore(%arg12 : memref<!tpu.dma_semaphore, #tpu.memory_space<semaphore_mem>>) src(%dma_wait3A_977 : memref<128xf32, #tpu.memory_space<vmem>>) dst(%dma_wait3A_982 : memref<10240xf32, #tpu.memory_space<vmem_shared>>)
        %sub3A_983 = arith.constant 10 : i32
        %sub3A_984 = arith.subi %mul3A_125, %sub3A_983 : i32
        %add3A_985 = arith.constant 2 : i32
        %add3A_986 = arith.addi %sub3A_984, %add3A_985 : i32
        %dma_wait3A_987 = arith.constant 12 : i32
        %dma_wait3A_988 = arith.constant 0 : i32
        %dma_wait3A_989 = tpu.memref_slice %arg8[%dma_wait3A_987, %dma_wait3A_988] : memref<20x128xf32, #tpu.memory_space<vmem>> -> memref<1x128xf32, #tpu.memory_space<vmem>>
        %dma_wait3A_990 = tpu.memref_squeeze %dma_wait3A_989 : memref<1x128xf32, #tpu.memory_space<vmem>> -> memref<128xf32, #tpu.memory_space<vmem>>
        %dma_wait3A_991 = arith.constant 0 : i32
        %dma_wait3A_992 = tpu.memref_slice %arg7[%add3A_986, %dma_wait3A_991] : memref<80x128xi32, #tpu.memory_space<vmem>> -> memref<1x128xi32, #tpu.memory_space<vmem>>
        %dma_wait3A_993 = tpu.memref_squeeze %dma_wait3A_992 : memref<1x128xi32, #tpu.memory_space<vmem>> -> memref<128xi32, #tpu.memory_space<vmem>>
        %dma_wait3A_994 = arith.constant 0 : i32
        %dma_wait3A_995 = tpu.memref_slice %arg10[%dma_wait3A_994] : memref<10240xf32, #tpu.memory_space<vmem_shared>> -> memref<10240xf32, #tpu.memory_space<vmem_shared>>
        tpu.wait_indirect_dma semaphore(%arg12 : memref<!tpu.dma_semaphore, #tpu.memory_space<semaphore_mem>>) src(%dma_wait3A_990 : memref<128xf32, #tpu.memory_space<vmem>>) dst(%dma_wait3A_995 : memref<10240xf32, #tpu.memory_space<vmem_shared>>)
        %sub3A_996 = arith.constant 10 : i32
        %sub3A_997 = arith.subi %mul3A_125, %sub3A_996 : i32
        %add3A_998 = arith.constant 3 : i32
        %add3A_999 = arith.addi %sub3A_997, %add3A_998 : i32
        %dma_wait3A_1000 = arith.constant 13 : i32
        %dma_wait3A_1001 = arith.constant 0 : i32
        %dma_wait3A_1002 = tpu.memref_slice %arg8[%dma_wait3A_1000, %dma_wait3A_1001] : memref<20x128xf32, #tpu.memory_space<vmem>> -> memref<1x128xf32, #tpu.memory_space<vmem>>
        %dma_wait3A_1003 = tpu.memref_squeeze %dma_wait3A_1002 : memref<1x128xf32, #tpu.memory_space<vmem>> -> memref<128xf32, #tpu.memory_space<vmem>>
        %dma_wait3A_1004 = arith.constant 0 : i32
        %dma_wait3A_1005 = tpu.memref_slice %arg7[%add3A_999, %dma_wait3A_1004] : memref<80x128xi32, #tpu.memory_space<vmem>> -> memref<1x128xi32, #tpu.memory_space<vmem>>
        %dma_wait3A_1006 = tpu.memref_squeeze %dma_wait3A_1005 : memref<1x128xi32, #tpu.memory_space<vmem>> -> memref<128xi32, #tpu.memory_space<vmem>>
        %dma_wait3A_1007 = arith.constant 0 : i32
        %dma_wait3A_1008 = tpu.memref_slice %arg10[%dma_wait3A_1007] : memref<10240xf32, #tpu.memory_space<vmem_shared>> -> memref<10240xf32, #tpu.memory_space<vmem_shared>>
        tpu.wait_indirect_dma semaphore(%arg12 : memref<!tpu.dma_semaphore, #tpu.memory_space<semaphore_mem>>) src(%dma_wait3A_1003 : memref<128xf32, #tpu.memory_space<vmem>>) dst(%dma_wait3A_1008 : memref<10240xf32, #tpu.memory_space<vmem_shared>>)
        %sub3A_1009 = arith.constant 10 : i32
        %sub3A_1010 = arith.subi %mul3A_125, %sub3A_1009 : i32
        %add3A_1011 = arith.constant 4 : i32
        %add3A_1012 = arith.addi %sub3A_1010, %add3A_1011 : i32
        %dma_wait3A_1013 = arith.constant 14 : i32
        %dma_wait3A_1014 = arith.constant 0 : i32
        %dma_wait3A_1015 = tpu.memref_slice %arg8[%dma_wait3A_1013, %dma_wait3A_1014] : memref<20x128xf32, #tpu.memory_space<vmem>> -> memref<1x128xf32, #tpu.memory_space<vmem>>
        %dma_wait3A_1016 = tpu.memref_squeeze %dma_wait3A_1015 : memref<1x128xf32, #tpu.memory_space<vmem>> -> memref<128xf32, #tpu.memory_space<vmem>>
        %dma_wait3A_1017 = arith.constant 0 : i32
        %dma_wait3A_1018 = tpu.memref_slice %arg7[%add3A_1012, %dma_wait3A_1017] : memref<80x128xi32, #tpu.memory_space<vmem>> -> memref<1x128xi32, #tpu.memory_space<vmem>>
        %dma_wait3A_1019 = tpu.memref_squeeze %dma_wait3A_1018 : memref<1x128xi32, #tpu.memory_space<vmem>> -> memref<128xi32, #tpu.memory_space<vmem>>
        %dma_wait3A_1020 = arith.constant 0 : i32
        %dma_wait3A_1021 = tpu.memref_slice %arg10[%dma_wait3A_1020] : memref<10240xf32, #tpu.memory_space<vmem_shared>> -> memref<10240xf32, #tpu.memory_space<vmem_shared>>
        tpu.wait_indirect_dma semaphore(%arg12 : memref<!tpu.dma_semaphore, #tpu.memory_space<semaphore_mem>>) src(%dma_wait3A_1016 : memref<128xf32, #tpu.memory_space<vmem>>) dst(%dma_wait3A_1021 : memref<10240xf32, #tpu.memory_space<vmem_shared>>)
        %sub3A_1022 = arith.constant 10 : i32
        %sub3A_1023 = arith.subi %mul3A_125, %sub3A_1022 : i32
        %add3A_1024 = arith.constant 5 : i32
        %add3A_1025 = arith.addi %sub3A_1023, %add3A_1024 : i32
        %dma_wait3A_1026 = arith.constant 15 : i32
        %dma_wait3A_1027 = arith.constant 0 : i32
        %dma_wait3A_1028 = tpu.memref_slice %arg8[%dma_wait3A_1026, %dma_wait3A_1027] : memref<20x128xf32, #tpu.memory_space<vmem>> -> memref<1x128xf32, #tpu.memory_space<vmem>>
        %dma_wait3A_1029 = tpu.memref_squeeze %dma_wait3A_1028 : memref<1x128xf32, #tpu.memory_space<vmem>> -> memref<128xf32, #tpu.memory_space<vmem>>
        %dma_wait3A_1030 = arith.constant 0 : i32
        %dma_wait3A_1031 = tpu.memref_slice %arg7[%add3A_1025, %dma_wait3A_1030] : memref<80x128xi32, #tpu.memory_space<vmem>> -> memref<1x128xi32, #tpu.memory_space<vmem>>
        %dma_wait3A_1032 = tpu.memref_squeeze %dma_wait3A_1031 : memref<1x128xi32, #tpu.memory_space<vmem>> -> memref<128xi32, #tpu.memory_space<vmem>>
        %dma_wait3A_1033 = arith.constant 0 : i32
        %dma_wait3A_1034 = tpu.memref_slice %arg10[%dma_wait3A_1033] : memref<10240xf32, #tpu.memory_space<vmem_shared>> -> memref<10240xf32, #tpu.memory_space<vmem_shared>>
        tpu.wait_indirect_dma semaphore(%arg12 : memref<!tpu.dma_semaphore, #tpu.memory_space<semaphore_mem>>) src(%dma_wait3A_1029 : memref<128xf32, #tpu.memory_space<vmem>>) dst(%dma_wait3A_1034 : memref<10240xf32, #tpu.memory_space<vmem_shared>>)
        %sub3A_1035 = arith.constant 10 : i32
        %sub3A_1036 = arith.subi %mul3A_125, %sub3A_1035 : i32
        %add3A_1037 = arith.constant 6 : i32
        %add3A_1038 = arith.addi %sub3A_1036, %add3A_1037 : i32
        %dma_wait3A_1039 = arith.constant 16 : i32
        %dma_wait3A_1040 = arith.constant 0 : i32
        %dma_wait3A_1041 = tpu.memref_slice %arg8[%dma_wait3A_1039, %dma_wait3A_1040] : memref<20x128xf32, #tpu.memory_space<vmem>> -> memref<1x128xf32, #tpu.memory_space<vmem>>
        %dma_wait3A_1042 = tpu.memref_squeeze %dma_wait3A_1041 : memref<1x128xf32, #tpu.memory_space<vmem>> -> memref<128xf32, #tpu.memory_space<vmem>>
        %dma_wait3A_1043 = arith.constant 0 : i32
        %dma_wait3A_1044 = tpu.memref_slice %arg7[%add3A_1038, %dma_wait3A_1043] : memref<80x128xi32, #tpu.memory_space<vmem>> -> memref<1x128xi32, #tpu.memory_space<vmem>>
        %dma_wait3A_1045 = tpu.memref_squeeze %dma_wait3A_1044 : memref<1x128xi32, #tpu.memory_space<vmem>> -> memref<128xi32, #tpu.memory_space<vmem>>
        %dma_wait3A_1046 = arith.constant 0 : i32
        %dma_wait3A_1047 = tpu.memref_slice %arg10[%dma_wait3A_1046] : memref<10240xf32, #tpu.memory_space<vmem_shared>> -> memref<10240xf32, #tpu.memory_space<vmem_shared>>
        tpu.wait_indirect_dma semaphore(%arg12 : memref<!tpu.dma_semaphore, #tpu.memory_space<semaphore_mem>>) src(%dma_wait3A_1042 : memref<128xf32, #tpu.memory_space<vmem>>) dst(%dma_wait3A_1047 : memref<10240xf32, #tpu.memory_space<vmem_shared>>)
        %sub3A_1048 = arith.constant 10 : i32
        %sub3A_1049 = arith.subi %mul3A_125, %sub3A_1048 : i32
        %add3A_1050 = arith.constant 7 : i32
        %add3A_1051 = arith.addi %sub3A_1049, %add3A_1050 : i32
        %dma_wait3A_1052 = arith.constant 17 : i32
        %dma_wait3A_1053 = arith.constant 0 : i32
        %dma_wait3A_1054 = tpu.memref_slice %arg8[%dma_wait3A_1052, %dma_wait3A_1053] : memref<20x128xf32, #tpu.memory_space<vmem>> -> memref<1x128xf32, #tpu.memory_space<vmem>>
        %dma_wait3A_1055 = tpu.memref_squeeze %dma_wait3A_1054 : memref<1x128xf32, #tpu.memory_space<vmem>> -> memref<128xf32, #tpu.memory_space<vmem>>
        %dma_wait3A_1056 = arith.constant 0 : i32
        %dma_wait3A_1057 = tpu.memref_slice %arg7[%add3A_1051, %dma_wait3A_1056] : memref<80x128xi32, #tpu.memory_space<vmem>> -> memref<1x128xi32, #tpu.memory_space<vmem>>
        %dma_wait3A_1058 = tpu.memref_squeeze %dma_wait3A_1057 : memref<1x128xi32, #tpu.memory_space<vmem>> -> memref<128xi32, #tpu.memory_space<vmem>>
        %dma_wait3A_1059 = arith.constant 0 : i32
        %dma_wait3A_1060 = tpu.memref_slice %arg10[%dma_wait3A_1059] : memref<10240xf32, #tpu.memory_space<vmem_shared>> -> memref<10240xf32, #tpu.memory_space<vmem_shared>>
        tpu.wait_indirect_dma semaphore(%arg12 : memref<!tpu.dma_semaphore, #tpu.memory_space<semaphore_mem>>) src(%dma_wait3A_1055 : memref<128xf32, #tpu.memory_space<vmem>>) dst(%dma_wait3A_1060 : memref<10240xf32, #tpu.memory_space<vmem_shared>>)
        %sub3A_1061 = arith.constant 10 : i32
        %sub3A_1062 = arith.subi %mul3A_125, %sub3A_1061 : i32
        %add3A_1063 = arith.constant 8 : i32
        %add3A_1064 = arith.addi %sub3A_1062, %add3A_1063 : i32
        %dma_wait3A_1065 = arith.constant 18 : i32
        %dma_wait3A_1066 = arith.constant 0 : i32
        %dma_wait3A_1067 = tpu.memref_slice %arg8[%dma_wait3A_1065, %dma_wait3A_1066] : memref<20x128xf32, #tpu.memory_space<vmem>> -> memref<1x128xf32, #tpu.memory_space<vmem>>
        %dma_wait3A_1068 = tpu.memref_squeeze %dma_wait3A_1067 : memref<1x128xf32, #tpu.memory_space<vmem>> -> memref<128xf32, #tpu.memory_space<vmem>>
        %dma_wait3A_1069 = arith.constant 0 : i32
        %dma_wait3A_1070 = tpu.memref_slice %arg7[%add3A_1064, %dma_wait3A_1069] : memref<80x128xi32, #tpu.memory_space<vmem>> -> memref<1x128xi32, #tpu.memory_space<vmem>>
        %dma_wait3A_1071 = tpu.memref_squeeze %dma_wait3A_1070 : memref<1x128xi32, #tpu.memory_space<vmem>> -> memref<128xi32, #tpu.memory_space<vmem>>
        %dma_wait3A_1072 = arith.constant 0 : i32
        %dma_wait3A_1073 = tpu.memref_slice %arg10[%dma_wait3A_1072] : memref<10240xf32, #tpu.memory_space<vmem_shared>> -> memref<10240xf32, #tpu.memory_space<vmem_shared>>
        tpu.wait_indirect_dma semaphore(%arg12 : memref<!tpu.dma_semaphore, #tpu.memory_space<semaphore_mem>>) src(%dma_wait3A_1068 : memref<128xf32, #tpu.memory_space<vmem>>) dst(%dma_wait3A_1073 : memref<10240xf32, #tpu.memory_space<vmem_shared>>)
        %sub3A_1074 = arith.constant 10 : i32
        %sub3A_1075 = arith.subi %mul3A_125, %sub3A_1074 : i32
        %add3A_1076 = arith.constant 9 : i32
        %add3A_1077 = arith.addi %sub3A_1075, %add3A_1076 : i32
        %dma_wait3A_1078 = arith.constant 19 : i32
        %dma_wait3A_1079 = arith.constant 0 : i32
        %dma_wait3A_1080 = tpu.memref_slice %arg8[%dma_wait3A_1078, %dma_wait3A_1079] : memref<20x128xf32, #tpu.memory_space<vmem>> -> memref<1x128xf32, #tpu.memory_space<vmem>>
        %dma_wait3A_1081 = tpu.memref_squeeze %dma_wait3A_1080 : memref<1x128xf32, #tpu.memory_space<vmem>> -> memref<128xf32, #tpu.memory_space<vmem>>
        %dma_wait3A_1082 = arith.constant 0 : i32
        %dma_wait3A_1083 = tpu.memref_slice %arg7[%add3A_1077, %dma_wait3A_1082] : memref<80x128xi32, #tpu.memory_space<vmem>> -> memref<1x128xi32, #tpu.memory_space<vmem>>
        %dma_wait3A_1084 = tpu.memref_squeeze %dma_wait3A_1083 : memref<1x128xi32, #tpu.memory_space<vmem>> -> memref<128xi32, #tpu.memory_space<vmem>>
        %dma_wait3A_1085 = arith.constant 0 : i32
        %dma_wait3A_1086 = tpu.memref_slice %arg10[%dma_wait3A_1085] : memref<10240xf32, #tpu.memory_space<vmem_shared>> -> memref<10240xf32, #tpu.memory_space<vmem_shared>>
        tpu.wait_indirect_dma semaphore(%arg12 : memref<!tpu.dma_semaphore, #tpu.memory_space<semaphore_mem>>) src(%dma_wait3A_1081 : memref<128xf32, #tpu.memory_space<vmem>>) dst(%dma_wait3A_1086 : memref<10240xf32, #tpu.memory_space<vmem_shared>>)
      } else {
      }
      %add3A_347 = arith.constant 0 : i32
      %add3A_348 = arith.addi %mul3A_125, %add3A_347 : i32
      %dma_start3A_349 = arith.constant 0 : i32
      %dma_start3A_350 = arith.constant 0 : i32
      %dma_start3A_351 = tpu.memref_slice %arg8[%dma_start3A_349, %dma_start3A_350] : memref<20x128xf32, #tpu.memory_space<vmem>> -> memref<1x128xf32, #tpu.memory_space<vmem>>
      %dma_start3A_352 = tpu.memref_squeeze %dma_start3A_351 : memref<1x128xf32, #tpu.memory_space<vmem>> -> memref<128xf32, #tpu.memory_space<vmem>>
      %dma_start3A_353 = arith.constant 0 : i32
      %dma_start3A_354 = tpu.memref_slice %arg7[%add3A_348, %dma_start3A_353] : memref<80x128xi32, #tpu.memory_space<vmem>> -> memref<1x128xi32, #tpu.memory_space<vmem>>
      %dma_start3A_355 = tpu.memref_squeeze %dma_start3A_354 : memref<1x128xi32, #tpu.memory_space<vmem>> -> memref<128xi32, #tpu.memory_space<vmem>>
      %dma_start3A_356 = arith.constant 0 : i32
      %dma_start3A_357 = tpu.memref_slice %arg10[%dma_start3A_356] : memref<10240xf32, #tpu.memory_space<vmem_shared>> -> memref<10240xf32, #tpu.memory_space<vmem_shared>>
      tpu.enqueue_indirect_dma source(%dma_start3A_352 : memref<128xf32, #tpu.memory_space<vmem>>) target(%dma_start3A_357 : memref<10240xf32, #tpu.memory_space<vmem_shared>>) offsets(%dma_start3A_355 : memref<128xi32, #tpu.memory_space<vmem>>) semaphore(%arg12 : memref<!tpu.dma_semaphore, #tpu.memory_space<semaphore_mem>>) {add = true}
      %add3A_358 = arith.constant 1 : i32
      %add3A_359 = arith.addi %mul3A_125, %add3A_358 : i32
      %dma_start3A_360 = arith.constant 1 : i32
      %dma_start3A_361 = arith.constant 0 : i32
      %dma_start3A_362 = tpu.memref_slice %arg8[%dma_start3A_360, %dma_start3A_361] : memref<20x128xf32, #tpu.memory_space<vmem>> -> memref<1x128xf32, #tpu.memory_space<vmem>>
      %dma_start3A_363 = tpu.memref_squeeze %dma_start3A_362 : memref<1x128xf32, #tpu.memory_space<vmem>> -> memref<128xf32, #tpu.memory_space<vmem>>
      %dma_start3A_364 = arith.constant 0 : i32
      %dma_start3A_365 = tpu.memref_slice %arg7[%add3A_359, %dma_start3A_364] : memref<80x128xi32, #tpu.memory_space<vmem>> -> memref<1x128xi32, #tpu.memory_space<vmem>>
      %dma_start3A_366 = tpu.memref_squeeze %dma_start3A_365 : memref<1x128xi32, #tpu.memory_space<vmem>> -> memref<128xi32, #tpu.memory_space<vmem>>
      %dma_start3A_367 = arith.constant 0 : i32
      %dma_start3A_368 = tpu.memref_slice %arg10[%dma_start3A_367] : memref<10240xf32, #tpu.memory_space<vmem_shared>> -> memref<10240xf32, #tpu.memory_space<vmem_shared>>
      tpu.enqueue_indirect_dma source(%dma_start3A_363 : memref<128xf32, #tpu.memory_space<vmem>>) target(%dma_start3A_368 : memref<10240xf32, #tpu.memory_space<vmem_shared>>) offsets(%dma_start3A_366 : memref<128xi32, #tpu.memory_space<vmem>>) semaphore(%arg12 : memref<!tpu.dma_semaphore, #tpu.memory_space<semaphore_mem>>) {add = true}
      %add3A_369 = arith.constant 2 : i32
      %add3A_370 = arith.addi %mul3A_125, %add3A_369 : i32
      %dma_start3A_371 = arith.constant 2 : i32
      %dma_start3A_372 = arith.constant 0 : i32
      %dma_start3A_373 = tpu.memref_slice %arg8[%dma_start3A_371, %dma_start3A_372] : memref<20x128xf32, #tpu.memory_space<vmem>> -> memref<1x128xf32, #tpu.memory_space<vmem>>
      %dma_start3A_374 = tpu.memref_squeeze %dma_start3A_373 : memref<1x128xf32, #tpu.memory_space<vmem>> -> memref<128xf32, #tpu.memory_space<vmem>>
      %dma_start3A_375 = arith.constant 0 : i32
      %dma_start3A_376 = tpu.memref_slice %arg7[%add3A_370, %dma_start3A_375] : memref<80x128xi32, #tpu.memory_space<vmem>> -> memref<1x128xi32, #tpu.memory_space<vmem>>
      %dma_start3A_377 = tpu.memref_squeeze %dma_start3A_376 : memref<1x128xi32, #tpu.memory_space<vmem>> -> memref<128xi32, #tpu.memory_space<vmem>>
      %dma_start3A_378 = arith.constant 0 : i32
      %dma_start3A_379 = tpu.memref_slice %arg10[%dma_start3A_378] : memref<10240xf32, #tpu.memory_space<vmem_shared>> -> memref<10240xf32, #tpu.memory_space<vmem_shared>>
      tpu.enqueue_indirect_dma source(%dma_start3A_374 : memref<128xf32, #tpu.memory_space<vmem>>) target(%dma_start3A_379 : memref<10240xf32, #tpu.memory_space<vmem_shared>>) offsets(%dma_start3A_377 : memref<128xi32, #tpu.memory_space<vmem>>) semaphore(%arg12 : memref<!tpu.dma_semaphore, #tpu.memory_space<semaphore_mem>>) {add = true}
      %add3A_380 = arith.constant 3 : i32
      %add3A_381 = arith.addi %mul3A_125, %add3A_380 : i32
      %dma_start3A_382 = arith.constant 3 : i32
      %dma_start3A_383 = arith.constant 0 : i32
      %dma_start3A_384 = tpu.memref_slice %arg8[%dma_start3A_382, %dma_start3A_383] : memref<20x128xf32, #tpu.memory_space<vmem>> -> memref<1x128xf32, #tpu.memory_space<vmem>>
      %dma_start3A_385 = tpu.memref_squeeze %dma_start3A_384 : memref<1x128xf32, #tpu.memory_space<vmem>> -> memref<128xf32, #tpu.memory_space<vmem>>
      %dma_start3A_386 = arith.constant 0 : i32
      %dma_start3A_387 = tpu.memref_slice %arg7[%add3A_381, %dma_start3A_386] : memref<80x128xi32, #tpu.memory_space<vmem>> -> memref<1x128xi32, #tpu.memory_space<vmem>>
      %dma_start3A_388 = tpu.memref_squeeze %dma_start3A_387 : memref<1x128xi32, #tpu.memory_space<vmem>> -> memref<128xi32, #tpu.memory_space<vmem>>
      %dma_start3A_389 = arith.constant 0 : i32
      %dma_start3A_390 = tpu.memref_slice %arg10[%dma_start3A_389] : memref<10240xf32, #tpu.memory_space<vmem_shared>> -> memref<10240xf32, #tpu.memory_space<vmem_shared>>
      tpu.enqueue_indirect_dma source(%dma_start3A_385 : memref<128xf32, #tpu.memory_space<vmem>>) target(%dma_start3A_390 : memref<10240xf32, #tpu.memory_space<vmem_shared>>) offsets(%dma_start3A_388 : memref<128xi32, #tpu.memory_space<vmem>>) semaphore(%arg12 : memref<!tpu.dma_semaphore, #tpu.memory_space<semaphore_mem>>) {add = true}
      %add3A_391 = arith.constant 4 : i32
      %add3A_392 = arith.addi %mul3A_125, %add3A_391 : i32
      %dma_start3A_393 = arith.constant 4 : i32
      %dma_start3A_394 = arith.constant 0 : i32
      %dma_start3A_395 = tpu.memref_slice %arg8[%dma_start3A_393, %dma_start3A_394] : memref<20x128xf32, #tpu.memory_space<vmem>> -> memref<1x128xf32, #tpu.memory_space<vmem>>
      %dma_start3A_396 = tpu.memref_squeeze %dma_start3A_395 : memref<1x128xf32, #tpu.memory_space<vmem>> -> memref<128xf32, #tpu.memory_space<vmem>>
      %dma_start3A_397 = arith.constant 0 : i32
      %dma_start3A_398 = tpu.memref_slice %arg7[%add3A_392, %dma_start3A_397] : memref<80x128xi32, #tpu.memory_space<vmem>> -> memref<1x128xi32, #tpu.memory_space<vmem>>
      %dma_start3A_399 = tpu.memref_squeeze %dma_start3A_398 : memref<1x128xi32, #tpu.memory_space<vmem>> -> memref<128xi32, #tpu.memory_space<vmem>>
      %dma_start3A_400 = arith.constant 0 : i32
      %dma_start3A_401 = tpu.memref_slice %arg10[%dma_start3A_400] : memref<10240xf32, #tpu.memory_space<vmem_shared>> -> memref<10240xf32, #tpu.memory_space<vmem_shared>>
      tpu.enqueue_indirect_dma source(%dma_start3A_396 : memref<128xf32, #tpu.memory_space<vmem>>) target(%dma_start3A_401 : memref<10240xf32, #tpu.memory_space<vmem_shared>>) offsets(%dma_start3A_399 : memref<128xi32, #tpu.memory_space<vmem>>) semaphore(%arg12 : memref<!tpu.dma_semaphore, #tpu.memory_space<semaphore_mem>>) {add = true}
      %add3A_402 = arith.constant 5 : i32
      %add3A_403 = arith.addi %mul3A_125, %add3A_402 : i32
      %dma_start3A_404 = arith.constant 5 : i32
      %dma_start3A_405 = arith.constant 0 : i32
      %dma_start3A_406 = tpu.memref_slice %arg8[%dma_start3A_404, %dma_start3A_405] : memref<20x128xf32, #tpu.memory_space<vmem>> -> memref<1x128xf32, #tpu.memory_space<vmem>>
      %dma_start3A_407 = tpu.memref_squeeze %dma_start3A_406 : memref<1x128xf32, #tpu.memory_space<vmem>> -> memref<128xf32, #tpu.memory_space<vmem>>
      %dma_start3A_408 = arith.constant 0 : i32
      %dma_start3A_409 = tpu.memref_slice %arg7[%add3A_403, %dma_start3A_408] : memref<80x128xi32, #tpu.memory_space<vmem>> -> memref<1x128xi32, #tpu.memory_space<vmem>>
      %dma_start3A_410 = tpu.memref_squeeze %dma_start3A_409 : memref<1x128xi32, #tpu.memory_space<vmem>> -> memref<128xi32, #tpu.memory_space<vmem>>
      %dma_start3A_411 = arith.constant 0 : i32
      %dma_start3A_412 = tpu.memref_slice %arg10[%dma_start3A_411] : memref<10240xf32, #tpu.memory_space<vmem_shared>> -> memref<10240xf32, #tpu.memory_space<vmem_shared>>
      tpu.enqueue_indirect_dma source(%dma_start3A_407 : memref<128xf32, #tpu.memory_space<vmem>>) target(%dma_start3A_412 : memref<10240xf32, #tpu.memory_space<vmem_shared>>) offsets(%dma_start3A_410 : memref<128xi32, #tpu.memory_space<vmem>>) semaphore(%arg12 : memref<!tpu.dma_semaphore, #tpu.memory_space<semaphore_mem>>) {add = true}
      %add3A_413 = arith.constant 6 : i32
      %add3A_414 = arith.addi %mul3A_125, %add3A_413 : i32
      %dma_start3A_415 = arith.constant 6 : i32
      %dma_start3A_416 = arith.constant 0 : i32
      %dma_start3A_417 = tpu.memref_slice %arg8[%dma_start3A_415, %dma_start3A_416] : memref<20x128xf32, #tpu.memory_space<vmem>> -> memref<1x128xf32, #tpu.memory_space<vmem>>
      %dma_start3A_418 = tpu.memref_squeeze %dma_start3A_417 : memref<1x128xf32, #tpu.memory_space<vmem>> -> memref<128xf32, #tpu.memory_space<vmem>>
      %dma_start3A_419 = arith.constant 0 : i32
      %dma_start3A_420 = tpu.memref_slice %arg7[%add3A_414, %dma_start3A_419] : memref<80x128xi32, #tpu.memory_space<vmem>> -> memref<1x128xi32, #tpu.memory_space<vmem>>
      %dma_start3A_421 = tpu.memref_squeeze %dma_start3A_420 : memref<1x128xi32, #tpu.memory_space<vmem>> -> memref<128xi32, #tpu.memory_space<vmem>>
      %dma_start3A_422 = arith.constant 0 : i32
      %dma_start3A_423 = tpu.memref_slice %arg10[%dma_start3A_422] : memref<10240xf32, #tpu.memory_space<vmem_shared>> -> memref<10240xf32, #tpu.memory_space<vmem_shared>>
      tpu.enqueue_indirect_dma source(%dma_start3A_418 : memref<128xf32, #tpu.memory_space<vmem>>) target(%dma_start3A_423 : memref<10240xf32, #tpu.memory_space<vmem_shared>>) offsets(%dma_start3A_421 : memref<128xi32, #tpu.memory_space<vmem>>) semaphore(%arg12 : memref<!tpu.dma_semaphore, #tpu.memory_space<semaphore_mem>>) {add = true}
      %add3A_424 = arith.constant 7 : i32
      %add3A_425 = arith.addi %mul3A_125, %add3A_424 : i32
      %dma_start3A_426 = arith.constant 7 : i32
      %dma_start3A_427 = arith.constant 0 : i32
      %dma_start3A_428 = tpu.memref_slice %arg8[%dma_start3A_426, %dma_start3A_427] : memref<20x128xf32, #tpu.memory_space<vmem>> -> memref<1x128xf32, #tpu.memory_space<vmem>>
      %dma_start3A_429 = tpu.memref_squeeze %dma_start3A_428 : memref<1x128xf32, #tpu.memory_space<vmem>> -> memref<128xf32, #tpu.memory_space<vmem>>
      %dma_start3A_430 = arith.constant 0 : i32
      %dma_start3A_431 = tpu.memref_slice %arg7[%add3A_425, %dma_start3A_430] : memref<80x128xi32, #tpu.memory_space<vmem>> -> memref<1x128xi32, #tpu.memory_space<vmem>>
      %dma_start3A_432 = tpu.memref_squeeze %dma_start3A_431 : memref<1x128xi32, #tpu.memory_space<vmem>> -> memref<128xi32, #tpu.memory_space<vmem>>
      %dma_start3A_433 = arith.constant 0 : i32
      %dma_start3A_434 = tpu.memref_slice %arg10[%dma_start3A_433] : memref<10240xf32, #tpu.memory_space<vmem_shared>> -> memref<10240xf32, #tpu.memory_space<vmem_shared>>
      tpu.enqueue_indirect_dma source(%dma_start3A_429 : memref<128xf32, #tpu.memory_space<vmem>>) target(%dma_start3A_434 : memref<10240xf32, #tpu.memory_space<vmem_shared>>) offsets(%dma_start3A_432 : memref<128xi32, #tpu.memory_space<vmem>>) semaphore(%arg12 : memref<!tpu.dma_semaphore, #tpu.memory_space<semaphore_mem>>) {add = true}
      %add3A_435 = arith.constant 8 : i32
      %add3A_436 = arith.addi %mul3A_125, %add3A_435 : i32
      %dma_start3A_437 = arith.constant 8 : i32
      %dma_start3A_438 = arith.constant 0 : i32
      %dma_start3A_439 = tpu.memref_slice %arg8[%dma_start3A_437, %dma_start3A_438] : memref<20x128xf32, #tpu.memory_space<vmem>> -> memref<1x128xf32, #tpu.memory_space<vmem>>
      %dma_start3A_440 = tpu.memref_squeeze %dma_start3A_439 : memref<1x128xf32, #tpu.memory_space<vmem>> -> memref<128xf32, #tpu.memory_space<vmem>>
      %dma_start3A_441 = arith.constant 0 : i32
      %dma_start3A_442 = tpu.memref_slice %arg7[%add3A_436, %dma_start3A_441] : memref<80x128xi32, #tpu.memory_space<vmem>> -> memref<1x128xi32, #tpu.memory_space<vmem>>
      %dma_start3A_443 = tpu.memref_squeeze %dma_start3A_442 : memref<1x128xi32, #tpu.memory_space<vmem>> -> memref<128xi32, #tpu.memory_space<vmem>>
      %dma_start3A_444 = arith.constant 0 : i32
      %dma_start3A_445 = tpu.memref_slice %arg10[%dma_start3A_444] : memref<10240xf32, #tpu.memory_space<vmem_shared>> -> memref<10240xf32, #tpu.memory_space<vmem_shared>>
      tpu.enqueue_indirect_dma source(%dma_start3A_440 : memref<128xf32, #tpu.memory_space<vmem>>) target(%dma_start3A_445 : memref<10240xf32, #tpu.memory_space<vmem_shared>>) offsets(%dma_start3A_443 : memref<128xi32, #tpu.memory_space<vmem>>) semaphore(%arg12 : memref<!tpu.dma_semaphore, #tpu.memory_space<semaphore_mem>>) {add = true}
      %add3A_446 = arith.constant 9 : i32
      %add3A_447 = arith.addi %mul3A_125, %add3A_446 : i32
      %dma_start3A_448 = arith.constant 9 : i32
      %dma_start3A_449 = arith.constant 0 : i32
      %dma_start3A_450 = tpu.memref_slice %arg8[%dma_start3A_448, %dma_start3A_449] : memref<20x128xf32, #tpu.memory_space<vmem>> -> memref<1x128xf32, #tpu.memory_space<vmem>>
      %dma_start3A_451 = tpu.memref_squeeze %dma_start3A_450 : memref<1x128xf32, #tpu.memory_space<vmem>> -> memref<128xf32, #tpu.memory_space<vmem>>
      %dma_start3A_452 = arith.constant 0 : i32
      %dma_start3A_453 = tpu.memref_slice %arg7[%add3A_447, %dma_start3A_452] : memref<80x128xi32, #tpu.memory_space<vmem>> -> memref<1x128xi32, #tpu.memory_space<vmem>>
      %dma_start3A_454 = tpu.memref_squeeze %dma_start3A_453 : memref<1x128xi32, #tpu.memory_space<vmem>> -> memref<128xi32, #tpu.memory_space<vmem>>
      %dma_start3A_455 = arith.constant 0 : i32
      %dma_start3A_456 = tpu.memref_slice %arg10[%dma_start3A_455] : memref<10240xf32, #tpu.memory_space<vmem_shared>> -> memref<10240xf32, #tpu.memory_space<vmem_shared>>
      tpu.enqueue_indirect_dma source(%dma_start3A_451 : memref<128xf32, #tpu.memory_space<vmem>>) target(%dma_start3A_456 : memref<10240xf32, #tpu.memory_space<vmem_shared>>) offsets(%dma_start3A_454 : memref<128xi32, #tpu.memory_space<vmem>>) semaphore(%arg12 : memref<!tpu.dma_semaphore, #tpu.memory_space<semaphore_mem>>) {add = true}
      %add3A_457 = arith.constant 10 : i32
      %add3A_458 = arith.addi %mul3A_125, %add3A_457 : i32
      %add3A_459 = arith.constant 0 : i32
      %add3A_460 = arith.addi %add3A_458, %add3A_459 : i32
      %dma_start3A_461 = arith.constant 10 : i32
      %dma_start3A_462 = arith.constant 0 : i32
      %dma_start3A_463 = tpu.memref_slice %arg8[%dma_start3A_461, %dma_start3A_462] : memref<20x128xf32, #tpu.memory_space<vmem>> -> memref<1x128xf32, #tpu.memory_space<vmem>>
      %dma_start3A_464 = tpu.memref_squeeze %dma_start3A_463 : memref<1x128xf32, #tpu.memory_space<vmem>> -> memref<128xf32, #tpu.memory_space<vmem>>
      %dma_start3A_465 = arith.constant 0 : i32
      %dma_start3A_466 = tpu.memref_slice %arg6[%add3A_460, %dma_start3A_465] : memref<80x128xi32, #tpu.memory_space<vmem>> -> memref<1x128xi32, #tpu.memory_space<vmem>>
      %dma_start3A_467 = tpu.memref_squeeze %dma_start3A_466 : memref<1x128xi32, #tpu.memory_space<vmem>> -> memref<128xi32, #tpu.memory_space<vmem>>
      %dma_start3A_468 = arith.constant 0 : i32
      %dma_start3A_469 = tpu.memref_slice %arg2[%dma_start3A_468] : memref<10240xf32, #tpu.memory_space<hbm>> -> memref<10240xf32, #tpu.memory_space<hbm>>
      tpu.enqueue_indirect_dma source(%dma_start3A_469 : memref<10240xf32, #tpu.memory_space<hbm>>) target(%dma_start3A_464 : memref<128xf32, #tpu.memory_space<vmem>>) offsets(%dma_start3A_467 : memref<128xi32, #tpu.memory_space<vmem>>) semaphore(%arg11 : memref<!tpu.dma_semaphore, #tpu.memory_space<semaphore_mem>>)
      %add3A_470 = arith.constant 10 : i32
      %add3A_471 = arith.addi %mul3A_125, %add3A_470 : i32
      %add3A_472 = arith.constant 1 : i32
      %add3A_473 = arith.addi %add3A_471, %add3A_472 : i32
      %dma_start3A_474 = arith.constant 11 : i32
      %dma_start3A_475 = arith.constant 0 : i32
      %dma_start3A_476 = tpu.memref_slice %arg8[%dma_start3A_474, %dma_start3A_475] : memref<20x128xf32, #tpu.memory_space<vmem>> -> memref<1x128xf32, #tpu.memory_space<vmem>>
      %dma_start3A_477 = tpu.memref_squeeze %dma_start3A_476 : memref<1x128xf32, #tpu.memory_space<vmem>> -> memref<128xf32, #tpu.memory_space<vmem>>
      %dma_start3A_478 = arith.constant 0 : i32
      %dma_start3A_479 = tpu.memref_slice %arg6[%add3A_473, %dma_start3A_478] : memref<80x128xi32, #tpu.memory_space<vmem>> -> memref<1x128xi32, #tpu.memory_space<vmem>>
      %dma_start3A_480 = tpu.memref_squeeze %dma_start3A_479 : memref<1x128xi32, #tpu.memory_space<vmem>> -> memref<128xi32, #tpu.memory_space<vmem>>
      %dma_start3A_481 = arith.constant 0 : i32
      %dma_start3A_482 = tpu.memref_slice %arg2[%dma_start3A_481] : memref<10240xf32, #tpu.memory_space<hbm>> -> memref<10240xf32, #tpu.memory_space<hbm>>
      tpu.enqueue_indirect_dma source(%dma_start3A_482 : memref<10240xf32, #tpu.memory_space<hbm>>) target(%dma_start3A_477 : memref<128xf32, #tpu.memory_space<vmem>>) offsets(%dma_start3A_480 : memref<128xi32, #tpu.memory_space<vmem>>) semaphore(%arg11 : memref<!tpu.dma_semaphore, #tpu.memory_space<semaphore_mem>>)
      %add3A_483 = arith.constant 10 : i32
      %add3A_484 = arith.addi %mul3A_125, %add3A_483 : i32
      %add3A_485 = arith.constant 2 : i32
      %add3A_486 = arith.addi %add3A_484, %add3A_485 : i32
      %dma_start3A_487 = arith.constant 12 : i32
      %dma_start3A_488 = arith.constant 0 : i32
      %dma_start3A_489 = tpu.memref_slice %arg8[%dma_start3A_487, %dma_start3A_488] : memref<20x128xf32, #tpu.memory_space<vmem>> -> memref<1x128xf32, #tpu.memory_space<vmem>>
      %dma_start3A_490 = tpu.memref_squeeze %dma_start3A_489 : memref<1x128xf32, #tpu.memory_space<vmem>> -> memref<128xf32, #tpu.memory_space<vmem>>
      %dma_start3A_491 = arith.constant 0 : i32
      %dma_start3A_492 = tpu.memref_slice %arg6[%add3A_486, %dma_start3A_491] : memref<80x128xi32, #tpu.memory_space<vmem>> -> memref<1x128xi32, #tpu.memory_space<vmem>>
      %dma_start3A_493 = tpu.memref_squeeze %dma_start3A_492 : memref<1x128xi32, #tpu.memory_space<vmem>> -> memref<128xi32, #tpu.memory_space<vmem>>
      %dma_start3A_494 = arith.constant 0 : i32
      %dma_start3A_495 = tpu.memref_slice %arg2[%dma_start3A_494] : memref<10240xf32, #tpu.memory_space<hbm>> -> memref<10240xf32, #tpu.memory_space<hbm>>
      tpu.enqueue_indirect_dma source(%dma_start3A_495 : memref<10240xf32, #tpu.memory_space<hbm>>) target(%dma_start3A_490 : memref<128xf32, #tpu.memory_space<vmem>>) offsets(%dma_start3A_493 : memref<128xi32, #tpu.memory_space<vmem>>) semaphore(%arg11 : memref<!tpu.dma_semaphore, #tpu.memory_space<semaphore_mem>>)
      %add3A_496 = arith.constant 10 : i32
      %add3A_497 = arith.addi %mul3A_125, %add3A_496 : i32
      %add3A_498 = arith.constant 3 : i32
      %add3A_499 = arith.addi %add3A_497, %add3A_498 : i32
      %dma_start3A_500 = arith.constant 13 : i32
      %dma_start3A_501 = arith.constant 0 : i32
      %dma_start3A_502 = tpu.memref_slice %arg8[%dma_start3A_500, %dma_start3A_501] : memref<20x128xf32, #tpu.memory_space<vmem>> -> memref<1x128xf32, #tpu.memory_space<vmem>>
      %dma_start3A_503 = tpu.memref_squeeze %dma_start3A_502 : memref<1x128xf32, #tpu.memory_space<vmem>> -> memref<128xf32, #tpu.memory_space<vmem>>
      %dma_start3A_504 = arith.constant 0 : i32
      %dma_start3A_505 = tpu.memref_slice %arg6[%add3A_499, %dma_start3A_504] : memref<80x128xi32, #tpu.memory_space<vmem>> -> memref<1x128xi32, #tpu.memory_space<vmem>>
      %dma_start3A_506 = tpu.memref_squeeze %dma_start3A_505 : memref<1x128xi32, #tpu.memory_space<vmem>> -> memref<128xi32, #tpu.memory_space<vmem>>
      %dma_start3A_507 = arith.constant 0 : i32
      %dma_start3A_508 = tpu.memref_slice %arg2[%dma_start3A_507] : memref<10240xf32, #tpu.memory_space<hbm>> -> memref<10240xf32, #tpu.memory_space<hbm>>
      tpu.enqueue_indirect_dma source(%dma_start3A_508 : memref<10240xf32, #tpu.memory_space<hbm>>) target(%dma_start3A_503 : memref<128xf32, #tpu.memory_space<vmem>>) offsets(%dma_start3A_506 : memref<128xi32, #tpu.memory_space<vmem>>) semaphore(%arg11 : memref<!tpu.dma_semaphore, #tpu.memory_space<semaphore_mem>>)
      %add3A_509 = arith.constant 10 : i32
      %add3A_510 = arith.addi %mul3A_125, %add3A_509 : i32
      %add3A_511 = arith.constant 4 : i32
      %add3A_512 = arith.addi %add3A_510, %add3A_511 : i32
      %dma_start3A_513 = arith.constant 14 : i32
      %dma_start3A_514 = arith.constant 0 : i32
      %dma_start3A_515 = tpu.memref_slice %arg8[%dma_start3A_513, %dma_start3A_514] : memref<20x128xf32, #tpu.memory_space<vmem>> -> memref<1x128xf32, #tpu.memory_space<vmem>>
      %dma_start3A_516 = tpu.memref_squeeze %dma_start3A_515 : memref<1x128xf32, #tpu.memory_space<vmem>> -> memref<128xf32, #tpu.memory_space<vmem>>
      %dma_start3A_517 = arith.constant 0 : i32
      %dma_start3A_518 = tpu.memref_slice %arg6[%add3A_512, %dma_start3A_517] : memref<80x128xi32, #tpu.memory_space<vmem>> -> memref<1x128xi32, #tpu.memory_space<vmem>>
      %dma_start3A_519 = tpu.memref_squeeze %dma_start3A_518 : memref<1x128xi32, #tpu.memory_space<vmem>> -> memref<128xi32, #tpu.memory_space<vmem>>
      %dma_start3A_520 = arith.constant 0 : i32
      %dma_start3A_521 = tpu.memref_slice %arg2[%dma_start3A_520] : memref<10240xf32, #tpu.memory_space<hbm>> -> memref<10240xf32, #tpu.memory_space<hbm>>
      tpu.enqueue_indirect_dma source(%dma_start3A_521 : memref<10240xf32, #tpu.memory_space<hbm>>) target(%dma_start3A_516 : memref<128xf32, #tpu.memory_space<vmem>>) offsets(%dma_start3A_519 : memref<128xi32, #tpu.memory_space<vmem>>) semaphore(%arg11 : memref<!tpu.dma_semaphore, #tpu.memory_space<semaphore_mem>>)
      %add3A_522 = arith.constant 10 : i32
      %add3A_523 = arith.addi %mul3A_125, %add3A_522 : i32
      %add3A_524 = arith.constant 5 : i32
      %add3A_525 = arith.addi %add3A_523, %add3A_524 : i32
      %dma_start3A_526 = arith.constant 15 : i32
      %dma_start3A_527 = arith.constant 0 : i32
      %dma_start3A_528 = tpu.memref_slice %arg8[%dma_start3A_526, %dma_start3A_527] : memref<20x128xf32, #tpu.memory_space<vmem>> -> memref<1x128xf32, #tpu.memory_space<vmem>>
      %dma_start3A_529 = tpu.memref_squeeze %dma_start3A_528 : memref<1x128xf32, #tpu.memory_space<vmem>> -> memref<128xf32, #tpu.memory_space<vmem>>
      %dma_start3A_530 = arith.constant 0 : i32
      %dma_start3A_531 = tpu.memref_slice %arg6[%add3A_525, %dma_start3A_530] : memref<80x128xi32, #tpu.memory_space<vmem>> -> memref<1x128xi32, #tpu.memory_space<vmem>>
      %dma_start3A_532 = tpu.memref_squeeze %dma_start3A_531 : memref<1x128xi32, #tpu.memory_space<vmem>> -> memref<128xi32, #tpu.memory_space<vmem>>
      %dma_start3A_533 = arith.constant 0 : i32
      %dma_start3A_534 = tpu.memref_slice %arg2[%dma_start3A_533] : memref<10240xf32, #tpu.memory_space<hbm>> -> memref<10240xf32, #tpu.memory_space<hbm>>
      tpu.enqueue_indirect_dma source(%dma_start3A_534 : memref<10240xf32, #tpu.memory_space<hbm>>) target(%dma_start3A_529 : memref<128xf32, #tpu.memory_space<vmem>>) offsets(%dma_start3A_532 : memref<128xi32, #tpu.memory_space<vmem>>) semaphore(%arg11 : memref<!tpu.dma_semaphore, #tpu.memory_space<semaphore_mem>>)
      %add3A_535 = arith.constant 10 : i32
      %add3A_536 = arith.addi %mul3A_125, %add3A_535 : i32
      %add3A_537 = arith.constant 6 : i32
      %add3A_538 = arith.addi %add3A_536, %add3A_537 : i32
      %dma_start3A_539 = arith.constant 16 : i32
      %dma_start3A_540 = arith.constant 0 : i32
      %dma_start3A_541 = tpu.memref_slice %arg8[%dma_start3A_539, %dma_start3A_540] : memref<20x128xf32, #tpu.memory_space<vmem>> -> memref<1x128xf32, #tpu.memory_space<vmem>>
      %dma_start3A_542 = tpu.memref_squeeze %dma_start3A_541 : memref<1x128xf32, #tpu.memory_space<vmem>> -> memref<128xf32, #tpu.memory_space<vmem>>
      %dma_start3A_543 = arith.constant 0 : i32
      %dma_start3A_544 = tpu.memref_slice %arg6[%add3A_538, %dma_start3A_543] : memref<80x128xi32, #tpu.memory_space<vmem>> -> memref<1x128xi32, #tpu.memory_space<vmem>>
      %dma_start3A_545 = tpu.memref_squeeze %dma_start3A_544 : memref<1x128xi32, #tpu.memory_space<vmem>> -> memref<128xi32, #tpu.memory_space<vmem>>
      %dma_start3A_546 = arith.constant 0 : i32
      %dma_start3A_547 = tpu.memref_slice %arg2[%dma_start3A_546] : memref<10240xf32, #tpu.memory_space<hbm>> -> memref<10240xf32, #tpu.memory_space<hbm>>
      tpu.enqueue_indirect_dma source(%dma_start3A_547 : memref<10240xf32, #tpu.memory_space<hbm>>) target(%dma_start3A_542 : memref<128xf32, #tpu.memory_space<vmem>>) offsets(%dma_start3A_545 : memref<128xi32, #tpu.memory_space<vmem>>) semaphore(%arg11 : memref<!tpu.dma_semaphore, #tpu.memory_space<semaphore_mem>>)
      %add3A_548 = arith.constant 10 : i32
      %add3A_549 = arith.addi %mul3A_125, %add3A_548 : i32
      %add3A_550 = arith.constant 7 : i32
      %add3A_551 = arith.addi %add3A_549, %add3A_550 : i32
      %dma_start3A_552 = arith.constant 17 : i32
      %dma_start3A_553 = arith.constant 0 : i32
      %dma_start3A_554 = tpu.memref_slice %arg8[%dma_start3A_552, %dma_start3A_553] : memref<20x128xf32, #tpu.memory_space<vmem>> -> memref<1x128xf32, #tpu.memory_space<vmem>>
      %dma_start3A_555 = tpu.memref_squeeze %dma_start3A_554 : memref<1x128xf32, #tpu.memory_space<vmem>> -> memref<128xf32, #tpu.memory_space<vmem>>
      %dma_start3A_556 = arith.constant 0 : i32
      %dma_start3A_557 = tpu.memref_slice %arg6[%add3A_551, %dma_start3A_556] : memref<80x128xi32, #tpu.memory_space<vmem>> -> memref<1x128xi32, #tpu.memory_space<vmem>>
      %dma_start3A_558 = tpu.memref_squeeze %dma_start3A_557 : memref<1x128xi32, #tpu.memory_space<vmem>> -> memref<128xi32, #tpu.memory_space<vmem>>
      %dma_start3A_559 = arith.constant 0 : i32
      %dma_start3A_560 = tpu.memref_slice %arg2[%dma_start3A_559] : memref<10240xf32, #tpu.memory_space<hbm>> -> memref<10240xf32, #tpu.memory_space<hbm>>
      tpu.enqueue_indirect_dma source(%dma_start3A_560 : memref<10240xf32, #tpu.memory_space<hbm>>) target(%dma_start3A_555 : memref<128xf32, #tpu.memory_space<vmem>>) offsets(%dma_start3A_558 : memref<128xi32, #tpu.memory_space<vmem>>) semaphore(%arg11 : memref<!tpu.dma_semaphore, #tpu.memory_space<semaphore_mem>>)
      %add3A_561 = arith.constant 10 : i32
      %add3A_562 = arith.addi %mul3A_125, %add3A_561 : i32
      %add3A_563 = arith.constant 8 : i32
      %add3A_564 = arith.addi %add3A_562, %add3A_563 : i32
      %dma_start3A_565 = arith.constant 18 : i32
      %dma_start3A_566 = arith.constant 0 : i32
      %dma_start3A_567 = tpu.memref_slice %arg8[%dma_start3A_565, %dma_start3A_566] : memref<20x128xf32, #tpu.memory_space<vmem>> -> memref<1x128xf32, #tpu.memory_space<vmem>>
      %dma_start3A_568 = tpu.memref_squeeze %dma_start3A_567 : memref<1x128xf32, #tpu.memory_space<vmem>> -> memref<128xf32, #tpu.memory_space<vmem>>
      %dma_start3A_569 = arith.constant 0 : i32
      %dma_start3A_570 = tpu.memref_slice %arg6[%add3A_564, %dma_start3A_569] : memref<80x128xi32, #tpu.memory_space<vmem>> -> memref<1x128xi32, #tpu.memory_space<vmem>>
      %dma_start3A_571 = tpu.memref_squeeze %dma_start3A_570 : memref<1x128xi32, #tpu.memory_space<vmem>> -> memref<128xi32, #tpu.memory_space<vmem>>
      %dma_start3A_572 = arith.constant 0 : i32
      %dma_start3A_573 = tpu.memref_slice %arg2[%dma_start3A_572] : memref<10240xf32, #tpu.memory_space<hbm>> -> memref<10240xf32, #tpu.memory_space<hbm>>
      tpu.enqueue_indirect_dma source(%dma_start3A_573 : memref<10240xf32, #tpu.memory_space<hbm>>) target(%dma_start3A_568 : memref<128xf32, #tpu.memory_space<vmem>>) offsets(%dma_start3A_571 : memref<128xi32, #tpu.memory_space<vmem>>) semaphore(%arg11 : memref<!tpu.dma_semaphore, #tpu.memory_space<semaphore_mem>>)
      %add3A_574 = arith.constant 10 : i32
      %add3A_575 = arith.addi %mul3A_125, %add3A_574 : i32
      %add3A_576 = arith.constant 9 : i32
      %add3A_577 = arith.addi %add3A_575, %add3A_576 : i32
      %dma_start3A_578 = arith.constant 19 : i32
      %dma_start3A_579 = arith.constant 0 : i32
      %dma_start3A_580 = tpu.memref_slice %arg8[%dma_start3A_578, %dma_start3A_579] : memref<20x128xf32, #tpu.memory_space<vmem>> -> memref<1x128xf32, #tpu.memory_space<vmem>>
      %dma_start3A_581 = tpu.memref_squeeze %dma_start3A_580 : memref<1x128xf32, #tpu.memory_space<vmem>> -> memref<128xf32, #tpu.memory_space<vmem>>
      %dma_start3A_582 = arith.constant 0 : i32
      %dma_start3A_583 = tpu.memref_slice %arg6[%add3A_577, %dma_start3A_582] : memref<80x128xi32, #tpu.memory_space<vmem>> -> memref<1x128xi32, #tpu.memory_space<vmem>>
      %dma_start3A_584 = tpu.memref_squeeze %dma_start3A_583 : memref<1x128xi32, #tpu.memory_space<vmem>> -> memref<128xi32, #tpu.memory_space<vmem>>
      %dma_start3A_585 = arith.constant 0 : i32
      %dma_start3A_586 = tpu.memref_slice %arg2[%dma_start3A_585] : memref<10240xf32, #tpu.memory_space<hbm>> -> memref<10240xf32, #tpu.memory_space<hbm>>
      tpu.enqueue_indirect_dma source(%dma_start3A_586 : memref<10240xf32, #tpu.memory_space<hbm>>) target(%dma_start3A_581 : memref<128xf32, #tpu.memory_space<vmem>>) offsets(%dma_start3A_584 : memref<128xi32, #tpu.memory_space<vmem>>) semaphore(%arg11 : memref<!tpu.dma_semaphore, #tpu.memory_space<semaphore_mem>>)
      %add3A_587 = arith.constant 10 : i32
      %add3A_588 = arith.addi %mul3A_125, %add3A_587 : i32
      %add3A_589 = arith.constant 0 : i32
      %add3A_590 = arith.addi %add3A_588, %add3A_589 : i32
      %dma_wait3A_591 = arith.constant 10 : i32
      %dma_wait3A_592 = arith.constant 0 : i32
      %dma_wait3A_593 = tpu.memref_slice %arg8[%dma_wait3A_591, %dma_wait3A_592] : memref<20x128xf32, #tpu.memory_space<vmem>> -> memref<1x128xf32, #tpu.memory_space<vmem>>
      %dma_wait3A_594 = tpu.memref_squeeze %dma_wait3A_593 : memref<1x128xf32, #tpu.memory_space<vmem>> -> memref<128xf32, #tpu.memory_space<vmem>>
      %dma_wait3A_595 = arith.constant 0 : i32
      %dma_wait3A_596 = tpu.memref_slice %arg6[%add3A_590, %dma_wait3A_595] : memref<80x128xi32, #tpu.memory_space<vmem>> -> memref<1x128xi32, #tpu.memory_space<vmem>>
      %dma_wait3A_597 = tpu.memref_squeeze %dma_wait3A_596 : memref<1x128xi32, #tpu.memory_space<vmem>> -> memref<128xi32, #tpu.memory_space<vmem>>
      %dma_wait3A_598 = arith.constant 0 : i32
      %dma_wait3A_599 = tpu.memref_slice %arg2[%dma_wait3A_598] : memref<10240xf32, #tpu.memory_space<hbm>> -> memref<10240xf32, #tpu.memory_space<hbm>>
      tpu.wait_indirect_dma semaphore(%arg11 : memref<!tpu.dma_semaphore, #tpu.memory_space<semaphore_mem>>) src(%dma_wait3A_599 : memref<10240xf32, #tpu.memory_space<hbm>>) dst(%dma_wait3A_594 : memref<128xf32, #tpu.memory_space<vmem>>)
      %add3A_600 = arith.constant 10 : i32
      %add3A_601 = arith.addi %mul3A_125, %add3A_600 : i32
      %add3A_602 = arith.constant 1 : i32
      %add3A_603 = arith.addi %add3A_601, %add3A_602 : i32
      %dma_wait3A_604 = arith.constant 11 : i32
      %dma_wait3A_605 = arith.constant 0 : i32
      %dma_wait3A_606 = tpu.memref_slice %arg8[%dma_wait3A_604, %dma_wait3A_605] : memref<20x128xf32, #tpu.memory_space<vmem>> -> memref<1x128xf32, #tpu.memory_space<vmem>>
      %dma_wait3A_607 = tpu.memref_squeeze %dma_wait3A_606 : memref<1x128xf32, #tpu.memory_space<vmem>> -> memref<128xf32, #tpu.memory_space<vmem>>
      %dma_wait3A_608 = arith.constant 0 : i32
      %dma_wait3A_609 = tpu.memref_slice %arg6[%add3A_603, %dma_wait3A_608] : memref<80x128xi32, #tpu.memory_space<vmem>> -> memref<1x128xi32, #tpu.memory_space<vmem>>
      %dma_wait3A_610 = tpu.memref_squeeze %dma_wait3A_609 : memref<1x128xi32, #tpu.memory_space<vmem>> -> memref<128xi32, #tpu.memory_space<vmem>>
      %dma_wait3A_611 = arith.constant 0 : i32
      %dma_wait3A_612 = tpu.memref_slice %arg2[%dma_wait3A_611] : memref<10240xf32, #tpu.memory_space<hbm>> -> memref<10240xf32, #tpu.memory_space<hbm>>
      tpu.wait_indirect_dma semaphore(%arg11 : memref<!tpu.dma_semaphore, #tpu.memory_space<semaphore_mem>>) src(%dma_wait3A_612 : memref<10240xf32, #tpu.memory_space<hbm>>) dst(%dma_wait3A_607 : memref<128xf32, #tpu.memory_space<vmem>>)
      %add3A_613 = arith.constant 10 : i32
      %add3A_614 = arith.addi %mul3A_125, %add3A_613 : i32
      %add3A_615 = arith.constant 2 : i32
      %add3A_616 = arith.addi %add3A_614, %add3A_615 : i32
      %dma_wait3A_617 = arith.constant 12 : i32
      %dma_wait3A_618 = arith.constant 0 : i32
      %dma_wait3A_619 = tpu.memref_slice %arg8[%dma_wait3A_617, %dma_wait3A_618] : memref<20x128xf32, #tpu.memory_space<vmem>> -> memref<1x128xf32, #tpu.memory_space<vmem>>
      %dma_wait3A_620 = tpu.memref_squeeze %dma_wait3A_619 : memref<1x128xf32, #tpu.memory_space<vmem>> -> memref<128xf32, #tpu.memory_space<vmem>>
      %dma_wait3A_621 = arith.constant 0 : i32
      %dma_wait3A_622 = tpu.memref_slice %arg6[%add3A_616, %dma_wait3A_621] : memref<80x128xi32, #tpu.memory_space<vmem>> -> memref<1x128xi32, #tpu.memory_space<vmem>>
      %dma_wait3A_623 = tpu.memref_squeeze %dma_wait3A_622 : memref<1x128xi32, #tpu.memory_space<vmem>> -> memref<128xi32, #tpu.memory_space<vmem>>
      %dma_wait3A_624 = arith.constant 0 : i32
      %dma_wait3A_625 = tpu.memref_slice %arg2[%dma_wait3A_624] : memref<10240xf32, #tpu.memory_space<hbm>> -> memref<10240xf32, #tpu.memory_space<hbm>>
      tpu.wait_indirect_dma semaphore(%arg11 : memref<!tpu.dma_semaphore, #tpu.memory_space<semaphore_mem>>) src(%dma_wait3A_625 : memref<10240xf32, #tpu.memory_space<hbm>>) dst(%dma_wait3A_620 : memref<128xf32, #tpu.memory_space<vmem>>)
      %add3A_626 = arith.constant 10 : i32
      %add3A_627 = arith.addi %mul3A_125, %add3A_626 : i32
      %add3A_628 = arith.constant 3 : i32
      %add3A_629 = arith.addi %add3A_627, %add3A_628 : i32
      %dma_wait3A_630 = arith.constant 13 : i32
      %dma_wait3A_631 = arith.constant 0 : i32
      %dma_wait3A_632 = tpu.memref_slice %arg8[%dma_wait3A_630, %dma_wait3A_631] : memref<20x128xf32, #tpu.memory_space<vmem>> -> memref<1x128xf32, #tpu.memory_space<vmem>>
      %dma_wait3A_633 = tpu.memref_squeeze %dma_wait3A_632 : memref<1x128xf32, #tpu.memory_space<vmem>> -> memref<128xf32, #tpu.memory_space<vmem>>
      %dma_wait3A_634 = arith.constant 0 : i32
      %dma_wait3A_635 = tpu.memref_slice %arg6[%add3A_629, %dma_wait3A_634] : memref<80x128xi32, #tpu.memory_space<vmem>> -> memref<1x128xi32, #tpu.memory_space<vmem>>
      %dma_wait3A_636 = tpu.memref_squeeze %dma_wait3A_635 : memref<1x128xi32, #tpu.memory_space<vmem>> -> memref<128xi32, #tpu.memory_space<vmem>>
      %dma_wait3A_637 = arith.constant 0 : i32
      %dma_wait3A_638 = tpu.memref_slice %arg2[%dma_wait3A_637] : memref<10240xf32, #tpu.memory_space<hbm>> -> memref<10240xf32, #tpu.memory_space<hbm>>
      tpu.wait_indirect_dma semaphore(%arg11 : memref<!tpu.dma_semaphore, #tpu.memory_space<semaphore_mem>>) src(%dma_wait3A_638 : memref<10240xf32, #tpu.memory_space<hbm>>) dst(%dma_wait3A_633 : memref<128xf32, #tpu.memory_space<vmem>>)
      %add3A_639 = arith.constant 10 : i32
      %add3A_640 = arith.addi %mul3A_125, %add3A_639 : i32
      %add3A_641 = arith.constant 4 : i32
      %add3A_642 = arith.addi %add3A_640, %add3A_641 : i32
      %dma_wait3A_643 = arith.constant 14 : i32
      %dma_wait3A_644 = arith.constant 0 : i32
      %dma_wait3A_645 = tpu.memref_slice %arg8[%dma_wait3A_643, %dma_wait3A_644] : memref<20x128xf32, #tpu.memory_space<vmem>> -> memref<1x128xf32, #tpu.memory_space<vmem>>
      %dma_wait3A_646 = tpu.memref_squeeze %dma_wait3A_645 : memref<1x128xf32, #tpu.memory_space<vmem>> -> memref<128xf32, #tpu.memory_space<vmem>>
      %dma_wait3A_647 = arith.constant 0 : i32
      %dma_wait3A_648 = tpu.memref_slice %arg6[%add3A_642, %dma_wait3A_647] : memref<80x128xi32, #tpu.memory_space<vmem>> -> memref<1x128xi32, #tpu.memory_space<vmem>>
      %dma_wait3A_649 = tpu.memref_squeeze %dma_wait3A_648 : memref<1x128xi32, #tpu.memory_space<vmem>> -> memref<128xi32, #tpu.memory_space<vmem>>
      %dma_wait3A_650 = arith.constant 0 : i32
      %dma_wait3A_651 = tpu.memref_slice %arg2[%dma_wait3A_650] : memref<10240xf32, #tpu.memory_space<hbm>> -> memref<10240xf32, #tpu.memory_space<hbm>>
      tpu.wait_indirect_dma semaphore(%arg11 : memref<!tpu.dma_semaphore, #tpu.memory_space<semaphore_mem>>) src(%dma_wait3A_651 : memref<10240xf32, #tpu.memory_space<hbm>>) dst(%dma_wait3A_646 : memref<128xf32, #tpu.memory_space<vmem>>)
      %add3A_652 = arith.constant 10 : i32
      %add3A_653 = arith.addi %mul3A_125, %add3A_652 : i32
      %add3A_654 = arith.constant 5 : i32
      %add3A_655 = arith.addi %add3A_653, %add3A_654 : i32
      %dma_wait3A_656 = arith.constant 15 : i32
      %dma_wait3A_657 = arith.constant 0 : i32
      %dma_wait3A_658 = tpu.memref_slice %arg8[%dma_wait3A_656, %dma_wait3A_657] : memref<20x128xf32, #tpu.memory_space<vmem>> -> memref<1x128xf32, #tpu.memory_space<vmem>>
      %dma_wait3A_659 = tpu.memref_squeeze %dma_wait3A_658 : memref<1x128xf32, #tpu.memory_space<vmem>> -> memref<128xf32, #tpu.memory_space<vmem>>
      %dma_wait3A_660 = arith.constant 0 : i32
      %dma_wait3A_661 = tpu.memref_slice %arg6[%add3A_655, %dma_wait3A_660] : memref<80x128xi32, #tpu.memory_space<vmem>> -> memref<1x128xi32, #tpu.memory_space<vmem>>
      %dma_wait3A_662 = tpu.memref_squeeze %dma_wait3A_661 : memref<1x128xi32, #tpu.memory_space<vmem>> -> memref<128xi32, #tpu.memory_space<vmem>>
      %dma_wait3A_663 = arith.constant 0 : i32
      %dma_wait3A_664 = tpu.memref_slice %arg2[%dma_wait3A_663] : memref<10240xf32, #tpu.memory_space<hbm>> -> memref<10240xf32, #tpu.memory_space<hbm>>
      tpu.wait_indirect_dma semaphore(%arg11 : memref<!tpu.dma_semaphore, #tpu.memory_space<semaphore_mem>>) src(%dma_wait3A_664 : memref<10240xf32, #tpu.memory_space<hbm>>) dst(%dma_wait3A_659 : memref<128xf32, #tpu.memory_space<vmem>>)
      %add3A_665 = arith.constant 10 : i32
      %add3A_666 = arith.addi %mul3A_125, %add3A_665 : i32
      %add3A_667 = arith.constant 6 : i32
      %add3A_668 = arith.addi %add3A_666, %add3A_667 : i32
      %dma_wait3A_669 = arith.constant 16 : i32
      %dma_wait3A_670 = arith.constant 0 : i32
      %dma_wait3A_671 = tpu.memref_slice %arg8[%dma_wait3A_669, %dma_wait3A_670] : memref<20x128xf32, #tpu.memory_space<vmem>> -> memref<1x128xf32, #tpu.memory_space<vmem>>
      %dma_wait3A_672 = tpu.memref_squeeze %dma_wait3A_671 : memref<1x128xf32, #tpu.memory_space<vmem>> -> memref<128xf32, #tpu.memory_space<vmem>>
      %dma_wait3A_673 = arith.constant 0 : i32
      %dma_wait3A_674 = tpu.memref_slice %arg6[%add3A_668, %dma_wait3A_673] : memref<80x128xi32, #tpu.memory_space<vmem>> -> memref<1x128xi32, #tpu.memory_space<vmem>>
      %dma_wait3A_675 = tpu.memref_squeeze %dma_wait3A_674 : memref<1x128xi32, #tpu.memory_space<vmem>> -> memref<128xi32, #tpu.memory_space<vmem>>
      %dma_wait3A_676 = arith.constant 0 : i32
      %dma_wait3A_677 = tpu.memref_slice %arg2[%dma_wait3A_676] : memref<10240xf32, #tpu.memory_space<hbm>> -> memref<10240xf32, #tpu.memory_space<hbm>>
      tpu.wait_indirect_dma semaphore(%arg11 : memref<!tpu.dma_semaphore, #tpu.memory_space<semaphore_mem>>) src(%dma_wait3A_677 : memref<10240xf32, #tpu.memory_space<hbm>>) dst(%dma_wait3A_672 : memref<128xf32, #tpu.memory_space<vmem>>)
      %add3A_678 = arith.constant 10 : i32
      %add3A_679 = arith.addi %mul3A_125, %add3A_678 : i32
      %add3A_680 = arith.constant 7 : i32
      %add3A_681 = arith.addi %add3A_679, %add3A_680 : i32
      %dma_wait3A_682 = arith.constant 17 : i32
      %dma_wait3A_683 = arith.constant 0 : i32
      %dma_wait3A_684 = tpu.memref_slice %arg8[%dma_wait3A_682, %dma_wait3A_683] : memref<20x128xf32, #tpu.memory_space<vmem>> -> memref<1x128xf32, #tpu.memory_space<vmem>>
      %dma_wait3A_685 = tpu.memref_squeeze %dma_wait3A_684 : memref<1x128xf32, #tpu.memory_space<vmem>> -> memref<128xf32, #tpu.memory_space<vmem>>
      %dma_wait3A_686 = arith.constant 0 : i32
      %dma_wait3A_687 = tpu.memref_slice %arg6[%add3A_681, %dma_wait3A_686] : memref<80x128xi32, #tpu.memory_space<vmem>> -> memref<1x128xi32, #tpu.memory_space<vmem>>
      %dma_wait3A_688 = tpu.memref_squeeze %dma_wait3A_687 : memref<1x128xi32, #tpu.memory_space<vmem>> -> memref<128xi32, #tpu.memory_space<vmem>>
      %dma_wait3A_689 = arith.constant 0 : i32
      %dma_wait3A_690 = tpu.memref_slice %arg2[%dma_wait3A_689] : memref<10240xf32, #tpu.memory_space<hbm>> -> memref<10240xf32, #tpu.memory_space<hbm>>
      tpu.wait_indirect_dma semaphore(%arg11 : memref<!tpu.dma_semaphore, #tpu.memory_space<semaphore_mem>>) src(%dma_wait3A_690 : memref<10240xf32, #tpu.memory_space<hbm>>) dst(%dma_wait3A_685 : memref<128xf32, #tpu.memory_space<vmem>>)
      %add3A_691 = arith.constant 10 : i32
      %add3A_692 = arith.addi %mul3A_125, %add3A_691 : i32
      %add3A_693 = arith.constant 8 : i32
      %add3A_694 = arith.addi %add3A_692, %add3A_693 : i32
      %dma_wait3A_695 = arith.constant 18 : i32
      %dma_wait3A_696 = arith.constant 0 : i32
      %dma_wait3A_697 = tpu.memref_slice %arg8[%dma_wait3A_695, %dma_wait3A_696] : memref<20x128xf32, #tpu.memory_space<vmem>> -> memref<1x128xf32, #tpu.memory_space<vmem>>
      %dma_wait3A_698 = tpu.memref_squeeze %dma_wait3A_697 : memref<1x128xf32, #tpu.memory_space<vmem>> -> memref<128xf32, #tpu.memory_space<vmem>>
      %dma_wait3A_699 = arith.constant 0 : i32
      %dma_wait3A_700 = tpu.memref_slice %arg6[%add3A_694, %dma_wait3A_699] : memref<80x128xi32, #tpu.memory_space<vmem>> -> memref<1x128xi32, #tpu.memory_space<vmem>>
      %dma_wait3A_701 = tpu.memref_squeeze %dma_wait3A_700 : memref<1x128xi32, #tpu.memory_space<vmem>> -> memref<128xi32, #tpu.memory_space<vmem>>
      %dma_wait3A_702 = arith.constant 0 : i32
      %dma_wait3A_703 = tpu.memref_slice %arg2[%dma_wait3A_702] : memref<10240xf32, #tpu.memory_space<hbm>> -> memref<10240xf32, #tpu.memory_space<hbm>>
      tpu.wait_indirect_dma semaphore(%arg11 : memref<!tpu.dma_semaphore, #tpu.memory_space<semaphore_mem>>) src(%dma_wait3A_703 : memref<10240xf32, #tpu.memory_space<hbm>>) dst(%dma_wait3A_698 : memref<128xf32, #tpu.memory_space<vmem>>)
      %add3A_704 = arith.constant 10 : i32
      %add3A_705 = arith.addi %mul3A_125, %add3A_704 : i32
      %add3A_706 = arith.constant 9 : i32
      %add3A_707 = arith.addi %add3A_705, %add3A_706 : i32
      %dma_wait3A_708 = arith.constant 19 : i32
      %dma_wait3A_709 = arith.constant 0 : i32
      %dma_wait3A_710 = tpu.memref_slice %arg8[%dma_wait3A_708, %dma_wait3A_709] : memref<20x128xf32, #tpu.memory_space<vmem>> -> memref<1x128xf32, #tpu.memory_space<vmem>>
      %dma_wait3A_711 = tpu.memref_squeeze %dma_wait3A_710 : memref<1x128xf32, #tpu.memory_space<vmem>> -> memref<128xf32, #tpu.memory_space<vmem>>
      %dma_wait3A_712 = arith.constant 0 : i32
      %dma_wait3A_713 = tpu.memref_slice %arg6[%add3A_707, %dma_wait3A_712] : memref<80x128xi32, #tpu.memory_space<vmem>> -> memref<1x128xi32, #tpu.memory_space<vmem>>
      %dma_wait3A_714 = tpu.memref_squeeze %dma_wait3A_713 : memref<1x128xi32, #tpu.memory_space<vmem>> -> memref<128xi32, #tpu.memory_space<vmem>>
      %dma_wait3A_715 = arith.constant 0 : i32
      %dma_wait3A_716 = tpu.memref_slice %arg2[%dma_wait3A_715] : memref<10240xf32, #tpu.memory_space<hbm>> -> memref<10240xf32, #tpu.memory_space<hbm>>
      tpu.wait_indirect_dma semaphore(%arg11 : memref<!tpu.dma_semaphore, #tpu.memory_space<semaphore_mem>>) src(%dma_wait3A_716 : memref<10240xf32, #tpu.memory_space<hbm>>) dst(%dma_wait3A_711 : memref<128xf32, #tpu.memory_space<vmem>>)
      %add3A_717 = arith.constant 0 : i32
      %add3A_718 = arith.addi %mul3A_125, %add3A_717 : i32
      %dma_wait3A_719 = arith.constant 0 : i32
      %dma_wait3A_720 = arith.constant 0 : i32
      %dma_wait3A_721 = tpu.memref_slice %arg8[%dma_wait3A_719, %dma_wait3A_720] : memref<20x128xf32, #tpu.memory_space<vmem>> -> memref<1x128xf32, #tpu.memory_space<vmem>>
      %dma_wait3A_722 = tpu.memref_squeeze %dma_wait3A_721 : memref<1x128xf32, #tpu.memory_space<vmem>> -> memref<128xf32, #tpu.memory_space<vmem>>
      %dma_wait3A_723 = arith.constant 0 : i32
      %dma_wait3A_724 = tpu.memref_slice %arg7[%add3A_718, %dma_wait3A_723] : memref<80x128xi32, #tpu.memory_space<vmem>> -> memref<1x128xi32, #tpu.memory_space<vmem>>
      %dma_wait3A_725 = tpu.memref_squeeze %dma_wait3A_724 : memref<1x128xi32, #tpu.memory_space<vmem>> -> memref<128xi32, #tpu.memory_space<vmem>>
      %dma_wait3A_726 = arith.constant 0 : i32
      %dma_wait3A_727 = tpu.memref_slice %arg10[%dma_wait3A_726] : memref<10240xf32, #tpu.memory_space<vmem_shared>> -> memref<10240xf32, #tpu.memory_space<vmem_shared>>
      tpu.wait_indirect_dma semaphore(%arg12 : memref<!tpu.dma_semaphore, #tpu.memory_space<semaphore_mem>>) src(%dma_wait3A_722 : memref<128xf32, #tpu.memory_space<vmem>>) dst(%dma_wait3A_727 : memref<10240xf32, #tpu.memory_space<vmem_shared>>)
      %add3A_728 = arith.constant 1 : i32
      %add3A_729 = arith.addi %mul3A_125, %add3A_728 : i32
      %dma_wait3A_730 = arith.constant 1 : i32
      %dma_wait3A_731 = arith.constant 0 : i32
      %dma_wait3A_732 = tpu.memref_slice %arg8[%dma_wait3A_730, %dma_wait3A_731] : memref<20x128xf32, #tpu.memory_space<vmem>> -> memref<1x128xf32, #tpu.memory_space<vmem>>
      %dma_wait3A_733 = tpu.memref_squeeze %dma_wait3A_732 : memref<1x128xf32, #tpu.memory_space<vmem>> -> memref<128xf32, #tpu.memory_space<vmem>>
      %dma_wait3A_734 = arith.constant 0 : i32
      %dma_wait3A_735 = tpu.memref_slice %arg7[%add3A_729, %dma_wait3A_734] : memref<80x128xi32, #tpu.memory_space<vmem>> -> memref<1x128xi32, #tpu.memory_space<vmem>>
      %dma_wait3A_736 = tpu.memref_squeeze %dma_wait3A_735 : memref<1x128xi32, #tpu.memory_space<vmem>> -> memref<128xi32, #tpu.memory_space<vmem>>
      %dma_wait3A_737 = arith.constant 0 : i32
      %dma_wait3A_738 = tpu.memref_slice %arg10[%dma_wait3A_737] : memref<10240xf32, #tpu.memory_space<vmem_shared>> -> memref<10240xf32, #tpu.memory_space<vmem_shared>>
      tpu.wait_indirect_dma semaphore(%arg12 : memref<!tpu.dma_semaphore, #tpu.memory_space<semaphore_mem>>) src(%dma_wait3A_733 : memref<128xf32, #tpu.memory_space<vmem>>) dst(%dma_wait3A_738 : memref<10240xf32, #tpu.memory_space<vmem_shared>>)
      %add3A_739 = arith.constant 2 : i32
      %add3A_740 = arith.addi %mul3A_125, %add3A_739 : i32
      %dma_wait3A_741 = arith.constant 2 : i32
      %dma_wait3A_742 = arith.constant 0 : i32
      %dma_wait3A_743 = tpu.memref_slice %arg8[%dma_wait3A_741, %dma_wait3A_742] : memref<20x128xf32, #tpu.memory_space<vmem>> -> memref<1x128xf32, #tpu.memory_space<vmem>>
      %dma_wait3A_744 = tpu.memref_squeeze %dma_wait3A_743 : memref<1x128xf32, #tpu.memory_space<vmem>> -> memref<128xf32, #tpu.memory_space<vmem>>
      %dma_wait3A_745 = arith.constant 0 : i32
      %dma_wait3A_746 = tpu.memref_slice %arg7[%add3A_740, %dma_wait3A_745] : memref<80x128xi32, #tpu.memory_space<vmem>> -> memref<1x128xi32, #tpu.memory_space<vmem>>
      %dma_wait3A_747 = tpu.memref_squeeze %dma_wait3A_746 : memref<1x128xi32, #tpu.memory_space<vmem>> -> memref<128xi32, #tpu.memory_space<vmem>>
      %dma_wait3A_748 = arith.constant 0 : i32
      %dma_wait3A_749 = tpu.memref_slice %arg10[%dma_wait3A_748] : memref<10240xf32, #tpu.memory_space<vmem_shared>> -> memref<10240xf32, #tpu.memory_space<vmem_shared>>
      tpu.wait_indirect_dma semaphore(%arg12 : memref<!tpu.dma_semaphore, #tpu.memory_space<semaphore_mem>>) src(%dma_wait3A_744 : memref<128xf32, #tpu.memory_space<vmem>>) dst(%dma_wait3A_749 : memref<10240xf32, #tpu.memory_space<vmem_shared>>)
      %add3A_750 = arith.constant 3 : i32
      %add3A_751 = arith.addi %mul3A_125, %add3A_750 : i32
      %dma_wait3A_752 = arith.constant 3 : i32
      %dma_wait3A_753 = arith.constant 0 : i32
      %dma_wait3A_754 = tpu.memref_slice %arg8[%dma_wait3A_752, %dma_wait3A_753] : memref<20x128xf32, #tpu.memory_space<vmem>> -> memref<1x128xf32, #tpu.memory_space<vmem>>
      %dma_wait3A_755 = tpu.memref_squeeze %dma_wait3A_754 : memref<1x128xf32, #tpu.memory_space<vmem>> -> memref<128xf32, #tpu.memory_space<vmem>>
      %dma_wait3A_756 = arith.constant 0 : i32
      %dma_wait3A_757 = tpu.memref_slice %arg7[%add3A_751, %dma_wait3A_756] : memref<80x128xi32, #tpu.memory_space<vmem>> -> memref<1x128xi32, #tpu.memory_space<vmem>>
      %dma_wait3A_758 = tpu.memref_squeeze %dma_wait3A_757 : memref<1x128xi32, #tpu.memory_space<vmem>> -> memref<128xi32, #tpu.memory_space<vmem>>
      %dma_wait3A_759 = arith.constant 0 : i32
      %dma_wait3A_760 = tpu.memref_slice %arg10[%dma_wait3A_759] : memref<10240xf32, #tpu.memory_space<vmem_shared>> -> memref<10240xf32, #tpu.memory_space<vmem_shared>>
      tpu.wait_indirect_dma semaphore(%arg12 : memref<!tpu.dma_semaphore, #tpu.memory_space<semaphore_mem>>) src(%dma_wait3A_755 : memref<128xf32, #tpu.memory_space<vmem>>) dst(%dma_wait3A_760 : memref<10240xf32, #tpu.memory_space<vmem_shared>>)
      %add3A_761 = arith.constant 4 : i32
      %add3A_762 = arith.addi %mul3A_125, %add3A_761 : i32
      %dma_wait3A_763 = arith.constant 4 : i32
      %dma_wait3A_764 = arith.constant 0 : i32
      %dma_wait3A_765 = tpu.memref_slice %arg8[%dma_wait3A_763, %dma_wait3A_764] : memref<20x128xf32, #tpu.memory_space<vmem>> -> memref<1x128xf32, #tpu.memory_space<vmem>>
      %dma_wait3A_766 = tpu.memref_squeeze %dma_wait3A_765 : memref<1x128xf32, #tpu.memory_space<vmem>> -> memref<128xf32, #tpu.memory_space<vmem>>
      %dma_wait3A_767 = arith.constant 0 : i32
      %dma_wait3A_768 = tpu.memref_slice %arg7[%add3A_762, %dma_wait3A_767] : memref<80x128xi32, #tpu.memory_space<vmem>> -> memref<1x128xi32, #tpu.memory_space<vmem>>
      %dma_wait3A_769 = tpu.memref_squeeze %dma_wait3A_768 : memref<1x128xi32, #tpu.memory_space<vmem>> -> memref<128xi32, #tpu.memory_space<vmem>>
      %dma_wait3A_770 = arith.constant 0 : i32
      %dma_wait3A_771 = tpu.memref_slice %arg10[%dma_wait3A_770] : memref<10240xf32, #tpu.memory_space<vmem_shared>> -> memref<10240xf32, #tpu.memory_space<vmem_shared>>
      tpu.wait_indirect_dma semaphore(%arg12 : memref<!tpu.dma_semaphore, #tpu.memory_space<semaphore_mem>>) src(%dma_wait3A_766 : memref<128xf32, #tpu.memory_space<vmem>>) dst(%dma_wait3A_771 : memref<10240xf32, #tpu.memory_space<vmem_shared>>)
      %add3A_772 = arith.constant 5 : i32
      %add3A_773 = arith.addi %mul3A_125, %add3A_772 : i32
      %dma_wait3A_774 = arith.constant 5 : i32
      %dma_wait3A_775 = arith.constant 0 : i32
      %dma_wait3A_776 = tpu.memref_slice %arg8[%dma_wait3A_774, %dma_wait3A_775] : memref<20x128xf32, #tpu.memory_space<vmem>> -> memref<1x128xf32, #tpu.memory_space<vmem>>
      %dma_wait3A_777 = tpu.memref_squeeze %dma_wait3A_776 : memref<1x128xf32, #tpu.memory_space<vmem>> -> memref<128xf32, #tpu.memory_space<vmem>>
      %dma_wait3A_778 = arith.constant 0 : i32
      %dma_wait3A_779 = tpu.memref_slice %arg7[%add3A_773, %dma_wait3A_778] : memref<80x128xi32, #tpu.memory_space<vmem>> -> memref<1x128xi32, #tpu.memory_space<vmem>>
      %dma_wait3A_780 = tpu.memref_squeeze %dma_wait3A_779 : memref<1x128xi32, #tpu.memory_space<vmem>> -> memref<128xi32, #tpu.memory_space<vmem>>
      %dma_wait3A_781 = arith.constant 0 : i32
      %dma_wait3A_782 = tpu.memref_slice %arg10[%dma_wait3A_781] : memref<10240xf32, #tpu.memory_space<vmem_shared>> -> memref<10240xf32, #tpu.memory_space<vmem_shared>>
      tpu.wait_indirect_dma semaphore(%arg12 : memref<!tpu.dma_semaphore, #tpu.memory_space<semaphore_mem>>) src(%dma_wait3A_777 : memref<128xf32, #tpu.memory_space<vmem>>) dst(%dma_wait3A_782 : memref<10240xf32, #tpu.memory_space<vmem_shared>>)
      %add3A_783 = arith.constant 6 : i32
      %add3A_784 = arith.addi %mul3A_125, %add3A_783 : i32
      %dma_wait3A_785 = arith.constant 6 : i32
      %dma_wait3A_786 = arith.constant 0 : i32
      %dma_wait3A_787 = tpu.memref_slice %arg8[%dma_wait3A_785, %dma_wait3A_786] : memref<20x128xf32, #tpu.memory_space<vmem>> -> memref<1x128xf32, #tpu.memory_space<vmem>>
      %dma_wait3A_788 = tpu.memref_squeeze %dma_wait3A_787 : memref<1x128xf32, #tpu.memory_space<vmem>> -> memref<128xf32, #tpu.memory_space<vmem>>
      %dma_wait3A_789 = arith.constant 0 : i32
      %dma_wait3A_790 = tpu.memref_slice %arg7[%add3A_784, %dma_wait3A_789] : memref<80x128xi32, #tpu.memory_space<vmem>> -> memref<1x128xi32, #tpu.memory_space<vmem>>
      %dma_wait3A_791 = tpu.memref_squeeze %dma_wait3A_790 : memref<1x128xi32, #tpu.memory_space<vmem>> -> memref<128xi32, #tpu.memory_space<vmem>>
      %dma_wait3A_792 = arith.constant 0 : i32
      %dma_wait3A_793 = tpu.memref_slice %arg10[%dma_wait3A_792] : memref<10240xf32, #tpu.memory_space<vmem_shared>> -> memref<10240xf32, #tpu.memory_space<vmem_shared>>
      tpu.wait_indirect_dma semaphore(%arg12 : memref<!tpu.dma_semaphore, #tpu.memory_space<semaphore_mem>>) src(%dma_wait3A_788 : memref<128xf32, #tpu.memory_space<vmem>>) dst(%dma_wait3A_793 : memref<10240xf32, #tpu.memory_space<vmem_shared>>)
      %add3A_794 = arith.constant 7 : i32
      %add3A_795 = arith.addi %mul3A_125, %add3A_794 : i32
      %dma_wait3A_796 = arith.constant 7 : i32
      %dma_wait3A_797 = arith.constant 0 : i32
      %dma_wait3A_798 = tpu.memref_slice %arg8[%dma_wait3A_796, %dma_wait3A_797] : memref<20x128xf32, #tpu.memory_space<vmem>> -> memref<1x128xf32, #tpu.memory_space<vmem>>
      %dma_wait3A_799 = tpu.memref_squeeze %dma_wait3A_798 : memref<1x128xf32, #tpu.memory_space<vmem>> -> memref<128xf32, #tpu.memory_space<vmem>>
      %dma_wait3A_800 = arith.constant 0 : i32
      %dma_wait3A_801 = tpu.memref_slice %arg7[%add3A_795, %dma_wait3A_800] : memref<80x128xi32, #tpu.memory_space<vmem>> -> memref<1x128xi32, #tpu.memory_space<vmem>>
      %dma_wait3A_802 = tpu.memref_squeeze %dma_wait3A_801 : memref<1x128xi32, #tpu.memory_space<vmem>> -> memref<128xi32, #tpu.memory_space<vmem>>
      %dma_wait3A_803 = arith.constant 0 : i32
      %dma_wait3A_804 = tpu.memref_slice %arg10[%dma_wait3A_803] : memref<10240xf32, #tpu.memory_space<vmem_shared>> -> memref<10240xf32, #tpu.memory_space<vmem_shared>>
      tpu.wait_indirect_dma semaphore(%arg12 : memref<!tpu.dma_semaphore, #tpu.memory_space<semaphore_mem>>) src(%dma_wait3A_799 : memref<128xf32, #tpu.memory_space<vmem>>) dst(%dma_wait3A_804 : memref<10240xf32, #tpu.memory_space<vmem_shared>>)
      %add3A_805 = arith.constant 8 : i32
      %add3A_806 = arith.addi %mul3A_125, %add3A_805 : i32
      %dma_wait3A_807 = arith.constant 8 : i32
      %dma_wait3A_808 = arith.constant 0 : i32
      %dma_wait3A_809 = tpu.memref_slice %arg8[%dma_wait3A_807, %dma_wait3A_808] : memref<20x128xf32, #tpu.memory_space<vmem>> -> memref<1x128xf32, #tpu.memory_space<vmem>>
      %dma_wait3A_810 = tpu.memref_squeeze %dma_wait3A_809 : memref<1x128xf32, #tpu.memory_space<vmem>> -> memref<128xf32, #tpu.memory_space<vmem>>
      %dma_wait3A_811 = arith.constant 0 : i32
      %dma_wait3A_812 = tpu.memref_slice %arg7[%add3A_806, %dma_wait3A_811] : memref<80x128xi32, #tpu.memory_space<vmem>> -> memref<1x128xi32, #tpu.memory_space<vmem>>
      %dma_wait3A_813 = tpu.memref_squeeze %dma_wait3A_812 : memref<1x128xi32, #tpu.memory_space<vmem>> -> memref<128xi32, #tpu.memory_space<vmem>>
      %dma_wait3A_814 = arith.constant 0 : i32
      %dma_wait3A_815 = tpu.memref_slice %arg10[%dma_wait3A_814] : memref<10240xf32, #tpu.memory_space<vmem_shared>> -> memref<10240xf32, #tpu.memory_space<vmem_shared>>
      tpu.wait_indirect_dma semaphore(%arg12 : memref<!tpu.dma_semaphore, #tpu.memory_space<semaphore_mem>>) src(%dma_wait3A_810 : memref<128xf32, #tpu.memory_space<vmem>>) dst(%dma_wait3A_815 : memref<10240xf32, #tpu.memory_space<vmem_shared>>)
      %add3A_816 = arith.constant 9 : i32
      %add3A_817 = arith.addi %mul3A_125, %add3A_816 : i32
      %dma_wait3A_818 = arith.constant 9 : i32
      %dma_wait3A_819 = arith.constant 0 : i32
      %dma_wait3A_820 = tpu.memref_slice %arg8[%dma_wait3A_818, %dma_wait3A_819] : memref<20x128xf32, #tpu.memory_space<vmem>> -> memref<1x128xf32, #tpu.memory_space<vmem>>
      %dma_wait3A_821 = tpu.memref_squeeze %dma_wait3A_820 : memref<1x128xf32, #tpu.memory_space<vmem>> -> memref<128xf32, #tpu.memory_space<vmem>>
      %dma_wait3A_822 = arith.constant 0 : i32
      %dma_wait3A_823 = tpu.memref_slice %arg7[%add3A_817, %dma_wait3A_822] : memref<80x128xi32, #tpu.memory_space<vmem>> -> memref<1x128xi32, #tpu.memory_space<vmem>>
      %dma_wait3A_824 = tpu.memref_squeeze %dma_wait3A_823 : memref<1x128xi32, #tpu.memory_space<vmem>> -> memref<128xi32, #tpu.memory_space<vmem>>
      %dma_wait3A_825 = arith.constant 0 : i32
      %dma_wait3A_826 = tpu.memref_slice %arg10[%dma_wait3A_825] : memref<10240xf32, #tpu.memory_space<vmem_shared>> -> memref<10240xf32, #tpu.memory_space<vmem_shared>>
      tpu.wait_indirect_dma semaphore(%arg12 : memref<!tpu.dma_semaphore, #tpu.memory_space<semaphore_mem>>) src(%dma_wait3A_821 : memref<128xf32, #tpu.memory_space<vmem>>) dst(%dma_wait3A_826 : memref<10240xf32, #tpu.memory_space<vmem_shared>>)
      %add3A_827 = arith.constant 10 : i32
      %add3A_828 = arith.addi %mul3A_125, %add3A_827 : i32
      %add3A_829 = arith.constant 0 : i32
      %add3A_830 = arith.addi %add3A_828, %add3A_829 : i32
      %dma_start3A_831 = arith.constant 10 : i32
      %dma_start3A_832 = arith.constant 0 : i32
      %dma_start3A_833 = tpu.memref_slice %arg8[%dma_start3A_831, %dma_start3A_832] : memref<20x128xf32, #tpu.memory_space<vmem>> -> memref<1x128xf32, #tpu.memory_space<vmem>>
      %dma_start3A_834 = tpu.memref_squeeze %dma_start3A_833 : memref<1x128xf32, #tpu.memory_space<vmem>> -> memref<128xf32, #tpu.memory_space<vmem>>
      %dma_start3A_835 = arith.constant 0 : i32
      %dma_start3A_836 = tpu.memref_slice %arg7[%add3A_830, %dma_start3A_835] : memref<80x128xi32, #tpu.memory_space<vmem>> -> memref<1x128xi32, #tpu.memory_space<vmem>>
      %dma_start3A_837 = tpu.memref_squeeze %dma_start3A_836 : memref<1x128xi32, #tpu.memory_space<vmem>> -> memref<128xi32, #tpu.memory_space<vmem>>
      %dma_start3A_838 = arith.constant 0 : i32
      %dma_start3A_839 = tpu.memref_slice %arg10[%dma_start3A_838] : memref<10240xf32, #tpu.memory_space<vmem_shared>> -> memref<10240xf32, #tpu.memory_space<vmem_shared>>
      tpu.enqueue_indirect_dma source(%dma_start3A_834 : memref<128xf32, #tpu.memory_space<vmem>>) target(%dma_start3A_839 : memref<10240xf32, #tpu.memory_space<vmem_shared>>) offsets(%dma_start3A_837 : memref<128xi32, #tpu.memory_space<vmem>>) semaphore(%arg12 : memref<!tpu.dma_semaphore, #tpu.memory_space<semaphore_mem>>) {add = true}
      %add3A_840 = arith.constant 10 : i32
      %add3A_841 = arith.addi %mul3A_125, %add3A_840 : i32
      %add3A_842 = arith.constant 1 : i32
      %add3A_843 = arith.addi %add3A_841, %add3A_842 : i32
      %dma_start3A_844 = arith.constant 11 : i32
      %dma_start3A_845 = arith.constant 0 : i32
      %dma_start3A_846 = tpu.memref_slice %arg8[%dma_start3A_844, %dma_start3A_845] : memref<20x128xf32, #tpu.memory_space<vmem>> -> memref<1x128xf32, #tpu.memory_space<vmem>>
      %dma_start3A_847 = tpu.memref_squeeze %dma_start3A_846 : memref<1x128xf32, #tpu.memory_space<vmem>> -> memref<128xf32, #tpu.memory_space<vmem>>
      %dma_start3A_848 = arith.constant 0 : i32
      %dma_start3A_849 = tpu.memref_slice %arg7[%add3A_843, %dma_start3A_848] : memref<80x128xi32, #tpu.memory_space<vmem>> -> memref<1x128xi32, #tpu.memory_space<vmem>>
      %dma_start3A_850 = tpu.memref_squeeze %dma_start3A_849 : memref<1x128xi32, #tpu.memory_space<vmem>> -> memref<128xi32, #tpu.memory_space<vmem>>
      %dma_start3A_851 = arith.constant 0 : i32
      %dma_start3A_852 = tpu.memref_slice %arg10[%dma_start3A_851] : memref<10240xf32, #tpu.memory_space<vmem_shared>> -> memref<10240xf32, #tpu.memory_space<vmem_shared>>
      tpu.enqueue_indirect_dma source(%dma_start3A_847 : memref<128xf32, #tpu.memory_space<vmem>>) target(%dma_start3A_852 : memref<10240xf32, #tpu.memory_space<vmem_shared>>) offsets(%dma_start3A_850 : memref<128xi32, #tpu.memory_space<vmem>>) semaphore(%arg12 : memref<!tpu.dma_semaphore, #tpu.memory_space<semaphore_mem>>) {add = true}
      %add3A_853 = arith.constant 10 : i32
      %add3A_854 = arith.addi %mul3A_125, %add3A_853 : i32
      %add3A_855 = arith.constant 2 : i32
      %add3A_856 = arith.addi %add3A_854, %add3A_855 : i32
      %dma_start3A_857 = arith.constant 12 : i32
      %dma_start3A_858 = arith.constant 0 : i32
      %dma_start3A_859 = tpu.memref_slice %arg8[%dma_start3A_857, %dma_start3A_858] : memref<20x128xf32, #tpu.memory_space<vmem>> -> memref<1x128xf32, #tpu.memory_space<vmem>>
      %dma_start3A_860 = tpu.memref_squeeze %dma_start3A_859 : memref<1x128xf32, #tpu.memory_space<vmem>> -> memref<128xf32, #tpu.memory_space<vmem>>
      %dma_start3A_861 = arith.constant 0 : i32
      %dma_start3A_862 = tpu.memref_slice %arg7[%add3A_856, %dma_start3A_861] : memref<80x128xi32, #tpu.memory_space<vmem>> -> memref<1x128xi32, #tpu.memory_space<vmem>>
      %dma_start3A_863 = tpu.memref_squeeze %dma_start3A_862 : memref<1x128xi32, #tpu.memory_space<vmem>> -> memref<128xi32, #tpu.memory_space<vmem>>
      %dma_start3A_864 = arith.constant 0 : i32
      %dma_start3A_865 = tpu.memref_slice %arg10[%dma_start3A_864] : memref<10240xf32, #tpu.memory_space<vmem_shared>> -> memref<10240xf32, #tpu.memory_space<vmem_shared>>
      tpu.enqueue_indirect_dma source(%dma_start3A_860 : memref<128xf32, #tpu.memory_space<vmem>>) target(%dma_start3A_865 : memref<10240xf32, #tpu.memory_space<vmem_shared>>) offsets(%dma_start3A_863 : memref<128xi32, #tpu.memory_space<vmem>>) semaphore(%arg12 : memref<!tpu.dma_semaphore, #tpu.memory_space<semaphore_mem>>) {add = true}
      %add3A_866 = arith.constant 10 : i32
      %add3A_867 = arith.addi %mul3A_125, %add3A_866 : i32
      %add3A_868 = arith.constant 3 : i32
      %add3A_869 = arith.addi %add3A_867, %add3A_868 : i32
      %dma_start3A_870 = arith.constant 13 : i32
      %dma_start3A_871 = arith.constant 0 : i32
      %dma_start3A_872 = tpu.memref_slice %arg8[%dma_start3A_870, %dma_start3A_871] : memref<20x128xf32, #tpu.memory_space<vmem>> -> memref<1x128xf32, #tpu.memory_space<vmem>>
      %dma_start3A_873 = tpu.memref_squeeze %dma_start3A_872 : memref<1x128xf32, #tpu.memory_space<vmem>> -> memref<128xf32, #tpu.memory_space<vmem>>
      %dma_start3A_874 = arith.constant 0 : i32
      %dma_start3A_875 = tpu.memref_slice %arg7[%add3A_869, %dma_start3A_874] : memref<80x128xi32, #tpu.memory_space<vmem>> -> memref<1x128xi32, #tpu.memory_space<vmem>>
      %dma_start3A_876 = tpu.memref_squeeze %dma_start3A_875 : memref<1x128xi32, #tpu.memory_space<vmem>> -> memref<128xi32, #tpu.memory_space<vmem>>
      %dma_start3A_877 = arith.constant 0 : i32
      %dma_start3A_878 = tpu.memref_slice %arg10[%dma_start3A_877] : memref<10240xf32, #tpu.memory_space<vmem_shared>> -> memref<10240xf32, #tpu.memory_space<vmem_shared>>
      tpu.enqueue_indirect_dma source(%dma_start3A_873 : memref<128xf32, #tpu.memory_space<vmem>>) target(%dma_start3A_878 : memref<10240xf32, #tpu.memory_space<vmem_shared>>) offsets(%dma_start3A_876 : memref<128xi32, #tpu.memory_space<vmem>>) semaphore(%arg12 : memref<!tpu.dma_semaphore, #tpu.memory_space<semaphore_mem>>) {add = true}
      %add3A_879 = arith.constant 10 : i32
      %add3A_880 = arith.addi %mul3A_125, %add3A_879 : i32
      %add3A_881 = arith.constant 4 : i32
      %add3A_882 = arith.addi %add3A_880, %add3A_881 : i32
      %dma_start3A_883 = arith.constant 14 : i32
      %dma_start3A_884 = arith.constant 0 : i32
      %dma_start3A_885 = tpu.memref_slice %arg8[%dma_start3A_883, %dma_start3A_884] : memref<20x128xf32, #tpu.memory_space<vmem>> -> memref<1x128xf32, #tpu.memory_space<vmem>>
      %dma_start3A_886 = tpu.memref_squeeze %dma_start3A_885 : memref<1x128xf32, #tpu.memory_space<vmem>> -> memref<128xf32, #tpu.memory_space<vmem>>
      %dma_start3A_887 = arith.constant 0 : i32
      %dma_start3A_888 = tpu.memref_slice %arg7[%add3A_882, %dma_start3A_887] : memref<80x128xi32, #tpu.memory_space<vmem>> -> memref<1x128xi32, #tpu.memory_space<vmem>>
      %dma_start3A_889 = tpu.memref_squeeze %dma_start3A_888 : memref<1x128xi32, #tpu.memory_space<vmem>> -> memref<128xi32, #tpu.memory_space<vmem>>
      %dma_start3A_890 = arith.constant 0 : i32
      %dma_start3A_891 = tpu.memref_slice %arg10[%dma_start3A_890] : memref<10240xf32, #tpu.memory_space<vmem_shared>> -> memref<10240xf32, #tpu.memory_space<vmem_shared>>
      tpu.enqueue_indirect_dma source(%dma_start3A_886 : memref<128xf32, #tpu.memory_space<vmem>>) target(%dma_start3A_891 : memref<10240xf32, #tpu.memory_space<vmem_shared>>) offsets(%dma_start3A_889 : memref<128xi32, #tpu.memory_space<vmem>>) semaphore(%arg12 : memref<!tpu.dma_semaphore, #tpu.memory_space<semaphore_mem>>) {add = true}
      %add3A_892 = arith.constant 10 : i32
      %add3A_893 = arith.addi %mul3A_125, %add3A_892 : i32
      %add3A_894 = arith.constant 5 : i32
      %add3A_895 = arith.addi %add3A_893, %add3A_894 : i32
      %dma_start3A_896 = arith.constant 15 : i32
      %dma_start3A_897 = arith.constant 0 : i32
      %dma_start3A_898 = tpu.memref_slice %arg8[%dma_start3A_896, %dma_start3A_897] : memref<20x128xf32, #tpu.memory_space<vmem>> -> memref<1x128xf32, #tpu.memory_space<vmem>>
      %dma_start3A_899 = tpu.memref_squeeze %dma_start3A_898 : memref<1x128xf32, #tpu.memory_space<vmem>> -> memref<128xf32, #tpu.memory_space<vmem>>
      %dma_start3A_900 = arith.constant 0 : i32
      %dma_start3A_901 = tpu.memref_slice %arg7[%add3A_895, %dma_start3A_900] : memref<80x128xi32, #tpu.memory_space<vmem>> -> memref<1x128xi32, #tpu.memory_space<vmem>>
      %dma_start3A_902 = tpu.memref_squeeze %dma_start3A_901 : memref<1x128xi32, #tpu.memory_space<vmem>> -> memref<128xi32, #tpu.memory_space<vmem>>
      %dma_start3A_903 = arith.constant 0 : i32
      %dma_start3A_904 = tpu.memref_slice %arg10[%dma_start3A_903] : memref<10240xf32, #tpu.memory_space<vmem_shared>> -> memref<10240xf32, #tpu.memory_space<vmem_shared>>
      tpu.enqueue_indirect_dma source(%dma_start3A_899 : memref<128xf32, #tpu.memory_space<vmem>>) target(%dma_start3A_904 : memref<10240xf32, #tpu.memory_space<vmem_shared>>) offsets(%dma_start3A_902 : memref<128xi32, #tpu.memory_space<vmem>>) semaphore(%arg12 : memref<!tpu.dma_semaphore, #tpu.memory_space<semaphore_mem>>) {add = true}
      %add3A_905 = arith.constant 10 : i32
      %add3A_906 = arith.addi %mul3A_125, %add3A_905 : i32
      %add3A_907 = arith.constant 6 : i32
      %add3A_908 = arith.addi %add3A_906, %add3A_907 : i32
      %dma_start3A_909 = arith.constant 16 : i32
      %dma_start3A_910 = arith.constant 0 : i32
      %dma_start3A_911 = tpu.memref_slice %arg8[%dma_start3A_909, %dma_start3A_910] : memref<20x128xf32, #tpu.memory_space<vmem>> -> memref<1x128xf32, #tpu.memory_space<vmem>>
      %dma_start3A_912 = tpu.memref_squeeze %dma_start3A_911 : memref<1x128xf32, #tpu.memory_space<vmem>> -> memref<128xf32, #tpu.memory_space<vmem>>
      %dma_start3A_913 = arith.constant 0 : i32
      %dma_start3A_914 = tpu.memref_slice %arg7[%add3A_908, %dma_start3A_913] : memref<80x128xi32, #tpu.memory_space<vmem>> -> memref<1x128xi32, #tpu.memory_space<vmem>>
      %dma_start3A_915 = tpu.memref_squeeze %dma_start3A_914 : memref<1x128xi32, #tpu.memory_space<vmem>> -> memref<128xi32, #tpu.memory_space<vmem>>
      %dma_start3A_916 = arith.constant 0 : i32
      %dma_start3A_917 = tpu.memref_slice %arg10[%dma_start3A_916] : memref<10240xf32, #tpu.memory_space<vmem_shared>> -> memref<10240xf32, #tpu.memory_space<vmem_shared>>
      tpu.enqueue_indirect_dma source(%dma_start3A_912 : memref<128xf32, #tpu.memory_space<vmem>>) target(%dma_start3A_917 : memref<10240xf32, #tpu.memory_space<vmem_shared>>) offsets(%dma_start3A_915 : memref<128xi32, #tpu.memory_space<vmem>>) semaphore(%arg12 : memref<!tpu.dma_semaphore, #tpu.memory_space<semaphore_mem>>) {add = true}
      %add3A_918 = arith.constant 10 : i32
      %add3A_919 = arith.addi %mul3A_125, %add3A_918 : i32
      %add3A_920 = arith.constant 7 : i32
      %add3A_921 = arith.addi %add3A_919, %add3A_920 : i32
      %dma_start3A_922 = arith.constant 17 : i32
      %dma_start3A_923 = arith.constant 0 : i32
      %dma_start3A_924 = tpu.memref_slice %arg8[%dma_start3A_922, %dma_start3A_923] : memref<20x128xf32, #tpu.memory_space<vmem>> -> memref<1x128xf32, #tpu.memory_space<vmem>>
      %dma_start3A_925 = tpu.memref_squeeze %dma_start3A_924 : memref<1x128xf32, #tpu.memory_space<vmem>> -> memref<128xf32, #tpu.memory_space<vmem>>
      %dma_start3A_926 = arith.constant 0 : i32
      %dma_start3A_927 = tpu.memref_slice %arg7[%add3A_921, %dma_start3A_926] : memref<80x128xi32, #tpu.memory_space<vmem>> -> memref<1x128xi32, #tpu.memory_space<vmem>>
      %dma_start3A_928 = tpu.memref_squeeze %dma_start3A_927 : memref<1x128xi32, #tpu.memory_space<vmem>> -> memref<128xi32, #tpu.memory_space<vmem>>
      %dma_start3A_929 = arith.constant 0 : i32
      %dma_start3A_930 = tpu.memref_slice %arg10[%dma_start3A_929] : memref<10240xf32, #tpu.memory_space<vmem_shared>> -> memref<10240xf32, #tpu.memory_space<vmem_shared>>
      tpu.enqueue_indirect_dma source(%dma_start3A_925 : memref<128xf32, #tpu.memory_space<vmem>>) target(%dma_start3A_930 : memref<10240xf32, #tpu.memory_space<vmem_shared>>) offsets(%dma_start3A_928 : memref<128xi32, #tpu.memory_space<vmem>>) semaphore(%arg12 : memref<!tpu.dma_semaphore, #tpu.memory_space<semaphore_mem>>) {add = true}
      %add3A_931 = arith.constant 10 : i32
      %add3A_932 = arith.addi %mul3A_125, %add3A_931 : i32
      %add3A_933 = arith.constant 8 : i32
      %add3A_934 = arith.addi %add3A_932, %add3A_933 : i32
      %dma_start3A_935 = arith.constant 18 : i32
      %dma_start3A_936 = arith.constant 0 : i32
      %dma_start3A_937 = tpu.memref_slice %arg8[%dma_start3A_935, %dma_start3A_936] : memref<20x128xf32, #tpu.memory_space<vmem>> -> memref<1x128xf32, #tpu.memory_space<vmem>>
      %dma_start3A_938 = tpu.memref_squeeze %dma_start3A_937 : memref<1x128xf32, #tpu.memory_space<vmem>> -> memref<128xf32, #tpu.memory_space<vmem>>
      %dma_start3A_939 = arith.constant 0 : i32
      %dma_start3A_940 = tpu.memref_slice %arg7[%add3A_934, %dma_start3A_939] : memref<80x128xi32, #tpu.memory_space<vmem>> -> memref<1x128xi32, #tpu.memory_space<vmem>>
      %dma_start3A_941 = tpu.memref_squeeze %dma_start3A_940 : memref<1x128xi32, #tpu.memory_space<vmem>> -> memref<128xi32, #tpu.memory_space<vmem>>
      %dma_start3A_942 = arith.constant 0 : i32
      %dma_start3A_943 = tpu.memref_slice %arg10[%dma_start3A_942] : memref<10240xf32, #tpu.memory_space<vmem_shared>> -> memref<10240xf32, #tpu.memory_space<vmem_shared>>
      tpu.enqueue_indirect_dma source(%dma_start3A_938 : memref<128xf32, #tpu.memory_space<vmem>>) target(%dma_start3A_943 : memref<10240xf32, #tpu.memory_space<vmem_shared>>) offsets(%dma_start3A_941 : memref<128xi32, #tpu.memory_space<vmem>>) semaphore(%arg12 : memref<!tpu.dma_semaphore, #tpu.memory_space<semaphore_mem>>) {add = true}
      %add3A_944 = arith.constant 10 : i32
      %add3A_945 = arith.addi %mul3A_125, %add3A_944 : i32
      %add3A_946 = arith.constant 9 : i32
      %add3A_947 = arith.addi %add3A_945, %add3A_946 : i32
      %dma_start3A_948 = arith.constant 19 : i32
      %dma_start3A_949 = arith.constant 0 : i32
      %dma_start3A_950 = tpu.memref_slice %arg8[%dma_start3A_948, %dma_start3A_949] : memref<20x128xf32, #tpu.memory_space<vmem>> -> memref<1x128xf32, #tpu.memory_space<vmem>>
      %dma_start3A_951 = tpu.memref_squeeze %dma_start3A_950 : memref<1x128xf32, #tpu.memory_space<vmem>> -> memref<128xf32, #tpu.memory_space<vmem>>
      %dma_start3A_952 = arith.constant 0 : i32
      %dma_start3A_953 = tpu.memref_slice %arg7[%add3A_947, %dma_start3A_952] : memref<80x128xi32, #tpu.memory_space<vmem>> -> memref<1x128xi32, #tpu.memory_space<vmem>>
      %dma_start3A_954 = tpu.memref_squeeze %dma_start3A_953 : memref<1x128xi32, #tpu.memory_space<vmem>> -> memref<128xi32, #tpu.memory_space<vmem>>
      %dma_start3A_955 = arith.constant 0 : i32
      %dma_start3A_956 = tpu.memref_slice %arg10[%dma_start3A_955] : memref<10240xf32, #tpu.memory_space<vmem_shared>> -> memref<10240xf32, #tpu.memory_space<vmem_shared>>
      tpu.enqueue_indirect_dma source(%dma_start3A_951 : memref<128xf32, #tpu.memory_space<vmem>>) target(%dma_start3A_956 : memref<10240xf32, #tpu.memory_space<vmem_shared>>) offsets(%dma_start3A_954 : memref<128xi32, #tpu.memory_space<vmem>>) semaphore(%arg12 : memref<!tpu.dma_semaphore, #tpu.memory_space<semaphore_mem>>) {add = true}
      %scan3A_957 = arith.constant 0 : i32
      scf.yield %scan3A_957 : i32
    }
    %scan3A_17 = arith.constant 4 : i32
    %dma_wait3A = arith.constant 10 : i32
    %dma_wait3A_18 = arith.constant 70 : i32
    %dma_wait3A_19 = arith.constant 0 : i32
    %dma_wait3A_20 = tpu.memref_slice %arg8[%dma_wait3A, %dma_wait3A_19] : memref<20x128xf32, #tpu.memory_space<vmem>> -> memref<1x128xf32, #tpu.memory_space<vmem>>
    %dma_wait3A_21 = tpu.memref_squeeze %dma_wait3A_20 : memref<1x128xf32, #tpu.memory_space<vmem>> -> memref<128xf32, #tpu.memory_space<vmem>>
    %dma_wait3A_22 = arith.constant 0 : i32
    %dma_wait3A_23 = tpu.memref_slice %arg7[%dma_wait3A_18, %dma_wait3A_22] : memref<80x128xi32, #tpu.memory_space<vmem>> -> memref<1x128xi32, #tpu.memory_space<vmem>>
    %dma_wait3A_24 = tpu.memref_squeeze %dma_wait3A_23 : memref<1x128xi32, #tpu.memory_space<vmem>> -> memref<128xi32, #tpu.memory_space<vmem>>
    %dma_wait3A_25 = arith.constant 0 : i32
    %dma_wait3A_26 = tpu.memref_slice %arg10[%dma_wait3A_25] : memref<10240xf32, #tpu.memory_space<vmem_shared>> -> memref<10240xf32, #tpu.memory_space<vmem_shared>>
    tpu.wait_indirect_dma semaphore(%arg12 : memref<!tpu.dma_semaphore, #tpu.memory_space<semaphore_mem>>) src(%dma_wait3A_21 : memref<128xf32, #tpu.memory_space<vmem>>) dst(%dma_wait3A_26 : memref<10240xf32, #tpu.memory_space<vmem_shared>>)
    %dma_wait3A_27 = arith.constant 11 : i32
    %dma_wait3A_28 = arith.constant 71 : i32
    %dma_wait3A_29 = arith.constant 0 : i32
    %dma_wait3A_30 = tpu.memref_slice %arg8[%dma_wait3A_27, %dma_wait3A_29] : memref<20x128xf32, #tpu.memory_space<vmem>> -> memref<1x128xf32, #tpu.memory_space<vmem>>
    %dma_wait3A_31 = tpu.memref_squeeze %dma_wait3A_30 : memref<1x128xf32, #tpu.memory_space<vmem>> -> memref<128xf32, #tpu.memory_space<vmem>>
    %dma_wait3A_32 = arith.constant 0 : i32
    %dma_wait3A_33 = tpu.memref_slice %arg7[%dma_wait3A_28, %dma_wait3A_32] : memref<80x128xi32, #tpu.memory_space<vmem>> -> memref<1x128xi32, #tpu.memory_space<vmem>>
    %dma_wait3A_34 = tpu.memref_squeeze %dma_wait3A_33 : memref<1x128xi32, #tpu.memory_space<vmem>> -> memref<128xi32, #tpu.memory_space<vmem>>
    %dma_wait3A_35 = arith.constant 0 : i32
    %dma_wait3A_36 = tpu.memref_slice %arg10[%dma_wait3A_35] : memref<10240xf32, #tpu.memory_space<vmem_shared>> -> memref<10240xf32, #tpu.memory_space<vmem_shared>>
    tpu.wait_indirect_dma semaphore(%arg12 : memref<!tpu.dma_semaphore, #tpu.memory_space<semaphore_mem>>) src(%dma_wait3A_31 : memref<128xf32, #tpu.memory_space<vmem>>) dst(%dma_wait3A_36 : memref<10240xf32, #tpu.memory_space<vmem_shared>>)
    %dma_wait3A_37 = arith.constant 12 : i32
    %dma_wait3A_38 = arith.constant 72 : i32
    %dma_wait3A_39 = arith.constant 0 : i32
    %dma_wait3A_40 = tpu.memref_slice %arg8[%dma_wait3A_37, %dma_wait3A_39] : memref<20x128xf32, #tpu.memory_space<vmem>> -> memref<1x128xf32, #tpu.memory_space<vmem>>
    %dma_wait3A_41 = tpu.memref_squeeze %dma_wait3A_40 : memref<1x128xf32, #tpu.memory_space<vmem>> -> memref<128xf32, #tpu.memory_space<vmem>>
    %dma_wait3A_42 = arith.constant 0 : i32
    %dma_wait3A_43 = tpu.memref_slice %arg7[%dma_wait3A_38, %dma_wait3A_42] : memref<80x128xi32, #tpu.memory_space<vmem>> -> memref<1x128xi32, #tpu.memory_space<vmem>>
    %dma_wait3A_44 = tpu.memref_squeeze %dma_wait3A_43 : memref<1x128xi32, #tpu.memory_space<vmem>> -> memref<128xi32, #tpu.memory_space<vmem>>
    %dma_wait3A_45 = arith.constant 0 : i32
    %dma_wait3A_46 = tpu.memref_slice %arg10[%dma_wait3A_45] : memref<10240xf32, #tpu.memory_space<vmem_shared>> -> memref<10240xf32, #tpu.memory_space<vmem_shared>>
    tpu.wait_indirect_dma semaphore(%arg12 : memref<!tpu.dma_semaphore, #tpu.memory_space<semaphore_mem>>) src(%dma_wait3A_41 : memref<128xf32, #tpu.memory_space<vmem>>) dst(%dma_wait3A_46 : memref<10240xf32, #tpu.memory_space<vmem_shared>>)
    %dma_wait3A_47 = arith.constant 13 : i32
    %dma_wait3A_48 = arith.constant 73 : i32
    %dma_wait3A_49 = arith.constant 0 : i32
    %dma_wait3A_50 = tpu.memref_slice %arg8[%dma_wait3A_47, %dma_wait3A_49] : memref<20x128xf32, #tpu.memory_space<vmem>> -> memref<1x128xf32, #tpu.memory_space<vmem>>
    %dma_wait3A_51 = tpu.memref_squeeze %dma_wait3A_50 : memref<1x128xf32, #tpu.memory_space<vmem>> -> memref<128xf32, #tpu.memory_space<vmem>>
    %dma_wait3A_52 = arith.constant 0 : i32
    %dma_wait3A_53 = tpu.memref_slice %arg7[%dma_wait3A_48, %dma_wait3A_52] : memref<80x128xi32, #tpu.memory_space<vmem>> -> memref<1x128xi32, #tpu.memory_space<vmem>>
    %dma_wait3A_54 = tpu.memref_squeeze %dma_wait3A_53 : memref<1x128xi32, #tpu.memory_space<vmem>> -> memref<128xi32, #tpu.memory_space<vmem>>
    %dma_wait3A_55 = arith.constant 0 : i32
    %dma_wait3A_56 = tpu.memref_slice %arg10[%dma_wait3A_55] : memref<10240xf32, #tpu.memory_space<vmem_shared>> -> memref<10240xf32, #tpu.memory_space<vmem_shared>>
    tpu.wait_indirect_dma semaphore(%arg12 : memref<!tpu.dma_semaphore, #tpu.memory_space<semaphore_mem>>) src(%dma_wait3A_51 : memref<128xf32, #tpu.memory_space<vmem>>) dst(%dma_wait3A_56 : memref<10240xf32, #tpu.memory_space<vmem_shared>>)
    %dma_wait3A_57 = arith.constant 14 : i32
    %dma_wait3A_58 = arith.constant 74 : i32
    %dma_wait3A_59 = arith.constant 0 : i32
    %dma_wait3A_60 = tpu.memref_slice %arg8[%dma_wait3A_57, %dma_wait3A_59] : memref<20x128xf32, #tpu.memory_space<vmem>> -> memref<1x128xf32, #tpu.memory_space<vmem>>
    %dma_wait3A_61 = tpu.memref_squeeze %dma_wait3A_60 : memref<1x128xf32, #tpu.memory_space<vmem>> -> memref<128xf32, #tpu.memory_space<vmem>>
    %dma_wait3A_62 = arith.constant 0 : i32
    %dma_wait3A_63 = tpu.memref_slice %arg7[%dma_wait3A_58, %dma_wait3A_62] : memref<80x128xi32, #tpu.memory_space<vmem>> -> memref<1x128xi32, #tpu.memory_space<vmem>>
    %dma_wait3A_64 = tpu.memref_squeeze %dma_wait3A_63 : memref<1x128xi32, #tpu.memory_space<vmem>> -> memref<128xi32, #tpu.memory_space<vmem>>
    %dma_wait3A_65 = arith.constant 0 : i32
    %dma_wait3A_66 = tpu.memref_slice %arg10[%dma_wait3A_65] : memref<10240xf32, #tpu.memory_space<vmem_shared>> -> memref<10240xf32, #tpu.memory_space<vmem_shared>>
    tpu.wait_indirect_dma semaphore(%arg12 : memref<!tpu.dma_semaphore, #tpu.memory_space<semaphore_mem>>) src(%dma_wait3A_61 : memref<128xf32, #tpu.memory_space<vmem>>) dst(%dma_wait3A_66 : memref<10240xf32, #tpu.memory_space<vmem_shared>>)
    %dma_wait3A_67 = arith.constant 15 : i32
    %dma_wait3A_68 = arith.constant 75 : i32
    %dma_wait3A_69 = arith.constant 0 : i32
    %dma_wait3A_70 = tpu.memref_slice %arg8[%dma_wait3A_67, %dma_wait3A_69] : memref<20x128xf32, #tpu.memory_space<vmem>> -> memref<1x128xf32, #tpu.memory_space<vmem>>
    %dma_wait3A_71 = tpu.memref_squeeze %dma_wait3A_70 : memref<1x128xf32, #tpu.memory_space<vmem>> -> memref<128xf32, #tpu.memory_space<vmem>>
    %dma_wait3A_72 = arith.constant 0 : i32
    %dma_wait3A_73 = tpu.memref_slice %arg7[%dma_wait3A_68, %dma_wait3A_72] : memref<80x128xi32, #tpu.memory_space<vmem>> -> memref<1x128xi32, #tpu.memory_space<vmem>>
    %dma_wait3A_74 = tpu.memref_squeeze %dma_wait3A_73 : memref<1x128xi32, #tpu.memory_space<vmem>> -> memref<128xi32, #tpu.memory_space<vmem>>
    %dma_wait3A_75 = arith.constant 0 : i32
    %dma_wait3A_76 = tpu.memref_slice %arg10[%dma_wait3A_75] : memref<10240xf32, #tpu.memory_space<vmem_shared>> -> memref<10240xf32, #tpu.memory_space<vmem_shared>>
    tpu.wait_indirect_dma semaphore(%arg12 : memref<!tpu.dma_semaphore, #tpu.memory_space<semaphore_mem>>) src(%dma_wait3A_71 : memref<128xf32, #tpu.memory_space<vmem>>) dst(%dma_wait3A_76 : memref<10240xf32, #tpu.memory_space<vmem_shared>>)
    %dma_wait3A_77 = arith.constant 16 : i32
    %dma_wait3A_78 = arith.constant 76 : i32
    %dma_wait3A_79 = arith.constant 0 : i32
    %dma_wait3A_80 = tpu.memref_slice %arg8[%dma_wait3A_77, %dma_wait3A_79] : memref<20x128xf32, #tpu.memory_space<vmem>> -> memref<1x128xf32, #tpu.memory_space<vmem>>
    %dma_wait3A_81 = tpu.memref_squeeze %dma_wait3A_80 : memref<1x128xf32, #tpu.memory_space<vmem>> -> memref<128xf32, #tpu.memory_space<vmem>>
    %dma_wait3A_82 = arith.constant 0 : i32
    %dma_wait3A_83 = tpu.memref_slice %arg7[%dma_wait3A_78, %dma_wait3A_82] : memref<80x128xi32, #tpu.memory_space<vmem>> -> memref<1x128xi32, #tpu.memory_space<vmem>>
    %dma_wait3A_84 = tpu.memref_squeeze %dma_wait3A_83 : memref<1x128xi32, #tpu.memory_space<vmem>> -> memref<128xi32, #tpu.memory_space<vmem>>
    %dma_wait3A_85 = arith.constant 0 : i32
    %dma_wait3A_86 = tpu.memref_slice %arg10[%dma_wait3A_85] : memref<10240xf32, #tpu.memory_space<vmem_shared>> -> memref<10240xf32, #tpu.memory_space<vmem_shared>>
    tpu.wait_indirect_dma semaphore(%arg12 : memref<!tpu.dma_semaphore, #tpu.memory_space<semaphore_mem>>) src(%dma_wait3A_81 : memref<128xf32, #tpu.memory_space<vmem>>) dst(%dma_wait3A_86 : memref<10240xf32, #tpu.memory_space<vmem_shared>>)
    %dma_wait3A_87 = arith.constant 17 : i32
    %dma_wait3A_88 = arith.constant 77 : i32
    %dma_wait3A_89 = arith.constant 0 : i32
    %dma_wait3A_90 = tpu.memref_slice %arg8[%dma_wait3A_87, %dma_wait3A_89] : memref<20x128xf32, #tpu.memory_space<vmem>> -> memref<1x128xf32, #tpu.memory_space<vmem>>
    %dma_wait3A_91 = tpu.memref_squeeze %dma_wait3A_90 : memref<1x128xf32, #tpu.memory_space<vmem>> -> memref<128xf32, #tpu.memory_space<vmem>>
    %dma_wait3A_92 = arith.constant 0 : i32
    %dma_wait3A_93 = tpu.memref_slice %arg7[%dma_wait3A_88, %dma_wait3A_92] : memref<80x128xi32, #tpu.memory_space<vmem>> -> memref<1x128xi32, #tpu.memory_space<vmem>>
    %dma_wait3A_94 = tpu.memref_squeeze %dma_wait3A_93 : memref<1x128xi32, #tpu.memory_space<vmem>> -> memref<128xi32, #tpu.memory_space<vmem>>
    %dma_wait3A_95 = arith.constant 0 : i32
    %dma_wait3A_96 = tpu.memref_slice %arg10[%dma_wait3A_95] : memref<10240xf32, #tpu.memory_space<vmem_shared>> -> memref<10240xf32, #tpu.memory_space<vmem_shared>>
    tpu.wait_indirect_dma semaphore(%arg12 : memref<!tpu.dma_semaphore, #tpu.memory_space<semaphore_mem>>) src(%dma_wait3A_91 : memref<128xf32, #tpu.memory_space<vmem>>) dst(%dma_wait3A_96 : memref<10240xf32, #tpu.memory_space<vmem_shared>>)
    %dma_wait3A_97 = arith.constant 18 : i32
    %dma_wait3A_98 = arith.constant 78 : i32
    %dma_wait3A_99 = arith.constant 0 : i32
    %dma_wait3A_100 = tpu.memref_slice %arg8[%dma_wait3A_97, %dma_wait3A_99] : memref<20x128xf32, #tpu.memory_space<vmem>> -> memref<1x128xf32, #tpu.memory_space<vmem>>
    %dma_wait3A_101 = tpu.memref_squeeze %dma_wait3A_100 : memref<1x128xf32, #tpu.memory_space<vmem>> -> memref<128xf32, #tpu.memory_space<vmem>>
    %dma_wait3A_102 = arith.constant 0 : i32
    %dma_wait3A_103 = tpu.memref_slice %arg7[%dma_wait3A_98, %dma_wait3A_102] : memref<80x128xi32, #tpu.memory_space<vmem>> -> memref<1x128xi32, #tpu.memory_space<vmem>>
    %dma_wait3A_104 = tpu.memref_squeeze %dma_wait3A_103 : memref<1x128xi32, #tpu.memory_space<vmem>> -> memref<128xi32, #tpu.memory_space<vmem>>
    %dma_wait3A_105 = arith.constant 0 : i32
    %dma_wait3A_106 = tpu.memref_slice %arg10[%dma_wait3A_105] : memref<10240xf32, #tpu.memory_space<vmem_shared>> -> memref<10240xf32, #tpu.memory_space<vmem_shared>>
    tpu.wait_indirect_dma semaphore(%arg12 : memref<!tpu.dma_semaphore, #tpu.memory_space<semaphore_mem>>) src(%dma_wait3A_101 : memref<128xf32, #tpu.memory_space<vmem>>) dst(%dma_wait3A_106 : memref<10240xf32, #tpu.memory_space<vmem_shared>>)
    %dma_wait3A_107 = arith.constant 19 : i32
    %dma_wait3A_108 = arith.constant 79 : i32
    %dma_wait3A_109 = arith.constant 0 : i32
    %dma_wait3A_110 = tpu.memref_slice %arg8[%dma_wait3A_107, %dma_wait3A_109] : memref<20x128xf32, #tpu.memory_space<vmem>> -> memref<1x128xf32, #tpu.memory_space<vmem>>
    %dma_wait3A_111 = tpu.memref_squeeze %dma_wait3A_110 : memref<1x128xf32, #tpu.memory_space<vmem>> -> memref<128xf32, #tpu.memory_space<vmem>>
    %dma_wait3A_112 = arith.constant 0 : i32
    %dma_wait3A_113 = tpu.memref_slice %arg7[%dma_wait3A_108, %dma_wait3A_112] : memref<80x128xi32, #tpu.memory_space<vmem>> -> memref<1x128xi32, #tpu.memory_space<vmem>>
    %dma_wait3A_114 = tpu.memref_squeeze %dma_wait3A_113 : memref<1x128xi32, #tpu.memory_space<vmem>> -> memref<128xi32, #tpu.memory_space<vmem>>
    %dma_wait3A_115 = arith.constant 0 : i32
    %dma_wait3A_116 = tpu.memref_slice %arg10[%dma_wait3A_115] : memref<10240xf32, #tpu.memory_space<vmem_shared>> -> memref<10240xf32, #tpu.memory_space<vmem_shared>>
    tpu.wait_indirect_dma semaphore(%arg12 : memref<!tpu.dma_semaphore, #tpu.memory_space<semaphore_mem>>) src(%dma_wait3A_111 : memref<128xf32, #tpu.memory_space<vmem>>) dst(%dma_wait3A_116 : memref<10240xf32, #tpu.memory_space<vmem_shared>>)
    %barrier3A_117 = arith.constant 0 : index
    tpu.barrier barrier_id(%barrier3A_117)
    %mul3A_118 = arith.constant 640 : i32
    %mul3A_119 = arith.muli %arg1, %mul3A_118 : i32
    "tpu.region"() ({
      %run_scoped3A = tpu.sem_alloc : memref<!tpu.dma_semaphore, #tpu.memory_space<semaphore_mem>>
      %dma_start3A = tpu.memref_slice %arg5[%arg0, %mul3A_119] : memref<2x10240xf32, #tpu.memory_space<hbm>> -> memref<1x640xf32, #tpu.memory_space<hbm>>
      %dma_start3A_120 = tpu.memref_squeeze %dma_start3A : memref<1x640xf32, #tpu.memory_space<hbm>> -> memref<640xf32, #tpu.memory_space<hbm>>
      %dma_start3A_121 = tpu.memref_slice %arg10[%mul3A_119] : memref<10240xf32, #tpu.memory_space<vmem_shared>> -> memref<640xf32, #tpu.memory_space<vmem_shared>>
      tpu.enqueue_dma source(%dma_start3A_121 : memref<640xf32, #tpu.memory_space<vmem_shared>>) target(%dma_start3A_120 : memref<640xf32, #tpu.memory_space<hbm>>) target_semaphore(%run_scoped3A : memref<!tpu.dma_semaphore, #tpu.memory_space<semaphore_mem>>)
      %dma_wait3A_122 = tpu.memref_slice %arg5[%arg0, %mul3A_119] : memref<2x10240xf32, #tpu.memory_space<hbm>> -> memref<1x640xf32, #tpu.memory_space<hbm>>
      %dma_wait3A_123 = tpu.memref_squeeze %dma_wait3A_122 : memref<1x640xf32, #tpu.memory_space<hbm>> -> memref<640xf32, #tpu.memory_space<hbm>>
      %dma_wait3A_124 = tpu.memref_slice %arg10[%mul3A_119] : memref<10240xf32, #tpu.memory_space<vmem_shared>> -> memref<640xf32, #tpu.memory_space<vmem_shared>>
      tpu.wait_dma2 semaphore(%run_scoped3A : memref<!tpu.dma_semaphore, #tpu.memory_space<semaphore_mem>>) src(%dma_wait3A_124 : memref<640xf32, #tpu.memory_space<vmem_shared>>) dst(%dma_wait3A_123 : memref<640xf32, #tpu.memory_space<hbm>>)
      tpu.yield
    }) : () -> ()
    return
  }
}

#map = affine_map<(d0, d1) -> (0, 0)>
#map1 = affine_map<(d0, d1) -> (0, 0, 0)>
module attributes {stable_mosaic.version = 14 : i64} {
  func.func @_sc_row_agg_body(%arg0: i32, %arg1: i32, %arg2: memref<10000x128xf32, #tpu.memory_space<hbm>>, %arg3: memref<2560x128xi32, #tpu.memory_space<hbm>>, %arg4: memref<2560x128xi32, #tpu.memory_space<hbm>>, %arg5: memref<2x10240x128xf32, #tpu.memory_space<hbm>>, %arg6: memref<16x128xi32, #tpu.memory_space<vmem>>, %arg7: memref<80x128xi32, #tpu.memory_space<vmem>>, %arg8: memref<128x128xf32, #tpu.memory_space<vmem>>, %arg9: memref<128x128xf32, #tpu.memory_space<vmem>>, %arg10: memref<10240x128xf32, #tpu.memory_space<vmem_shared>>, %arg11: memref<!tpu.dma_semaphore, #tpu.memory_space<semaphore_mem>>, %arg12: memref<!tpu.dma_semaphore, #tpu.memory_space<semaphore_mem>>) attributes {dimension_semantics = [#tpu.dimension_semantics<core_parallel>, #tpu.dimension_semantics<subcore_parallel>], iteration_bounds = array<i64: 2, 16>, scalar_prefetch = 0 : i64, scratch_operands = 7 : i64, tpu.core_type = #tpu.core_type<sc_vector_subcore>, window_params = [{transform_indices = #map}, {transform_indices = #map}, {transform_indices = #map}, {transform_indices = #map1}]} {
    %mul3A = arith.constant 16 : i32
    %mul3A_0 = arith.muli %arg0, %mul3A : i32
    %add3A = arith.addi %mul3A_0, %arg1 : i32
    %scan3A = arith.constant 0 : i32
    %scan3A_1 = arith.constant 0 : i32
    %scan3A_2 = arith.constant 128 : i32
    %scan3A_3 = arith.addi %scan3A_1, %scan3A_2 : i32
    %scan3A_4 = arith.constant 1 : i32
    %scan3A_5 = scf.for %scan3A_107 = %scan3A_1 to %scan3A_3 step %scan3A_4 iter_args(%scan3A_108 = %scan3A) -> (i32)  : i32 {
      %broadcast_in_dim3A = arith.constant 0.000000e+00 : f32
      %broadcast_in_dim3A_109 = vector.broadcast %broadcast_in_dim3A : f32 to vector<16xf32>
      %swap3A = arith.index_cast %scan3A_107 : i32 to index
      %swap3A_110 = arith.constant 0 : index
      %swap3A_111 = tpu.vector_load %arg8[%swap3A, %swap3A_110] {strides = array<i32>} : memref<128x128xf32, #tpu.memory_space<vmem>>, vector<1x16xf32>,
      %swap3A_112 = vector.shape_cast %swap3A_111 : vector<1x16xf32> to vector<16xf32>
      %swap3A_113 = vector.shape_cast %broadcast_in_dim3A_109 : vector<16xf32> to vector<1x16xf32>
      tpu.vector_store %arg8[%swap3A, %swap3A_110], %swap3A_113 {strides = array<i32>} : memref<128x128xf32, #tpu.memory_space<vmem>>, vector<1x16xf32>,
      %broadcast_in_dim3A_114 = arith.constant 0.000000e+00 : f32
      %broadcast_in_dim3A_115 = vector.broadcast %broadcast_in_dim3A_114 : f32 to vector<16xf32>
      %swap3A_116 = arith.index_cast %scan3A_107 : i32 to index
      %swap3A_117 = arith.constant 16 : index
      %swap3A_118 = tpu.vector_load %arg8[%swap3A_116, %swap3A_117] {strides = array<i32>} : memref<128x128xf32, #tpu.memory_space<vmem>>, vector<1x16xf32>,
      %swap3A_119 = vector.shape_cast %swap3A_118 : vector<1x16xf32> to vector<16xf32>
      %swap3A_120 = vector.shape_cast %broadcast_in_dim3A_115 : vector<16xf32> to vector<1x16xf32>
      tpu.vector_store %arg8[%swap3A_116, %swap3A_117], %swap3A_120 {strides = array<i32>} : memref<128x128xf32, #tpu.memory_space<vmem>>, vector<1x16xf32>,
      %broadcast_in_dim3A_121 = arith.constant 0.000000e+00 : f32
      %broadcast_in_dim3A_122 = vector.broadcast %broadcast_in_dim3A_121 : f32 to vector<16xf32>
      %swap3A_123 = arith.index_cast %scan3A_107 : i32 to index
      %swap3A_124 = arith.constant 32 : index
      %swap3A_125 = tpu.vector_load %arg8[%swap3A_123, %swap3A_124] {strides = array<i32>} : memref<128x128xf32, #tpu.memory_space<vmem>>, vector<1x16xf32>,
      %swap3A_126 = vector.shape_cast %swap3A_125 : vector<1x16xf32> to vector<16xf32>
      %swap3A_127 = vector.shape_cast %broadcast_in_dim3A_122 : vector<16xf32> to vector<1x16xf32>
      tpu.vector_store %arg8[%swap3A_123, %swap3A_124], %swap3A_127 {strides = array<i32>} : memref<128x128xf32, #tpu.memory_space<vmem>>, vector<1x16xf32>,
      %broadcast_in_dim3A_128 = arith.constant 0.000000e+00 : f32
      %broadcast_in_dim3A_129 = vector.broadcast %broadcast_in_dim3A_128 : f32 to vector<16xf32>
      %swap3A_130 = arith.index_cast %scan3A_107 : i32 to index
      %swap3A_131 = arith.constant 48 : index
      %swap3A_132 = tpu.vector_load %arg8[%swap3A_130, %swap3A_131] {strides = array<i32>} : memref<128x128xf32, #tpu.memory_space<vmem>>, vector<1x16xf32>,
      %swap3A_133 = vector.shape_cast %swap3A_132 : vector<1x16xf32> to vector<16xf32>
      %swap3A_134 = vector.shape_cast %broadcast_in_dim3A_129 : vector<16xf32> to vector<1x16xf32>
      tpu.vector_store %arg8[%swap3A_130, %swap3A_131], %swap3A_134 {strides = array<i32>} : memref<128x128xf32, #tpu.memory_space<vmem>>, vector<1x16xf32>,
      %broadcast_in_dim3A_135 = arith.constant 0.000000e+00 : f32
      %broadcast_in_dim3A_136 = vector.broadcast %broadcast_in_dim3A_135 : f32 to vector<16xf32>
      %swap3A_137 = arith.index_cast %scan3A_107 : i32 to index
      %swap3A_138 = arith.constant 64 : index
      %swap3A_139 = tpu.vector_load %arg8[%swap3A_137, %swap3A_138] {strides = array<i32>} : memref<128x128xf32, #tpu.memory_space<vmem>>, vector<1x16xf32>,
      %swap3A_140 = vector.shape_cast %swap3A_139 : vector<1x16xf32> to vector<16xf32>
      %swap3A_141 = vector.shape_cast %broadcast_in_dim3A_136 : vector<16xf32> to vector<1x16xf32>
      tpu.vector_store %arg8[%swap3A_137, %swap3A_138], %swap3A_141 {strides = array<i32>} : memref<128x128xf32, #tpu.memory_space<vmem>>, vector<1x16xf32>,
      %broadcast_in_dim3A_142 = arith.constant 0.000000e+00 : f32
      %broadcast_in_dim3A_143 = vector.broadcast %broadcast_in_dim3A_142 : f32 to vector<16xf32>
      %swap3A_144 = arith.index_cast %scan3A_107 : i32 to index
      %swap3A_145 = arith.constant 80 : index
      %swap3A_146 = tpu.vector_load %arg8[%swap3A_144, %swap3A_145] {strides = array<i32>} : memref<128x128xf32, #tpu.memory_space<vmem>>, vector<1x16xf32>,
      %swap3A_147 = vector.shape_cast %swap3A_146 : vector<1x16xf32> to vector<16xf32>
      %swap3A_148 = vector.shape_cast %broadcast_in_dim3A_143 : vector<16xf32> to vector<1x16xf32>
      tpu.vector_store %arg8[%swap3A_144, %swap3A_145], %swap3A_148 {strides = array<i32>} : memref<128x128xf32, #tpu.memory_space<vmem>>, vector<1x16xf32>,
      %broadcast_in_dim3A_149 = arith.constant 0.000000e+00 : f32
      %broadcast_in_dim3A_150 = vector.broadcast %broadcast_in_dim3A_149 : f32 to vector<16xf32>
      %swap3A_151 = arith.index_cast %scan3A_107 : i32 to index
      %swap3A_152 = arith.constant 96 : index
      %swap3A_153 = tpu.vector_load %arg8[%swap3A_151, %swap3A_152] {strides = array<i32>} : memref<128x128xf32, #tpu.memory_space<vmem>>, vector<1x16xf32>,
      %swap3A_154 = vector.shape_cast %swap3A_153 : vector<1x16xf32> to vector<16xf32>
      %swap3A_155 = vector.shape_cast %broadcast_in_dim3A_150 : vector<16xf32> to vector<1x16xf32>
      tpu.vector_store %arg8[%swap3A_151, %swap3A_152], %swap3A_155 {strides = array<i32>} : memref<128x128xf32, #tpu.memory_space<vmem>>, vector<1x16xf32>,
      %broadcast_in_dim3A_156 = arith.constant 0.000000e+00 : f32
      %broadcast_in_dim3A_157 = vector.broadcast %broadcast_in_dim3A_156 : f32 to vector<16xf32>
      %swap3A_158 = arith.index_cast %scan3A_107 : i32 to index
      %swap3A_159 = arith.constant 112 : index
      %swap3A_160 = tpu.vector_load %arg8[%swap3A_158, %swap3A_159] {strides = array<i32>} : memref<128x128xf32, #tpu.memory_space<vmem>>, vector<1x16xf32>,
      %swap3A_161 = vector.shape_cast %swap3A_160 : vector<1x16xf32> to vector<16xf32>
      %swap3A_162 = vector.shape_cast %broadcast_in_dim3A_157 : vector<16xf32> to vector<1x16xf32>
      tpu.vector_store %arg8[%swap3A_158, %swap3A_159], %swap3A_162 {strides = array<i32>} : memref<128x128xf32, #tpu.memory_space<vmem>>, vector<1x16xf32>,
      %scan3A_163 = arith.constant 0 : i32
      scf.yield %scan3A_163 : i32
    }
    %scan3A_6 = arith.constant 128 : i32
    %mul3A_7 = arith.constant 640 : i32
    %mul3A_8 = arith.muli %arg1, %mul3A_7 : i32
    %add3A_9 = arith.constant 0 : i32
    %add3A_10 = arith.addi %mul3A_8, %add3A_9 : i32
    "tpu.region"() ({
      %run_scoped3A = tpu.sem_alloc : memref<!tpu.dma_semaphore, #tpu.memory_space<semaphore_mem>>
      %dma_start3A_107 = arith.constant 0 : i32
      %dma_start3A_108 = tpu.memref_slice %arg10[%add3A_10, %dma_start3A_107] : memref<10240x128xf32, #tpu.memory_space<vmem_shared>> -> memref<128x128xf32, #tpu.memory_space<vmem_shared>>
      %dma_start3A_109 = arith.constant 0 : i32
      %dma_start3A_110 = tpu.memref_slice %arg10[%add3A_10, %dma_start3A_109] : memref<10240x128xf32, #tpu.memory_space<vmem_shared>> -> memref<128x128xf32, #tpu.memory_space<vmem_shared>>
      tpu.enqueue_dma source(%arg8 : memref<128x128xf32, #tpu.memory_space<vmem>>) target(%dma_start3A_110 : memref<128x128xf32, #tpu.memory_space<vmem_shared>>) target_semaphore(%run_scoped3A : memref<!tpu.dma_semaphore, #tpu.memory_space<semaphore_mem>>)
      %dma_wait3A_111 = arith.constant 0 : i32
      %dma_wait3A_112 = tpu.memref_slice %arg10[%add3A_10, %dma_wait3A_111] : memref<10240x128xf32, #tpu.memory_space<vmem_shared>> -> memref<128x128xf32, #tpu.memory_space<vmem_shared>>
      %dma_wait3A_113 = arith.constant 0 : i32
      %dma_wait3A_114 = tpu.memref_slice %arg10[%add3A_10, %dma_wait3A_113] : memref<10240x128xf32, #tpu.memory_space<vmem_shared>> -> memref<128x128xf32, #tpu.memory_space<vmem_shared>>
      tpu.wait_dma2 semaphore(%run_scoped3A : memref<!tpu.dma_semaphore, #tpu.memory_space<semaphore_mem>>) src(%arg8 : memref<128x128xf32, #tpu.memory_space<vmem>>) dst(%dma_wait3A_114 : memref<128x128xf32, #tpu.memory_space<vmem_shared>>)
      tpu.yield
    }) : () -> ()
    %add3A_11 = arith.constant 128 : i32
    %add3A_12 = arith.addi %mul3A_8, %add3A_11 : i32
    "tpu.region"() ({
      %run_scoped3A = tpu.sem_alloc : memref<!tpu.dma_semaphore, #tpu.memory_space<semaphore_mem>>
      %dma_start3A_107 = arith.constant 0 : i32
      %dma_start3A_108 = tpu.memref_slice %arg10[%add3A_12, %dma_start3A_107] : memref<10240x128xf32, #tpu.memory_space<vmem_shared>> -> memref<128x128xf32, #tpu.memory_space<vmem_shared>>
      %dma_start3A_109 = arith.constant 0 : i32
      %dma_start3A_110 = tpu.memref_slice %arg10[%add3A_12, %dma_start3A_109] : memref<10240x128xf32, #tpu.memory_space<vmem_shared>> -> memref<128x128xf32, #tpu.memory_space<vmem_shared>>
      tpu.enqueue_dma source(%arg8 : memref<128x128xf32, #tpu.memory_space<vmem>>) target(%dma_start3A_110 : memref<128x128xf32, #tpu.memory_space<vmem_shared>>) target_semaphore(%run_scoped3A : memref<!tpu.dma_semaphore, #tpu.memory_space<semaphore_mem>>)
      %dma_wait3A_111 = arith.constant 0 : i32
      %dma_wait3A_112 = tpu.memref_slice %arg10[%add3A_12, %dma_wait3A_111] : memref<10240x128xf32, #tpu.memory_space<vmem_shared>> -> memref<128x128xf32, #tpu.memory_space<vmem_shared>>
      %dma_wait3A_113 = arith.constant 0 : i32
      %dma_wait3A_114 = tpu.memref_slice %arg10[%add3A_12, %dma_wait3A_113] : memref<10240x128xf32, #tpu.memory_space<vmem_shared>> -> memref<128x128xf32, #tpu.memory_space<vmem_shared>>
      tpu.wait_dma2 semaphore(%run_scoped3A : memref<!tpu.dma_semaphore, #tpu.memory_space<semaphore_mem>>) src(%arg8 : memref<128x128xf32, #tpu.memory_space<vmem>>) dst(%dma_wait3A_114 : memref<128x128xf32, #tpu.memory_space<vmem_shared>>)
      tpu.yield
    }) : () -> ()
    %add3A_13 = arith.constant 256 : i32
    %add3A_14 = arith.addi %mul3A_8, %add3A_13 : i32
    "tpu.region"() ({
      %run_scoped3A = tpu.sem_alloc : memref<!tpu.dma_semaphore, #tpu.memory_space<semaphore_mem>>
      %dma_start3A_107 = arith.constant 0 : i32
      %dma_start3A_108 = tpu.memref_slice %arg10[%add3A_14, %dma_start3A_107] : memref<10240x128xf32, #tpu.memory_space<vmem_shared>> -> memref<128x128xf32, #tpu.memory_space<vmem_shared>>
      %dma_start3A_109 = arith.constant 0 : i32
      %dma_start3A_110 = tpu.memref_slice %arg10[%add3A_14, %dma_start3A_109] : memref<10240x128xf32, #tpu.memory_space<vmem_shared>> -> memref<128x128xf32, #tpu.memory_space<vmem_shared>>
      tpu.enqueue_dma source(%arg8 : memref<128x128xf32, #tpu.memory_space<vmem>>) target(%dma_start3A_110 : memref<128x128xf32, #tpu.memory_space<vmem_shared>>) target_semaphore(%run_scoped3A : memref<!tpu.dma_semaphore, #tpu.memory_space<semaphore_mem>>)
      %dma_wait3A_111 = arith.constant 0 : i32
      %dma_wait3A_112 = tpu.memref_slice %arg10[%add3A_14, %dma_wait3A_111] : memref<10240x128xf32, #tpu.memory_space<vmem_shared>> -> memref<128x128xf32, #tpu.memory_space<vmem_shared>>
      %dma_wait3A_113 = arith.constant 0 : i32
      %dma_wait3A_114 = tpu.memref_slice %arg10[%add3A_14, %dma_wait3A_113] : memref<10240x128xf32, #tpu.memory_space<vmem_shared>> -> memref<128x128xf32, #tpu.memory_space<vmem_shared>>
      tpu.wait_dma2 semaphore(%run_scoped3A : memref<!tpu.dma_semaphore, #tpu.memory_space<semaphore_mem>>) src(%arg8 : memref<128x128xf32, #tpu.memory_space<vmem>>) dst(%dma_wait3A_114 : memref<128x128xf32, #tpu.memory_space<vmem_shared>>)
      tpu.yield
    }) : () -> ()
    %add3A_15 = arith.constant 384 : i32
    %add3A_16 = arith.addi %mul3A_8, %add3A_15 : i32
    "tpu.region"() ({
      %run_scoped3A = tpu.sem_alloc : memref<!tpu.dma_semaphore, #tpu.memory_space<semaphore_mem>>
      %dma_start3A_107 = arith.constant 0 : i32
      %dma_start3A_108 = tpu.memref_slice %arg10[%add3A_16, %dma_start3A_107] : memref<10240x128xf32, #tpu.memory_space<vmem_shared>> -> memref<128x128xf32, #tpu.memory_space<vmem_shared>>
      %dma_start3A_109 = arith.constant 0 : i32
      %dma_start3A_110 = tpu.memref_slice %arg10[%add3A_16, %dma_start3A_109] : memref<10240x128xf32, #tpu.memory_space<vmem_shared>> -> memref<128x128xf32, #tpu.memory_space<vmem_shared>>
      tpu.enqueue_dma source(%arg8 : memref<128x128xf32, #tpu.memory_space<vmem>>) target(%dma_start3A_110 : memref<128x128xf32, #tpu.memory_space<vmem_shared>>) target_semaphore(%run_scoped3A : memref<!tpu.dma_semaphore, #tpu.memory_space<semaphore_mem>>)
      %dma_wait3A_111 = arith.constant 0 : i32
      %dma_wait3A_112 = tpu.memref_slice %arg10[%add3A_16, %dma_wait3A_111] : memref<10240x128xf32, #tpu.memory_space<vmem_shared>> -> memref<128x128xf32, #tpu.memory_space<vmem_shared>>
      %dma_wait3A_113 = arith.constant 0 : i32
      %dma_wait3A_114 = tpu.memref_slice %arg10[%add3A_16, %dma_wait3A_113] : memref<10240x128xf32, #tpu.memory_space<vmem_shared>> -> memref<128x128xf32, #tpu.memory_space<vmem_shared>>
      tpu.wait_dma2 semaphore(%run_scoped3A : memref<!tpu.dma_semaphore, #tpu.memory_space<semaphore_mem>>) src(%arg8 : memref<128x128xf32, #tpu.memory_space<vmem>>) dst(%dma_wait3A_114 : memref<128x128xf32, #tpu.memory_space<vmem_shared>>)
      tpu.yield
    }) : () -> ()
    %add3A_17 = arith.constant 512 : i32
    %add3A_18 = arith.addi %mul3A_8, %add3A_17 : i32
    "tpu.region"() ({
      %run_scoped3A = tpu.sem_alloc : memref<!tpu.dma_semaphore, #tpu.memory_space<semaphore_mem>>
      %dma_start3A_107 = arith.constant 0 : i32
      %dma_start3A_108 = tpu.memref_slice %arg10[%add3A_18, %dma_start3A_107] : memref<10240x128xf32, #tpu.memory_space<vmem_shared>> -> memref<128x128xf32, #tpu.memory_space<vmem_shared>>
      %dma_start3A_109 = arith.constant 0 : i32
      %dma_start3A_110 = tpu.memref_slice %arg10[%add3A_18, %dma_start3A_109] : memref<10240x128xf32, #tpu.memory_space<vmem_shared>> -> memref<128x128xf32, #tpu.memory_space<vmem_shared>>
      tpu.enqueue_dma source(%arg8 : memref<128x128xf32, #tpu.memory_space<vmem>>) target(%dma_start3A_110 : memref<128x128xf32, #tpu.memory_space<vmem_shared>>) target_semaphore(%run_scoped3A : memref<!tpu.dma_semaphore, #tpu.memory_space<semaphore_mem>>)
      %dma_wait3A_111 = arith.constant 0 : i32
      %dma_wait3A_112 = tpu.memref_slice %arg10[%add3A_18, %dma_wait3A_111] : memref<10240x128xf32, #tpu.memory_space<vmem_shared>> -> memref<128x128xf32, #tpu.memory_space<vmem_shared>>
      %dma_wait3A_113 = arith.constant 0 : i32
      %dma_wait3A_114 = tpu.memref_slice %arg10[%add3A_18, %dma_wait3A_113] : memref<10240x128xf32, #tpu.memory_space<vmem_shared>> -> memref<128x128xf32, #tpu.memory_space<vmem_shared>>
      tpu.wait_dma2 semaphore(%run_scoped3A : memref<!tpu.dma_semaphore, #tpu.memory_space<semaphore_mem>>) src(%arg8 : memref<128x128xf32, #tpu.memory_space<vmem>>) dst(%dma_wait3A_114 : memref<128x128xf32, #tpu.memory_space<vmem_shared>>)
      tpu.yield
    }) : () -> ()
    %barrier3A = arith.constant 0 : index
    tpu.barrier barrier_id(%barrier3A)
    %mul3A_19 = arith.constant 80 : i32
    %mul3A_20 = arith.muli %add3A, %mul3A_19 : i32
    "tpu.region"() ({
      %run_scoped3A = tpu.sem_alloc : memref<!tpu.dma_semaphore, #tpu.memory_space<semaphore_mem>>
      %dma_start3A_107 = arith.constant 0 : i32
      %dma_start3A_108 = tpu.memref_slice %arg4[%mul3A_20, %dma_start3A_107] : memref<2560x128xi32, #tpu.memory_space<hbm>> -> memref<80x128xi32, #tpu.memory_space<hbm>>
      %dma_start3A_109 = arith.constant 0 : i32
      %dma_start3A_110 = tpu.memref_slice %arg4[%mul3A_20, %dma_start3A_109] : memref<2560x128xi32, #tpu.memory_space<hbm>> -> memref<80x128xi32, #tpu.memory_space<hbm>>
      tpu.enqueue_dma source(%dma_start3A_110 : memref<80x128xi32, #tpu.memory_space<hbm>>) target(%arg7 : memref<80x128xi32, #tpu.memory_space<vmem>>) target_semaphore(%run_scoped3A : memref<!tpu.dma_semaphore, #tpu.memory_space<semaphore_mem>>)
      %dma_wait3A_111 = arith.constant 0 : i32
      %dma_wait3A_112 = tpu.memref_slice %arg4[%mul3A_20, %dma_wait3A_111] : memref<2560x128xi32, #tpu.memory_space<hbm>> -> memref<80x128xi32, #tpu.memory_space<hbm>>
      %dma_wait3A_113 = arith.constant 0 : i32
      %dma_wait3A_114 = tpu.memref_slice %arg4[%mul3A_20, %dma_wait3A_113] : memref<2560x128xi32, #tpu.memory_space<hbm>> -> memref<80x128xi32, #tpu.memory_space<hbm>>
      tpu.wait_dma2 semaphore(%run_scoped3A : memref<!tpu.dma_semaphore, #tpu.memory_space<semaphore_mem>>) src(%dma_wait3A_114 : memref<80x128xi32, #tpu.memory_space<hbm>>) dst(%arg7 : memref<80x128xi32, #tpu.memory_space<vmem>>)
      tpu.yield
    }) : () -> ()
    %add3A_21 = arith.constant 0 : i32
    %add3A_22 = arith.addi %mul3A_20, %add3A_21 : i32
    "tpu.region"() ({
      %run_scoped3A = tpu.sem_alloc : memref<!tpu.dma_semaphore, #tpu.memory_space<semaphore_mem>>
      %dma_start3A_107 = arith.constant 0 : i32
      %dma_start3A_108 = tpu.memref_slice %arg3[%add3A_22, %dma_start3A_107] : memref<2560x128xi32, #tpu.memory_space<hbm>> -> memref<16x128xi32, #tpu.memory_space<hbm>>
      %dma_start3A_109 = arith.constant 0 : i32
      %dma_start3A_110 = tpu.memref_slice %arg3[%add3A_22, %dma_start3A_109] : memref<2560x128xi32, #tpu.memory_space<hbm>> -> memref<16x128xi32, #tpu.memory_space<hbm>>
      tpu.enqueue_dma source(%dma_start3A_110 : memref<16x128xi32, #tpu.memory_space<hbm>>) target(%arg6 : memref<16x128xi32, #tpu.memory_space<vmem>>) target_semaphore(%run_scoped3A : memref<!tpu.dma_semaphore, #tpu.memory_space<semaphore_mem>>)
      %dma_wait3A_111 = arith.constant 0 : i32
      %dma_wait3A_112 = tpu.memref_slice %arg3[%add3A_22, %dma_wait3A_111] : memref<2560x128xi32, #tpu.memory_space<hbm>> -> memref<16x128xi32, #tpu.memory_space<hbm>>
      %dma_wait3A_113 = arith.constant 0 : i32
      %dma_wait3A_114 = tpu.memref_slice %arg3[%add3A_22, %dma_wait3A_113] : memref<2560x128xi32, #tpu.memory_space<hbm>> -> memref<16x128xi32, #tpu.memory_space<hbm>>
      tpu.wait_dma2 semaphore(%run_scoped3A : memref<!tpu.dma_semaphore, #tpu.memory_space<semaphore_mem>>) src(%dma_wait3A_114 : memref<16x128xi32, #tpu.memory_space<hbm>>) dst(%arg6 : memref<16x128xi32, #tpu.memory_space<vmem>>)
      tpu.yield
    }) : () -> ()
    %dma_start3A = arith.constant 0 : i32
    %dma_start3A_23 = arith.constant 0 : i32
    %dma_start3A_24 = tpu.memref_slice %arg6[%dma_start3A, %dma_start3A_23] : memref<16x128xi32, #tpu.memory_space<vmem>> -> memref<1x128xi32, #tpu.memory_space<vmem>>
    %dma_start3A_25 = tpu.memref_squeeze %dma_start3A_24 : memref<1x128xi32, #tpu.memory_space<vmem>> -> memref<128xi32, #tpu.memory_space<vmem>>
    %dma_start3A_26 = arith.constant 0 : i32
    %dma_start3A_27 = arith.constant 0 : i32
    %dma_start3A_28 = tpu.memref_slice %arg2[%dma_start3A_26, %dma_start3A_27] : memref<10000x128xf32, #tpu.memory_space<hbm>> -> memref<10000x128xf32, #tpu.memory_space<hbm>>
    tpu.enqueue_indirect_dma source(%dma_start3A_28 : memref<10000x128xf32, #tpu.memory_space<hbm>>) target(%arg8 : memref<128x128xf32, #tpu.memory_space<vmem>>) offsets(%dma_start3A_25 : memref<128xi32, #tpu.memory_space<vmem>>) semaphore(%arg11 : memref<!tpu.dma_semaphore, #tpu.memory_space<semaphore_mem>>)
    %scan3A_29 = arith.constant 0 : i32
    %scan3A_30 = arith.constant 0 : i32
    %scan3A_31 = arith.constant 8 : i32
    %scan3A_32 = arith.addi %scan3A_30, %scan3A_31 : i32
    %scan3A_33 = arith.constant 1 : i32
    %scan3A_34 = scf.for %scan3A_107 = %scan3A_30 to %scan3A_32 step %scan3A_33 iter_args(%scan3A_108 = %scan3A_29) -> (i32)  : i32 {
      %mul3A_109 = arith.constant 2 : i32
      %mul3A_110 = arith.muli %mul3A_109, %scan3A_107 : i32
      %add3A_111 = arith.constant 0 : i32
      %add3A_112 = arith.addi %add3A_111, %mul3A_110 : i32
      %dma_wait3A_113 = arith.constant 0 : i32
      %dma_wait3A_114 = tpu.memref_slice %arg6[%mul3A_110, %dma_wait3A_113] : memref<16x128xi32, #tpu.memory_space<vmem>> -> memref<1x128xi32, #tpu.memory_space<vmem>>
      %dma_wait3A_115 = tpu.memref_squeeze %dma_wait3A_114 : memref<1x128xi32, #tpu.memory_space<vmem>> -> memref<128xi32, #tpu.memory_space<vmem>>
      %dma_wait3A_116 = arith.constant 0 : i32
      %dma_wait3A_117 = arith.constant 0 : i32
      %dma_wait3A_118 = tpu.memref_slice %arg2[%dma_wait3A_116, %dma_wait3A_117] : memref<10000x128xf32, #tpu.memory_space<hbm>> -> memref<10000x128xf32, #tpu.memory_space<hbm>>
      tpu.wait_indirect_dma semaphore(%arg11 : memref<!tpu.dma_semaphore, #tpu.memory_space<semaphore_mem>>) src(%dma_wait3A_118 : memref<10000x128xf32, #tpu.memory_space<hbm>>) dst(%arg8 : memref<128x128xf32, #tpu.memory_space<vmem>>)
      %gt3A = arith.constant 0 : i32
      %gt3A_119 = arith.cmpi sgt, %add3A_112, %gt3A : i32
      %convert_element_type3A = arith.extui %gt3A_119 : i1 to i32
      %cond3A = arith.constant 0 : i32
      %cond3A_120 = arith.cmpi ne, %convert_element_type3A, %cond3A : i32
      scf.if %cond3A_120 {
        %sub3A = arith.constant 1 : i32
        %sub3A_162 = arith.subi %add3A_112, %sub3A : i32
        %dma_wait3A_163 = arith.constant 0 : i32
        %dma_wait3A_164 = tpu.memref_slice %arg7[%sub3A_162, %dma_wait3A_163] : memref<80x128xi32, #tpu.memory_space<vmem>> -> memref<1x128xi32, #tpu.memory_space<vmem>>
        %dma_wait3A_165 = tpu.memref_squeeze %dma_wait3A_164 : memref<1x128xi32, #tpu.memory_space<vmem>> -> memref<128xi32, #tpu.memory_space<vmem>>
        %dma_wait3A_166 = arith.constant 0 : i32
        %dma_wait3A_167 = arith.constant 0 : i32
        %dma_wait3A_168 = tpu.memref_slice %arg10[%dma_wait3A_166, %dma_wait3A_167] : memref<10240x128xf32, #tpu.memory_space<vmem_shared>> -> memref<10240x128xf32, #tpu.memory_space<vmem_shared>>
        tpu.wait_indirect_dma semaphore(%arg12 : memref<!tpu.dma_semaphore, #tpu.memory_space<semaphore_mem>>) src(%arg9 : memref<128x128xf32, #tpu.memory_space<vmem>>) dst(%dma_wait3A_168 : memref<10240x128xf32, #tpu.memory_space<vmem_shared>>)
      } else {
      }
      %add3A_121 = arith.constant 1 : i32
      %add3A_122 = arith.addi %mul3A_110, %add3A_121 : i32
      %dma_start3A_123 = arith.constant 0 : i32
      %dma_start3A_124 = tpu.memref_slice %arg6[%add3A_122, %dma_start3A_123] : memref<16x128xi32, #tpu.memory_space<vmem>> -> memref<1x128xi32, #tpu.memory_space<vmem>>
      %dma_start3A_125 = tpu.memref_squeeze %dma_start3A_124 : memref<1x128xi32, #tpu.memory_space<vmem>> -> memref<128xi32, #tpu.memory_space<vmem>>
      %dma_start3A_126 = arith.constant 0 : i32
      %dma_start3A_127 = arith.constant 0 : i32
      %dma_start3A_128 = tpu.memref_slice %arg2[%dma_start3A_126, %dma_start3A_127] : memref<10000x128xf32, #tpu.memory_space<hbm>> -> memref<10000x128xf32, #tpu.memory_space<hbm>>
      tpu.enqueue_indirect_dma source(%dma_start3A_128 : memref<10000x128xf32, #tpu.memory_space<hbm>>) target(%arg9 : memref<128x128xf32, #tpu.memory_space<vmem>>) offsets(%dma_start3A_125 : memref<128xi32, #tpu.memory_space<vmem>>) semaphore(%arg11 : memref<!tpu.dma_semaphore, #tpu.memory_space<semaphore_mem>>)
      %dma_start3A_129 = arith.constant 0 : i32
      %dma_start3A_130 = tpu.memref_slice %arg7[%add3A_112, %dma_start3A_129] : memref<80x128xi32, #tpu.memory_space<vmem>> -> memref<1x128xi32, #tpu.memory_space<vmem>>
      %dma_start3A_131 = tpu.memref_squeeze %dma_start3A_130 : memref<1x128xi32, #tpu.memory_space<vmem>> -> memref<128xi32, #tpu.memory_space<vmem>>
      %dma_start3A_132 = arith.constant 0 : i32
      %dma_start3A_133 = arith.constant 0 : i32
      %dma_start3A_134 = tpu.memref_slice %arg10[%dma_start3A_132, %dma_start3A_133] : memref<10240x128xf32, #tpu.memory_space<vmem_shared>> -> memref<10240x128xf32, #tpu.memory_space<vmem_shared>>
      tpu.enqueue_indirect_dma source(%arg8 : memref<128x128xf32, #tpu.memory_space<vmem>>) target(%dma_start3A_134 : memref<10240x128xf32, #tpu.memory_space<vmem_shared>>) offsets(%dma_start3A_131 : memref<128xi32, #tpu.memory_space<vmem>>) semaphore(%arg12 : memref<!tpu.dma_semaphore, #tpu.memory_space<semaphore_mem>>) {add = true}
      %add3A_135 = arith.constant 1 : i32
      %add3A_136 = arith.addi %mul3A_110, %add3A_135 : i32
      %dma_wait3A_137 = arith.constant 0 : i32
      %dma_wait3A_138 = tpu.memref_slice %arg6[%add3A_136, %dma_wait3A_137] : memref<16x128xi32, #tpu.memory_space<vmem>> -> memref<1x128xi32, #tpu.memory_space<vmem>>
      %dma_wait3A_139 = tpu.memref_squeeze %dma_wait3A_138 : memref<1x128xi32, #tpu.memory_space<vmem>> -> memref<128xi32, #tpu.memory_space<vmem>>
      %dma_wait3A_140 = arith.constant 0 : i32
      %dma_wait3A_141 = arith.constant 0 : i32
      %dma_wait3A_142 = tpu.memref_slice %arg2[%dma_wait3A_140, %dma_wait3A_141] : memref<10000x128xf32, #tpu.memory_space<hbm>> -> memref<10000x128xf32, #tpu.memory_space<hbm>>
      tpu.wait_indirect_dma semaphore(%arg11 : memref<!tpu.dma_semaphore, #tpu.memory_space<semaphore_mem>>) src(%dma_wait3A_142 : memref<10000x128xf32, #tpu.memory_space<hbm>>) dst(%arg9 : memref<128x128xf32, #tpu.memory_space<vmem>>)
      %add3A_143 = arith.constant 1 : i32
      %add3A_144 = arith.addi %add3A_112, %add3A_143 : i32
      %dma_start3A_145 = arith.constant 0 : i32
      %dma_start3A_146 = tpu.memref_slice %arg7[%add3A_144, %dma_start3A_145] : memref<80x128xi32, #tpu.memory_space<vmem>> -> memref<1x128xi32, #tpu.memory_space<vmem>>
      %dma_start3A_147 = tpu.memref_squeeze %dma_start3A_146 : memref<1x128xi32, #tpu.memory_space<vmem>> -> memref<128xi32, #tpu.memory_space<vmem>>
      %dma_start3A_148 = arith.constant 0 : i32
      %dma_start3A_149 = arith.constant 0 : i32
      %dma_start3A_150 = tpu.memref_slice %arg10[%dma_start3A_148, %dma_start3A_149] : memref<10240x128xf32, #tpu.memory_space<vmem_shared>> -> memref<10240x128xf32, #tpu.memory_space<vmem_shared>>
      tpu.enqueue_indirect_dma source(%arg9 : memref<128x128xf32, #tpu.memory_space<vmem>>) target(%dma_start3A_150 : memref<10240x128xf32, #tpu.memory_space<vmem_shared>>) offsets(%dma_start3A_147 : memref<128xi32, #tpu.memory_space<vmem>>) semaphore(%arg12 : memref<!tpu.dma_semaphore, #tpu.memory_space<semaphore_mem>>) {add = true}
      %dma_wait3A_151 = arith.constant 0 : i32
      %dma_wait3A_152 = tpu.memref_slice %arg7[%add3A_112, %dma_wait3A_151] : memref<80x128xi32, #tpu.memory_space<vmem>> -> memref<1x128xi32, #tpu.memory_space<vmem>>
      %dma_wait3A_153 = tpu.memref_squeeze %dma_wait3A_152 : memref<1x128xi32, #tpu.memory_space<vmem>> -> memref<128xi32, #tpu.memory_space<vmem>>
      %dma_wait3A_154 = arith.constant 0 : i32
      %dma_wait3A_155 = arith.constant 0 : i32
      %dma_wait3A_156 = tpu.memref_slice %arg10[%dma_wait3A_154, %dma_wait3A_155] : memref<10240x128xf32, #tpu.memory_space<vmem_shared>> -> memref<10240x128xf32, #tpu.memory_space<vmem_shared>>
      tpu.wait_indirect_dma semaphore(%arg12 : memref<!tpu.dma_semaphore, #tpu.memory_space<semaphore_mem>>) src(%arg8 : memref<128x128xf32, #tpu.memory_space<vmem>>) dst(%dma_wait3A_156 : memref<10240x128xf32, #tpu.memory_space<vmem_shared>>)
      %lt3A = arith.constant 7 : i32
      %lt3A_157 = arith.cmpi slt, %scan3A_107, %lt3A : i32
      %convert_element_type3A_158 = arith.extui %lt3A_157 : i1 to i32
      %cond3A_159 = arith.constant 0 : i32
      %cond3A_160 = arith.cmpi ne, %convert_element_type3A_158, %cond3A_159 : i32
      scf.if %cond3A_160 {
        %add3A_162 = arith.constant 2 : i32
        %add3A_163 = arith.addi %mul3A_110, %add3A_162 : i32
        %dma_start3A_164 = arith.constant 0 : i32
        %dma_start3A_165 = tpu.memref_slice %arg6[%add3A_163, %dma_start3A_164] : memref<16x128xi32, #tpu.memory_space<vmem>> -> memref<1x128xi32, #tpu.memory_space<vmem>>
        %dma_start3A_166 = tpu.memref_squeeze %dma_start3A_165 : memref<1x128xi32, #tpu.memory_space<vmem>> -> memref<128xi32, #tpu.memory_space<vmem>>
        %dma_start3A_167 = arith.constant 0 : i32
        %dma_start3A_168 = arith.constant 0 : i32
        %dma_start3A_169 = tpu.memref_slice %arg2[%dma_start3A_167, %dma_start3A_168] : memref<10000x128xf32, #tpu.memory_space<hbm>> -> memref<10000x128xf32, #tpu.memory_space<hbm>>
        tpu.enqueue_indirect_dma source(%dma_start3A_169 : memref<10000x128xf32, #tpu.memory_space<hbm>>) target(%arg8 : memref<128x128xf32, #tpu.memory_space<vmem>>) offsets(%dma_start3A_166 : memref<128xi32, #tpu.memory_space<vmem>>) semaphore(%arg11 : memref<!tpu.dma_semaphore, #tpu.memory_space<semaphore_mem>>)
      } else {
      }
      %scan3A_161 = arith.constant 0 : i32
      scf.yield %scan3A_161 : i32
    }
    %scan3A_35 = arith.constant 8 : i32
    %add3A_36 = arith.constant 16 : i32
    %add3A_37 = arith.addi %mul3A_20, %add3A_36 : i32
    "tpu.region"() ({
      %run_scoped3A = tpu.sem_alloc : memref<!tpu.dma_semaphore, #tpu.memory_space<semaphore_mem>>
      %dma_start3A_107 = arith.constant 0 : i32
      %dma_start3A_108 = tpu.memref_slice %arg3[%add3A_37, %dma_start3A_107] : memref<2560x128xi32, #tpu.memory_space<hbm>> -> memref<16x128xi32, #tpu.memory_space<hbm>>
      %dma_start3A_109 = arith.constant 0 : i32
      %dma_start3A_110 = tpu.memref_slice %arg3[%add3A_37, %dma_start3A_109] : memref<2560x128xi32, #tpu.memory_space<hbm>> -> memref<16x128xi32, #tpu.memory_space<hbm>>
      tpu.enqueue_dma source(%dma_start3A_110 : memref<16x128xi32, #tpu.memory_space<hbm>>) target(%arg6 : memref<16x128xi32, #tpu.memory_space<vmem>>) target_semaphore(%run_scoped3A : memref<!tpu.dma_semaphore, #tpu.memory_space<semaphore_mem>>)
      %dma_wait3A_111 = arith.constant 0 : i32
      %dma_wait3A_112 = tpu.memref_slice %arg3[%add3A_37, %dma_wait3A_111] : memref<2560x128xi32, #tpu.memory_space<hbm>> -> memref<16x128xi32, #tpu.memory_space<hbm>>
      %dma_wait3A_113 = arith.constant 0 : i32
      %dma_wait3A_114 = tpu.memref_slice %arg3[%add3A_37, %dma_wait3A_113] : memref<2560x128xi32, #tpu.memory_space<hbm>> -> memref<16x128xi32, #tpu.memory_space<hbm>>
      tpu.wait_dma2 semaphore(%run_scoped3A : memref<!tpu.dma_semaphore, #tpu.memory_space<semaphore_mem>>) src(%dma_wait3A_114 : memref<16x128xi32, #tpu.memory_space<hbm>>) dst(%arg6 : memref<16x128xi32, #tpu.memory_space<vmem>>)
      tpu.yield
    }) : () -> ()
    %dma_start3A_38 = arith.constant 0 : i32
    %dma_start3A_39 = arith.constant 0 : i32
    %dma_start3A_40 = tpu.memref_slice %arg6[%dma_start3A_38, %dma_start3A_39] : memref<16x128xi32, #tpu.memory_space<vmem>> -> memref<1x128xi32, #tpu.memory_space<vmem>>
    %dma_start3A_41 = tpu.memref_squeeze %dma_start3A_40 : memref<1x128xi32, #tpu.memory_space<vmem>> -> memref<128xi32, #tpu.memory_space<vmem>>
    %dma_start3A_42 = arith.constant 0 : i32
    %dma_start3A_43 = arith.constant 0 : i32
    %dma_start3A_44 = tpu.memref_slice %arg2[%dma_start3A_42, %dma_start3A_43] : memref<10000x128xf32, #tpu.memory_space<hbm>> -> memref<10000x128xf32, #tpu.memory_space<hbm>>
    tpu.enqueue_indirect_dma source(%dma_start3A_44 : memref<10000x128xf32, #tpu.memory_space<hbm>>) target(%arg8 : memref<128x128xf32, #tpu.memory_space<vmem>>) offsets(%dma_start3A_41 : memref<128xi32, #tpu.memory_space<vmem>>) semaphore(%arg11 : memref<!tpu.dma_semaphore, #tpu.memory_space<semaphore_mem>>)
    %scan3A_45 = arith.constant 0 : i32
    %scan3A_46 = arith.constant 0 : i32
    %scan3A_47 = arith.constant 8 : i32
    %scan3A_48 = arith.addi %scan3A_46, %scan3A_47 : i32
    %scan3A_49 = arith.constant 1 : i32
    %scan3A_50 = scf.for %scan3A_107 = %scan3A_46 to %scan3A_48 step %scan3A_49 iter_args(%scan3A_108 = %scan3A_45) -> (i32)  : i32 {
      %mul3A_109 = arith.constant 2 : i32
      %mul3A_110 = arith.muli %mul3A_109, %scan3A_107 : i32
      %add3A_111 = arith.constant 16 : i32
      %add3A_112 = arith.addi %add3A_111, %mul3A_110 : i32
      %dma_wait3A_113 = arith.constant 0 : i32
      %dma_wait3A_114 = tpu.memref_slice %arg6[%mul3A_110, %dma_wait3A_113] : memref<16x128xi32, #tpu.memory_space<vmem>> -> memref<1x128xi32, #tpu.memory_space<vmem>>
      %dma_wait3A_115 = tpu.memref_squeeze %dma_wait3A_114 : memref<1x128xi32, #tpu.memory_space<vmem>> -> memref<128xi32, #tpu.memory_space<vmem>>
      %dma_wait3A_116 = arith.constant 0 : i32
      %dma_wait3A_117 = arith.constant 0 : i32
      %dma_wait3A_118 = tpu.memref_slice %arg2[%dma_wait3A_116, %dma_wait3A_117] : memref<10000x128xf32, #tpu.memory_space<hbm>> -> memref<10000x128xf32, #tpu.memory_space<hbm>>
      tpu.wait_indirect_dma semaphore(%arg11 : memref<!tpu.dma_semaphore, #tpu.memory_space<semaphore_mem>>) src(%dma_wait3A_118 : memref<10000x128xf32, #tpu.memory_space<hbm>>) dst(%arg8 : memref<128x128xf32, #tpu.memory_space<vmem>>)
      %gt3A = arith.constant 0 : i32
      %gt3A_119 = arith.cmpi sgt, %add3A_112, %gt3A : i32
      %convert_element_type3A = arith.extui %gt3A_119 : i1 to i32
      %cond3A = arith.constant 0 : i32
      %cond3A_120 = arith.cmpi ne, %convert_element_type3A, %cond3A : i32
      scf.if %cond3A_120 {
        %sub3A = arith.constant 1 : i32
        %sub3A_162 = arith.subi %add3A_112, %sub3A : i32
        %dma_wait3A_163 = arith.constant 0 : i32
        %dma_wait3A_164 = tpu.memref_slice %arg7[%sub3A_162, %dma_wait3A_163] : memref<80x128xi32, #tpu.memory_space<vmem>> -> memref<1x128xi32, #tpu.memory_space<vmem>>
        %dma_wait3A_165 = tpu.memref_squeeze %dma_wait3A_164 : memref<1x128xi32, #tpu.memory_space<vmem>> -> memref<128xi32, #tpu.memory_space<vmem>>
        %dma_wait3A_166 = arith.constant 0 : i32
        %dma_wait3A_167 = arith.constant 0 : i32
        %dma_wait3A_168 = tpu.memref_slice %arg10[%dma_wait3A_166, %dma_wait3A_167] : memref<10240x128xf32, #tpu.memory_space<vmem_shared>> -> memref<10240x128xf32, #tpu.memory_space<vmem_shared>>
        tpu.wait_indirect_dma semaphore(%arg12 : memref<!tpu.dma_semaphore, #tpu.memory_space<semaphore_mem>>) src(%arg9 : memref<128x128xf32, #tpu.memory_space<vmem>>) dst(%dma_wait3A_168 : memref<10240x128xf32, #tpu.memory_space<vmem_shared>>)
      } else {
      }
      %add3A_121 = arith.constant 1 : i32
      %add3A_122 = arith.addi %mul3A_110, %add3A_121 : i32
      %dma_start3A_123 = arith.constant 0 : i32
      %dma_start3A_124 = tpu.memref_slice %arg6[%add3A_122, %dma_start3A_123] : memref<16x128xi32, #tpu.memory_space<vmem>> -> memref<1x128xi32, #tpu.memory_space<vmem>>
      %dma_start3A_125 = tpu.memref_squeeze %dma_start3A_124 : memref<1x128xi32, #tpu.memory_space<vmem>> -> memref<128xi32, #tpu.memory_space<vmem>>
      %dma_start3A_126 = arith.constant 0 : i32
      %dma_start3A_127 = arith.constant 0 : i32
      %dma_start3A_128 = tpu.memref_slice %arg2[%dma_start3A_126, %dma_start3A_127] : memref<10000x128xf32, #tpu.memory_space<hbm>> -> memref<10000x128xf32, #tpu.memory_space<hbm>>
      tpu.enqueue_indirect_dma source(%dma_start3A_128 : memref<10000x128xf32, #tpu.memory_space<hbm>>) target(%arg9 : memref<128x128xf32, #tpu.memory_space<vmem>>) offsets(%dma_start3A_125 : memref<128xi32, #tpu.memory_space<vmem>>) semaphore(%arg11 : memref<!tpu.dma_semaphore, #tpu.memory_space<semaphore_mem>>)
      %dma_start3A_129 = arith.constant 0 : i32
      %dma_start3A_130 = tpu.memref_slice %arg7[%add3A_112, %dma_start3A_129] : memref<80x128xi32, #tpu.memory_space<vmem>> -> memref<1x128xi32, #tpu.memory_space<vmem>>
      %dma_start3A_131 = tpu.memref_squeeze %dma_start3A_130 : memref<1x128xi32, #tpu.memory_space<vmem>> -> memref<128xi32, #tpu.memory_space<vmem>>
      %dma_start3A_132 = arith.constant 0 : i32
      %dma_start3A_133 = arith.constant 0 : i32
      %dma_start3A_134 = tpu.memref_slice %arg10[%dma_start3A_132, %dma_start3A_133] : memref<10240x128xf32, #tpu.memory_space<vmem_shared>> -> memref<10240x128xf32, #tpu.memory_space<vmem_shared>>
      tpu.enqueue_indirect_dma source(%arg8 : memref<128x128xf32, #tpu.memory_space<vmem>>) target(%dma_start3A_134 : memref<10240x128xf32, #tpu.memory_space<vmem_shared>>) offsets(%dma_start3A_131 : memref<128xi32, #tpu.memory_space<vmem>>) semaphore(%arg12 : memref<!tpu.dma_semaphore, #tpu.memory_space<semaphore_mem>>) {add = true}
      %add3A_135 = arith.constant 1 : i32
      %add3A_136 = arith.addi %mul3A_110, %add3A_135 : i32
      %dma_wait3A_137 = arith.constant 0 : i32
      %dma_wait3A_138 = tpu.memref_slice %arg6[%add3A_136, %dma_wait3A_137] : memref<16x128xi32, #tpu.memory_space<vmem>> -> memref<1x128xi32, #tpu.memory_space<vmem>>
      %dma_wait3A_139 = tpu.memref_squeeze %dma_wait3A_138 : memref<1x128xi32, #tpu.memory_space<vmem>> -> memref<128xi32, #tpu.memory_space<vmem>>
      %dma_wait3A_140 = arith.constant 0 : i32
      %dma_wait3A_141 = arith.constant 0 : i32
      %dma_wait3A_142 = tpu.memref_slice %arg2[%dma_wait3A_140, %dma_wait3A_141] : memref<10000x128xf32, #tpu.memory_space<hbm>> -> memref<10000x128xf32, #tpu.memory_space<hbm>>
      tpu.wait_indirect_dma semaphore(%arg11 : memref<!tpu.dma_semaphore, #tpu.memory_space<semaphore_mem>>) src(%dma_wait3A_142 : memref<10000x128xf32, #tpu.memory_space<hbm>>) dst(%arg9 : memref<128x128xf32, #tpu.memory_space<vmem>>)
      %add3A_143 = arith.constant 1 : i32
      %add3A_144 = arith.addi %add3A_112, %add3A_143 : i32
      %dma_start3A_145 = arith.constant 0 : i32
      %dma_start3A_146 = tpu.memref_slice %arg7[%add3A_144, %dma_start3A_145] : memref<80x128xi32, #tpu.memory_space<vmem>> -> memref<1x128xi32, #tpu.memory_space<vmem>>
      %dma_start3A_147 = tpu.memref_squeeze %dma_start3A_146 : memref<1x128xi32, #tpu.memory_space<vmem>> -> memref<128xi32, #tpu.memory_space<vmem>>
      %dma_start3A_148 = arith.constant 0 : i32
      %dma_start3A_149 = arith.constant 0 : i32
      %dma_start3A_150 = tpu.memref_slice %arg10[%dma_start3A_148, %dma_start3A_149] : memref<10240x128xf32, #tpu.memory_space<vmem_shared>> -> memref<10240x128xf32, #tpu.memory_space<vmem_shared>>
      tpu.enqueue_indirect_dma source(%arg9 : memref<128x128xf32, #tpu.memory_space<vmem>>) target(%dma_start3A_150 : memref<10240x128xf32, #tpu.memory_space<vmem_shared>>) offsets(%dma_start3A_147 : memref<128xi32, #tpu.memory_space<vmem>>) semaphore(%arg12 : memref<!tpu.dma_semaphore, #tpu.memory_space<semaphore_mem>>) {add = true}
      %dma_wait3A_151 = arith.constant 0 : i32
      %dma_wait3A_152 = tpu.memref_slice %arg7[%add3A_112, %dma_wait3A_151] : memref<80x128xi32, #tpu.memory_space<vmem>> -> memref<1x128xi32, #tpu.memory_space<vmem>>
      %dma_wait3A_153 = tpu.memref_squeeze %dma_wait3A_152 : memref<1x128xi32, #tpu.memory_space<vmem>> -> memref<128xi32, #tpu.memory_space<vmem>>
      %dma_wait3A_154 = arith.constant 0 : i32
      %dma_wait3A_155 = arith.constant 0 : i32
      %dma_wait3A_156 = tpu.memref_slice %arg10[%dma_wait3A_154, %dma_wait3A_155] : memref<10240x128xf32, #tpu.memory_space<vmem_shared>> -> memref<10240x128xf32, #tpu.memory_space<vmem_shared>>
      tpu.wait_indirect_dma semaphore(%arg12 : memref<!tpu.dma_semaphore, #tpu.memory_space<semaphore_mem>>) src(%arg8 : memref<128x128xf32, #tpu.memory_space<vmem>>) dst(%dma_wait3A_156 : memref<10240x128xf32, #tpu.memory_space<vmem_shared>>)
      %lt3A = arith.constant 7 : i32
      %lt3A_157 = arith.cmpi slt, %scan3A_107, %lt3A : i32
      %convert_element_type3A_158 = arith.extui %lt3A_157 : i1 to i32
      %cond3A_159 = arith.constant 0 : i32
      %cond3A_160 = arith.cmpi ne, %convert_element_type3A_158, %cond3A_159 : i32
      scf.if %cond3A_160 {
        %add3A_162 = arith.constant 2 : i32
        %add3A_163 = arith.addi %mul3A_110, %add3A_162 : i32
        %dma_start3A_164 = arith.constant 0 : i32
        %dma_start3A_165 = tpu.memref_slice %arg6[%add3A_163, %dma_start3A_164] : memref<16x128xi32, #tpu.memory_space<vmem>> -> memref<1x128xi32, #tpu.memory_space<vmem>>
        %dma_start3A_166 = tpu.memref_squeeze %dma_start3A_165 : memref<1x128xi32, #tpu.memory_space<vmem>> -> memref<128xi32, #tpu.memory_space<vmem>>
        %dma_start3A_167 = arith.constant 0 : i32
        %dma_start3A_168 = arith.constant 0 : i32
        %dma_start3A_169 = tpu.memref_slice %arg2[%dma_start3A_167, %dma_start3A_168] : memref<10000x128xf32, #tpu.memory_space<hbm>> -> memref<10000x128xf32, #tpu.memory_space<hbm>>
        tpu.enqueue_indirect_dma source(%dma_start3A_169 : memref<10000x128xf32, #tpu.memory_space<hbm>>) target(%arg8 : memref<128x128xf32, #tpu.memory_space<vmem>>) offsets(%dma_start3A_166 : memref<128xi32, #tpu.memory_space<vmem>>) semaphore(%arg11 : memref<!tpu.dma_semaphore, #tpu.memory_space<semaphore_mem>>)
      } else {
      }
      %scan3A_161 = arith.constant 0 : i32
      scf.yield %scan3A_161 : i32
    }
    %scan3A_51 = arith.constant 8 : i32
    %add3A_52 = arith.constant 32 : i32
    %add3A_53 = arith.addi %mul3A_20, %add3A_52 : i32
    "tpu.region"() ({
      %run_scoped3A = tpu.sem_alloc : memref<!tpu.dma_semaphore, #tpu.memory_space<semaphore_mem>>
      %dma_start3A_107 = arith.constant 0 : i32
      %dma_start3A_108 = tpu.memref_slice %arg3[%add3A_53, %dma_start3A_107] : memref<2560x128xi32, #tpu.memory_space<hbm>> -> memref<16x128xi32, #tpu.memory_space<hbm>>
      %dma_start3A_109 = arith.constant 0 : i32
      %dma_start3A_110 = tpu.memref_slice %arg3[%add3A_53, %dma_start3A_109] : memref<2560x128xi32, #tpu.memory_space<hbm>> -> memref<16x128xi32, #tpu.memory_space<hbm>>
      tpu.enqueue_dma source(%dma_start3A_110 : memref<16x128xi32, #tpu.memory_space<hbm>>) target(%arg6 : memref<16x128xi32, #tpu.memory_space<vmem>>) target_semaphore(%run_scoped3A : memref<!tpu.dma_semaphore, #tpu.memory_space<semaphore_mem>>)
      %dma_wait3A_111 = arith.constant 0 : i32
      %dma_wait3A_112 = tpu.memref_slice %arg3[%add3A_53, %dma_wait3A_111] : memref<2560x128xi32, #tpu.memory_space<hbm>> -> memref<16x128xi32, #tpu.memory_space<hbm>>
      %dma_wait3A_113 = arith.constant 0 : i32
      %dma_wait3A_114 = tpu.memref_slice %arg3[%add3A_53, %dma_wait3A_113] : memref<2560x128xi32, #tpu.memory_space<hbm>> -> memref<16x128xi32, #tpu.memory_space<hbm>>
      tpu.wait_dma2 semaphore(%run_scoped3A : memref<!tpu.dma_semaphore, #tpu.memory_space<semaphore_mem>>) src(%dma_wait3A_114 : memref<16x128xi32, #tpu.memory_space<hbm>>) dst(%arg6 : memref<16x128xi32, #tpu.memory_space<vmem>>)
      tpu.yield
    }) : () -> ()
    %dma_start3A_54 = arith.constant 0 : i32
    %dma_start3A_55 = arith.constant 0 : i32
    %dma_start3A_56 = tpu.memref_slice %arg6[%dma_start3A_54, %dma_start3A_55] : memref<16x128xi32, #tpu.memory_space<vmem>> -> memref<1x128xi32, #tpu.memory_space<vmem>>
    %dma_start3A_57 = tpu.memref_squeeze %dma_start3A_56 : memref<1x128xi32, #tpu.memory_space<vmem>> -> memref<128xi32, #tpu.memory_space<vmem>>
    %dma_start3A_58 = arith.constant 0 : i32
    %dma_start3A_59 = arith.constant 0 : i32
    %dma_start3A_60 = tpu.memref_slice %arg2[%dma_start3A_58, %dma_start3A_59] : memref<10000x128xf32, #tpu.memory_space<hbm>> -> memref<10000x128xf32, #tpu.memory_space<hbm>>
    tpu.enqueue_indirect_dma source(%dma_start3A_60 : memref<10000x128xf32, #tpu.memory_space<hbm>>) target(%arg8 : memref<128x128xf32, #tpu.memory_space<vmem>>) offsets(%dma_start3A_57 : memref<128xi32, #tpu.memory_space<vmem>>) semaphore(%arg11 : memref<!tpu.dma_semaphore, #tpu.memory_space<semaphore_mem>>)
    %scan3A_61 = arith.constant 0 : i32
    %scan3A_62 = arith.constant 0 : i32
    %scan3A_63 = arith.constant 8 : i32
    %scan3A_64 = arith.addi %scan3A_62, %scan3A_63 : i32
    %scan3A_65 = arith.constant 1 : i32
    %scan3A_66 = scf.for %scan3A_107 = %scan3A_62 to %scan3A_64 step %scan3A_65 iter_args(%scan3A_108 = %scan3A_61) -> (i32)  : i32 {
      %mul3A_109 = arith.constant 2 : i32
      %mul3A_110 = arith.muli %mul3A_109, %scan3A_107 : i32
      %add3A_111 = arith.constant 32 : i32
      %add3A_112 = arith.addi %add3A_111, %mul3A_110 : i32
      %dma_wait3A_113 = arith.constant 0 : i32
      %dma_wait3A_114 = tpu.memref_slice %arg6[%mul3A_110, %dma_wait3A_113] : memref<16x128xi32, #tpu.memory_space<vmem>> -> memref<1x128xi32, #tpu.memory_space<vmem>>
      %dma_wait3A_115 = tpu.memref_squeeze %dma_wait3A_114 : memref<1x128xi32, #tpu.memory_space<vmem>> -> memref<128xi32, #tpu.memory_space<vmem>>
      %dma_wait3A_116 = arith.constant 0 : i32
      %dma_wait3A_117 = arith.constant 0 : i32
      %dma_wait3A_118 = tpu.memref_slice %arg2[%dma_wait3A_116, %dma_wait3A_117] : memref<10000x128xf32, #tpu.memory_space<hbm>> -> memref<10000x128xf32, #tpu.memory_space<hbm>>
      tpu.wait_indirect_dma semaphore(%arg11 : memref<!tpu.dma_semaphore, #tpu.memory_space<semaphore_mem>>) src(%dma_wait3A_118 : memref<10000x128xf32, #tpu.memory_space<hbm>>) dst(%arg8 : memref<128x128xf32, #tpu.memory_space<vmem>>)
      %gt3A = arith.constant 0 : i32
      %gt3A_119 = arith.cmpi sgt, %add3A_112, %gt3A : i32
      %convert_element_type3A = arith.extui %gt3A_119 : i1 to i32
      %cond3A = arith.constant 0 : i32
      %cond3A_120 = arith.cmpi ne, %convert_element_type3A, %cond3A : i32
      scf.if %cond3A_120 {
        %sub3A = arith.constant 1 : i32
        %sub3A_162 = arith.subi %add3A_112, %sub3A : i32
        %dma_wait3A_163 = arith.constant 0 : i32
        %dma_wait3A_164 = tpu.memref_slice %arg7[%sub3A_162, %dma_wait3A_163] : memref<80x128xi32, #tpu.memory_space<vmem>> -> memref<1x128xi32, #tpu.memory_space<vmem>>
        %dma_wait3A_165 = tpu.memref_squeeze %dma_wait3A_164 : memref<1x128xi32, #tpu.memory_space<vmem>> -> memref<128xi32, #tpu.memory_space<vmem>>
        %dma_wait3A_166 = arith.constant 0 : i32
        %dma_wait3A_167 = arith.constant 0 : i32
        %dma_wait3A_168 = tpu.memref_slice %arg10[%dma_wait3A_166, %dma_wait3A_167] : memref<10240x128xf32, #tpu.memory_space<vmem_shared>> -> memref<10240x128xf32, #tpu.memory_space<vmem_shared>>
        tpu.wait_indirect_dma semaphore(%arg12 : memref<!tpu.dma_semaphore, #tpu.memory_space<semaphore_mem>>) src(%arg9 : memref<128x128xf32, #tpu.memory_space<vmem>>) dst(%dma_wait3A_168 : memref<10240x128xf32, #tpu.memory_space<vmem_shared>>)
      } else {
      }
      %add3A_121 = arith.constant 1 : i32
      %add3A_122 = arith.addi %mul3A_110, %add3A_121 : i32
      %dma_start3A_123 = arith.constant 0 : i32
      %dma_start3A_124 = tpu.memref_slice %arg6[%add3A_122, %dma_start3A_123] : memref<16x128xi32, #tpu.memory_space<vmem>> -> memref<1x128xi32, #tpu.memory_space<vmem>>
      %dma_start3A_125 = tpu.memref_squeeze %dma_start3A_124 : memref<1x128xi32, #tpu.memory_space<vmem>> -> memref<128xi32, #tpu.memory_space<vmem>>
      %dma_start3A_126 = arith.constant 0 : i32
      %dma_start3A_127 = arith.constant 0 : i32
      %dma_start3A_128 = tpu.memref_slice %arg2[%dma_start3A_126, %dma_start3A_127] : memref<10000x128xf32, #tpu.memory_space<hbm>> -> memref<10000x128xf32, #tpu.memory_space<hbm>>
      tpu.enqueue_indirect_dma source(%dma_start3A_128 : memref<10000x128xf32, #tpu.memory_space<hbm>>) target(%arg9 : memref<128x128xf32, #tpu.memory_space<vmem>>) offsets(%dma_start3A_125 : memref<128xi32, #tpu.memory_space<vmem>>) semaphore(%arg11 : memref<!tpu.dma_semaphore, #tpu.memory_space<semaphore_mem>>)
      %dma_start3A_129 = arith.constant 0 : i32
      %dma_start3A_130 = tpu.memref_slice %arg7[%add3A_112, %dma_start3A_129] : memref<80x128xi32, #tpu.memory_space<vmem>> -> memref<1x128xi32, #tpu.memory_space<vmem>>
      %dma_start3A_131 = tpu.memref_squeeze %dma_start3A_130 : memref<1x128xi32, #tpu.memory_space<vmem>> -> memref<128xi32, #tpu.memory_space<vmem>>
      %dma_start3A_132 = arith.constant 0 : i32
      %dma_start3A_133 = arith.constant 0 : i32
      %dma_start3A_134 = tpu.memref_slice %arg10[%dma_start3A_132, %dma_start3A_133] : memref<10240x128xf32, #tpu.memory_space<vmem_shared>> -> memref<10240x128xf32, #tpu.memory_space<vmem_shared>>
      tpu.enqueue_indirect_dma source(%arg8 : memref<128x128xf32, #tpu.memory_space<vmem>>) target(%dma_start3A_134 : memref<10240x128xf32, #tpu.memory_space<vmem_shared>>) offsets(%dma_start3A_131 : memref<128xi32, #tpu.memory_space<vmem>>) semaphore(%arg12 : memref<!tpu.dma_semaphore, #tpu.memory_space<semaphore_mem>>) {add = true}
      %add3A_135 = arith.constant 1 : i32
      %add3A_136 = arith.addi %mul3A_110, %add3A_135 : i32
      %dma_wait3A_137 = arith.constant 0 : i32
      %dma_wait3A_138 = tpu.memref_slice %arg6[%add3A_136, %dma_wait3A_137] : memref<16x128xi32, #tpu.memory_space<vmem>> -> memref<1x128xi32, #tpu.memory_space<vmem>>
      %dma_wait3A_139 = tpu.memref_squeeze %dma_wait3A_138 : memref<1x128xi32, #tpu.memory_space<vmem>> -> memref<128xi32, #tpu.memory_space<vmem>>
      %dma_wait3A_140 = arith.constant 0 : i32
      %dma_wait3A_141 = arith.constant 0 : i32
      %dma_wait3A_142 = tpu.memref_slice %arg2[%dma_wait3A_140, %dma_wait3A_141] : memref<10000x128xf32, #tpu.memory_space<hbm>> -> memref<10000x128xf32, #tpu.memory_space<hbm>>
      tpu.wait_indirect_dma semaphore(%arg11 : memref<!tpu.dma_semaphore, #tpu.memory_space<semaphore_mem>>) src(%dma_wait3A_142 : memref<10000x128xf32, #tpu.memory_space<hbm>>) dst(%arg9 : memref<128x128xf32, #tpu.memory_space<vmem>>)
      %add3A_143 = arith.constant 1 : i32
      %add3A_144 = arith.addi %add3A_112, %add3A_143 : i32
      %dma_start3A_145 = arith.constant 0 : i32
      %dma_start3A_146 = tpu.memref_slice %arg7[%add3A_144, %dma_start3A_145] : memref<80x128xi32, #tpu.memory_space<vmem>> -> memref<1x128xi32, #tpu.memory_space<vmem>>
      %dma_start3A_147 = tpu.memref_squeeze %dma_start3A_146 : memref<1x128xi32, #tpu.memory_space<vmem>> -> memref<128xi32, #tpu.memory_space<vmem>>
      %dma_start3A_148 = arith.constant 0 : i32
      %dma_start3A_149 = arith.constant 0 : i32
      %dma_start3A_150 = tpu.memref_slice %arg10[%dma_start3A_148, %dma_start3A_149] : memref<10240x128xf32, #tpu.memory_space<vmem_shared>> -> memref<10240x128xf32, #tpu.memory_space<vmem_shared>>
      tpu.enqueue_indirect_dma source(%arg9 : memref<128x128xf32, #tpu.memory_space<vmem>>) target(%dma_start3A_150 : memref<10240x128xf32, #tpu.memory_space<vmem_shared>>) offsets(%dma_start3A_147 : memref<128xi32, #tpu.memory_space<vmem>>) semaphore(%arg12 : memref<!tpu.dma_semaphore, #tpu.memory_space<semaphore_mem>>) {add = true}
      %dma_wait3A_151 = arith.constant 0 : i32
      %dma_wait3A_152 = tpu.memref_slice %arg7[%add3A_112, %dma_wait3A_151] : memref<80x128xi32, #tpu.memory_space<vmem>> -> memref<1x128xi32, #tpu.memory_space<vmem>>
      %dma_wait3A_153 = tpu.memref_squeeze %dma_wait3A_152 : memref<1x128xi32, #tpu.memory_space<vmem>> -> memref<128xi32, #tpu.memory_space<vmem>>
      %dma_wait3A_154 = arith.constant 0 : i32
      %dma_wait3A_155 = arith.constant 0 : i32
      %dma_wait3A_156 = tpu.memref_slice %arg10[%dma_wait3A_154, %dma_wait3A_155] : memref<10240x128xf32, #tpu.memory_space<vmem_shared>> -> memref<10240x128xf32, #tpu.memory_space<vmem_shared>>
      tpu.wait_indirect_dma semaphore(%arg12 : memref<!tpu.dma_semaphore, #tpu.memory_space<semaphore_mem>>) src(%arg8 : memref<128x128xf32, #tpu.memory_space<vmem>>) dst(%dma_wait3A_156 : memref<10240x128xf32, #tpu.memory_space<vmem_shared>>)
      %lt3A = arith.constant 7 : i32
      %lt3A_157 = arith.cmpi slt, %scan3A_107, %lt3A : i32
      %convert_element_type3A_158 = arith.extui %lt3A_157 : i1 to i32
      %cond3A_159 = arith.constant 0 : i32
      %cond3A_160 = arith.cmpi ne, %convert_element_type3A_158, %cond3A_159 : i32
      scf.if %cond3A_160 {
        %add3A_162 = arith.constant 2 : i32
        %add3A_163 = arith.addi %mul3A_110, %add3A_162 : i32
        %dma_start3A_164 = arith.constant 0 : i32
        %dma_start3A_165 = tpu.memref_slice %arg6[%add3A_163, %dma_start3A_164] : memref<16x128xi32, #tpu.memory_space<vmem>> -> memref<1x128xi32, #tpu.memory_space<vmem>>
        %dma_start3A_166 = tpu.memref_squeeze %dma_start3A_165 : memref<1x128xi32, #tpu.memory_space<vmem>> -> memref<128xi32, #tpu.memory_space<vmem>>
        %dma_start3A_167 = arith.constant 0 : i32
        %dma_start3A_168 = arith.constant 0 : i32
        %dma_start3A_169 = tpu.memref_slice %arg2[%dma_start3A_167, %dma_start3A_168] : memref<10000x128xf32, #tpu.memory_space<hbm>> -> memref<10000x128xf32, #tpu.memory_space<hbm>>
        tpu.enqueue_indirect_dma source(%dma_start3A_169 : memref<10000x128xf32, #tpu.memory_space<hbm>>) target(%arg8 : memref<128x128xf32, #tpu.memory_space<vmem>>) offsets(%dma_start3A_166 : memref<128xi32, #tpu.memory_space<vmem>>) semaphore(%arg11 : memref<!tpu.dma_semaphore, #tpu.memory_space<semaphore_mem>>)
      } else {
      }
      %scan3A_161 = arith.constant 0 : i32
      scf.yield %scan3A_161 : i32
    }
    %scan3A_67 = arith.constant 8 : i32
    %add3A_68 = arith.constant 48 : i32
    %add3A_69 = arith.addi %mul3A_20, %add3A_68 : i32
    "tpu.region"() ({
      %run_scoped3A = tpu.sem_alloc : memref<!tpu.dma_semaphore, #tpu.memory_space<semaphore_mem>>
      %dma_start3A_107 = arith.constant 0 : i32
      %dma_start3A_108 = tpu.memref_slice %arg3[%add3A_69, %dma_start3A_107] : memref<2560x128xi32, #tpu.memory_space<hbm>> -> memref<16x128xi32, #tpu.memory_space<hbm>>
      %dma_start3A_109 = arith.constant 0 : i32
      %dma_start3A_110 = tpu.memref_slice %arg3[%add3A_69, %dma_start3A_109] : memref<2560x128xi32, #tpu.memory_space<hbm>> -> memref<16x128xi32, #tpu.memory_space<hbm>>
      tpu.enqueue_dma source(%dma_start3A_110 : memref<16x128xi32, #tpu.memory_space<hbm>>) target(%arg6 : memref<16x128xi32, #tpu.memory_space<vmem>>) target_semaphore(%run_scoped3A : memref<!tpu.dma_semaphore, #tpu.memory_space<semaphore_mem>>)
      %dma_wait3A_111 = arith.constant 0 : i32
      %dma_wait3A_112 = tpu.memref_slice %arg3[%add3A_69, %dma_wait3A_111] : memref<2560x128xi32, #tpu.memory_space<hbm>> -> memref<16x128xi32, #tpu.memory_space<hbm>>
      %dma_wait3A_113 = arith.constant 0 : i32
      %dma_wait3A_114 = tpu.memref_slice %arg3[%add3A_69, %dma_wait3A_113] : memref<2560x128xi32, #tpu.memory_space<hbm>> -> memref<16x128xi32, #tpu.memory_space<hbm>>
      tpu.wait_dma2 semaphore(%run_scoped3A : memref<!tpu.dma_semaphore, #tpu.memory_space<semaphore_mem>>) src(%dma_wait3A_114 : memref<16x128xi32, #tpu.memory_space<hbm>>) dst(%arg6 : memref<16x128xi32, #tpu.memory_space<vmem>>)
      tpu.yield
    }) : () -> ()
    %dma_start3A_70 = arith.constant 0 : i32
    %dma_start3A_71 = arith.constant 0 : i32
    %dma_start3A_72 = tpu.memref_slice %arg6[%dma_start3A_70, %dma_start3A_71] : memref<16x128xi32, #tpu.memory_space<vmem>> -> memref<1x128xi32, #tpu.memory_space<vmem>>
    %dma_start3A_73 = tpu.memref_squeeze %dma_start3A_72 : memref<1x128xi32, #tpu.memory_space<vmem>> -> memref<128xi32, #tpu.memory_space<vmem>>
    %dma_start3A_74 = arith.constant 0 : i32
    %dma_start3A_75 = arith.constant 0 : i32
    %dma_start3A_76 = tpu.memref_slice %arg2[%dma_start3A_74, %dma_start3A_75] : memref<10000x128xf32, #tpu.memory_space<hbm>> -> memref<10000x128xf32, #tpu.memory_space<hbm>>
    tpu.enqueue_indirect_dma source(%dma_start3A_76 : memref<10000x128xf32, #tpu.memory_space<hbm>>) target(%arg8 : memref<128x128xf32, #tpu.memory_space<vmem>>) offsets(%dma_start3A_73 : memref<128xi32, #tpu.memory_space<vmem>>) semaphore(%arg11 : memref<!tpu.dma_semaphore, #tpu.memory_space<semaphore_mem>>)
    %scan3A_77 = arith.constant 0 : i32
    %scan3A_78 = arith.constant 0 : i32
    %scan3A_79 = arith.constant 8 : i32
    %scan3A_80 = arith.addi %scan3A_78, %scan3A_79 : i32
    %scan3A_81 = arith.constant 1 : i32
    %scan3A_82 = scf.for %scan3A_107 = %scan3A_78 to %scan3A_80 step %scan3A_81 iter_args(%scan3A_108 = %scan3A_77) -> (i32)  : i32 {
      %mul3A_109 = arith.constant 2 : i32
      %mul3A_110 = arith.muli %mul3A_109, %scan3A_107 : i32
      %add3A_111 = arith.constant 48 : i32
      %add3A_112 = arith.addi %add3A_111, %mul3A_110 : i32
      %dma_wait3A_113 = arith.constant 0 : i32
      %dma_wait3A_114 = tpu.memref_slice %arg6[%mul3A_110, %dma_wait3A_113] : memref<16x128xi32, #tpu.memory_space<vmem>> -> memref<1x128xi32, #tpu.memory_space<vmem>>
      %dma_wait3A_115 = tpu.memref_squeeze %dma_wait3A_114 : memref<1x128xi32, #tpu.memory_space<vmem>> -> memref<128xi32, #tpu.memory_space<vmem>>
      %dma_wait3A_116 = arith.constant 0 : i32
      %dma_wait3A_117 = arith.constant 0 : i32
      %dma_wait3A_118 = tpu.memref_slice %arg2[%dma_wait3A_116, %dma_wait3A_117] : memref<10000x128xf32, #tpu.memory_space<hbm>> -> memref<10000x128xf32, #tpu.memory_space<hbm>>
      tpu.wait_indirect_dma semaphore(%arg11 : memref<!tpu.dma_semaphore, #tpu.memory_space<semaphore_mem>>) src(%dma_wait3A_118 : memref<10000x128xf32, #tpu.memory_space<hbm>>) dst(%arg8 : memref<128x128xf32, #tpu.memory_space<vmem>>)
      %gt3A = arith.constant 0 : i32
      %gt3A_119 = arith.cmpi sgt, %add3A_112, %gt3A : i32
      %convert_element_type3A = arith.extui %gt3A_119 : i1 to i32
      %cond3A = arith.constant 0 : i32
      %cond3A_120 = arith.cmpi ne, %convert_element_type3A, %cond3A : i32
      scf.if %cond3A_120 {
        %sub3A = arith.constant 1 : i32
        %sub3A_162 = arith.subi %add3A_112, %sub3A : i32
        %dma_wait3A_163 = arith.constant 0 : i32
        %dma_wait3A_164 = tpu.memref_slice %arg7[%sub3A_162, %dma_wait3A_163] : memref<80x128xi32, #tpu.memory_space<vmem>> -> memref<1x128xi32, #tpu.memory_space<vmem>>
        %dma_wait3A_165 = tpu.memref_squeeze %dma_wait3A_164 : memref<1x128xi32, #tpu.memory_space<vmem>> -> memref<128xi32, #tpu.memory_space<vmem>>
        %dma_wait3A_166 = arith.constant 0 : i32
        %dma_wait3A_167 = arith.constant 0 : i32
        %dma_wait3A_168 = tpu.memref_slice %arg10[%dma_wait3A_166, %dma_wait3A_167] : memref<10240x128xf32, #tpu.memory_space<vmem_shared>> -> memref<10240x128xf32, #tpu.memory_space<vmem_shared>>
        tpu.wait_indirect_dma semaphore(%arg12 : memref<!tpu.dma_semaphore, #tpu.memory_space<semaphore_mem>>) src(%arg9 : memref<128x128xf32, #tpu.memory_space<vmem>>) dst(%dma_wait3A_168 : memref<10240x128xf32, #tpu.memory_space<vmem_shared>>)
      } else {
      }
      %add3A_121 = arith.constant 1 : i32
      %add3A_122 = arith.addi %mul3A_110, %add3A_121 : i32
      %dma_start3A_123 = arith.constant 0 : i32
      %dma_start3A_124 = tpu.memref_slice %arg6[%add3A_122, %dma_start3A_123] : memref<16x128xi32, #tpu.memory_space<vmem>> -> memref<1x128xi32, #tpu.memory_space<vmem>>
      %dma_start3A_125 = tpu.memref_squeeze %dma_start3A_124 : memref<1x128xi32, #tpu.memory_space<vmem>> -> memref<128xi32, #tpu.memory_space<vmem>>
      %dma_start3A_126 = arith.constant 0 : i32
      %dma_start3A_127 = arith.constant 0 : i32
      %dma_start3A_128 = tpu.memref_slice %arg2[%dma_start3A_126, %dma_start3A_127] : memref<10000x128xf32, #tpu.memory_space<hbm>> -> memref<10000x128xf32, #tpu.memory_space<hbm>>
      tpu.enqueue_indirect_dma source(%dma_start3A_128 : memref<10000x128xf32, #tpu.memory_space<hbm>>) target(%arg9 : memref<128x128xf32, #tpu.memory_space<vmem>>) offsets(%dma_start3A_125 : memref<128xi32, #tpu.memory_space<vmem>>) semaphore(%arg11 : memref<!tpu.dma_semaphore, #tpu.memory_space<semaphore_mem>>)
      %dma_start3A_129 = arith.constant 0 : i32
      %dma_start3A_130 = tpu.memref_slice %arg7[%add3A_112, %dma_start3A_129] : memref<80x128xi32, #tpu.memory_space<vmem>> -> memref<1x128xi32, #tpu.memory_space<vmem>>
      %dma_start3A_131 = tpu.memref_squeeze %dma_start3A_130 : memref<1x128xi32, #tpu.memory_space<vmem>> -> memref<128xi32, #tpu.memory_space<vmem>>
      %dma_start3A_132 = arith.constant 0 : i32
      %dma_start3A_133 = arith.constant 0 : i32
      %dma_start3A_134 = tpu.memref_slice %arg10[%dma_start3A_132, %dma_start3A_133] : memref<10240x128xf32, #tpu.memory_space<vmem_shared>> -> memref<10240x128xf32, #tpu.memory_space<vmem_shared>>
      tpu.enqueue_indirect_dma source(%arg8 : memref<128x128xf32, #tpu.memory_space<vmem>>) target(%dma_start3A_134 : memref<10240x128xf32, #tpu.memory_space<vmem_shared>>) offsets(%dma_start3A_131 : memref<128xi32, #tpu.memory_space<vmem>>) semaphore(%arg12 : memref<!tpu.dma_semaphore, #tpu.memory_space<semaphore_mem>>) {add = true}
      %add3A_135 = arith.constant 1 : i32
      %add3A_136 = arith.addi %mul3A_110, %add3A_135 : i32
      %dma_wait3A_137 = arith.constant 0 : i32
      %dma_wait3A_138 = tpu.memref_slice %arg6[%add3A_136, %dma_wait3A_137] : memref<16x128xi32, #tpu.memory_space<vmem>> -> memref<1x128xi32, #tpu.memory_space<vmem>>
      %dma_wait3A_139 = tpu.memref_squeeze %dma_wait3A_138 : memref<1x128xi32, #tpu.memory_space<vmem>> -> memref<128xi32, #tpu.memory_space<vmem>>
      %dma_wait3A_140 = arith.constant 0 : i32
      %dma_wait3A_141 = arith.constant 0 : i32
      %dma_wait3A_142 = tpu.memref_slice %arg2[%dma_wait3A_140, %dma_wait3A_141] : memref<10000x128xf32, #tpu.memory_space<hbm>> -> memref<10000x128xf32, #tpu.memory_space<hbm>>
      tpu.wait_indirect_dma semaphore(%arg11 : memref<!tpu.dma_semaphore, #tpu.memory_space<semaphore_mem>>) src(%dma_wait3A_142 : memref<10000x128xf32, #tpu.memory_space<hbm>>) dst(%arg9 : memref<128x128xf32, #tpu.memory_space<vmem>>)
      %add3A_143 = arith.constant 1 : i32
      %add3A_144 = arith.addi %add3A_112, %add3A_143 : i32
      %dma_start3A_145 = arith.constant 0 : i32
      %dma_start3A_146 = tpu.memref_slice %arg7[%add3A_144, %dma_start3A_145] : memref<80x128xi32, #tpu.memory_space<vmem>> -> memref<1x128xi32, #tpu.memory_space<vmem>>
      %dma_start3A_147 = tpu.memref_squeeze %dma_start3A_146 : memref<1x128xi32, #tpu.memory_space<vmem>> -> memref<128xi32, #tpu.memory_space<vmem>>
      %dma_start3A_148 = arith.constant 0 : i32
      %dma_start3A_149 = arith.constant 0 : i32
      %dma_start3A_150 = tpu.memref_slice %arg10[%dma_start3A_148, %dma_start3A_149] : memref<10240x128xf32, #tpu.memory_space<vmem_shared>> -> memref<10240x128xf32, #tpu.memory_space<vmem_shared>>
      tpu.enqueue_indirect_dma source(%arg9 : memref<128x128xf32, #tpu.memory_space<vmem>>) target(%dma_start3A_150 : memref<10240x128xf32, #tpu.memory_space<vmem_shared>>) offsets(%dma_start3A_147 : memref<128xi32, #tpu.memory_space<vmem>>) semaphore(%arg12 : memref<!tpu.dma_semaphore, #tpu.memory_space<semaphore_mem>>) {add = true}
      %dma_wait3A_151 = arith.constant 0 : i32
      %dma_wait3A_152 = tpu.memref_slice %arg7[%add3A_112, %dma_wait3A_151] : memref<80x128xi32, #tpu.memory_space<vmem>> -> memref<1x128xi32, #tpu.memory_space<vmem>>
      %dma_wait3A_153 = tpu.memref_squeeze %dma_wait3A_152 : memref<1x128xi32, #tpu.memory_space<vmem>> -> memref<128xi32, #tpu.memory_space<vmem>>
      %dma_wait3A_154 = arith.constant 0 : i32
      %dma_wait3A_155 = arith.constant 0 : i32
      %dma_wait3A_156 = tpu.memref_slice %arg10[%dma_wait3A_154, %dma_wait3A_155] : memref<10240x128xf32, #tpu.memory_space<vmem_shared>> -> memref<10240x128xf32, #tpu.memory_space<vmem_shared>>
      tpu.wait_indirect_dma semaphore(%arg12 : memref<!tpu.dma_semaphore, #tpu.memory_space<semaphore_mem>>) src(%arg8 : memref<128x128xf32, #tpu.memory_space<vmem>>) dst(%dma_wait3A_156 : memref<10240x128xf32, #tpu.memory_space<vmem_shared>>)
      %lt3A = arith.constant 7 : i32
      %lt3A_157 = arith.cmpi slt, %scan3A_107, %lt3A : i32
      %convert_element_type3A_158 = arith.extui %lt3A_157 : i1 to i32
      %cond3A_159 = arith.constant 0 : i32
      %cond3A_160 = arith.cmpi ne, %convert_element_type3A_158, %cond3A_159 : i32
      scf.if %cond3A_160 {
        %add3A_162 = arith.constant 2 : i32
        %add3A_163 = arith.addi %mul3A_110, %add3A_162 : i32
        %dma_start3A_164 = arith.constant 0 : i32
        %dma_start3A_165 = tpu.memref_slice %arg6[%add3A_163, %dma_start3A_164] : memref<16x128xi32, #tpu.memory_space<vmem>> -> memref<1x128xi32, #tpu.memory_space<vmem>>
        %dma_start3A_166 = tpu.memref_squeeze %dma_start3A_165 : memref<1x128xi32, #tpu.memory_space<vmem>> -> memref<128xi32, #tpu.memory_space<vmem>>
        %dma_start3A_167 = arith.constant 0 : i32
        %dma_start3A_168 = arith.constant 0 : i32
        %dma_start3A_169 = tpu.memref_slice %arg2[%dma_start3A_167, %dma_start3A_168] : memref<10000x128xf32, #tpu.memory_space<hbm>> -> memref<10000x128xf32, #tpu.memory_space<hbm>>
        tpu.enqueue_indirect_dma source(%dma_start3A_169 : memref<10000x128xf32, #tpu.memory_space<hbm>>) target(%arg8 : memref<128x128xf32, #tpu.memory_space<vmem>>) offsets(%dma_start3A_166 : memref<128xi32, #tpu.memory_space<vmem>>) semaphore(%arg11 : memref<!tpu.dma_semaphore, #tpu.memory_space<semaphore_mem>>)
      } else {
      }
      %scan3A_161 = arith.constant 0 : i32
      scf.yield %scan3A_161 : i32
    }
    %scan3A_83 = arith.constant 8 : i32
    %add3A_84 = arith.constant 64 : i32
    %add3A_85 = arith.addi %mul3A_20, %add3A_84 : i32
    "tpu.region"() ({
      %run_scoped3A = tpu.sem_alloc : memref<!tpu.dma_semaphore, #tpu.memory_space<semaphore_mem>>
      %dma_start3A_107 = arith.constant 0 : i32
      %dma_start3A_108 = tpu.memref_slice %arg3[%add3A_85, %dma_start3A_107] : memref<2560x128xi32, #tpu.memory_space<hbm>> -> memref<16x128xi32, #tpu.memory_space<hbm>>
      %dma_start3A_109 = arith.constant 0 : i32
      %dma_start3A_110 = tpu.memref_slice %arg3[%add3A_85, %dma_start3A_109] : memref<2560x128xi32, #tpu.memory_space<hbm>> -> memref<16x128xi32, #tpu.memory_space<hbm>>
      tpu.enqueue_dma source(%dma_start3A_110 : memref<16x128xi32, #tpu.memory_space<hbm>>) target(%arg6 : memref<16x128xi32, #tpu.memory_space<vmem>>) target_semaphore(%run_scoped3A : memref<!tpu.dma_semaphore, #tpu.memory_space<semaphore_mem>>)
      %dma_wait3A_111 = arith.constant 0 : i32
      %dma_wait3A_112 = tpu.memref_slice %arg3[%add3A_85, %dma_wait3A_111] : memref<2560x128xi32, #tpu.memory_space<hbm>> -> memref<16x128xi32, #tpu.memory_space<hbm>>
      %dma_wait3A_113 = arith.constant 0 : i32
      %dma_wait3A_114 = tpu.memref_slice %arg3[%add3A_85, %dma_wait3A_113] : memref<2560x128xi32, #tpu.memory_space<hbm>> -> memref<16x128xi32, #tpu.memory_space<hbm>>
      tpu.wait_dma2 semaphore(%run_scoped3A : memref<!tpu.dma_semaphore, #tpu.memory_space<semaphore_mem>>) src(%dma_wait3A_114 : memref<16x128xi32, #tpu.memory_space<hbm>>) dst(%arg6 : memref<16x128xi32, #tpu.memory_space<vmem>>)
      tpu.yield
    }) : () -> ()
    %dma_start3A_86 = arith.constant 0 : i32
    %dma_start3A_87 = arith.constant 0 : i32
    %dma_start3A_88 = tpu.memref_slice %arg6[%dma_start3A_86, %dma_start3A_87] : memref<16x128xi32, #tpu.memory_space<vmem>> -> memref<1x128xi32, #tpu.memory_space<vmem>>
    %dma_start3A_89 = tpu.memref_squeeze %dma_start3A_88 : memref<1x128xi32, #tpu.memory_space<vmem>> -> memref<128xi32, #tpu.memory_space<vmem>>
    %dma_start3A_90 = arith.constant 0 : i32
    %dma_start3A_91 = arith.constant 0 : i32
    %dma_start3A_92 = tpu.memref_slice %arg2[%dma_start3A_90, %dma_start3A_91] : memref<10000x128xf32, #tpu.memory_space<hbm>> -> memref<10000x128xf32, #tpu.memory_space<hbm>>
    tpu.enqueue_indirect_dma source(%dma_start3A_92 : memref<10000x128xf32, #tpu.memory_space<hbm>>) target(%arg8 : memref<128x128xf32, #tpu.memory_space<vmem>>) offsets(%dma_start3A_89 : memref<128xi32, #tpu.memory_space<vmem>>) semaphore(%arg11 : memref<!tpu.dma_semaphore, #tpu.memory_space<semaphore_mem>>)
    %scan3A_93 = arith.constant 0 : i32
    %scan3A_94 = arith.constant 0 : i32
    %scan3A_95 = arith.constant 8 : i32
    %scan3A_96 = arith.addi %scan3A_94, %scan3A_95 : i32
    %scan3A_97 = arith.constant 1 : i32
    %scan3A_98 = scf.for %scan3A_107 = %scan3A_94 to %scan3A_96 step %scan3A_97 iter_args(%scan3A_108 = %scan3A_93) -> (i32)  : i32 {
      %mul3A_109 = arith.constant 2 : i32
      %mul3A_110 = arith.muli %mul3A_109, %scan3A_107 : i32
      %add3A_111 = arith.constant 64 : i32
      %add3A_112 = arith.addi %add3A_111, %mul3A_110 : i32
      %dma_wait3A_113 = arith.constant 0 : i32
      %dma_wait3A_114 = tpu.memref_slice %arg6[%mul3A_110, %dma_wait3A_113] : memref<16x128xi32, #tpu.memory_space<vmem>> -> memref<1x128xi32, #tpu.memory_space<vmem>>
      %dma_wait3A_115 = tpu.memref_squeeze %dma_wait3A_114 : memref<1x128xi32, #tpu.memory_space<vmem>> -> memref<128xi32, #tpu.memory_space<vmem>>
      %dma_wait3A_116 = arith.constant 0 : i32
      %dma_wait3A_117 = arith.constant 0 : i32
      %dma_wait3A_118 = tpu.memref_slice %arg2[%dma_wait3A_116, %dma_wait3A_117] : memref<10000x128xf32, #tpu.memory_space<hbm>> -> memref<10000x128xf32, #tpu.memory_space<hbm>>
      tpu.wait_indirect_dma semaphore(%arg11 : memref<!tpu.dma_semaphore, #tpu.memory_space<semaphore_mem>>) src(%dma_wait3A_118 : memref<10000x128xf32, #tpu.memory_space<hbm>>) dst(%arg8 : memref<128x128xf32, #tpu.memory_space<vmem>>)
      %gt3A = arith.constant 0 : i32
      %gt3A_119 = arith.cmpi sgt, %add3A_112, %gt3A : i32
      %convert_element_type3A = arith.extui %gt3A_119 : i1 to i32
      %cond3A = arith.constant 0 : i32
      %cond3A_120 = arith.cmpi ne, %convert_element_type3A, %cond3A : i32
      scf.if %cond3A_120 {
        %sub3A = arith.constant 1 : i32
        %sub3A_162 = arith.subi %add3A_112, %sub3A : i32
        %dma_wait3A_163 = arith.constant 0 : i32
        %dma_wait3A_164 = tpu.memref_slice %arg7[%sub3A_162, %dma_wait3A_163] : memref<80x128xi32, #tpu.memory_space<vmem>> -> memref<1x128xi32, #tpu.memory_space<vmem>>
        %dma_wait3A_165 = tpu.memref_squeeze %dma_wait3A_164 : memref<1x128xi32, #tpu.memory_space<vmem>> -> memref<128xi32, #tpu.memory_space<vmem>>
        %dma_wait3A_166 = arith.constant 0 : i32
        %dma_wait3A_167 = arith.constant 0 : i32
        %dma_wait3A_168 = tpu.memref_slice %arg10[%dma_wait3A_166, %dma_wait3A_167] : memref<10240x128xf32, #tpu.memory_space<vmem_shared>> -> memref<10240x128xf32, #tpu.memory_space<vmem_shared>>
        tpu.wait_indirect_dma semaphore(%arg12 : memref<!tpu.dma_semaphore, #tpu.memory_space<semaphore_mem>>) src(%arg9 : memref<128x128xf32, #tpu.memory_space<vmem>>) dst(%dma_wait3A_168 : memref<10240x128xf32, #tpu.memory_space<vmem_shared>>)
      } else {
      }
      %add3A_121 = arith.constant 1 : i32
      %add3A_122 = arith.addi %mul3A_110, %add3A_121 : i32
      %dma_start3A_123 = arith.constant 0 : i32
      %dma_start3A_124 = tpu.memref_slice %arg6[%add3A_122, %dma_start3A_123] : memref<16x128xi32, #tpu.memory_space<vmem>> -> memref<1x128xi32, #tpu.memory_space<vmem>>
      %dma_start3A_125 = tpu.memref_squeeze %dma_start3A_124 : memref<1x128xi32, #tpu.memory_space<vmem>> -> memref<128xi32, #tpu.memory_space<vmem>>
      %dma_start3A_126 = arith.constant 0 : i32
      %dma_start3A_127 = arith.constant 0 : i32
      %dma_start3A_128 = tpu.memref_slice %arg2[%dma_start3A_126, %dma_start3A_127] : memref<10000x128xf32, #tpu.memory_space<hbm>> -> memref<10000x128xf32, #tpu.memory_space<hbm>>
      tpu.enqueue_indirect_dma source(%dma_start3A_128 : memref<10000x128xf32, #tpu.memory_space<hbm>>) target(%arg9 : memref<128x128xf32, #tpu.memory_space<vmem>>) offsets(%dma_start3A_125 : memref<128xi32, #tpu.memory_space<vmem>>) semaphore(%arg11 : memref<!tpu.dma_semaphore, #tpu.memory_space<semaphore_mem>>)
      %dma_start3A_129 = arith.constant 0 : i32
      %dma_start3A_130 = tpu.memref_slice %arg7[%add3A_112, %dma_start3A_129] : memref<80x128xi32, #tpu.memory_space<vmem>> -> memref<1x128xi32, #tpu.memory_space<vmem>>
      %dma_start3A_131 = tpu.memref_squeeze %dma_start3A_130 : memref<1x128xi32, #tpu.memory_space<vmem>> -> memref<128xi32, #tpu.memory_space<vmem>>
      %dma_start3A_132 = arith.constant 0 : i32
      %dma_start3A_133 = arith.constant 0 : i32
      %dma_start3A_134 = tpu.memref_slice %arg10[%dma_start3A_132, %dma_start3A_133] : memref<10240x128xf32, #tpu.memory_space<vmem_shared>> -> memref<10240x128xf32, #tpu.memory_space<vmem_shared>>
      tpu.enqueue_indirect_dma source(%arg8 : memref<128x128xf32, #tpu.memory_space<vmem>>) target(%dma_start3A_134 : memref<10240x128xf32, #tpu.memory_space<vmem_shared>>) offsets(%dma_start3A_131 : memref<128xi32, #tpu.memory_space<vmem>>) semaphore(%arg12 : memref<!tpu.dma_semaphore, #tpu.memory_space<semaphore_mem>>) {add = true}
      %add3A_135 = arith.constant 1 : i32
      %add3A_136 = arith.addi %mul3A_110, %add3A_135 : i32
      %dma_wait3A_137 = arith.constant 0 : i32
      %dma_wait3A_138 = tpu.memref_slice %arg6[%add3A_136, %dma_wait3A_137] : memref<16x128xi32, #tpu.memory_space<vmem>> -> memref<1x128xi32, #tpu.memory_space<vmem>>
      %dma_wait3A_139 = tpu.memref_squeeze %dma_wait3A_138 : memref<1x128xi32, #tpu.memory_space<vmem>> -> memref<128xi32, #tpu.memory_space<vmem>>
      %dma_wait3A_140 = arith.constant 0 : i32
      %dma_wait3A_141 = arith.constant 0 : i32
      %dma_wait3A_142 = tpu.memref_slice %arg2[%dma_wait3A_140, %dma_wait3A_141] : memref<10000x128xf32, #tpu.memory_space<hbm>> -> memref<10000x128xf32, #tpu.memory_space<hbm>>
      tpu.wait_indirect_dma semaphore(%arg11 : memref<!tpu.dma_semaphore, #tpu.memory_space<semaphore_mem>>) src(%dma_wait3A_142 : memref<10000x128xf32, #tpu.memory_space<hbm>>) dst(%arg9 : memref<128x128xf32, #tpu.memory_space<vmem>>)
      %add3A_143 = arith.constant 1 : i32
      %add3A_144 = arith.addi %add3A_112, %add3A_143 : i32
      %dma_start3A_145 = arith.constant 0 : i32
      %dma_start3A_146 = tpu.memref_slice %arg7[%add3A_144, %dma_start3A_145] : memref<80x128xi32, #tpu.memory_space<vmem>> -> memref<1x128xi32, #tpu.memory_space<vmem>>
      %dma_start3A_147 = tpu.memref_squeeze %dma_start3A_146 : memref<1x128xi32, #tpu.memory_space<vmem>> -> memref<128xi32, #tpu.memory_space<vmem>>
      %dma_start3A_148 = arith.constant 0 : i32
      %dma_start3A_149 = arith.constant 0 : i32
      %dma_start3A_150 = tpu.memref_slice %arg10[%dma_start3A_148, %dma_start3A_149] : memref<10240x128xf32, #tpu.memory_space<vmem_shared>> -> memref<10240x128xf32, #tpu.memory_space<vmem_shared>>
      tpu.enqueue_indirect_dma source(%arg9 : memref<128x128xf32, #tpu.memory_space<vmem>>) target(%dma_start3A_150 : memref<10240x128xf32, #tpu.memory_space<vmem_shared>>) offsets(%dma_start3A_147 : memref<128xi32, #tpu.memory_space<vmem>>) semaphore(%arg12 : memref<!tpu.dma_semaphore, #tpu.memory_space<semaphore_mem>>) {add = true}
      %dma_wait3A_151 = arith.constant 0 : i32
      %dma_wait3A_152 = tpu.memref_slice %arg7[%add3A_112, %dma_wait3A_151] : memref<80x128xi32, #tpu.memory_space<vmem>> -> memref<1x128xi32, #tpu.memory_space<vmem>>
      %dma_wait3A_153 = tpu.memref_squeeze %dma_wait3A_152 : memref<1x128xi32, #tpu.memory_space<vmem>> -> memref<128xi32, #tpu.memory_space<vmem>>
      %dma_wait3A_154 = arith.constant 0 : i32
      %dma_wait3A_155 = arith.constant 0 : i32
      %dma_wait3A_156 = tpu.memref_slice %arg10[%dma_wait3A_154, %dma_wait3A_155] : memref<10240x128xf32, #tpu.memory_space<vmem_shared>> -> memref<10240x128xf32, #tpu.memory_space<vmem_shared>>
      tpu.wait_indirect_dma semaphore(%arg12 : memref<!tpu.dma_semaphore, #tpu.memory_space<semaphore_mem>>) src(%arg8 : memref<128x128xf32, #tpu.memory_space<vmem>>) dst(%dma_wait3A_156 : memref<10240x128xf32, #tpu.memory_space<vmem_shared>>)
      %lt3A = arith.constant 7 : i32
      %lt3A_157 = arith.cmpi slt, %scan3A_107, %lt3A : i32
      %convert_element_type3A_158 = arith.extui %lt3A_157 : i1 to i32
      %cond3A_159 = arith.constant 0 : i32
      %cond3A_160 = arith.cmpi ne, %convert_element_type3A_158, %cond3A_159 : i32
      scf.if %cond3A_160 {
        %add3A_162 = arith.constant 2 : i32
        %add3A_163 = arith.addi %mul3A_110, %add3A_162 : i32
        %dma_start3A_164 = arith.constant 0 : i32
        %dma_start3A_165 = tpu.memref_slice %arg6[%add3A_163, %dma_start3A_164] : memref<16x128xi32, #tpu.memory_space<vmem>> -> memref<1x128xi32, #tpu.memory_space<vmem>>
        %dma_start3A_166 = tpu.memref_squeeze %dma_start3A_165 : memref<1x128xi32, #tpu.memory_space<vmem>> -> memref<128xi32, #tpu.memory_space<vmem>>
        %dma_start3A_167 = arith.constant 0 : i32
        %dma_start3A_168 = arith.constant 0 : i32
        %dma_start3A_169 = tpu.memref_slice %arg2[%dma_start3A_167, %dma_start3A_168] : memref<10000x128xf32, #tpu.memory_space<hbm>> -> memref<10000x128xf32, #tpu.memory_space<hbm>>
        tpu.enqueue_indirect_dma source(%dma_start3A_169 : memref<10000x128xf32, #tpu.memory_space<hbm>>) target(%arg8 : memref<128x128xf32, #tpu.memory_space<vmem>>) offsets(%dma_start3A_166 : memref<128xi32, #tpu.memory_space<vmem>>) semaphore(%arg11 : memref<!tpu.dma_semaphore, #tpu.memory_space<semaphore_mem>>)
      } else {
      }
      %scan3A_161 = arith.constant 0 : i32
      scf.yield %scan3A_161 : i32
    }
    %scan3A_99 = arith.constant 8 : i32
    %dma_wait3A = arith.constant 79 : i32
    %dma_wait3A_100 = arith.constant 0 : i32
    %dma_wait3A_101 = tpu.memref_slice %arg7[%dma_wait3A, %dma_wait3A_100] : memref<80x128xi32, #tpu.memory_space<vmem>> -> memref<1x128xi32, #tpu.memory_space<vmem>>
    %dma_wait3A_102 = tpu.memref_squeeze %dma_wait3A_101 : memref<1x128xi32, #tpu.memory_space<vmem>> -> memref<128xi32, #tpu.memory_space<vmem>>
    %dma_wait3A_103 = arith.constant 0 : i32
    %dma_wait3A_104 = arith.constant 0 : i32
    %dma_wait3A_105 = tpu.memref_slice %arg10[%dma_wait3A_103, %dma_wait3A_104] : memref<10240x128xf32, #tpu.memory_space<vmem_shared>> -> memref<10240x128xf32, #tpu.memory_space<vmem_shared>>
    tpu.wait_indirect_dma semaphore(%arg12 : memref<!tpu.dma_semaphore, #tpu.memory_space<semaphore_mem>>) src(%arg9 : memref<128x128xf32, #tpu.memory_space<vmem>>) dst(%dma_wait3A_105 : memref<10240x128xf32, #tpu.memory_space<vmem_shared>>)
    %barrier3A_106 = arith.constant 0 : index
    tpu.barrier barrier_id(%barrier3A_106)
    "tpu.region"() ({
      %run_scoped3A = tpu.sem_alloc : memref<!tpu.dma_semaphore, #tpu.memory_space<semaphore_mem>>
      %dma_start3A_107 = arith.constant 0 : i32
      %dma_start3A_108 = tpu.memref_slice %arg5[%arg0, %mul3A_8, %dma_start3A_107] : memref<2x10240x128xf32, #tpu.memory_space<hbm>> -> memref<1x640x128xf32, #tpu.memory_space<hbm>>
      %dma_start3A_109 = tpu.memref_squeeze %dma_start3A_108 : memref<1x640x128xf32, #tpu.memory_space<hbm>> -> memref<640x128xf32, #tpu.memory_space<hbm>>
      %dma_start3A_110 = arith.constant 0 : i32
      %dma_start3A_111 = tpu.memref_slice %arg10[%mul3A_8, %dma_start3A_110] : memref<10240x128xf32, #tpu.memory_space<vmem_shared>> -> memref<640x128xf32, #tpu.memory_space<vmem_shared>>
      tpu.enqueue_dma source(%dma_start3A_111 : memref<640x128xf32, #tpu.memory_space<vmem_shared>>) target(%dma_start3A_109 : memref<640x128xf32, #tpu.memory_space<hbm>>) target_semaphore(%run_scoped3A : memref<!tpu.dma_semaphore, #tpu.memory_space<semaphore_mem>>)
      %dma_wait3A_112 = arith.constant 0 : i32
      %dma_wait3A_113 = tpu.memref_slice %arg5[%arg0, %mul3A_8, %dma_wait3A_112] : memref<2x10240x128xf32, #tpu.memory_space<hbm>> -> memref<1x640x128xf32, #tpu.memory_space<hbm>>
      %dma_wait3A_114 = tpu.memref_squeeze %dma_wait3A_113 : memref<1x640x128xf32, #tpu.memory_space<hbm>> -> memref<640x128xf32, #tpu.memory_space<hbm>>
      %dma_wait3A_115 = arith.constant 0 : i32
      %dma_wait3A_116 = tpu.memref_slice %arg10[%mul3A_8, %dma_wait3A_115] : memref<10240x128xf32, #tpu.memory_space<vmem_shared>> -> memref<640x128xf32, #tpu.memory_space<vmem_shared>>
      tpu.wait_dma2 semaphore(%run_scoped3A : memref<!tpu.dma_semaphore, #tpu.memory_space<semaphore_mem>>) src(%dma_wait3A_116 : memref<640x128xf32, #tpu.memory_space<vmem_shared>>) dst(%dma_wait3A_114 : memref<640x128xf32, #tpu.memory_space<hbm>>)
      tpu.yield
    }) : () -> ()
    return
  }
}

#map = affine_map<(d0, d1) -> (0, 0)>
module attributes {stable_mosaic.version = 14 : i64} {
  func.func @_sc_deg_body(%arg0: i32, %arg1: i32, %arg2: memref<2560x128xi32, #tpu.memory_space<hbm>>, %arg3: memref<2560x128xi32, #tpu.memory_space<hbm>>, %arg4: memref<2x10240xf32, #tpu.memory_space<hbm>>, %arg5: memref<80x128xi32, #tpu.memory_space<vmem>>, %arg6: memref<128xf32, #tpu.memory_space<vmem>>, %arg7: memref<640xf32, #tpu.memory_space<vmem>>, %arg8: memref<10240xf32, #tpu.memory_space<vmem_shared>>, %arg9: memref<!tpu.dma_semaphore, #tpu.memory_space<semaphore_mem>>) attributes {dimension_semantics = [#tpu.dimension_semantics<core_parallel>, #tpu.dimension_semantics<subcore_parallel>], iteration_bounds = array<i64: 2, 16>, scalar_prefetch = 0 : i64, scratch_operands = 5 : i64, tpu.core_type = #tpu.core_type<sc_vector_subcore>, window_params = [{transform_indices = #map}, {transform_indices = #map}, {transform_indices = #map}]} {
    %mul3A = arith.constant 16 : i32
    %mul3A_0 = arith.muli %arg0, %mul3A : i32
    %add3A = arith.addi %mul3A_0, %arg1 : i32
    %scan3A = arith.constant 0 : i32
    %scan3A_1 = arith.constant 0 : i32
    %scan3A_2 = arith.constant 40 : i32
    %scan3A_3 = arith.addi %scan3A_1, %scan3A_2 : i32
    %scan3A_4 = arith.constant 1 : i32
    %scan3A_5 = scf.for %scan3A_87 = %scan3A_1 to %scan3A_3 step %scan3A_4 iter_args(%scan3A_88 = %scan3A) -> (i32)  : i32 {
      %broadcast_in_dim3A = arith.constant 0.000000e+00 : f32
      %broadcast_in_dim3A_89 = vector.broadcast %broadcast_in_dim3A : f32 to vector<16xf32>
      %mul3A_90 = arith.constant 16 : i32
      %mul3A_91 = arith.muli %scan3A_87, %mul3A_90 : i32
      %swap3A = arith.index_cast %mul3A_91 : i32 to index
      %swap3A_92 = tpu.vector_load %arg7[%swap3A] {strides = array<i32>} : memref<640xf32, #tpu.memory_space<vmem>>, vector<16xf32>,
      %swap3A_93 = vector.shape_cast %swap3A_92 : vector<16xf32> to vector<16xf32>
      %swap3A_94 = vector.shape_cast %broadcast_in_dim3A_89 : vector<16xf32> to vector<16xf32>
      tpu.vector_store %arg7[%swap3A], %swap3A_94 {strides = array<i32>} : memref<640xf32, #tpu.memory_space<vmem>>, vector<16xf32>,
      %scan3A_95 = arith.constant 0 : i32
      scf.yield %scan3A_95 : i32
    }
    %scan3A_6 = arith.constant 40 : i32
    %mul3A_7 = arith.constant 640 : i32
    %mul3A_8 = arith.muli %arg1, %mul3A_7 : i32
    "tpu.region"() ({
      %run_scoped3A = tpu.sem_alloc : memref<!tpu.dma_semaphore, #tpu.memory_space<semaphore_mem>>
      %dma_start3A = tpu.memref_slice %arg8[%mul3A_8] : memref<10240xf32, #tpu.memory_space<vmem_shared>> -> memref<640xf32, #tpu.memory_space<vmem_shared>>
      %dma_start3A_87 = tpu.memref_slice %arg8[%mul3A_8] : memref<10240xf32, #tpu.memory_space<vmem_shared>> -> memref<640xf32, #tpu.memory_space<vmem_shared>>
      tpu.enqueue_dma source(%arg7 : memref<640xf32, #tpu.memory_space<vmem>>) target(%dma_start3A_87 : memref<640xf32, #tpu.memory_space<vmem_shared>>) target_semaphore(%run_scoped3A : memref<!tpu.dma_semaphore, #tpu.memory_space<semaphore_mem>>)
      %dma_wait3A_88 = tpu.memref_slice %arg8[%mul3A_8] : memref<10240xf32, #tpu.memory_space<vmem_shared>> -> memref<640xf32, #tpu.memory_space<vmem_shared>>
      %dma_wait3A_89 = tpu.memref_slice %arg8[%mul3A_8] : memref<10240xf32, #tpu.memory_space<vmem_shared>> -> memref<640xf32, #tpu.memory_space<vmem_shared>>
      tpu.wait_dma2 semaphore(%run_scoped3A : memref<!tpu.dma_semaphore, #tpu.memory_space<semaphore_mem>>) src(%arg7 : memref<640xf32, #tpu.memory_space<vmem>>) dst(%dma_wait3A_89 : memref<640xf32, #tpu.memory_space<vmem_shared>>)
      tpu.yield
    }) : () -> ()
    %scan3A_9 = arith.constant 0 : i32
    %scan3A_10 = arith.constant 0 : i32
    %scan3A_11 = arith.constant 8 : i32
    %scan3A_12 = arith.addi %scan3A_10, %scan3A_11 : i32
    %scan3A_13 = arith.constant 1 : i32
    %scan3A_14 = scf.for %scan3A_87 = %scan3A_10 to %scan3A_12 step %scan3A_13 iter_args(%scan3A_88 = %scan3A_9) -> (i32)  : i32 {
      %broadcast_in_dim3A = arith.constant 1.000000e+00 : f32
      %broadcast_in_dim3A_89 = vector.broadcast %broadcast_in_dim3A : f32 to vector<16xf32>
      %mul3A_90 = arith.constant 16 : i32
      %mul3A_91 = arith.muli %scan3A_87, %mul3A_90 : i32
      %swap3A = arith.index_cast %mul3A_91 : i32 to index
      %swap3A_92 = tpu.vector_load %arg6[%swap3A] {strides = array<i32>} : memref<128xf32, #tpu.memory_space<vmem>>, vector<16xf32>,
      %swap3A_93 = vector.shape_cast %swap3A_92 : vector<16xf32> to vector<16xf32>
      %swap3A_94 = vector.shape_cast %broadcast_in_dim3A_89 : vector<16xf32> to vector<16xf32>
      tpu.vector_store %arg6[%swap3A], %swap3A_94 {strides = array<i32>} : memref<128xf32, #tpu.memory_space<vmem>>, vector<16xf32>,
      %scan3A_95 = arith.constant 0 : i32
      scf.yield %scan3A_95 : i32
    }
    %scan3A_15 = arith.constant 8 : i32
    %barrier3A = arith.constant 0 : index
    tpu.barrier barrier_id(%barrier3A)
    %mul3A_16 = arith.constant 80 : i32
    %mul3A_17 = arith.muli %add3A, %mul3A_16 : i32
    "tpu.region"() ({
      %run_scoped3A = tpu.sem_alloc : memref<!tpu.dma_semaphore, #tpu.memory_space<semaphore_mem>>
      %dma_start3A = arith.constant 0 : i32
      %dma_start3A_87 = tpu.memref_slice %arg3[%mul3A_17, %dma_start3A] : memref<2560x128xi32, #tpu.memory_space<hbm>> -> memref<80x128xi32, #tpu.memory_space<hbm>>
      %dma_start3A_88 = arith.constant 0 : i32
      %dma_start3A_89 = tpu.memref_slice %arg3[%mul3A_17, %dma_start3A_88] : memref<2560x128xi32, #tpu.memory_space<hbm>> -> memref<80x128xi32, #tpu.memory_space<hbm>>
      tpu.enqueue_dma source(%dma_start3A_89 : memref<80x128xi32, #tpu.memory_space<hbm>>) target(%arg5 : memref<80x128xi32, #tpu.memory_space<vmem>>) target_semaphore(%run_scoped3A : memref<!tpu.dma_semaphore, #tpu.memory_space<semaphore_mem>>)
      %dma_wait3A_90 = arith.constant 0 : i32
      %dma_wait3A_91 = tpu.memref_slice %arg3[%mul3A_17, %dma_wait3A_90] : memref<2560x128xi32, #tpu.memory_space<hbm>> -> memref<80x128xi32, #tpu.memory_space<hbm>>
      %dma_wait3A_92 = arith.constant 0 : i32
      %dma_wait3A_93 = tpu.memref_slice %arg3[%mul3A_17, %dma_wait3A_92] : memref<2560x128xi32, #tpu.memory_space<hbm>> -> memref<80x128xi32, #tpu.memory_space<hbm>>
      tpu.wait_dma2 semaphore(%run_scoped3A : memref<!tpu.dma_semaphore, #tpu.memory_space<semaphore_mem>>) src(%dma_wait3A_93 : memref<80x128xi32, #tpu.memory_space<hbm>>) dst(%arg5 : memref<80x128xi32, #tpu.memory_space<vmem>>)
      tpu.yield
    }) : () -> ()
    %scan3A_18 = arith.constant 0 : i32
    %scan3A_19 = arith.constant 0 : i32
    %scan3A_20 = arith.constant 8 : i32
    %scan3A_21 = arith.addi %scan3A_19, %scan3A_20 : i32
    %scan3A_22 = arith.constant 1 : i32
    %scan3A_23 = scf.for %scan3A_87 = %scan3A_19 to %scan3A_21 step %scan3A_22 iter_args(%scan3A_88 = %scan3A_18) -> (i32)  : i32 {
      %mul3A_89 = arith.constant 10 : i32
      %mul3A_90 = arith.muli %scan3A_87, %mul3A_89 : i32
      %gt3A = arith.constant 0 : i32
      %gt3A_91 = arith.cmpi sgt, %scan3A_87, %gt3A : i32
      %convert_element_type3A = arith.extui %gt3A_91 : i1 to i32
      %cond3A = arith.constant 0 : i32
      %cond3A_92 = arith.cmpi ne, %convert_element_type3A, %cond3A : i32
      scf.if %cond3A_92 {
        %sub3A = arith.constant 10 : i32
        %sub3A_163 = arith.subi %mul3A_90, %sub3A : i32
        %add3A_164 = arith.constant 0 : i32
        %add3A_165 = arith.addi %sub3A_163, %add3A_164 : i32
        %dma_wait3A_166 = arith.constant 0 : i32
        %dma_wait3A_167 = tpu.memref_slice %arg5[%add3A_165, %dma_wait3A_166] : memref<80x128xi32, #tpu.memory_space<vmem>> -> memref<1x128xi32, #tpu.memory_space<vmem>>
        %dma_wait3A_168 = tpu.memref_squeeze %dma_wait3A_167 : memref<1x128xi32, #tpu.memory_space<vmem>> -> memref<128xi32, #tpu.memory_space<vmem>>
        %dma_wait3A_169 = arith.constant 0 : i32
        %dma_wait3A_170 = tpu.memref_slice %arg8[%dma_wait3A_169] : memref<10240xf32, #tpu.memory_space<vmem_shared>> -> memref<10240xf32, #tpu.memory_space<vmem_shared>>
        tpu.wait_indirect_dma semaphore(%arg9 : memref<!tpu.dma_semaphore, #tpu.memory_space<semaphore_mem>>) src(%arg6 : memref<128xf32, #tpu.memory_space<vmem>>) dst(%dma_wait3A_170 : memref<10240xf32, #tpu.memory_space<vmem_shared>>)
        %sub3A_171 = arith.constant 10 : i32
        %sub3A_172 = arith.subi %mul3A_90, %sub3A_171 : i32
        %add3A_173 = arith.constant 1 : i32
        %add3A_174 = arith.addi %sub3A_172, %add3A_173 : i32
        %dma_wait3A_175 = arith.constant 0 : i32
        %dma_wait3A_176 = tpu.memref_slice %arg5[%add3A_174, %dma_wait3A_175] : memref<80x128xi32, #tpu.memory_space<vmem>> -> memref<1x128xi32, #tpu.memory_space<vmem>>
        %dma_wait3A_177 = tpu.memref_squeeze %dma_wait3A_176 : memref<1x128xi32, #tpu.memory_space<vmem>> -> memref<128xi32, #tpu.memory_space<vmem>>
        %dma_wait3A_178 = arith.constant 0 : i32
        %dma_wait3A_179 = tpu.memref_slice %arg8[%dma_wait3A_178] : memref<10240xf32, #tpu.memory_space<vmem_shared>> -> memref<10240xf32, #tpu.memory_space<vmem_shared>>
        tpu.wait_indirect_dma semaphore(%arg9 : memref<!tpu.dma_semaphore, #tpu.memory_space<semaphore_mem>>) src(%arg6 : memref<128xf32, #tpu.memory_space<vmem>>) dst(%dma_wait3A_179 : memref<10240xf32, #tpu.memory_space<vmem_shared>>)
        %sub3A_180 = arith.constant 10 : i32
        %sub3A_181 = arith.subi %mul3A_90, %sub3A_180 : i32
        %add3A_182 = arith.constant 2 : i32
        %add3A_183 = arith.addi %sub3A_181, %add3A_182 : i32
        %dma_wait3A_184 = arith.constant 0 : i32
        %dma_wait3A_185 = tpu.memref_slice %arg5[%add3A_183, %dma_wait3A_184] : memref<80x128xi32, #tpu.memory_space<vmem>> -> memref<1x128xi32, #tpu.memory_space<vmem>>
        %dma_wait3A_186 = tpu.memref_squeeze %dma_wait3A_185 : memref<1x128xi32, #tpu.memory_space<vmem>> -> memref<128xi32, #tpu.memory_space<vmem>>
        %dma_wait3A_187 = arith.constant 0 : i32
        %dma_wait3A_188 = tpu.memref_slice %arg8[%dma_wait3A_187] : memref<10240xf32, #tpu.memory_space<vmem_shared>> -> memref<10240xf32, #tpu.memory_space<vmem_shared>>
        tpu.wait_indirect_dma semaphore(%arg9 : memref<!tpu.dma_semaphore, #tpu.memory_space<semaphore_mem>>) src(%arg6 : memref<128xf32, #tpu.memory_space<vmem>>) dst(%dma_wait3A_188 : memref<10240xf32, #tpu.memory_space<vmem_shared>>)
        %sub3A_189 = arith.constant 10 : i32
        %sub3A_190 = arith.subi %mul3A_90, %sub3A_189 : i32
        %add3A_191 = arith.constant 3 : i32
        %add3A_192 = arith.addi %sub3A_190, %add3A_191 : i32
        %dma_wait3A_193 = arith.constant 0 : i32
        %dma_wait3A_194 = tpu.memref_slice %arg5[%add3A_192, %dma_wait3A_193] : memref<80x128xi32, #tpu.memory_space<vmem>> -> memref<1x128xi32, #tpu.memory_space<vmem>>
        %dma_wait3A_195 = tpu.memref_squeeze %dma_wait3A_194 : memref<1x128xi32, #tpu.memory_space<vmem>> -> memref<128xi32, #tpu.memory_space<vmem>>
        %dma_wait3A_196 = arith.constant 0 : i32
        %dma_wait3A_197 = tpu.memref_slice %arg8[%dma_wait3A_196] : memref<10240xf32, #tpu.memory_space<vmem_shared>> -> memref<10240xf32, #tpu.memory_space<vmem_shared>>
        tpu.wait_indirect_dma semaphore(%arg9 : memref<!tpu.dma_semaphore, #tpu.memory_space<semaphore_mem>>) src(%arg6 : memref<128xf32, #tpu.memory_space<vmem>>) dst(%dma_wait3A_197 : memref<10240xf32, #tpu.memory_space<vmem_shared>>)
        %sub3A_198 = arith.constant 10 : i32
        %sub3A_199 = arith.subi %mul3A_90, %sub3A_198 : i32
        %add3A_200 = arith.constant 4 : i32
        %add3A_201 = arith.addi %sub3A_199, %add3A_200 : i32
        %dma_wait3A_202 = arith.constant 0 : i32
        %dma_wait3A_203 = tpu.memref_slice %arg5[%add3A_201, %dma_wait3A_202] : memref<80x128xi32, #tpu.memory_space<vmem>> -> memref<1x128xi32, #tpu.memory_space<vmem>>
        %dma_wait3A_204 = tpu.memref_squeeze %dma_wait3A_203 : memref<1x128xi32, #tpu.memory_space<vmem>> -> memref<128xi32, #tpu.memory_space<vmem>>
        %dma_wait3A_205 = arith.constant 0 : i32
        %dma_wait3A_206 = tpu.memref_slice %arg8[%dma_wait3A_205] : memref<10240xf32, #tpu.memory_space<vmem_shared>> -> memref<10240xf32, #tpu.memory_space<vmem_shared>>
        tpu.wait_indirect_dma semaphore(%arg9 : memref<!tpu.dma_semaphore, #tpu.memory_space<semaphore_mem>>) src(%arg6 : memref<128xf32, #tpu.memory_space<vmem>>) dst(%dma_wait3A_206 : memref<10240xf32, #tpu.memory_space<vmem_shared>>)
        %sub3A_207 = arith.constant 10 : i32
        %sub3A_208 = arith.subi %mul3A_90, %sub3A_207 : i32
        %add3A_209 = arith.constant 5 : i32
        %add3A_210 = arith.addi %sub3A_208, %add3A_209 : i32
        %dma_wait3A_211 = arith.constant 0 : i32
        %dma_wait3A_212 = tpu.memref_slice %arg5[%add3A_210, %dma_wait3A_211] : memref<80x128xi32, #tpu.memory_space<vmem>> -> memref<1x128xi32, #tpu.memory_space<vmem>>
        %dma_wait3A_213 = tpu.memref_squeeze %dma_wait3A_212 : memref<1x128xi32, #tpu.memory_space<vmem>> -> memref<128xi32, #tpu.memory_space<vmem>>
        %dma_wait3A_214 = arith.constant 0 : i32
        %dma_wait3A_215 = tpu.memref_slice %arg8[%dma_wait3A_214] : memref<10240xf32, #tpu.memory_space<vmem_shared>> -> memref<10240xf32, #tpu.memory_space<vmem_shared>>
        tpu.wait_indirect_dma semaphore(%arg9 : memref<!tpu.dma_semaphore, #tpu.memory_space<semaphore_mem>>) src(%arg6 : memref<128xf32, #tpu.memory_space<vmem>>) dst(%dma_wait3A_215 : memref<10240xf32, #tpu.memory_space<vmem_shared>>)
        %sub3A_216 = arith.constant 10 : i32
        %sub3A_217 = arith.subi %mul3A_90, %sub3A_216 : i32
        %add3A_218 = arith.constant 6 : i32
        %add3A_219 = arith.addi %sub3A_217, %add3A_218 : i32
        %dma_wait3A_220 = arith.constant 0 : i32
        %dma_wait3A_221 = tpu.memref_slice %arg5[%add3A_219, %dma_wait3A_220] : memref<80x128xi32, #tpu.memory_space<vmem>> -> memref<1x128xi32, #tpu.memory_space<vmem>>
        %dma_wait3A_222 = tpu.memref_squeeze %dma_wait3A_221 : memref<1x128xi32, #tpu.memory_space<vmem>> -> memref<128xi32, #tpu.memory_space<vmem>>
        %dma_wait3A_223 = arith.constant 0 : i32
        %dma_wait3A_224 = tpu.memref_slice %arg8[%dma_wait3A_223] : memref<10240xf32, #tpu.memory_space<vmem_shared>> -> memref<10240xf32, #tpu.memory_space<vmem_shared>>
        tpu.wait_indirect_dma semaphore(%arg9 : memref<!tpu.dma_semaphore, #tpu.memory_space<semaphore_mem>>) src(%arg6 : memref<128xf32, #tpu.memory_space<vmem>>) dst(%dma_wait3A_224 : memref<10240xf32, #tpu.memory_space<vmem_shared>>)
        %sub3A_225 = arith.constant 10 : i32
        %sub3A_226 = arith.subi %mul3A_90, %sub3A_225 : i32
        %add3A_227 = arith.constant 7 : i32
        %add3A_228 = arith.addi %sub3A_226, %add3A_227 : i32
        %dma_wait3A_229 = arith.constant 0 : i32
        %dma_wait3A_230 = tpu.memref_slice %arg5[%add3A_228, %dma_wait3A_229] : memref<80x128xi32, #tpu.memory_space<vmem>> -> memref<1x128xi32, #tpu.memory_space<vmem>>
        %dma_wait3A_231 = tpu.memref_squeeze %dma_wait3A_230 : memref<1x128xi32, #tpu.memory_space<vmem>> -> memref<128xi32, #tpu.memory_space<vmem>>
        %dma_wait3A_232 = arith.constant 0 : i32
        %dma_wait3A_233 = tpu.memref_slice %arg8[%dma_wait3A_232] : memref<10240xf32, #tpu.memory_space<vmem_shared>> -> memref<10240xf32, #tpu.memory_space<vmem_shared>>
        tpu.wait_indirect_dma semaphore(%arg9 : memref<!tpu.dma_semaphore, #tpu.memory_space<semaphore_mem>>) src(%arg6 : memref<128xf32, #tpu.memory_space<vmem>>) dst(%dma_wait3A_233 : memref<10240xf32, #tpu.memory_space<vmem_shared>>)
        %sub3A_234 = arith.constant 10 : i32
        %sub3A_235 = arith.subi %mul3A_90, %sub3A_234 : i32
        %add3A_236 = arith.constant 8 : i32
        %add3A_237 = arith.addi %sub3A_235, %add3A_236 : i32
        %dma_wait3A_238 = arith.constant 0 : i32
        %dma_wait3A_239 = tpu.memref_slice %arg5[%add3A_237, %dma_wait3A_238] : memref<80x128xi32, #tpu.memory_space<vmem>> -> memref<1x128xi32, #tpu.memory_space<vmem>>
        %dma_wait3A_240 = tpu.memref_squeeze %dma_wait3A_239 : memref<1x128xi32, #tpu.memory_space<vmem>> -> memref<128xi32, #tpu.memory_space<vmem>>
        %dma_wait3A_241 = arith.constant 0 : i32
        %dma_wait3A_242 = tpu.memref_slice %arg8[%dma_wait3A_241] : memref<10240xf32, #tpu.memory_space<vmem_shared>> -> memref<10240xf32, #tpu.memory_space<vmem_shared>>
        tpu.wait_indirect_dma semaphore(%arg9 : memref<!tpu.dma_semaphore, #tpu.memory_space<semaphore_mem>>) src(%arg6 : memref<128xf32, #tpu.memory_space<vmem>>) dst(%dma_wait3A_242 : memref<10240xf32, #tpu.memory_space<vmem_shared>>)
        %sub3A_243 = arith.constant 10 : i32
        %sub3A_244 = arith.subi %mul3A_90, %sub3A_243 : i32
        %add3A_245 = arith.constant 9 : i32
        %add3A_246 = arith.addi %sub3A_244, %add3A_245 : i32
        %dma_wait3A_247 = arith.constant 0 : i32
        %dma_wait3A_248 = tpu.memref_slice %arg5[%add3A_246, %dma_wait3A_247] : memref<80x128xi32, #tpu.memory_space<vmem>> -> memref<1x128xi32, #tpu.memory_space<vmem>>
        %dma_wait3A_249 = tpu.memref_squeeze %dma_wait3A_248 : memref<1x128xi32, #tpu.memory_space<vmem>> -> memref<128xi32, #tpu.memory_space<vmem>>
        %dma_wait3A_250 = arith.constant 0 : i32
        %dma_wait3A_251 = tpu.memref_slice %arg8[%dma_wait3A_250] : memref<10240xf32, #tpu.memory_space<vmem_shared>> -> memref<10240xf32, #tpu.memory_space<vmem_shared>>
        tpu.wait_indirect_dma semaphore(%arg9 : memref<!tpu.dma_semaphore, #tpu.memory_space<semaphore_mem>>) src(%arg6 : memref<128xf32, #tpu.memory_space<vmem>>) dst(%dma_wait3A_251 : memref<10240xf32, #tpu.memory_space<vmem_shared>>)
      } else {
      }
      %add3A_93 = arith.constant 0 : i32
      %add3A_94 = arith.addi %mul3A_90, %add3A_93 : i32
      %dma_start3A = arith.constant 0 : i32
      %dma_start3A_95 = tpu.memref_slice %arg5[%add3A_94, %dma_start3A] : memref<80x128xi32, #tpu.memory_space<vmem>> -> memref<1x128xi32, #tpu.memory_space<vmem>>
      %dma_start3A_96 = tpu.memref_squeeze %dma_start3A_95 : memref<1x128xi32, #tpu.memory_space<vmem>> -> memref<128xi32, #tpu.memory_space<vmem>>
      %dma_start3A_97 = arith.constant 0 : i32
      %dma_start3A_98 = tpu.memref_slice %arg8[%dma_start3A_97] : memref<10240xf32, #tpu.memory_space<vmem_shared>> -> memref<10240xf32, #tpu.memory_space<vmem_shared>>
      tpu.enqueue_indirect_dma source(%arg6 : memref<128xf32, #tpu.memory_space<vmem>>) target(%dma_start3A_98 : memref<10240xf32, #tpu.memory_space<vmem_shared>>) offsets(%dma_start3A_96 : memref<128xi32, #tpu.memory_space<vmem>>) semaphore(%arg9 : memref<!tpu.dma_semaphore, #tpu.memory_space<semaphore_mem>>) {add = true}
      %add3A_99 = arith.constant 1 : i32
      %add3A_100 = arith.addi %mul3A_90, %add3A_99 : i32
      %dma_start3A_101 = arith.constant 0 : i32
      %dma_start3A_102 = tpu.memref_slice %arg5[%add3A_100, %dma_start3A_101] : memref<80x128xi32, #tpu.memory_space<vmem>> -> memref<1x128xi32, #tpu.memory_space<vmem>>
      %dma_start3A_103 = tpu.memref_squeeze %dma_start3A_102 : memref<1x128xi32, #tpu.memory_space<vmem>> -> memref<128xi32, #tpu.memory_space<vmem>>
      %dma_start3A_104 = arith.constant 0 : i32
      %dma_start3A_105 = tpu.memref_slice %arg8[%dma_start3A_104] : memref<10240xf32, #tpu.memory_space<vmem_shared>> -> memref<10240xf32, #tpu.memory_space<vmem_shared>>
      tpu.enqueue_indirect_dma source(%arg6 : memref<128xf32, #tpu.memory_space<vmem>>) target(%dma_start3A_105 : memref<10240xf32, #tpu.memory_space<vmem_shared>>) offsets(%dma_start3A_103 : memref<128xi32, #tpu.memory_space<vmem>>) semaphore(%arg9 : memref<!tpu.dma_semaphore, #tpu.memory_space<semaphore_mem>>) {add = true}
      %add3A_106 = arith.constant 2 : i32
      %add3A_107 = arith.addi %mul3A_90, %add3A_106 : i32
      %dma_start3A_108 = arith.constant 0 : i32
      %dma_start3A_109 = tpu.memref_slice %arg5[%add3A_107, %dma_start3A_108] : memref<80x128xi32, #tpu.memory_space<vmem>> -> memref<1x128xi32, #tpu.memory_space<vmem>>
      %dma_start3A_110 = tpu.memref_squeeze %dma_start3A_109 : memref<1x128xi32, #tpu.memory_space<vmem>> -> memref<128xi32, #tpu.memory_space<vmem>>
      %dma_start3A_111 = arith.constant 0 : i32
      %dma_start3A_112 = tpu.memref_slice %arg8[%dma_start3A_111] : memref<10240xf32, #tpu.memory_space<vmem_shared>> -> memref<10240xf32, #tpu.memory_space<vmem_shared>>
      tpu.enqueue_indirect_dma source(%arg6 : memref<128xf32, #tpu.memory_space<vmem>>) target(%dma_start3A_112 : memref<10240xf32, #tpu.memory_space<vmem_shared>>) offsets(%dma_start3A_110 : memref<128xi32, #tpu.memory_space<vmem>>) semaphore(%arg9 : memref<!tpu.dma_semaphore, #tpu.memory_space<semaphore_mem>>) {add = true}
      %add3A_113 = arith.constant 3 : i32
      %add3A_114 = arith.addi %mul3A_90, %add3A_113 : i32
      %dma_start3A_115 = arith.constant 0 : i32
      %dma_start3A_116 = tpu.memref_slice %arg5[%add3A_114, %dma_start3A_115] : memref<80x128xi32, #tpu.memory_space<vmem>> -> memref<1x128xi32, #tpu.memory_space<vmem>>
      %dma_start3A_117 = tpu.memref_squeeze %dma_start3A_116 : memref<1x128xi32, #tpu.memory_space<vmem>> -> memref<128xi32, #tpu.memory_space<vmem>>
      %dma_start3A_118 = arith.constant 0 : i32
      %dma_start3A_119 = tpu.memref_slice %arg8[%dma_start3A_118] : memref<10240xf32, #tpu.memory_space<vmem_shared>> -> memref<10240xf32, #tpu.memory_space<vmem_shared>>
      tpu.enqueue_indirect_dma source(%arg6 : memref<128xf32, #tpu.memory_space<vmem>>) target(%dma_start3A_119 : memref<10240xf32, #tpu.memory_space<vmem_shared>>) offsets(%dma_start3A_117 : memref<128xi32, #tpu.memory_space<vmem>>) semaphore(%arg9 : memref<!tpu.dma_semaphore, #tpu.memory_space<semaphore_mem>>) {add = true}
      %add3A_120 = arith.constant 4 : i32
      %add3A_121 = arith.addi %mul3A_90, %add3A_120 : i32
      %dma_start3A_122 = arith.constant 0 : i32
      %dma_start3A_123 = tpu.memref_slice %arg5[%add3A_121, %dma_start3A_122] : memref<80x128xi32, #tpu.memory_space<vmem>> -> memref<1x128xi32, #tpu.memory_space<vmem>>
      %dma_start3A_124 = tpu.memref_squeeze %dma_start3A_123 : memref<1x128xi32, #tpu.memory_space<vmem>> -> memref<128xi32, #tpu.memory_space<vmem>>
      %dma_start3A_125 = arith.constant 0 : i32
      %dma_start3A_126 = tpu.memref_slice %arg8[%dma_start3A_125] : memref<10240xf32, #tpu.memory_space<vmem_shared>> -> memref<10240xf32, #tpu.memory_space<vmem_shared>>
      tpu.enqueue_indirect_dma source(%arg6 : memref<128xf32, #tpu.memory_space<vmem>>) target(%dma_start3A_126 : memref<10240xf32, #tpu.memory_space<vmem_shared>>) offsets(%dma_start3A_124 : memref<128xi32, #tpu.memory_space<vmem>>) semaphore(%arg9 : memref<!tpu.dma_semaphore, #tpu.memory_space<semaphore_mem>>) {add = true}
      %add3A_127 = arith.constant 5 : i32
      %add3A_128 = arith.addi %mul3A_90, %add3A_127 : i32
      %dma_start3A_129 = arith.constant 0 : i32
      %dma_start3A_130 = tpu.memref_slice %arg5[%add3A_128, %dma_start3A_129] : memref<80x128xi32, #tpu.memory_space<vmem>> -> memref<1x128xi32, #tpu.memory_space<vmem>>
      %dma_start3A_131 = tpu.memref_squeeze %dma_start3A_130 : memref<1x128xi32, #tpu.memory_space<vmem>> -> memref<128xi32, #tpu.memory_space<vmem>>
      %dma_start3A_132 = arith.constant 0 : i32
      %dma_start3A_133 = tpu.memref_slice %arg8[%dma_start3A_132] : memref<10240xf32, #tpu.memory_space<vmem_shared>> -> memref<10240xf32, #tpu.memory_space<vmem_shared>>
      tpu.enqueue_indirect_dma source(%arg6 : memref<128xf32, #tpu.memory_space<vmem>>) target(%dma_start3A_133 : memref<10240xf32, #tpu.memory_space<vmem_shared>>) offsets(%dma_start3A_131 : memref<128xi32, #tpu.memory_space<vmem>>) semaphore(%arg9 : memref<!tpu.dma_semaphore, #tpu.memory_space<semaphore_mem>>) {add = true}
      %add3A_134 = arith.constant 6 : i32
      %add3A_135 = arith.addi %mul3A_90, %add3A_134 : i32
      %dma_start3A_136 = arith.constant 0 : i32
      %dma_start3A_137 = tpu.memref_slice %arg5[%add3A_135, %dma_start3A_136] : memref<80x128xi32, #tpu.memory_space<vmem>> -> memref<1x128xi32, #tpu.memory_space<vmem>>
      %dma_start3A_138 = tpu.memref_squeeze %dma_start3A_137 : memref<1x128xi32, #tpu.memory_space<vmem>> -> memref<128xi32, #tpu.memory_space<vmem>>
      %dma_start3A_139 = arith.constant 0 : i32
      %dma_start3A_140 = tpu.memref_slice %arg8[%dma_start3A_139] : memref<10240xf32, #tpu.memory_space<vmem_shared>> -> memref<10240xf32, #tpu.memory_space<vmem_shared>>
      tpu.enqueue_indirect_dma source(%arg6 : memref<128xf32, #tpu.memory_space<vmem>>) target(%dma_start3A_140 : memref<10240xf32, #tpu.memory_space<vmem_shared>>) offsets(%dma_start3A_138 : memref<128xi32, #tpu.memory_space<vmem>>) semaphore(%arg9 : memref<!tpu.dma_semaphore, #tpu.memory_space<semaphore_mem>>) {add = true}
      %add3A_141 = arith.constant 7 : i32
      %add3A_142 = arith.addi %mul3A_90, %add3A_141 : i32
      %dma_start3A_143 = arith.constant 0 : i32
      %dma_start3A_144 = tpu.memref_slice %arg5[%add3A_142, %dma_start3A_143] : memref<80x128xi32, #tpu.memory_space<vmem>> -> memref<1x128xi32, #tpu.memory_space<vmem>>
      %dma_start3A_145 = tpu.memref_squeeze %dma_start3A_144 : memref<1x128xi32, #tpu.memory_space<vmem>> -> memref<128xi32, #tpu.memory_space<vmem>>
      %dma_start3A_146 = arith.constant 0 : i32
      %dma_start3A_147 = tpu.memref_slice %arg8[%dma_start3A_146] : memref<10240xf32, #tpu.memory_space<vmem_shared>> -> memref<10240xf32, #tpu.memory_space<vmem_shared>>
      tpu.enqueue_indirect_dma source(%arg6 : memref<128xf32, #tpu.memory_space<vmem>>) target(%dma_start3A_147 : memref<10240xf32, #tpu.memory_space<vmem_shared>>) offsets(%dma_start3A_145 : memref<128xi32, #tpu.memory_space<vmem>>) semaphore(%arg9 : memref<!tpu.dma_semaphore, #tpu.memory_space<semaphore_mem>>) {add = true}
      %add3A_148 = arith.constant 8 : i32
      %add3A_149 = arith.addi %mul3A_90, %add3A_148 : i32
      %dma_start3A_150 = arith.constant 0 : i32
      %dma_start3A_151 = tpu.memref_slice %arg5[%add3A_149, %dma_start3A_150] : memref<80x128xi32, #tpu.memory_space<vmem>> -> memref<1x128xi32, #tpu.memory_space<vmem>>
      %dma_start3A_152 = tpu.memref_squeeze %dma_start3A_151 : memref<1x128xi32, #tpu.memory_space<vmem>> -> memref<128xi32, #tpu.memory_space<vmem>>
      %dma_start3A_153 = arith.constant 0 : i32
      %dma_start3A_154 = tpu.memref_slice %arg8[%dma_start3A_153] : memref<10240xf32, #tpu.memory_space<vmem_shared>> -> memref<10240xf32, #tpu.memory_space<vmem_shared>>
      tpu.enqueue_indirect_dma source(%arg6 : memref<128xf32, #tpu.memory_space<vmem>>) target(%dma_start3A_154 : memref<10240xf32, #tpu.memory_space<vmem_shared>>) offsets(%dma_start3A_152 : memref<128xi32, #tpu.memory_space<vmem>>) semaphore(%arg9 : memref<!tpu.dma_semaphore, #tpu.memory_space<semaphore_mem>>) {add = true}
      %add3A_155 = arith.constant 9 : i32
      %add3A_156 = arith.addi %mul3A_90, %add3A_155 : i32
      %dma_start3A_157 = arith.constant 0 : i32
      %dma_start3A_158 = tpu.memref_slice %arg5[%add3A_156, %dma_start3A_157] : memref<80x128xi32, #tpu.memory_space<vmem>> -> memref<1x128xi32, #tpu.memory_space<vmem>>
      %dma_start3A_159 = tpu.memref_squeeze %dma_start3A_158 : memref<1x128xi32, #tpu.memory_space<vmem>> -> memref<128xi32, #tpu.memory_space<vmem>>
      %dma_start3A_160 = arith.constant 0 : i32
      %dma_start3A_161 = tpu.memref_slice %arg8[%dma_start3A_160] : memref<10240xf32, #tpu.memory_space<vmem_shared>> -> memref<10240xf32, #tpu.memory_space<vmem_shared>>
      tpu.enqueue_indirect_dma source(%arg6 : memref<128xf32, #tpu.memory_space<vmem>>) target(%dma_start3A_161 : memref<10240xf32, #tpu.memory_space<vmem_shared>>) offsets(%dma_start3A_159 : memref<128xi32, #tpu.memory_space<vmem>>) semaphore(%arg9 : memref<!tpu.dma_semaphore, #tpu.memory_space<semaphore_mem>>) {add = true}
      %scan3A_162 = arith.constant 0 : i32
      scf.yield %scan3A_162 : i32
    }
    %scan3A_24 = arith.constant 8 : i32
    %dma_wait3A = arith.constant 70 : i32
    %dma_wait3A_25 = arith.constant 0 : i32
    %dma_wait3A_26 = tpu.memref_slice %arg5[%dma_wait3A, %dma_wait3A_25] : memref<80x128xi32, #tpu.memory_space<vmem>> -> memref<1x128xi32, #tpu.memory_space<vmem>>
    %dma_wait3A_27 = tpu.memref_squeeze %dma_wait3A_26 : memref<1x128xi32, #tpu.memory_space<vmem>> -> memref<128xi32, #tpu.memory_space<vmem>>
    %dma_wait3A_28 = arith.constant 0 : i32
    %dma_wait3A_29 = tpu.memref_slice %arg8[%dma_wait3A_28] : memref<10240xf32, #tpu.memory_space<vmem_shared>> -> memref<10240xf32, #tpu.memory_space<vmem_shared>>
    tpu.wait_indirect_dma semaphore(%arg9 : memref<!tpu.dma_semaphore, #tpu.memory_space<semaphore_mem>>) src(%arg6 : memref<128xf32, #tpu.memory_space<vmem>>) dst(%dma_wait3A_29 : memref<10240xf32, #tpu.memory_space<vmem_shared>>)
    %dma_wait3A_30 = arith.constant 71 : i32
    %dma_wait3A_31 = arith.constant 0 : i32
    %dma_wait3A_32 = tpu.memref_slice %arg5[%dma_wait3A_30, %dma_wait3A_31] : memref<80x128xi32, #tpu.memory_space<vmem>> -> memref<1x128xi32, #tpu.memory_space<vmem>>
    %dma_wait3A_33 = tpu.memref_squeeze %dma_wait3A_32 : memref<1x128xi32, #tpu.memory_space<vmem>> -> memref<128xi32, #tpu.memory_space<vmem>>
    %dma_wait3A_34 = arith.constant 0 : i32
    %dma_wait3A_35 = tpu.memref_slice %arg8[%dma_wait3A_34] : memref<10240xf32, #tpu.memory_space<vmem_shared>> -> memref<10240xf32, #tpu.memory_space<vmem_shared>>
    tpu.wait_indirect_dma semaphore(%arg9 : memref<!tpu.dma_semaphore, #tpu.memory_space<semaphore_mem>>) src(%arg6 : memref<128xf32, #tpu.memory_space<vmem>>) dst(%dma_wait3A_35 : memref<10240xf32, #tpu.memory_space<vmem_shared>>)
    %dma_wait3A_36 = arith.constant 72 : i32
    %dma_wait3A_37 = arith.constant 0 : i32
    %dma_wait3A_38 = tpu.memref_slice %arg5[%dma_wait3A_36, %dma_wait3A_37] : memref<80x128xi32, #tpu.memory_space<vmem>> -> memref<1x128xi32, #tpu.memory_space<vmem>>
    %dma_wait3A_39 = tpu.memref_squeeze %dma_wait3A_38 : memref<1x128xi32, #tpu.memory_space<vmem>> -> memref<128xi32, #tpu.memory_space<vmem>>
    %dma_wait3A_40 = arith.constant 0 : i32
    %dma_wait3A_41 = tpu.memref_slice %arg8[%dma_wait3A_40] : memref<10240xf32, #tpu.memory_space<vmem_shared>> -> memref<10240xf32, #tpu.memory_space<vmem_shared>>
    tpu.wait_indirect_dma semaphore(%arg9 : memref<!tpu.dma_semaphore, #tpu.memory_space<semaphore_mem>>) src(%arg6 : memref<128xf32, #tpu.memory_space<vmem>>) dst(%dma_wait3A_41 : memref<10240xf32, #tpu.memory_space<vmem_shared>>)
    %dma_wait3A_42 = arith.constant 73 : i32
    %dma_wait3A_43 = arith.constant 0 : i32
    %dma_wait3A_44 = tpu.memref_slice %arg5[%dma_wait3A_42, %dma_wait3A_43] : memref<80x128xi32, #tpu.memory_space<vmem>> -> memref<1x128xi32, #tpu.memory_space<vmem>>
    %dma_wait3A_45 = tpu.memref_squeeze %dma_wait3A_44 : memref<1x128xi32, #tpu.memory_space<vmem>> -> memref<128xi32, #tpu.memory_space<vmem>>
    %dma_wait3A_46 = arith.constant 0 : i32
    %dma_wait3A_47 = tpu.memref_slice %arg8[%dma_wait3A_46] : memref<10240xf32, #tpu.memory_space<vmem_shared>> -> memref<10240xf32, #tpu.memory_space<vmem_shared>>
    tpu.wait_indirect_dma semaphore(%arg9 : memref<!tpu.dma_semaphore, #tpu.memory_space<semaphore_mem>>) src(%arg6 : memref<128xf32, #tpu.memory_space<vmem>>) dst(%dma_wait3A_47 : memref<10240xf32, #tpu.memory_space<vmem_shared>>)
    %dma_wait3A_48 = arith.constant 74 : i32
    %dma_wait3A_49 = arith.constant 0 : i32
    %dma_wait3A_50 = tpu.memref_slice %arg5[%dma_wait3A_48, %dma_wait3A_49] : memref<80x128xi32, #tpu.memory_space<vmem>> -> memref<1x128xi32, #tpu.memory_space<vmem>>
    %dma_wait3A_51 = tpu.memref_squeeze %dma_wait3A_50 : memref<1x128xi32, #tpu.memory_space<vmem>> -> memref<128xi32, #tpu.memory_space<vmem>>
    %dma_wait3A_52 = arith.constant 0 : i32
    %dma_wait3A_53 = tpu.memref_slice %arg8[%dma_wait3A_52] : memref<10240xf32, #tpu.memory_space<vmem_shared>> -> memref<10240xf32, #tpu.memory_space<vmem_shared>>
    tpu.wait_indirect_dma semaphore(%arg9 : memref<!tpu.dma_semaphore, #tpu.memory_space<semaphore_mem>>) src(%arg6 : memref<128xf32, #tpu.memory_space<vmem>>) dst(%dma_wait3A_53 : memref<10240xf32, #tpu.memory_space<vmem_shared>>)
    %dma_wait3A_54 = arith.constant 75 : i32
    %dma_wait3A_55 = arith.constant 0 : i32
    %dma_wait3A_56 = tpu.memref_slice %arg5[%dma_wait3A_54, %dma_wait3A_55] : memref<80x128xi32, #tpu.memory_space<vmem>> -> memref<1x128xi32, #tpu.memory_space<vmem>>
    %dma_wait3A_57 = tpu.memref_squeeze %dma_wait3A_56 : memref<1x128xi32, #tpu.memory_space<vmem>> -> memref<128xi32, #tpu.memory_space<vmem>>
    %dma_wait3A_58 = arith.constant 0 : i32
    %dma_wait3A_59 = tpu.memref_slice %arg8[%dma_wait3A_58] : memref<10240xf32, #tpu.memory_space<vmem_shared>> -> memref<10240xf32, #tpu.memory_space<vmem_shared>>
    tpu.wait_indirect_dma semaphore(%arg9 : memref<!tpu.dma_semaphore, #tpu.memory_space<semaphore_mem>>) src(%arg6 : memref<128xf32, #tpu.memory_space<vmem>>) dst(%dma_wait3A_59 : memref<10240xf32, #tpu.memory_space<vmem_shared>>)
    %dma_wait3A_60 = arith.constant 76 : i32
    %dma_wait3A_61 = arith.constant 0 : i32
    %dma_wait3A_62 = tpu.memref_slice %arg5[%dma_wait3A_60, %dma_wait3A_61] : memref<80x128xi32, #tpu.memory_space<vmem>> -> memref<1x128xi32, #tpu.memory_space<vmem>>
    %dma_wait3A_63 = tpu.memref_squeeze %dma_wait3A_62 : memref<1x128xi32, #tpu.memory_space<vmem>> -> memref<128xi32, #tpu.memory_space<vmem>>
    %dma_wait3A_64 = arith.constant 0 : i32
    %dma_wait3A_65 = tpu.memref_slice %arg8[%dma_wait3A_64] : memref<10240xf32, #tpu.memory_space<vmem_shared>> -> memref<10240xf32, #tpu.memory_space<vmem_shared>>
    tpu.wait_indirect_dma semaphore(%arg9 : memref<!tpu.dma_semaphore, #tpu.memory_space<semaphore_mem>>) src(%arg6 : memref<128xf32, #tpu.memory_space<vmem>>) dst(%dma_wait3A_65 : memref<10240xf32, #tpu.memory_space<vmem_shared>>)
    %dma_wait3A_66 = arith.constant 77 : i32
    %dma_wait3A_67 = arith.constant 0 : i32
    %dma_wait3A_68 = tpu.memref_slice %arg5[%dma_wait3A_66, %dma_wait3A_67] : memref<80x128xi32, #tpu.memory_space<vmem>> -> memref<1x128xi32, #tpu.memory_space<vmem>>
    %dma_wait3A_69 = tpu.memref_squeeze %dma_wait3A_68 : memref<1x128xi32, #tpu.memory_space<vmem>> -> memref<128xi32, #tpu.memory_space<vmem>>
    %dma_wait3A_70 = arith.constant 0 : i32
    %dma_wait3A_71 = tpu.memref_slice %arg8[%dma_wait3A_70] : memref<10240xf32, #tpu.memory_space<vmem_shared>> -> memref<10240xf32, #tpu.memory_space<vmem_shared>>
    tpu.wait_indirect_dma semaphore(%arg9 : memref<!tpu.dma_semaphore, #tpu.memory_space<semaphore_mem>>) src(%arg6 : memref<128xf32, #tpu.memory_space<vmem>>) dst(%dma_wait3A_71 : memref<10240xf32, #tpu.memory_space<vmem_shared>>)
    %dma_wait3A_72 = arith.constant 78 : i32
    %dma_wait3A_73 = arith.constant 0 : i32
    %dma_wait3A_74 = tpu.memref_slice %arg5[%dma_wait3A_72, %dma_wait3A_73] : memref<80x128xi32, #tpu.memory_space<vmem>> -> memref<1x128xi32, #tpu.memory_space<vmem>>
    %dma_wait3A_75 = tpu.memref_squeeze %dma_wait3A_74 : memref<1x128xi32, #tpu.memory_space<vmem>> -> memref<128xi32, #tpu.memory_space<vmem>>
    %dma_wait3A_76 = arith.constant 0 : i32
    %dma_wait3A_77 = tpu.memref_slice %arg8[%dma_wait3A_76] : memref<10240xf32, #tpu.memory_space<vmem_shared>> -> memref<10240xf32, #tpu.memory_space<vmem_shared>>
    tpu.wait_indirect_dma semaphore(%arg9 : memref<!tpu.dma_semaphore, #tpu.memory_space<semaphore_mem>>) src(%arg6 : memref<128xf32, #tpu.memory_space<vmem>>) dst(%dma_wait3A_77 : memref<10240xf32, #tpu.memory_space<vmem_shared>>)
    %dma_wait3A_78 = arith.constant 79 : i32
    %dma_wait3A_79 = arith.constant 0 : i32
    %dma_wait3A_80 = tpu.memref_slice %arg5[%dma_wait3A_78, %dma_wait3A_79] : memref<80x128xi32, #tpu.memory_space<vmem>> -> memref<1x128xi32, #tpu.memory_space<vmem>>
    %dma_wait3A_81 = tpu.memref_squeeze %dma_wait3A_80 : memref<1x128xi32, #tpu.memory_space<vmem>> -> memref<128xi32, #tpu.memory_space<vmem>>
    %dma_wait3A_82 = arith.constant 0 : i32
    %dma_wait3A_83 = tpu.memref_slice %arg8[%dma_wait3A_82] : memref<10240xf32, #tpu.memory_space<vmem_shared>> -> memref<10240xf32, #tpu.memory_space<vmem_shared>>
    tpu.wait_indirect_dma semaphore(%arg9 : memref<!tpu.dma_semaphore, #tpu.memory_space<semaphore_mem>>) src(%arg6 : memref<128xf32, #tpu.memory_space<vmem>>) dst(%dma_wait3A_83 : memref<10240xf32, #tpu.memory_space<vmem_shared>>)
    %barrier3A_84 = arith.constant 0 : index
    tpu.barrier barrier_id(%barrier3A_84)
    %mul3A_85 = arith.constant 640 : i32
    %mul3A_86 = arith.muli %arg1, %mul3A_85 : i32
    "tpu.region"() ({
      %run_scoped3A = tpu.sem_alloc : memref<!tpu.dma_semaphore, #tpu.memory_space<semaphore_mem>>
      %dma_start3A = tpu.memref_slice %arg4[%arg0, %mul3A_86] : memref<2x10240xf32, #tpu.memory_space<hbm>> -> memref<1x640xf32, #tpu.memory_space<hbm>>
      %dma_start3A_87 = tpu.memref_squeeze %dma_start3A : memref<1x640xf32, #tpu.memory_space<hbm>> -> memref<640xf32, #tpu.memory_space<hbm>>
      %dma_start3A_88 = tpu.memref_slice %arg8[%mul3A_86] : memref<10240xf32, #tpu.memory_space<vmem_shared>> -> memref<640xf32, #tpu.memory_space<vmem_shared>>
      tpu.enqueue_dma source(%dma_start3A_88 : memref<640xf32, #tpu.memory_space<vmem_shared>>) target(%dma_start3A_87 : memref<640xf32, #tpu.memory_space<hbm>>) target_semaphore(%run_scoped3A : memref<!tpu.dma_semaphore, #tpu.memory_space<semaphore_mem>>)
      %dma_wait3A_89 = tpu.memref_slice %arg4[%arg0, %mul3A_86] : memref<2x10240xf32, #tpu.memory_space<hbm>> -> memref<1x640xf32, #tpu.memory_space<hbm>>
      %dma_wait3A_90 = tpu.memref_squeeze %dma_wait3A_89 : memref<1x640xf32, #tpu.memory_space<hbm>> -> memref<640xf32, #tpu.memory_space<hbm>>
      %dma_wait3A_91 = tpu.memref_slice %arg8[%mul3A_86] : memref<10240xf32, #tpu.memory_space<vmem_shared>> -> memref<640xf32, #tpu.memory_space<vmem_shared>>
      tpu.wait_dma2 semaphore(%run_scoped3A : memref<!tpu.dma_semaphore, #tpu.memory_space<semaphore_mem>>) src(%dma_wait3A_91 : memref<640xf32, #tpu.memory_space<vmem_shared>>) dst(%dma_wait3A_90 : memref<640xf32, #tpu.memory_space<hbm>>)
      tpu.yield
    }) : () -> ()
    return
  }
}

module attributes {stable_mosaic.version = 14 : i64} {
  func.func @_scale_body(%arg0: i32, %arg1: memref<5000x128xf32, #tpu.memory_space<vmem>>, %arg2: memref<5000x1xf32, #tpu.memory_space<vmem>>, %arg3: memref<5000x1xf32, #tpu.memory_space<vmem>>, %arg4: memref<5000x128xf32, #tpu.memory_space<vmem>>, %arg5: memref<5000x1xf32, #tpu.memory_space<vmem>>) attributes {dimension_semantics = [#tpu.dimension_semantics<arbitrary>], iteration_bounds = array<i64: 2>, scalar_prefetch = 0 : i64, scratch_operands = 0 : i64, tpu.core_type = #tpu.core_type<tc>, window_params = [{transform_indices = @transform_0, window_bounds = array<i64: 5000, 128>}, {transform_indices = @transform_1, window_bounds = array<i64: 5000, 1>}, {transform_indices = @transform_2, window_bounds = array<i64: 5000, 1>}, {transform_indices = @transform_3, window_bounds = array<i64: 5000, 128>}, {transform_indices = @transform_4, window_bounds = array<i64: 5000, 1>}]} {
    %get3A = arith.constant 0 : index
    %get3A_0 = arith.constant 0 : index
    %get3A_1 = vector.load %arg2[%get3A, %get3A_0] : memref<5000x1xf32, #tpu.memory_space<vmem>>, vector<5000x1xf32>
    %get3A_2 = arith.constant 0 : index
    %get3A_3 = arith.constant 0 : index
    %get3A_4 = vector.load %arg3[%get3A_2, %get3A_3] : memref<5000x1xf32, #tpu.memory_space<vmem>>, vector<5000x1xf32>
    %add3A = arith.addf %get3A_1, %get3A_4 : vector<5000x1xf32>
    %add3A_5 = arith.constant 1.000000e+00 : f32
    %add3A_6 = vector.broadcast %add3A_5 : f32 to vector<5000x1xf32>
    %add3A_7 = arith.addf %add3A, %add3A_6 : vector<5000x1xf32>
    %sqrt3A = math.sqrt %add3A_7 : vector<5000x1xf32>
    %div3A = arith.constant 1.000000e+00 : f32
    %div3A_8 = vector.broadcast %div3A : f32 to vector<5000x1xf32>
    %div3A_9 = arith.divf %div3A_8, %sqrt3A : vector<5000x1xf32>
    %get3A_10 = arith.constant 0 : index
    %get3A_11 = arith.constant 0 : index
    %get3A_12 = vector.load %arg1[%get3A_10, %get3A_11] : memref<5000x128xf32, #tpu.memory_space<vmem>>, vector<5000x128xf32>
    %convert_element_type3A = arith.truncf %get3A_12 : vector<5000x128xf32> to vector<5000x128xbf16>
    %convert_element_type3A_13 = arith.extf %convert_element_type3A : vector<5000x128xbf16> to vector<5000x128xf32>
    %mul3A = vector.broadcast %div3A_9 : vector<5000x1xf32> to vector<5000x128xf32>
    %mul3A_14 = arith.mulf %convert_element_type3A_13, %mul3A : vector<5000x128xf32>
    %swap3A = arith.constant 0 : index
    %swap3A_15 = arith.constant 0 : index
    %swap3A_16 = vector.load %arg4[%swap3A, %swap3A_15] : memref<5000x128xf32, #tpu.memory_space<vmem>>, vector<5000x128xf32>
    tpu.vector_store %arg4[%swap3A, %swap3A_15], %mul3A_14 {strides = array<i32>} : memref<5000x128xf32, #tpu.memory_space<vmem>>, vector<5000x128xf32>,
    %swap3A_17 = arith.constant 0 : index
    %swap3A_18 = arith.constant 0 : index
    %swap3A_19 = vector.load %arg5[%swap3A_17, %swap3A_18] : memref<5000x1xf32, #tpu.memory_space<vmem>>, vector<5000x1xf32>
    tpu.vector_store %arg5[%swap3A_17, %swap3A_18], %div3A_9 {strides = array<i32>} : memref<5000x1xf32, #tpu.memory_space<vmem>>, vector<5000x1xf32>,
    return
  }
  func.func @transform_0(%arg0: i32) -> (i32, i32) {
    %c0_i32 = arith.constant 0 : i32
    %c0_i32_0 = arith.constant 0 : i32
    return %arg0, %c0_i32 : i32, i32
  }
  func.func @transform_1(%arg0: i32) -> (i32, i32) {
    %c0_i32 = arith.constant 0 : i32
    %c0_i32_0 = arith.constant 0 : i32
    return %arg0, %c0_i32 : i32, i32
  }
  func.func @transform_2(%arg0: i32) -> (i32, i32) {
    %c0_i32 = arith.constant 0 : i32
    %c0_i32_0 = arith.constant 0 : i32
    return %arg0, %c0_i32 : i32, i32
  }
  func.func @transform_3(%arg0: i32) -> (i32, i32) {
    %c0_i32 = arith.constant 0 : i32
    %c0_i32_0 = arith.constant 0 : i32
    return %arg0, %c0_i32 : i32, i32
  }
  func.func @transform_4(%arg0: i32) -> (i32, i32) {
    %c0_i32 = arith.constant 0 : i32
    %c0_i32_0 = arith.constant 0 : i32
    return %arg0, %c0_i32 : i32, i32
  }
}

module attributes {stable_mosaic.version = 14 : i64} {
  func.func @_mlp_body(%arg0: i32, %arg1: memref<1x5000x128xf32, #tpu.memory_space<vmem>>, %arg2: memref<1x5000x128xf32, #tpu.memory_space<vmem>>, %arg3: memref<5000x128xf32, #tpu.memory_space<vmem>>, %arg4: memref<5000x1xf32, #tpu.memory_space<vmem>>, %arg5: memref<128x500xf32, #tpu.memory_space<vmem>>, %arg6: memref<1x500xf32, #tpu.memory_space<vmem>>, %arg7: memref<1x500xf32, #tpu.memory_space<vmem>>, %arg8: memref<5000x1xf32, #tpu.memory_space<vmem>>) attributes {dimension_semantics = [#tpu.dimension_semantics<arbitrary>], iteration_bounds = array<i64: 2>, scalar_prefetch = 0 : i64, scratch_operands = 0 : i64, tpu.core_type = #tpu.core_type<tc>, window_params = [{transform_indices = @transform_0, window_bounds = array<i64: 1, 5000, 128>}, {transform_indices = @transform_1, window_bounds = array<i64: 1, 5000, 128>}, {transform_indices = @transform_2, window_bounds = array<i64: 5000, 128>}, {transform_indices = @transform_3, window_bounds = array<i64: 5000, 1>}, {pipeline_mode = #tpu.pipeline_mode<synchronous>, transform_indices = @transform_4, window_bounds = array<i64: 128, 500>}, {pipeline_mode = #tpu.pipeline_mode<synchronous>, transform_indices = @transform_5, window_bounds = array<i64: 1, 500>}, {pipeline_mode = #tpu.pipeline_mode<synchronous>, transform_indices = @transform_6, window_bounds = array<i64: 1, 500>}, {transform_indices = @transform_7, window_bounds = array<i64: 5000, 1>}]} {
    %get3A = arith.constant 0 : index
    %get3A_0 = arith.constant 0 : index
    %get3A_1 = vector.load %arg4[%get3A, %get3A_0] : memref<5000x1xf32, #tpu.memory_space<vmem>>, vector<5000x1xf32>
    %get3A_2 = arith.constant 0 : index
    %get3A_3 = arith.constant 0 : index
    %get3A_4 = arith.constant 0 : index
    %get3A_5 = vector.load %arg1[%get3A_2, %get3A_3, %get3A_4] : memref<1x5000x128xf32, #tpu.memory_space<vmem>>, vector<1x5000x128xf32>
    %get3A_6 = vector.shape_cast %get3A_5 : vector<1x5000x128xf32> to vector<5000x128xf32>
    %get3A_7 = arith.constant 0 : index
    %get3A_8 = arith.constant 0 : index
    %get3A_9 = arith.constant 0 : index
    %get3A_10 = vector.load %arg2[%get3A_7, %get3A_8, %get3A_9] : memref<1x5000x128xf32, #tpu.memory_space<vmem>>, vector<1x5000x128xf32>
    %get3A_11 = vector.shape_cast %get3A_10 : vector<1x5000x128xf32> to vector<5000x128xf32>
    %add3A = arith.addf %get3A_6, %get3A_11 : vector<5000x128xf32>
    %get3A_12 = arith.constant 0 : index
    %get3A_13 = arith.constant 0 : index
    %get3A_14 = vector.load %arg3[%get3A_12, %get3A_13] : memref<5000x128xf32, #tpu.memory_space<vmem>>, vector<5000x128xf32>
    %add3A_15 = arith.addf %add3A, %get3A_14 : vector<5000x128xf32>
    %mul3A = vector.broadcast %get3A_1 : vector<5000x1xf32> to vector<5000x128xf32>
    %mul3A_16 = arith.mulf %add3A_15, %mul3A : vector<5000x128xf32>
    %get3A_17 = arith.constant 0 : index
    %get3A_18 = arith.constant 0 : index
    %get3A_19 = vector.load %arg5[%get3A_17, %get3A_18] : memref<128x500xf32, #tpu.memory_space<vmem>>, vector<128x500xf32>
    %convert_element_type3A = arith.truncf %get3A_19 : vector<128x500xf32> to vector<128x500xbf16>
    %convert_element_type3A_20 = arith.truncf %mul3A_16 : vector<5000x128xf32> to vector<5000x128xbf16>
    %convert_element_type3A_21 = arith.extf %convert_element_type3A_20 : vector<5000x128xbf16> to vector<5000x128xf32>
    %sub3A = arith.subf %mul3A_16, %convert_element_type3A_21 : vector<5000x128xf32>
    %convert_element_type3A_22 = arith.truncf %sub3A : vector<5000x128xf32> to vector<5000x128xbf16>
    %dot_general3A = arith.constant dense<0.000000e+00> : vector<5000x500xf32>
    %dot_general3A_23 = tpu.matmul %convert_element_type3A_20, %convert_element_type3A, %dot_general3A {dimension_numbers = #tpu.dot_dimension_numbers<[1], [0], [0], [1], [0, 0, 1, 1], [], []>, transpose_lhs_hint = false} : vector<5000x128xbf16>, vector<128x500xbf16>, vector<5000x500xf32> -> vector<5000x500xf32>
    %dot_general3A_24 = arith.constant dense<0.000000e+00> : vector<5000x500xf32>
    %dot_general3A_25 = tpu.matmul %convert_element_type3A_22, %convert_element_type3A, %dot_general3A_24 {dimension_numbers = #tpu.dot_dimension_numbers<[1], [0], [0], [1], [0, 0, 1, 1], [], []>, transpose_lhs_hint = false} : vector<5000x128xbf16>, vector<128x500xbf16>, vector<5000x500xf32> -> vector<5000x500xf32>
    %add3A_26 = arith.addf %dot_general3A_23, %dot_general3A_25 : vector<5000x500xf32>
    %get3A_27 = arith.constant 0 : index
    %get3A_28 = arith.constant 0 : index
    %get3A_29 = vector.load %arg6[%get3A_27, %get3A_28] : memref<1x500xf32, #tpu.memory_space<vmem>>, vector<1x500xf32>
    %add3A_30 = vector.broadcast %get3A_29 : vector<1x500xf32> to vector<5000x500xf32>
    %add3A_31 = arith.addf %add3A_26, %add3A_30 : vector<5000x500xf32>
    %max3A = arith.constant 0.000000e+00 : f32
    %max3A_32 = vector.broadcast %max3A : f32 to vector<5000x500xf32>
    %max3A_33 = arith.maximumf %add3A_31, %max3A_32 : vector<5000x500xf32>
    %convert_element_type3A_34 = arith.truncf %max3A_33 : vector<5000x500xf32> to vector<5000x500xbf16>
    %convert_element_type3A_35 = arith.extf %convert_element_type3A_34 : vector<5000x500xbf16> to vector<5000x500xf32>
    %get3A_36 = arith.constant 0 : index
    %get3A_37 = arith.constant 0 : index
    %get3A_38 = vector.load %arg7[%get3A_36, %get3A_37] : memref<1x500xf32, #tpu.memory_space<vmem>>, vector<1x500xf32>
    %convert_element_type3A_39 = arith.truncf %get3A_38 : vector<1x500xf32> to vector<1x500xbf16>
    %convert_element_type3A_40 = arith.extf %convert_element_type3A_39 : vector<1x500xbf16> to vector<1x500xf32>
    %mul3A_41 = vector.broadcast %convert_element_type3A_40 : vector<1x500xf32> to vector<5000x500xf32>
    %mul3A_42 = arith.mulf %convert_element_type3A_35, %mul3A_41 : vector<5000x500xf32>
    %reduce_sum3A = arith.constant dense<0.000000e+00> : vector<5000xf32>
    %reduce_sum3A_43 = vector.multi_reduction <add>, %mul3A_42, %reduce_sum3A [1] : vector<5000x500xf32> to vector<5000xf32>
    %broadcast_in_dim3A = vector.shape_cast %reduce_sum3A_43 : vector<5000xf32> to vector<5000x1xf32>
    %mul3A_44 = arith.mulf %broadcast_in_dim3A, %get3A_1 : vector<5000x1xf32>
    %swap3A = arith.constant 0 : index
    %swap3A_45 = arith.constant 0 : index
    %swap3A_46 = vector.load %arg8[%swap3A, %swap3A_45] : memref<5000x1xf32, #tpu.memory_space<vmem>>, vector<5000x1xf32>
    tpu.vector_store %arg8[%swap3A, %swap3A_45], %mul3A_44 {strides = array<i32>} : memref<5000x1xf32, #tpu.memory_space<vmem>>, vector<5000x1xf32>,
    return
  }
  func.func @transform_0(%arg0: i32) -> (i32, i32, i32) {
    %c0_i32 = arith.constant 0 : i32
    %c0_i32_0 = arith.constant 0 : i32
    %c0_i32_1 = arith.constant 0 : i32
    return %c0_i32, %arg0, %c0_i32_0 : i32, i32, i32
  }
  func.func @transform_1(%arg0: i32) -> (i32, i32, i32) {
    %c1_i32 = arith.constant 1 : i32
    %c0_i32 = arith.constant 0 : i32
    %c0_i32_0 = arith.constant 0 : i32
    return %c1_i32, %arg0, %c0_i32 : i32, i32, i32
  }
  func.func @transform_2(%arg0: i32) -> (i32, i32) {
    %c0_i32 = arith.constant 0 : i32
    %c0_i32_0 = arith.constant 0 : i32
    return %arg0, %c0_i32 : i32, i32
  }
  func.func @transform_3(%arg0: i32) -> (i32, i32) {
    %c0_i32 = arith.constant 0 : i32
    %c0_i32_0 = arith.constant 0 : i32
    return %arg0, %c0_i32 : i32, i32
  }
  func.func @transform_4(%arg0: i32) -> (i32, i32) {
    %c0_i32 = arith.constant 0 : i32
    %c0_i32_0 = arith.constant 0 : i32
    %c0_i32_1 = arith.constant 0 : i32
    return %c0_i32, %c0_i32_0 : i32, i32
  }
  func.func @transform_5(%arg0: i32) -> (i32, i32) {
    %c0_i32 = arith.constant 0 : i32
    %c0_i32_0 = arith.constant 0 : i32
    %c0_i32_1 = arith.constant 0 : i32
    return %c0_i32, %c0_i32_0 : i32, i32
  }
  func.func @transform_6(%arg0: i32) -> (i32, i32) {
    %c0_i32 = arith.constant 0 : i32
    %c0_i32_0 = arith.constant 0 : i32
    %c0_i32_1 = arith.constant 0 : i32
    return %c0_i32, %c0_i32_0 : i32, i32
  }
  func.func @transform_7(%arg0: i32) -> (i32, i32) {
    %c0_i32 = arith.constant 0 : i32
    %c0_i32_0 = arith.constant 0 : i32
    return %arg0, %c0_i32 : i32, i32
  }
}

module attributes {stable_mosaic.version = 14 : i64} {
  func.func @_final_body(%arg0: i32, %arg1: memref<5000x1xf32, #tpu.memory_space<vmem>>, %arg2: memref<5000x1xf32, #tpu.memory_space<vmem>>, %arg3: memref<5000x1xf32, #tpu.memory_space<vmem>>, %arg4: memref<5000x1xf32, #tpu.memory_space<vmem>>, %arg5: memref<1x1xf32, #tpu.memory_space<vmem>>, %arg6: memref<5000x1xf32, #tpu.memory_space<vmem>>) attributes {dimension_semantics = [#tpu.dimension_semantics<arbitrary>], iteration_bounds = array<i64: 2>, scalar_prefetch = 0 : i64, scratch_operands = 0 : i64, tpu.core_type = #tpu.core_type<tc>, window_params = [{transform_indices = @transform_0, window_bounds = array<i64: 5000, 1>}, {transform_indices = @transform_1, window_bounds = array<i64: 5000, 1>}, {transform_indices = @transform_2, window_bounds = array<i64: 5000, 1>}, {transform_indices = @transform_3, window_bounds = array<i64: 5000, 1>}, {pipeline_mode = #tpu.pipeline_mode<synchronous>, transform_indices = @transform_4, window_bounds = array<i64: 1, 1>}, {transform_indices = @transform_5, window_bounds = array<i64: 5000, 1>}]} {
    %get3A = arith.constant 0 : index
    %get3A_0 = arith.constant 0 : index
    %get3A_1 = vector.load %arg1[%get3A, %get3A_0] : memref<5000x1xf32, #tpu.memory_space<vmem>>, vector<5000x1xf32>
    %get3A_2 = arith.constant 0 : index
    %get3A_3 = arith.constant 0 : index
    %get3A_4 = vector.load %arg2[%get3A_2, %get3A_3] : memref<5000x1xf32, #tpu.memory_space<vmem>>, vector<5000x1xf32>
    %add3A = arith.addf %get3A_1, %get3A_4 : vector<5000x1xf32>
    %get3A_5 = arith.constant 0 : index
    %get3A_6 = arith.constant 0 : index
    %get3A_7 = vector.load %arg3[%get3A_5, %get3A_6] : memref<5000x1xf32, #tpu.memory_space<vmem>>, vector<5000x1xf32>
    %add3A_8 = arith.addf %add3A, %get3A_7 : vector<5000x1xf32>
    %get3A_9 = arith.constant 0 : index
    %get3A_10 = arith.constant 0 : index
    %get3A_11 = vector.load %arg4[%get3A_9, %get3A_10] : memref<5000x1xf32, #tpu.memory_space<vmem>>, vector<5000x1xf32>
    %mul3A = arith.mulf %add3A_8, %get3A_11 : vector<5000x1xf32>
    %get3A_12 = arith.constant 0 : index
    %get3A_13 = arith.constant 0 : index
    %get3A_14 = vector.load %arg5[%get3A_12, %get3A_13] : memref<1x1xf32, #tpu.memory_space<vmem>>, vector<1x1xf32>
    %add3A_15 = vector.broadcast %get3A_14 : vector<1x1xf32> to vector<5000x1xf32>
    %add3A_16 = arith.addf %mul3A, %add3A_15 : vector<5000x1xf32>
    %swap3A = arith.constant 0 : index
    %swap3A_17 = arith.constant 0 : index
    %swap3A_18 = vector.load %arg6[%swap3A, %swap3A_17] : memref<5000x1xf32, #tpu.memory_space<vmem>>, vector<5000x1xf32>
    tpu.vector_store %arg6[%swap3A, %swap3A_17], %add3A_16 {strides = array<i32>} : memref<5000x1xf32, #tpu.memory_space<vmem>>, vector<5000x1xf32>,
    return
  }
  func.func @transform_0(%arg0: i32) -> (i32, i32) {
    %c0_i32 = arith.constant 0 : i32
    %c0_i32_0 = arith.constant 0 : i32
    return %arg0, %c0_i32 : i32, i32
  }
  func.func @transform_1(%arg0: i32) -> (i32, i32) {
    %c0_i32 = arith.constant 0 : i32
    %c0_i32_0 = arith.constant 0 : i32
    return %arg0, %c0_i32 : i32, i32
  }
  func.func @transform_2(%arg0: i32) -> (i32, i32) {
    %c0_i32 = arith.constant 0 : i32
    %c0_i32_0 = arith.constant 0 : i32
    return %arg0, %c0_i32 : i32, i32
  }
  func.func @transform_3(%arg0: i32) -> (i32, i32) {
    %c0_i32 = arith.constant 0 : i32
    %c0_i32_0 = arith.constant 0 : i32
    return %arg0, %c0_i32 : i32, i32
  }
  func.func @transform_4(%arg0: i32) -> (i32, i32) {
    %c0_i32 = arith.constant 0 : i32
    %c0_i32_0 = arith.constant 0 : i32
    %c0_i32_1 = arith.constant 0 : i32
    return %c0_i32, %c0_i32_0 : i32, i32
  }
  func.func @transform_5(%arg0: i32) -> (i32, i32) {
    %c0_i32 = arith.constant 0 : i32
    %c0_i32_0 = arith.constant 0 : i32
    return %arg0, %c0_i32 : i32, i32
  }
}

</mosaic_0001>

<sc_bundles>
// kernel: kernel.11.cloned.1.call-start
scs
__scs_entry_jumppad:
0x0: {  	(pc) =	sbr.rel $0x88, $3  }
0x1: {  	(tag) =	ssettag $0x0;
	lr =	simm.s32 $0x1  }
0x2: {  	[smem:$0x3F9B] =	sst lr;
	_ =	strace $0xD0000000  }
0x3: {  	_ = 	snop  }
0x4: {  	_ = 	snop  }
0x5: {  	_ = 	snop  }
0x6: {  	_ = 	snop  }
0x7: {  	_ = 	snop  }
__scs_overlays_trampoline_lowered:
0x8: {  	[smem:$0x3FAA] =	sst s0  }
0x9: {  	[smem:$0x3FAB] =	sst s1  }
0xa: {  	[smem:$0x3FAC] =	sst s2  }
0xb: {  	[smem:$0x3FAD] =	sst s3  }
0xc: {  	[smem:$0x3FAE] =	sst s4  }
0xd: {  	[smem:$0x3FAF] =	sst s5  }
0xe: {  	[smem:$0x3FB0] =	sst s6  }
0xf: {  	[smem:$0x3FB1] =	sst s7  }
0x10: {  	[smem:$0x3FB2] =	sst s8  }
0x11: {  	[smem:$0x3FB3] =	sst s9;
	s0 =	simm.s32 @!p0 $0x0  }
0x12: {  	s1 =	sld [smem:$0x3F99];
	s0 =	simm.s32 @p0 $0x1  }
0x13: {  	[smem:$0x3FB4] =	sst s0;
	s0 =	simm.s32 @!p1 $0x0  }
0x14: {  	s2 =	sld [smem:$0x3F98];
	s0 =	simm.s32 @p1 $0x1  }
0x15: {  	[smem:$0x3FB5] =	sst s0;
	s0 =	simm.s32 @!p2 $0x0  }
0x16: {  	s3 =	sld [smem:$0x3FDB];
	s0 =	simm.s32 @p2 $0x1  }
0x17: {  	s4 =	simm.s32 $0x1BF5;
	[smem:$0x3FB7] =	sst s0  }
0x18: {  	s0 =	sld [smem:$0x3F9A];
	_ =	swait.ge [sflag:s4], $0x0  }
0x19: {  	s7 =	sld [smem:$0x3F9B]  }
0x1a: {  	s8 =	sadd.s32 $0xFFFFE003, lr  }
0x1b: {  	s9 =	sadd.s32 $0xFFFFFEF7, lr;
	s5 =	simm.s32 $0xFFFFFFFF;
	p2 =	slt.u32 s8, $0xFFFFF086  }
0x1c: {  	p1 =	slt.u32 s9, $0xF7A;
	s5 =	simm.s32 @!p2 $0x0  }
0x1d: {  	s5 =	simm.s32 @p1 $0x1;
	p0 =	seq.s32 s7, s2  }
0x1e: {  	s7 =	smul.u32 @!p0 $0xF7A, s2;
	p2 =	seq.s32 @!p0 s5, $0x0  }
0x1f: {  	s9 =	smul.u32 $0xF7A, s1;
	s8 =	simm.s32 @!p0 $0x1BF5;
	p2 =	por !p2, p0  }
0x20: {  	[sflag:s8] =	ssyncset.s32 @!p0 $0xFFFFF086;
	s6 =	sadd.s32 @!p0 s3, s7;
	s7 =	simm.s32 @!p0 $0x108  }
0x21: {  	s3 =	sadd.s32 s3, s9;
	s6 =	sadd.s32 @!p0 $0x88, s6;
	s7 =	simm.s32 @p2 $0x1082  }
0x22: {  	[simem:s7], [sflag:s8] =	dma.local @!p0 [hbm:s6], $0xF7A  }
0x23: {  	s9 =	sor.u32 $0xD0000000, s2;
	s6 =	simm.s32 $0x108;
	_ =	swait.ge @!p0 [sflag:s8], $0x0  }
0x24: {  	s3 =	sadd.s32 $0x88, s3;
	s6 =	simm.s32 @!p1 $0x1082;
	[sflag:s4] =	ssyncset.s32 $0xFFFFF086  }
0x25: {  	[simem:s6], [sflag:s4] =	dma.local [hbm:s3], $0xF7A  }
0x26: {  	[smem:$0x3F9B] =	sst s1;
	(tag) =	ssettag s2;
	_ =	strace s9  }
0x27: {  	s1 =	sld [smem:$0x3FAB]  }
0x28: {  	s2 =	sld [smem:$0x3FAC]  }
0x29: {  	s4 =	sld [smem:$0x3FAE]  }
0x2a: {  	p0 =	seq.s32 s5, $0x0;
	s5 =	sld [smem:$0x3FAF]  }
0x2b: {  	s6 =	sld [smem:$0x3FB0]  }
0x2c: {  	s7 =	sld [smem:$0x3FB1]  }
0x2d: {  	s3 =	simm.s32 $0x108;
	s8 =	sld [smem:$0x3FB2]  }
0x2e: {  	s3 =	simm.s32 @!p0 $0x1082;
	s9 =	sld [smem:$0x3FB3]  }
0x2f: {  	lr =	sadd.s32 s0, s3;
	s0 =	sld [smem:$0x3FAA]  }
0x30: {  	s3 =	sld [smem:$0x3FAD]  }
0x31: {  	[smem:$0x3FB6] =	sst s10  }
0x32: {  	s10 =	sld [smem:$0x3FB4];
	_ =	sdelay $0x3  }
0x33: {  	p0 =	seq.s32 s10, $0x1;
	s10 =	sld [smem:$0x3FB6];
	_ =	sdelay $0x3  }
0x34: {  	[smem:$0x3FB6] =	sst s10  }
0x35: {  	s10 =	sld [smem:$0x3FB5];
	_ =	sdelay $0x3  }
0x36: {  	p1 =	seq.s32 s10, $0x1;
	s10 =	sld [smem:$0x3FB6];
	_ =	sdelay $0x3  }
0x37: {  	[smem:$0x3FB6] =	sst s10  }
0x38: {  	s10 =	sld [smem:$0x3FB7]  }
0x39: {  	_ = 	snop;
	(pc) =	sbr.ind lr, $3  }
0x3a: {  	_ = 	snop  }
0x3b: {  	_ = 	snop  }
0x3c: {  	p2 =	seq.s32 s10, $0x1;
	s10 =	sld [smem:$0x3FB6]  }
0x3d: {  	_ =	shalt  }
0x3e: {  	_ =	shalt  }
0x3f: {  	_ =	shalt  }
0x40: {  	_ =	shalt  }
0x41: {  	_ =	shalt  }
0x42: {  	_ =	shalt  }
0x43: {  	_ =	shalt  }
0x44: {  	_ =	shalt  }
0x45: {  	_ =	shalt  }
0x46: {  	_ =	shalt  }
0x47: {  	_ =	shalt  }
0x48: {  	_ =	shalt  }
0x49: {  	_ =	shalt  }
0x4a: {  	_ =	shalt  }
0x4b: {  	_ =	shalt  }
0x4c: {  	_ =	shalt  }
0x4d: {  	_ =	shalt  }
0x4e: {  	_ =	shalt  }
0x4f: {  	_ =	shalt  }
0x50: {  	_ =	shalt  }
0x51: {  	_ =	shalt  }
0x52: {  	_ =	shalt  }
0x53: {  	_ =	shalt  }
0x54: {  	_ =	shalt  }
0x55: {  	_ =	shalt  }
0x56: {  	_ =	shalt  }
0x57: {  	_ =	shalt  }
0x58: {  	_ =	shalt  }
0x59: {  	_ =	shalt  }
0x5a: {  	_ =	shalt  }
0x5b: {  	_ =	shalt  }
0x5c: {  	_ =	shalt  }
0x5d: {  	_ =	shalt  }
0x5e: {  	_ =	shalt  }
0x5f: {  	_ =	shalt  }
0x60: {  	_ =	shalt  }
0x61: {  	_ =	shalt  }
0x62: {  	_ =	shalt  }
0x63: {  	_ =	shalt  }
0x64: {  	_ =	shalt  }
0x65: {  	_ =	shalt  }
0x66: {  	_ =	shalt  }
0x67: {  	_ =	shalt  }
0x68: {  	_ =	shalt  }
0x69: {  	_ =	shalt  }
0x6a: {  	_ =	shalt  }
0x6b: {  	_ =	shalt  }
0x6c: {  	_ =	shalt  }
0x6d: {  	_ =	shalt  }
0x6e: {  	_ =	shalt  }
0x6f: {  	_ =	shalt  }
0x70: {  	_ =	shalt  }
0x71: {  	_ =	shalt  }
0x72: {  	_ =	shalt  }
0x73: {  	_ =	shalt  }
0x74: {  	_ =	shalt  }
0x75: {  	_ =	shalt  }
0x76: {  	_ =	shalt  }
0x77: {  	_ =	shalt  }
0x78: {  	_ =	shalt  }
0x79: {  	_ =	shalt  }
0x7a: {  	_ =	shalt  }
0x7b: {  	_ =	shalt  }
0x7c: {  	_ =	shalt  }
0x7d: {  	_ =	shalt  }
0x7e: {  	_ =	shalt  }
0x7f: {  	_ =	shalt  }
0x80: {  	_ =	shalt  }
0x81: {  	_ =	shalt  }
0x82: {  	_ =	shalt  }
0x83: {  	_ =	shalt  }
0x84: {  	_ =	shalt  }
0x85: {  	_ =	shalt  }
0x86: {  	_ =	shalt  }
0x87: {  	_ =	shalt  }
.Lfunc_end0:
.L_simem_size_0:
called_computation.1_lowered:
.L_overlay_start_0:
0x88: {  	s2 =	sld [smem:$0x3FD9]  }
0x89: {  	s3 =	sld [smem:$0x3FFE];
	_ =	sdelay $0x1  }
0x8a: {  	s1 =	srdreg.scid  }
0x8b: {  	s0 =	sand.u32 $0x1, s1  }
0x8c: {  	s16 =	sshll.u32 s0, $0xA;
	s2 =	sadd.s32 s3, s2  }
0x8d: {  	s2 =	sadd.s32 s2, s16  }
0x8e: {  	[smem:$0x3FC2] =	sst s2  }
0x8f: {  	_ = 	snop  }
0x90: {  	(tm) =	ssettm $0x1  }
0x91: {  	s17 =	sld [smem:$0x3FFB];
	_ =	sdelay $0x3  }
0x92: {  	_ =	strace s17  }
0x93: {  	s2 =	sld [smem:$0x3FFC];
	_ =	sdelay $0x3  }
0x94: {  	_ =	strace s2  }
0x95: {  	s2 =	sld [smem:$0x3FFD];
	_ =	sdelay $0x3  }
0x96: {  	_ =	strace s2  }
0x97: {  	_ =	strace $0x8FFFFFFF  }
0x98: {  	s18 =	sld [smem:$0x3FDB];
	_ =	sdelay $0x1  }
0x99: {  	s19 =	simm.s32 $_scs_section_size  }
0x9a: {  	s4 =	simm.s32 $_size__tile_overlayer_lowered;
	s5 =	simm.s32 $_tile_overlayer_lowered  }
0x9b: {  	s22 =	simm.s32 $0x1BFF;
	s21 =	sshll.u32 s5, $0x1;
	s2 =	sadd.s32 s19, s18  }
0x9c: {  	s6 =	simm.s32 $0x0;
	s20 =	sshll.u32 s4, $0x1;
	s4 =	sadd.s32 s21, s2  }
0x9d: {  	[timem:s6], [sflag:s22] =	dma.local [hbm:s4], s20  }
0x9e: {  	_ =	swait.ge [sflag:s22], s20  }
0x9f: {  	s3 =	ssub.s32 $0x0, s20;
	[sflag:s22] =	ssyncset.done $0x0  }
0xa0: {  	[sflag:s22] =	ssyncadd.s32 s3;
	_ =	sdelay $0x1  }
0xa1: {  	s23 =	simm.s32 $0x1B8B  }
0xa2: {  	_ =	swait.ge [sflag:s23], $0x1  }
0xa3: {  	[sflag:s23] =	ssyncset.done $0x0  }
0xa4: {  	s25 =	simm.s32 $0x1B8E;
	s24 =	sld [smem:$0x3FFE];
	[sflag:s23] =	ssyncadd.s32 $0xFFFFFFFF  }
0xa5: {  	s26 =	simm.s32 $execute0_lowered;
	[smem:$0x3FD2] =	sst s25  }
0xa6: {  	s4 =	sshll.u32 s26, $0x1;
	_ =	strace $0x80000049;
	[dreg:$0x1] =	wrdreg $0xFFFFFFFF  }
0xa7: {  	s28 =	simm.s32 $_size_execute0_lowered;
	s2 =	sadd.s32 s2, s4;
	[dreg:$0x0] =	wrdreg $0x0  }
0xa8: {  	s4 =	sshll.u32 s28, $0x1;
	[dreg:$0x2] =	wrdreg s2  }
0xa9: {  	[dreg:$0x3] =	wrdreg s4  }
0xaa: {  	[dreg:$0x4] =	wrdreg $0xC0  }
0xab: {  	_ =	task [dreg:s6], $0x5FFFF  }
0xac: {  	[dreg:$0x1] =	wrdreg $0xFFFFFFFF  }
0xad: {  	[dreg:$0x0] =	wrdreg $0x60  }
0xae: {  	[dreg:$0x2] =	wrdreg s24  }
0xaf: {  	[dreg:$0x3] =	wrdreg $0xB0000  }
0xb0: {  	[dreg:$0x4] =	wrdreg $0x9  }
0xb1: {  	_ =	task.clear_ibuf [dreg:s6], $0x5FFFF;
	_ =	strace $0x90000049  }
0xb2: {  	s29 =	simm.s32 $0x9;
	_ =	strace $0x8000004B  }
0xb3: {  	_ =	swait.ge [sflag:s29], $0x1  }
0xb4: {  	[sflag:s29] =	ssyncadd.s32 $0xFFFFFFFF  }
0xb5: {  	_ =	strace $0x9000004B  }
0xb6: {  	_ =	sfence  }
0xb7: {  	s30 =	sld [smem:$0x0];
	_ =	sdelay $0x2  }
0xb8: {  	s31 =	sshll.u32 s1, $0xD;
	s1 =	sshrl.u32 s1, $0x2  }
0xb9: {  	s3 =	sand.u32 $0x4000, s31;
	s1 =	sadd.s32 s1, s30  }
0xba: {  	s0 =	sor.u32 s3, s0;
	s1 =	sshll.u32 s1, $0x11  }
0xbb: {  	s0 =	sor.u32 s1, s0  }
0xbc: {  	s0 =	sadd.s32 $0x8F2B, s0  }
0xbd: {  	[sflag:s0] =	ssyncadd.remote.s32 $0x1  }
0xbe: {  	_ =	sfence.sel $0xFFFF  }
0xbf: {  	[dreg:$0x0] =	wrdreg $0xFFFFFFFF;
	(pc) =	sbr.abs _section_cstart, $3  }
0xc0: {  	[dreg:$0x1] =	wrdreg $0xFFFFFFFF  }
0xc1: {  	_ =	task.clear_ibuf [dreg:s6], $0x2FFFF;
	_ =	strace $0x9FFFFFFF  }
0xc2: {  	(tm) =	ssettm $0x7FFFFFFF  }
0xc3: {  	_ =	shalt  }
tec
execute0_lowered:
.L_overlay_start_1:
0x0: {  	(tag) =	ssettag $0x1  }
0x1: {  	s0 =	srdreg.scid  }
0x2: {  	s9 =	stileid.u32;
	s6 =	rddreg [dreg:$0x0]  }
0x3: {  	s2 =	rddreg [dreg:$0x1];
	s3 =	simm.s32 $0x0;
	s28 =	simm.s32 $0x180  }
0x4: {  	s31 =	simm.s32 $0x200;
	s30 =	simm.s32 $0x300;
	s29 =	simm.s32 $0x400  }
0x5: {  	s0 =	sand.u32 $0x1, s0;
	[smem:$0x7FF] =	sst s3;
	s8 =	smul.u32 $0x14000, s9  }
0x6: {  	s4 =	sadd.s32 $0x16000, s6;
	s1 =	sshll.u32 s0, $0x4;
	s5 =	smul.u32 $0x140000, s0  }
0x7: {  	s10 =	sadd.s32 $0x2000, s6;
	s1 =	sor.u32 s9, s1;
	s9 =	smul.u32 $0x50000, s9  }
0x8: {  	_ =	strace $0x8000004A;
	s0 =	ssub.s32 $0x2, s0;
	s7 =	smul.u32 $0x500, s1  }
0x9: {  	s19 =	sshrl.u32 s0, $0x1;
	s5 =	sadd.s32 s8, s5;
	s1 =	smul.u32 $0x2800, s1  }
0xa: {  	s0 =	ssub.s32 s0, s19;
	s19 =	simm.s32 $0x3;
	s8 =	sshrl.u32 s5, $0x3  }
0xb: {  	s18 =	sshrl.u32 s9, $0x2;
	s17 =	smax.u32 s0, $0x1;
	s0 =	simm.s32 $0x480  }
0xc: {  	s9 =	simm.s32 $0x700;
	s11 =	sadd.s32 s7, s6;
	s5 =	sadd.s32 s18, s2  }
0xd: {  	s6 =	sadd.s32 s8, s6;
	s1 =	sshrl.u32 s1, $0x3;
	s7 =	sadd.s32 s10, s7  }
0xe: {  	s18 =	simm.s32 $0x3000;
	s8 =	simm.s32 $0x600;
	s20 =	sadd.s32 $0x4000, s5  }
0xf: {  	s21 =	sadd.s32 $0x8000, s5;
	s22 =	sadd.s32 $0xC000, s5;
	[dreg:$0x8] =	wrdreg s7  }
0x10: {  	s23 =	sadd.s32 $0x10000, s5;
	s24 =	sadd.s32 $0xC000, s11;
	[dreg:$0x3] =	wrdreg s20  }
0x11: {  	s1 =	sadd.s32 s10, s1;
	s16 =	sadd.s32 $0x3D200, s6;
	[dreg:$0x4] =	wrdreg s21  }
0x12: {  	s6 =	simm.s32 $0x500;
	s7 =	simm.s32 $0x580;
	[dreg:$0x5] =	wrdreg s22  }
0x13: {  	s10 =	simm.s32 $0x780;
	s11 =	simm.s32 $0x0;
	[dreg:$0x6] =	wrdreg s23  }
0x14: {  	[dreg:$0x7] =	wrdreg s24;
	s25 =	sadd.s32 $0x100, s1;
	s26 =	sadd.s32 $0x200, s1  }
0x15: {  	s14 =	sadd.s32 $0x300, s1;
	s15 =	sadd.s32 $0x400, s1;
	s21 =	simm.s32 $0x80  }
0x16: {  	s22 =	simm.s32 $0x1;
	s23 =	simm.s32 $0x7000;
	s1 =	simm.s32 $0x280  }
0x17: {  	s24 =	simm.s32 $0x380;
	s20 =	simm.s32 $0x680;
	[dreg:$0x9] =	wrdreg s25  }
0x18: {  	v0 =	vimm.f32 $0.0e+00;
	[dreg:$0xa] =	wrdreg s26;
	s25 =	simm.s32 $0x2;
	s26 =	simm.s32 $0x100  }
.LBB2_1:
0x19: {  	s12 =	simm.s32 $0x0;
	s13 =	simm.s32 $0x200  }
.LBB2_2:
0x1a: {  	p0 =	sne.s32 s13, $0xFE00;
	[tilespmem:s12+$0x3070] =	vst v0  }
0x1b: {  	[tilespmem:s12+$0x3000] =	vst v0  }
0x1c: {  	[tilespmem:s12+$0x3010] =	vst v0  }
.Ltmp0:
0x1d: {  	[tilespmem:s12+$0x3020] =	vst v0;
	(pc) =	sbr.rel @p0 .LBB2_2-.Ltmp0, $4  }
0x1e: {  	[tilespmem:s12+$0x3030] =	vst v0  }
0x1f: {  	[tilespmem:s12+$0x3040] =	vst v0  }
0x20: {  	[tilespmem:s12+$0x3050] =	vst v0  }
0x21: {  	[tilespmem:s12+$0x3060] =	vst v0;
	s12 =	sshra.s32 s13, $0x2;
	s13 =	sadd.s32 $0x200, s13  }
0x22: {  	[tilespmem:s12+$0x3070] =	vst v0  }
0x23: {  	[tilespmem:s12+$0x3000] =	vst v0  }
0x24: {  	[tilespmem:s12+$0x3010] =	vst v0  }
0x25: {  	[tilespmem:s12+$0x3020] =	vst v0  }
0x26: {  	[tilespmem:s12+$0x3030] =	vst v0  }
0x27: {  	[tilespmem:s12+$0x3040] =	vst v0  }
0x28: {  	[tilespmem:s12+$0x3050] =	vst v0  }
0x29: {  	[tilespmem:s12+$0x3060] =	vst v0  }
0x2a: {  	[spmem:s5] =	stream.linear.scatter [tilespmem:s18], [sflag:$0x3], $0x4000, $0x38;
	[tilespmem:$0x1F000] =	vst v63  }
0x2b: {  	_ =	swait.ge [sflag:s19], $0x4000  }
0x2c: {  	[sflag:s19] =	ssyncset.done $0x0  }
0x2d: {  	s13 =	rddreg [dreg:$0x3];
	[sflag:s19] =	ssyncadd.s32 $0xFFFFC000  }
0x2e: {  	[spmem:s13] =	stream.linear.scatter [tilespmem:s18], [sflag:$0x3], $0x4000, $0x38;
	[tilespmem:$0x1F000] =	vst v63  }
0x2f: {  	_ =	swait.ge [sflag:s19], $0x4000  }
0x30: {  	[sflag:s19] =	ssyncset.done $0x0  }
0x31: {  	s13 =	rddreg [dreg:$0x4];
	[sflag:s19] =	ssyncadd.s32 $0xFFFFC000  }
0x32: {  	[spmem:s13] =	stream.linear.scatter [tilespmem:s18], [sflag:$0x3], $0x4000, $0x38;
	[tilespmem:$0x1F000] =	vst v63  }
0x33: {  	_ =	swait.ge [sflag:s19], $0x4000  }
0x34: {  	[sflag:s19] =	ssyncset.done $0x0  }
0x35: {  	s13 =	rddreg [dreg:$0x5];
	[sflag:s19] =	ssyncadd.s32 $0xFFFFC000  }
0x36: {  	[spmem:s13] =	stream.linear.scatter [tilespmem:s18], [sflag:$0x3], $0x4000, $0x38;
	[tilespmem:$0x1F000] =	vst v63  }
0x37: {  	_ =	swait.ge [sflag:s19], $0x4000  }
0x38: {  	[sflag:s19] =	ssyncset.done $0x0  }
0x39: {  	s13 =	rddreg [dreg:$0x6];
	[sflag:s19] =	ssyncadd.s32 $0xFFFFC000  }
0x3a: {  	[spmem:s13] =	stream.linear.scatter [tilespmem:s18], [sflag:$0x3], $0x4000, $0x38;
	[tilespmem:$0x1F000] =	vst v63  }
0x3b: {  	_ =	swait.ge [sflag:s19], $0x4000  }
0x3c: {  	[sflag:s19] =	ssyncset.done $0x0  }
0x3d: {  	[sflag:s19] =	ssyncadd.s32 $0xFFFFC000  }
0x3e: {  	[bflag:$0x0] =	sbarrier.arrive $0xFFFF  }
0x3f: {  	s13 =	simm.s32 $0x800;
	s12 =	rddreg [dreg:$0x7]  }
0x40: {  	[tilespmem:s13], [sflag:$0x3] =	stream.linear.gather [hbm4b:s12+s3], $0x2800, $0x38;
	[tilespmem:$0x1F000] =	vst v63  }
0x41: {  	_ =	swait.ge [sflag:s19], $0x2800  }
0x42: {  	[sflag:s19] =	ssyncset.done $0x0  }
0x43: {  	[sflag:s19] =	ssyncadd.s32 $0xFFFFD800  }
0x44: {  	s12 =	rddreg [dreg:$0x8]  }
0x45: {  	[tilespmem:s3], [sflag:$0x3] =	stream.linear.gather [hbm4b:s12+s3], $0x800, $0x38;
	[tilespmem:$0x1F000] =	vst v63  }
0x46: {  	_ =	swait.ge [sflag:s19], $0x800  }
0x47: {  	[sflag:s19] =	ssyncset.done $0x0  }
0x48: {  	[sflag:s19] =	ssyncadd.s32 $0xFFFFF800  }
0x49: {  	[tilespmem:s18], [sflag:$0x1] =	stream.indirect.gather [hbm4b:s4+s21], $0x80, s3, s21, $0xb8;
	[tilespmem:$0x1F000] =	vst v63  }
0x4a: {  	_ =	swait.ge [sflag:s22], $0x4000  }
0x4b: {  	[sflag:s22] =	ssyncset.done $0x0  }
0x4c: {  	[sflag:s22] =	ssyncadd.s32 $0xFFFFC000  }
0x4d: {  	[tilespmem:s23], [sflag:$0x1] =	stream.indirect.gather [hbm4b:s4+s21], $0x80, s21, s21, $0xb8;
	[tilespmem:$0x1F000] =	vst v63  }
0x4e: {  	_ = 	snop  }
0x4f: {  	[spmem:s2] =	stream.indirect.scatter.add.f32 [tilespmem:s18], [sflag:$0x2], $0x80, s13, s21, $0xb8;
	[tilespmem:$0x1F000] =	vst v63  }
0x50: {  	_ =	swait.ge [sflag:s22], $0x4000  }
0x51: {  	[sflag:s22] =	ssyncset.done $0x0  }
0x52: {  	s13 =	simm.s32 $0x880;
	[sflag:s22] =	ssyncadd.s32 $0xFFFFC000  }
0x53: {  	[spmem:s2] =	stream.indirect.scatter.add.f32 [tilespmem:s23], [sflag:$0x2], $0x80, s13, s21, $0xb8;
	[tilespmem:$0x1F000] =	vst v63  }
0x54: {  	_ =	swait.ge [sflag:s25], $0x4000  }
0x55: {  	[sflag:s25] =	ssyncset.done $0x0  }
0x56: {  	[sflag:s25] =	ssyncadd.s32 $0xFFFFC000  }
0x57: {  	[tilespmem:s18], [sflag:$0x1] =	stream.indirect.gather [hbm4b:s4+s21], $0x80, s26, s21, $0xb8;
	[tilespmem:$0x1F000] =	vst v63  }
0x58: {  	_ =	swait.ge [sflag:s22], $0x4000  }
0x59: {  	[sflag:s22] =	ssyncset.done $0x0  }
0x5a: {  	[sflag:s22] =	ssyncadd.s32 $0xFFFFC000  }
0x5b: {  	_ =	swait.ge [sflag:s25], $0x4000  }
0x5c: {  	[sflag:s25] =	ssyncset.done $0x0  }
0x5d: {  	[sflag:s25] =	ssyncadd.s32 $0xFFFFC000  }
0x5e: {  	[tilespmem:s23], [sflag:$0x1] =	stream.indirect.gather [hbm4b:s4+s21], $0x80, s28, s21, $0xb8;
	[tilespmem:$0x1F000] =	vst v63  }
0x5f: {  	s13 =	simm.s32 $0x900  }
0x60: {  	[spmem:s2] =	stream.indirect.scatter.add.f32 [tilespmem:s18], [sflag:$0x2], $0x80, s13, s21, $0xb8;
	[tilespmem:$0x1F000] =	vst v63  }
0x61: {  	_ =	swait.ge [sflag:s22], $0x4000  }
0x62: {  	[sflag:s22] =	ssyncset.done $0x0  }
0x63: {  	s13 =	simm.s32 $0x980;
	[sflag:s22] =	ssyncadd.s32 $0xFFFFC000  }
0x64: {  	[spmem:s2] =	stream.indirect.scatter.add.f32 [tilespmem:s23], [sflag:$0x2], $0x80, s13, s21, $0xb8;
	[tilespmem:$0x1F000] =	vst v63  }
0x65: {  	_ =	swait.ge [sflag:s25], $0x4000  }
0x66: {  	[sflag:s25] =	ssyncset.done $0x0  }
0x67: {  	[sflag:s25] =	ssyncadd.s32 $0xFFFFC000  }
0x68: {  	[tilespmem:s18], [sflag:$0x1] =	stream.indirect.gather [hbm4b:s4+s21], $0x80, s31, s21, $0xb8;
	[tilespmem:$0x1F000] =	vst v63  }
0x69: {  	_ =	swait.ge [sflag:s22], $0x4000  }
0x6a: {  	[sflag:s22] =	ssyncset.done $0x0  }
0x6b: {  	[sflag:s22] =	ssyncadd.s32 $0xFFFFC000  }
0x6c: {  	_ =	swait.ge [sflag:s25], $0x4000  }
0x6d: {  	[sflag:s25] =	ssyncset.done $0x0  }
0x6e: {  	[sflag:s25] =	ssyncadd.s32 $0xFFFFC000  }
0x6f: {  	[tilespmem:s23], [sflag:$0x1] =	stream.indirect.gather [hbm4b:s4+s21], $0x80, s1, s21, $0xb8;
	[tilespmem:$0x1F000] =	vst v63  }
0x70: {  	s13 =	simm.s32 $0xA00  }
0x71: {  	[spmem:s2] =	stream.indirect.scatter.add.f32 [tilespmem:s18], [sflag:$0x2], $0x80, s13, s21, $0xb8;
	[tilespmem:$0x1F000] =	vst v63  }
0x72: {  	_ =	swait.ge [sflag:s22], $0x4000  }
0x73: {  	[sflag:s22] =	ssyncset.done $0x0  }
0x74: {  	s13 =	simm.s32 $0xA80;
	[sflag:s22] =	ssyncadd.s32 $0xFFFFC000  }
0x75: {  	[spmem:s2] =	stream.indirect.scatter.add.f32 [tilespmem:s23], [sflag:$0x2], $0x80, s13, s21, $0xb8;
	[tilespmem:$0x1F000] =	vst v63  }
0x76: {  	_ =	swait.ge [sflag:s25], $0x4000  }
0x77: {  	[sflag:s25] =	ssyncset.done $0x0  }
0x78: {  	[sflag:s25] =	ssyncadd.s32 $0xFFFFC000  }
0x79: {  	[tilespmem:s18], [sflag:$0x1] =	stream.indirect.gather [hbm4b:s4+s21], $0x80, s30, s21, $0xb8;
	[tilespmem:$0x1F000] =	vst v63  }
0x7a: {  	_ =	swait.ge [sflag:s22], $0x4000  }
0x7b: {  	[sflag:s22] =	ssyncset.done $0x0  }
0x7c: {  	[sflag:s22] =	ssyncadd.s32 $0xFFFFC000  }
0x7d: {  	_ =	swait.ge [sflag:s25], $0x4000  }
0x7e: {  	[sflag:s25] =	ssyncset.done $0x0  }
0x7f: {  	[sflag:s25] =	ssyncadd.s32 $0xFFFFC000  }
0x80: {  	[tilespmem:s23], [sflag:$0x1] =	stream.indirect.gather [hbm4b:s4+s21], $0x80, s24, s21, $0xb8;
	[tilespmem:$0x1F000] =	vst v63  }
0x81: {  	s13 =	simm.s32 $0xB00  }
0x82: {  	[spmem:s2] =	stream.indirect.scatter.add.f32 [tilespmem:s18], [sflag:$0x2], $0x80, s13, s21, $0xb8;
	[tilespmem:$0x1F000] =	vst v63  }
0x83: {  	_ =	swait.ge [sflag:s22], $0x4000  }
0x84: {  	[sflag:s22] =	ssyncset.done $0x0  }
0x85: {  	s13 =	simm.s32 $0xB80;
	[sflag:s22] =	ssyncadd.s32 $0xFFFFC000  }
0x86: {  	[spmem:s2] =	stream.indirect.scatter.add.f32 [tilespmem:s23], [sflag:$0x2], $0x80, s13, s21, $0xb8;
	[tilespmem:$0x1F000] =	vst v63  }
0x87: {  	_ =	swait.ge [sflag:s25], $0x4000  }
0x88: {  	[sflag:s25] =	ssyncset.done $0x0  }
0x89: {  	[sflag:s25] =	ssyncadd.s32 $0xFFFFC000  }
0x8a: {  	[tilespmem:s18], [sflag:$0x1] =	stream.indirect.gather [hbm4b:s4+s21], $0x80, s29, s21, $0xb8;
	[tilespmem:$0x1F000] =	vst v63  }
0x8b: {  	_ =	swait.ge [sflag:s22], $0x4000  }
0x8c: {  	[sflag:s22] =	ssyncset.done $0x0  }
0x8d: {  	[sflag:s22] =	ssyncadd.s32 $0xFFFFC000  }
0x8e: {  	_ =	swait.ge [sflag:s25], $0x4000  }
0x8f: {  	[sflag:s25] =	ssyncset.done $0x0  }
0x90: {  	[sflag:s25] =	ssyncadd.s32 $0xFFFFC000  }
0x91: {  	[tilespmem:s23], [sflag:$0x1] =	stream.indirect.gather [hbm4b:s4+s21], $0x80, s0, s21, $0xb8;
	[tilespmem:$0x1F000] =	vst v63  }
0x92: {  	s13 =	simm.s32 $0xC00  }
0x93: {  	[spmem:s2] =	stream.indirect.scatter.add.f32 [tilespmem:s18], [sflag:$0x2], $0x80, s13, s21, $0xb8;
	[tilespmem:$0x1F000] =	vst v63  }
0x94: {  	_ =	swait.ge [sflag:s22], $0x4000  }
0x95: {  	[sflag:s22] =	ssyncset.done $0x0  }
0x96: {  	s13 =	simm.s32 $0xC80;
	[sflag:s22] =	ssyncadd.s32 $0xFFFFC000  }
0x97: {  	[spmem:s2] =	stream.indirect.scatter.add.f32 [tilespmem:s23], [sflag:$0x2], $0x80, s13, s21, $0xb8;
	[tilespmem:$0x1F000] =	vst v63  }
0x98: {  	_ =	swait.ge [sflag:s25], $0x4000  }
0x99: {  	[sflag:s25] =	ssyncset.done $0x0  }
0x9a: {  	[sflag:s25] =	ssyncadd.s32 $0xFFFFC000  }
0x9b: {  	[tilespmem:s18], [sflag:$0x1] =	stream.indirect.gather [hbm4b:s4+s21], $0x80, s6, s21, $0xb8;
	[tilespmem:$0x1F000] =	vst v63  }
0x9c: {  	_ =	swait.ge [sflag:s22], $0x4000  }
0x9d: {  	[sflag:s22] =	ssyncset.done $0x0  }
0x9e: {  	[sflag:s22] =	ssyncadd.s32 $0xFFFFC000  }
0x9f: {  	_ =	swait.ge [sflag:s25], $0x4000  }
0xa0: {  	[sflag:s25] =	ssyncset.done $0x0  }
0xa1: {  	[sflag:s25] =	ssyncadd.s32 $0xFFFFC000  }
0xa2: {  	[tilespmem:s23], [sflag:$0x1] =	stream.indirect.gather [hbm4b:s4+s21], $0x80, s7, s21, $0xb8;
	[tilespmem:$0x1F000] =	vst v63  }
0xa3: {  	s13 =	simm.s32 $0xD00  }
0xa4: {  	[spmem:s2] =	stream.indirect.scatter.add.f32 [tilespmem:s18], [sflag:$0x2], $0x80, s13, s21, $0xb8;
	[tilespmem:$0x1F000] =	vst v63  }
0xa5: {  	_ =	swait.ge [sflag:s22], $0x4000  }
0xa6: {  	[sflag:s22] =	ssyncset.done $0x0  }
0xa7: {  	s13 =	simm.s32 $0xD80;
	[sflag:s22] =	ssyncadd.s32 $0xFFFFC000  }
0xa8: {  	[spmem:s2] =	stream.indirect.scatter.add.f32 [tilespmem:s23], [sflag:$0x2], $0x80, s13, s21, $0xb8;
	[tilespmem:$0x1F000] =	vst v63  }
0xa9: {  	_ =	swait.ge [sflag:s25], $0x4000  }
0xaa: {  	[sflag:s25] =	ssyncset.done $0x0  }
0xab: {  	[sflag:s25] =	ssyncadd.s32 $0xFFFFC000  }
0xac: {  	[tilespmem:s18], [sflag:$0x1] =	stream.indirect.gather [hbm4b:s4+s21], $0x80, s8, s21, $0xb8;
	[tilespmem:$0x1F000] =	vst v63  }
0xad: {  	_ =	swait.ge [sflag:s22], $0x4000  }
0xae: {  	[sflag:s22] =	ssyncset.done $0x0  }
0xaf: {  	[sflag:s22] =	ssyncadd.s32 $0xFFFFC000  }
0xb0: {  	_ =	swait.ge [sflag:s25], $0x4000  }
0xb1: {  	[sflag:s25] =	ssyncset.done $0x0  }
0xb2: {  	[sflag:s25] =	ssyncadd.s32 $0xFFFFC000  }
0xb3: {  	[tilespmem:s23], [sflag:$0x1] =	stream.indirect.gather [hbm4b:s4+s21], $0x80, s20, s21, $0xb8;
	[tilespmem:$0x1F000] =	vst v63  }
0xb4: {  	s13 =	simm.s32 $0xE00  }
0xb5: {  	[spmem:s2] =	stream.indirect.scatter.add.f32 [tilespmem:s18], [sflag:$0x2], $0x80, s13, s21, $0xb8;
	[tilespmem:$0x1F000] =	vst v63  }
0xb6: {  	_ =	swait.ge [sflag:s22], $0x4000  }
0xb7: {  	[sflag:s22] =	ssyncset.done $0x0  }
0xb8: {  	s13 =	simm.s32 $0xE80;
	[sflag:s22] =	ssyncadd.s32 $0xFFFFC000  }
0xb9: {  	[spmem:s2] =	stream.indirect.scatter.add.f32 [tilespmem:s23], [sflag:$0x2], $0x80, s13, s21, $0xb8;
	[tilespmem:$0x1F000] =	vst v63  }
0xba: {  	_ =	swait.ge [sflag:s25], $0x4000  }
0xbb: {  	[sflag:s25] =	ssyncset.done $0x0  }
0xbc: {  	[sflag:s25] =	ssyncadd.s32 $0xFFFFC000  }
0xbd: {  	[tilespmem:s18], [sflag:$0x1] =	stream.indirect.gather [hbm4b:s4+s21], $0x80, s9, s21, $0xb8;
	[tilespmem:$0x1F000] =	vst v63  }
0xbe: {  	_ =	swait.ge [sflag:s22], $0x4000  }
0xbf: {  	[sflag:s22] =	ssyncset.done $0x0  }
0xc0: {  	[sflag:s22] =	ssyncadd.s32 $0xFFFFC000  }
0xc1: {  	_ =	swait.ge [sflag:s25], $0x4000  }
0xc2: {  	[sflag:s25] =	ssyncset.done $0x0  }
0xc3: {  	[sflag:s25] =	ssyncadd.s32 $0xFFFFC000  }
0xc4: {  	[tilespmem:s23], [sflag:$0x1] =	stream.indirect.gather [hbm4b:s4+s21], $0x80, s10, s21, $0xb8;
	[tilespmem:$0x1F000] =	vst v63  }
0xc5: {  	s13 =	simm.s32 $0xF00  }
0xc6: {  	[spmem:s2] =	stream.indirect.scatter.add.f32 [tilespmem:s18], [sflag:$0x2], $0x80, s13, s21, $0xb8;
	[tilespmem:$0x1F000] =	vst v63  }
0xc7: {  	_ =	swait.ge [sflag:s22], $0x4000  }
0xc8: {  	[sflag:s22] =	ssyncset.done $0x0  }
0xc9: {  	s13 =	simm.s32 $0xF80;
	[sflag:s22] =	ssyncadd.s32 $0xFFFFC000  }
0xca: {  	[spmem:s2] =	stream.indirect.scatter.add.f32 [tilespmem:s23], [sflag:$0x2], $0x80, s13, s21, $0xb8;
	[tilespmem:$0x1F000] =	vst v63  }
0xcb: {  	_ =	swait.ge [sflag:s25], $0x4000  }
0xcc: {  	[sflag:s25] =	ssyncset.done $0x0  }
0xcd: {  	s13 =	rddreg [dreg:$0x9];
	[sflag:s25] =	ssyncadd.s32 $0xFFFFC000  }
0xce: {  	[tilespmem:s3], [sflag:$0x3] =	stream.linear.gather [hbm4b:s13+s3], $0x800, $0x38;
	[tilespmem:$0x1F000] =	vst v63  }
0xcf: {  	_ =	swait.ge [sflag:s19], $0x800  }
0xd0: {  	[sflag:s19] =	ssyncset.done $0x0  }
0xd1: {  	[sflag:s19] =	ssyncadd.s32 $0xFFFFF800  }
0xd2: {  	[tilespmem:s18], [sflag:$0x1] =	stream.indirect.gather [hbm4b:s4+s21], $0x80, s3, s21, $0xb8;
	[tilespmem:$0x1F000] =	vst v63  }
0xd3: {  	_ =	swait.ge [sflag:s22], $0x4000  }
0xd4: {  	[sflag:s22] =	ssyncset.done $0x0  }
0xd5: {  	[sflag:s22] =	ssyncadd.s32 $0xFFFFC000  }
0xd6: {  	_ =	swait.ge [sflag:s25], $0x4000  }
0xd7: {  	[sflag:s25] =	ssyncset.done $0x0  }
0xd8: {  	[sflag:s25] =	ssyncadd.s32 $0xFFFFC000  }
0xd9: {  	[tilespmem:s23], [sflag:$0x1] =	stream.indirect.gather [hbm4b:s4+s21], $0x80, s21, s21, $0xb8;
	[tilespmem:$0x1F000] =	vst v63  }
0xda: {  	s13 =	simm.s32 $0x1000  }
0xdb: {  	[spmem:s2] =	stream.indirect.scatter.add.f32 [tilespmem:s18], [sflag:$0x2], $0x80, s13, s21, $0xb8;
	[tilespmem:$0x1F000] =	vst v63  }
0xdc: {  	_ =	swait.ge [sflag:s22], $0x4000  }
0xdd: {  	[sflag:s22] =	ssyncset.done $0x0  }
0xde: {  	s13 =	simm.s32 $0x1080;
	[sflag:s22] =	ssyncadd.s32 $0xFFFFC000  }
0xdf: {  	[spmem:s2] =	stream.indirect.scatter.add.f32 [tilespmem:s23], [sflag:$0x2], $0x80, s13, s21, $0xb8;
	[tilespmem:$0x1F000] =	vst v63  }
0xe0: {  	_ =	swait.ge [sflag:s25], $0x4000  }
0xe1: {  	[sflag:s25] =	ssyncset.done $0x0  }
0xe2: {  	[sflag:s25] =	ssyncadd.s32 $0xFFFFC000  }
0xe3: {  	[tilespmem:s18], [sflag:$0x1] =	stream.indirect.gather [hbm4b:s4+s21], $0x80, s26, s21, $0xb8;
	[tilespmem:$0x1F000] =	vst v63  }
0xe4: {  	_ =	swait.ge [sflag:s22], $0x4000  }
0xe5: {  	[sflag:s22] =	ssyncset.done $0x0  }
0xe6: {  	[sflag:s22] =	ssyncadd.s32 $0xFFFFC000  }
0xe7: {  	_ =	swait.ge [sflag:s25], $0x4000  }
0xe8: {  	[sflag:s25] =	ssyncset.done $0x0  }
0xe9: {  	[sflag:s25] =	ssyncadd.s32 $0xFFFFC000  }
0xea: {  	[tilespmem:s23], [sflag:$0x1] =	stream.indirect.gather [hbm4b:s4+s21], $0x80, s28, s21, $0xb8;
	[tilespmem:$0x1F000] =	vst v63  }
0xeb: {  	s13 =	simm.s32 $0x1100  }
0xec: {  	[spmem:s2] =	stream.indirect.scatter.add.f32 [tilespmem:s18], [sflag:$0x2], $0x80, s13, s21, $0xb8;
	[tilespmem:$0x1F000] =	vst v63  }
0xed: {  	_ =	swait.ge [sflag:s22], $0x4000  }
0xee: {  	[sflag:s22] =	ssyncset.done $0x0  }
0xef: {  	s13 =	simm.s32 $0x1180;
	[sflag:s22] =	ssyncadd.s32 $0xFFFFC000  }
0xf0: {  	[spmem:s2] =	stream.indirect.scatter.add.f32 [tilespmem:s23], [sflag:$0x2], $0x80, s13, s21, $0xb8;
	[tilespmem:$0x1F000] =	vst v63  }
0xf1: {  	_ =	swait.ge [sflag:s25], $0x4000  }
0xf2: {  	[sflag:s25] =	ssyncset.done $0x0  }
0xf3: {  	[sflag:s25] =	ssyncadd.s32 $0xFFFFC000  }
0xf4: {  	[tilespmem:s18], [sflag:$0x1] =	stream.indirect.gather [hbm4b:s4+s21], $0x80, s31, s21, $0xb8;
	[tilespmem:$0x1F000] =	vst v63  }
0xf5: {  	_ =	swait.ge [sflag:s22], $0x4000  }
0xf6: {  	[sflag:s22] =	ssyncset.done $0x0  }
0xf7: {  	[sflag:s22] =	ssyncadd.s32 $0xFFFFC000  }
0xf8: {  	_ =	swait.ge [sflag:s25], $0x4000  }
0xf9: {  	[sflag:s25] =	ssyncset.done $0x0  }
0xfa: {  	[sflag:s25] =	ssyncadd.s32 $0xFFFFC000  }
0xfb: {  	[tilespmem:s23], [sflag:$0x1] =	stream.indirect.gather [hbm4b:s4+s21], $0x80, s1, s21, $0xb8;
	[tilespmem:$0x1F000] =	vst v63  }
0xfc: {  	s13 =	simm.s32 $0x1200  }
0xfd: {  	[spmem:s2] =	stream.indirect.scatter.add.f32 [tilespmem:s18], [sflag:$0x2], $0x80, s13, s21, $0xb8;
	[tilespmem:$0x1F000] =	vst v63  }
0xfe: {  	_ =	swait.ge [sflag:s22], $0x4000  }
0xff: {  	[sflag:s22] =	ssyncset.done $0x0  }
0x100: {  	s13 =	simm.s32 $0x1280;
	[sflag:s22] =	ssyncadd.s32 $0xFFFFC000  }
0x101: {  	[spmem:s2] =	stream.indirect.scatter.add.f32 [tilespmem:s23], [sflag:$0x2], $0x80, s13, s21, $0xb8;
	[tilespmem:$0x1F000] =	vst v63  }
0x102: {  	_ =	swait.ge [sflag:s25], $0x4000  }
0x103: {  	[sflag:s25] =	ssyncset.done $0x0  }
0x104: {  	[sflag:s25] =	ssyncadd.s32 $0xFFFFC000  }
0x105: {  	[tilespmem:s18], [sflag:$0x1] =	stream.indirect.gather [hbm4b:s4+s21], $0x80, s30, s21, $0xb8;
	[tilespmem:$0x1F000] =	vst v63  }
0x106: {  	_ =	swait.ge [sflag:s22], $0x4000  }
0x107: {  	[sflag:s22] =	ssyncset.done $0x0  }
0x108: {  	[sflag:s22] =	ssyncadd.s32 $0xFFFFC000  }
0x109: {  	_ =	swait.ge [sflag:s25], $0x4000  }
0x10a: {  	[sflag:s25] =	ssyncset.done $0x0  }
0x10b: {  	[sflag:s25] =	ssyncadd.s32 $0xFFFFC000  }
0x10c: {  	[tilespmem:s23], [sflag:$0x1] =	stream.indirect.gather [hbm4b:s4+s21], $0x80, s24, s21, $0xb8;
	[tilespmem:$0x1F000] =	vst v63  }
0x10d: {  	s13 =	simm.s32 $0x1300  }
0x10e: {  	[spmem:s2] =	stream.indirect.scatter.add.f32 [tilespmem:s18], [sflag:$0x2], $0x80, s13, s21, $0xb8;
	[tilespmem:$0x1F000] =	vst v63  }
0x10f: {  	_ =	swait.ge [sflag:s22], $0x4000  }
0x110: {  	[sflag:s22] =	ssyncset.done $0x0  }
0x111: {  	s13 =	simm.s32 $0x1380;
	[sflag:s22] =	ssyncadd.s32 $0xFFFFC000  }
0x112: {  	[spmem:s2] =	stream.indirect.scatter.add.f32 [tilespmem:s23], [sflag:$0x2], $0x80, s13, s21, $0xb8;
	[tilespmem:$0x1F000] =	vst v63  }
0x113: {  	_ =	swait.ge [sflag:s25], $0x4000  }
0x114: {  	[sflag:s25] =	ssyncset.done $0x0  }
0x115: {  	[sflag:s25] =	ssyncadd.s32 $0xFFFFC000  }
0x116: {  	[tilespmem:s18], [sflag:$0x1] =	stream.indirect.gather [hbm4b:s4+s21], $0x80, s29, s21, $0xb8;
	[tilespmem:$0x1F000] =	vst v63  }
0x117: {  	_ =	swait.ge [sflag:s22], $0x4000  }
0x118: {  	[sflag:s22] =	ssyncset.done $0x0  }
0x119: {  	[sflag:s22] =	ssyncadd.s32 $0xFFFFC000  }
0x11a: {  	_ =	swait.ge [sflag:s25], $0x4000  }
0x11b: {  	[sflag:s25] =	ssyncset.done $0x0  }
0x11c: {  	[sflag:s25] =	ssyncadd.s32 $0xFFFFC000  }
0x11d: {  	[tilespmem:s23], [sflag:$0x1] =	stream.indirect.gather [hbm4b:s4+s21], $0x80, s0, s21, $0xb8;
	[tilespmem:$0x1F000] =	vst v63  }
0x11e: {  	s13 =	simm.s32 $0x1400  }
0x11f: {  	[spmem:s2] =	stream.indirect.scatter.add.f32 [tilespmem:s18], [sflag:$0x2], $0x80, s13, s21, $0xb8;
	[tilespmem:$0x1F000] =	vst v63  }
0x120: {  	_ =	swait.ge [sflag:s22], $0x4000  }
0x121: {  	[sflag:s22] =	ssyncset.done $0x0  }
0x122: {  	s13 =	simm.s32 $0x1480;
	[sflag:s22] =	ssyncadd.s32 $0xFFFFC000  }
0x123: {  	[spmem:s2] =	stream.indirect.scatter.add.f32 [tilespmem:s23], [sflag:$0x2], $0x80, s13, s21, $0xb8;
	[tilespmem:$0x1F000] =	vst v63  }
0x124: {  	_ =	swait.ge [sflag:s25], $0x4000  }
0x125: {  	[sflag:s25] =	ssyncset.done $0x0  }
0x126: {  	[sflag:s25] =	ssyncadd.s32 $0xFFFFC000  }
0x127: {  	[tilespmem:s18], [sflag:$0x1] =	stream.indirect.gather [hbm4b:s4+s21], $0x80, s6, s21, $0xb8;
	[tilespmem:$0x1F000] =	vst v63  }
0x128: {  	_ =	swait.ge [sflag:s22], $0x4000  }
0x129: {  	[sflag:s22] =	ssyncset.done $0x0  }
0x12a: {  	[sflag:s22] =	ssyncadd.s32 $0xFFFFC000  }
0x12b: {  	_ =	swait.ge [sflag:s25], $0x4000  }
0x12c: {  	[sflag:s25] =	ssyncset.done $0x0  }
0x12d: {  	[sflag:s25] =	ssyncadd.s32 $0xFFFFC000  }
0x12e: {  	[tilespmem:s23], [sflag:$0x1] =	stream.indirect.gather [hbm4b:s4+s21], $0x80, s7, s21, $0xb8;
	[tilespmem:$0x1F000] =	vst v63  }
0x12f: {  	s13 =	simm.s32 $0x1500  }
0x130: {  	[spmem:s2] =	stream.indirect.scatter.add.f32 [tilespmem:s18], [sflag:$0x2], $0x80, s13, s21, $0xb8;
	[tilespmem:$0x1F000] =	vst v63  }
0x131: {  	_ =	swait.ge [sflag:s22], $0x4000  }
0x132: {  	[sflag:s22] =	ssyncset.done $0x0  }
0x133: {  	s13 =	simm.s32 $0x1580;
	[sflag:s22] =	ssyncadd.s32 $0xFFFFC000  }
0x134: {  	[spmem:s2] =	stream.indirect.scatter.add.f32 [tilespmem:s23], [sflag:$0x2], $0x80, s13, s21, $0xb8;
	[tilespmem:$0x1F000] =	vst v63  }
0x135: {  	_ =	swait.ge [sflag:s25], $0x4000  }
0x136: {  	[sflag:s25] =	ssyncset.done $0x0  }
0x137: {  	[sflag:s25] =	ssyncadd.s32 $0xFFFFC000  }
0x138: {  	[tilespmem:s18], [sflag:$0x1] =	stream.indirect.gather [hbm4b:s4+s21], $0x80, s8, s21, $0xb8;
	[tilespmem:$0x1F000] =	vst v63  }
0x139: {  	_ =	swait.ge [sflag:s22], $0x4000  }
0x13a: {  	[sflag:s22] =	ssyncset.done $0x0  }
0x13b: {  	[sflag:s22] =	ssyncadd.s32 $0xFFFFC000  }
0x13c: {  	_ =	swait.ge [sflag:s25], $0x4000  }
0x13d: {  	[sflag:s25] =	ssyncset.done $0x0  }
0x13e: {  	[sflag:s25] =	ssyncadd.s32 $0xFFFFC000  }
0x13f: {  	[tilespmem:s23], [sflag:$0x1] =	stream.indirect.gather [hbm4b:s4+s21], $0x80, s20, s21, $0xb8;
	[tilespmem:$0x1F000] =	vst v63  }
0x140: {  	s13 =	simm.s32 $0x1600  }
0x141: {  	[spmem:s2] =	stream.indirect.scatter.add.f32 [tilespmem:s18], [sflag:$0x2], $0x80, s13, s21, $0xb8;
	[tilespmem:$0x1F000] =	vst v63  }
0x142: {  	_ =	swait.ge [sflag:s22], $0x4000  }
0x143: {  	[sflag:s22] =	ssyncset.done $0x0  }
0x144: {  	s13 =	simm.s32 $0x1680;
	[sflag:s22] =	ssyncadd.s32 $0xFFFFC000  }
0x145: {  	[spmem:s2] =	stream.indirect.scatter.add.f32 [tilespmem:s23], [sflag:$0x2], $0x80, s13, s21, $0xb8;
	[tilespmem:$0x1F000] =	vst v63  }
0x146: {  	_ =	swait.ge [sflag:s25], $0x4000  }
0x147: {  	[sflag:s25] =	ssyncset.done $0x0  }
0x148: {  	[sflag:s25] =	ssyncadd.s32 $0xFFFFC000  }
0x149: {  	[tilespmem:s18], [sflag:$0x1] =	stream.indirect.gather [hbm4b:s4+s21], $0x80, s9, s21, $0xb8;
	[tilespmem:$0x1F000] =	vst v63  }
0x14a: {  	_ =	swait.ge [sflag:s22], $0x4000  }
0x14b: {  	[sflag:s22] =	ssyncset.done $0x0  }
0x14c: {  	[sflag:s22] =	ssyncadd.s32 $0xFFFFC000  }
0x14d: {  	_ =	swait.ge [sflag:s25], $0x4000  }
0x14e: {  	[sflag:s25] =	ssyncset.done $0x0  }
0x14f: {  	[sflag:s25] =	ssyncadd.s32 $0xFFFFC000  }
0x150: {  	[tilespmem:s23], [sflag:$0x1] =	stream.indirect.gather [hbm4b:s4+s21], $0x80, s10, s21, $0xb8;
	[tilespmem:$0x1F000] =	vst v63  }
0x151: {  	s13 =	simm.s32 $0x1700  }
0x152: {  	[spmem:s2] =	stream.indirect.scatter.add.f32 [tilespmem:s18], [sflag:$0x2], $0x80, s13, s21, $0xb8;
	[tilespmem:$0x1F000] =	vst v63  }
0x153: {  	_ =	swait.ge [sflag:s22], $0x4000  }
0x154: {  	[sflag:s22] =	ssyncset.done $0x0  }
0x155: {  	s13 =	simm.s32 $0x1780;
	[sflag:s22] =	ssyncadd.s32 $0xFFFFC000  }
0x156: {  	[spmem:s2] =	stream.indirect.scatter.add.f32 [tilespmem:s23], [sflag:$0x2], $0x80, s13, s21, $0xb8;
	[tilespmem:$0x1F000] =	vst v63  }
0x157: {  	_ =	swait.ge [sflag:s25], $0x4000  }
0x158: {  	[sflag:s25] =	ssyncset.done $0x0  }
0x159: {  	s13 =	rddreg [dreg:$0xa];
	[sflag:s25] =	ssyncadd.s32 $0xFFFFC000  }
0x15a: {  	[tilespmem:s3], [sflag:$0x3] =	stream.linear.gather [hbm4b:s13+s3], $0x800, $0x38;
	[tilespmem:$0x1F000] =	vst v63  }
0x15b: {  	_ =	swait.ge [sflag:s19], $0x800  }
0x15c: {  	[sflag:s19] =	ssyncset.done $0x0  }
0x15d: {  	[sflag:s19] =	ssyncadd.s32 $0xFFFFF800  }
0x15e: {  	[tilespmem:s18], [sflag:$0x1] =	stream.indirect.gather [hbm4b:s4+s21], $0x80, s3, s21, $0xb8;
	[tilespmem:$0x1F000] =	vst v63  }
0x15f: {  	_ =	swait.ge [sflag:s22], $0x4000  }
0x160: {  	[sflag:s22] =	ssyncset.done $0x0  }
0x161: {  	[sflag:s22] =	ssyncadd.s32 $0xFFFFC000  }
0x162: {  	_ =	swait.ge [sflag:s25], $0x4000  }
0x163: {  	[sflag:s25] =	ssyncset.done $0x0  }
0x164: {  	[sflag:s25] =	ssyncadd.s32 $0xFFFFC000  }
0x165: {  	[tilespmem:s23], [sflag:$0x1] =	stream.indirect.gather [hbm4b:s4+s21], $0x80, s21, s21, $0xb8;
	[tilespmem:$0x1F000] =	vst v63  }
0x166: {  	s13 =	simm.s32 $0x1800  }
0x167: {  	[spmem:s2] =	stream.indirect.scatter.add.f32 [tilespmem:s18], [sflag:$0x2], $0x80, s13, s21, $0xb8;
	[tilespmem:$0x1F000] =	vst v63  }
0x168: {  	_ =	swait.ge [sflag:s22], $0x4000  }
0x169: {  	[sflag:s22] =	ssyncset.done $0x0  }
0x16a: {  	s13 =	simm.s32 $0x1880;
	[sflag:s22] =	ssyncadd.s32 $0xFFFFC000  }
0x16b: {  	[spmem:s2] =	stream.indirect.scatter.add.f32 [tilespmem:s23], [sflag:$0x2], $0x80, s13, s21, $0xb8;
	[tilespmem:$0x1F000] =	vst v63  }
0x16c: {  	_ =	swait.ge [sflag:s25], $0x4000  }
0x16d: {  	[sflag:s25] =	ssyncset.done $0x0  }
0x16e: {  	[sflag:s25] =	ssyncadd.s32 $0xFFFFC000  }
0x16f: {  	[tilespmem:s18], [sflag:$0x1] =	stream.indirect.gather [hbm4b:s4+s21], $0x80, s26, s21, $0xb8;
	[tilespmem:$0x1F000] =	vst v63  }
0x170: {  	_ =	swait.ge [sflag:s22], $0x4000  }
0x171: {  	[sflag:s22] =	ssyncset.done $0x0  }
0x172: {  	[sflag:s22] =	ssyncadd.s32 $0xFFFFC000  }
0x173: {  	_ =	swait.ge [sflag:s25], $0x4000  }
0x174: {  	[sflag:s25] =	ssyncset.done $0x0  }
0x175: {  	[sflag:s25] =	ssyncadd.s32 $0xFFFFC000  }
0x176: {  	[tilespmem:s23], [sflag:$0x1] =	stream.indirect.gather [hbm4b:s4+s21], $0x80, s28, s21, $0xb8;
	[tilespmem:$0x1F000] =	vst v63  }
0x177: {  	s13 =	simm.s32 $0x1900  }
0x178: {  	[spmem:s2] =	stream.indirect.scatter.add.f32 [tilespmem:s18], [sflag:$0x2], $0x80, s13, s21, $0xb8;
	[tilespmem:$0x1F000] =	vst v63  }
0x179: {  	_ =	swait.ge [sflag:s22], $0x4000  }
0x17a: {  	[sflag:s22] =	ssyncset.done $0x0  }
0x17b: {  	s13 =	simm.s32 $0x1980;
	[sflag:s22] =	ssyncadd.s32 $0xFFFFC000  }
0x17c: {  	[spmem:s2] =	stream.indirect.scatter.add.f32 [tilespmem:s23], [sflag:$0x2], $0x80, s13, s21, $0xb8;
	[tilespmem:$0x1F000] =	vst v63  }
0x17d: {  	_ =	swait.ge [sflag:s25], $0x4000  }
0x17e: {  	[sflag:s25] =	ssyncset.done $0x0  }
0x17f: {  	[sflag:s25] =	ssyncadd.s32 $0xFFFFC000  }
0x180: {  	[tilespmem:s18], [sflag:$0x1] =	stream.indirect.gather [hbm4b:s4+s21], $0x80, s31, s21, $0xb8;
	[tilespmem:$0x1F000] =	vst v63  }
0x181: {  	_ =	swait.ge [sflag:s22], $0x4000  }
0x182: {  	[sflag:s22] =	ssyncset.done $0x0  }
0x183: {  	[sflag:s22] =	ssyncadd.s32 $0xFFFFC000  }
0x184: {  	_ =	swait.ge [sflag:s25], $0x4000  }
0x185: {  	[sflag:s25] =	ssyncset.done $0x0  }
0x186: {  	[sflag:s25] =	ssyncadd.s32 $0xFFFFC000  }
0x187: {  	[tilespmem:s23], [sflag:$0x1] =	stream.indirect.gather [hbm4b:s4+s21], $0x80, s1, s21, $0xb8;
	[tilespmem:$0x1F000] =	vst v63  }
0x188: {  	s13 =	simm.s32 $0x1A00  }
0x189: {  	[spmem:s2] =	stream.indirect.scatter.add.f32 [tilespmem:s18], [sflag:$0x2], $0x80, s13, s21, $0xb8;
	[tilespmem:$0x1F000] =	vst v63  }
0x18a: {  	_ =	swait.ge [sflag:s22], $0x4000  }
0x18b: {  	[sflag:s22] =	ssyncset.done $0x0  }
0x18c: {  	s13 =	simm.s32 $0x1A80;
	[sflag:s22] =	ssyncadd.s32 $0xFFFFC000  }
0x18d: {  	[spmem:s2] =	stream.indirect.scatter.add.f32 [tilespmem:s23], [sflag:$0x2], $0x80, s13, s21, $0xb8;
	[tilespmem:$0x1F000] =	vst v63  }
0x18e: {  	_ =	swait.ge [sflag:s25], $0x4000  }
0x18f: {  	[sflag:s25] =	ssyncset.done $0x0  }
0x190: {  	[sflag:s25] =	ssyncadd.s32 $0xFFFFC000  }
0x191: {  	[tilespmem:s18], [sflag:$0x1] =	stream.indirect.gather [hbm4b:s4+s21], $0x80, s30, s21, $0xb8;
	[tilespmem:$0x1F000] =	vst v63  }
0x192: {  	_ =	swait.ge [sflag:s22], $0x4000  }
0x193: {  	[sflag:s22] =	ssyncset.done $0x0  }
0x194: {  	[sflag:s22] =	ssyncadd.s32 $0xFFFFC000  }
0x195: {  	_ =	swait.ge [sflag:s25], $0x4000  }
0x196: {  	[sflag:s25] =	ssyncset.done $0x0  }
0x197: {  	[sflag:s25] =	ssyncadd.s32 $0xFFFFC000  }
0x198: {  	[tilespmem:s23], [sflag:$0x1] =	stream.indirect.gather [hbm4b:s4+s21], $0x80, s24, s21, $0xb8;
	[tilespmem:$0x1F000] =	vst v63  }
0x199: {  	s13 =	simm.s32 $0x1B00  }
0x19a: {  	[spmem:s2] =	stream.indirect.scatter.add.f32 [tilespmem:s18], [sflag:$0x2], $0x80, s13, s21, $0xb8;
	[tilespmem:$0x1F000] =	vst v63  }
0x19b: {  	_ =	swait.ge [sflag:s22], $0x4000  }
0x19c: {  	[sflag:s22] =	ssyncset.done $0x0  }
0x19d: {  	s13 =	simm.s32 $0x1B80;
	[sflag:s22] =	ssyncadd.s32 $0xFFFFC000  }
0x19e: {  	[spmem:s2] =	stream.indirect.scatter.add.f32 [tilespmem:s23], [sflag:$0x2], $0x80, s13, s21, $0xb8;
	[tilespmem:$0x1F000] =	vst v63  }
0x19f: {  	_ =	swait.ge [sflag:s25], $0x4000  }
0x1a0: {  	[sflag:s25] =	ssyncset.done $0x0  }
0x1a1: {  	[sflag:s25] =	ssyncadd.s32 $0xFFFFC000  }
0x1a2: {  	[tilespmem:s18], [sflag:$0x1] =	stream.indirect.gather [hbm4b:s4+s21], $0x80, s29, s21, $0xb8;
	[tilespmem:$0x1F000] =	vst v63  }
0x1a3: {  	_ =	swait.ge [sflag:s22], $0x4000  }
0x1a4: {  	[sflag:s22] =	ssyncset.done $0x0  }
0x1a5: {  	[sflag:s22] =	ssyncadd.s32 $0xFFFFC000  }
0x1a6: {  	_ =	swait.ge [sflag:s25], $0x4000  }
0x1a7: {  	[sflag:s25] =	ssyncset.done $0x0  }
0x1a8: {  	[sflag:s25] =	ssyncadd.s32 $0xFFFFC000  }
0x1a9: {  	[tilespmem:s23], [sflag:$0x1] =	stream.indirect.gather [hbm4b:s4+s21], $0x80, s0, s21, $0xb8;
	[tilespmem:$0x1F000] =	vst v63  }
0x1aa: {  	s13 =	simm.s32 $0x1C00  }
0x1ab: {  	[spmem:s2] =	stream.indirect.scatter.add.f32 [tilespmem:s18], [sflag:$0x2], $0x80, s13, s21, $0xb8;
	[tilespmem:$0x1F000] =	vst v63  }
0x1ac: {  	_ =	swait.ge [sflag:s22], $0x4000  }
0x1ad: {  	[sflag:s22] =	ssyncset.done $0x0  }
0x1ae: {  	s13 =	simm.s32 $0x1C80;
	[sflag:s22] =	ssyncadd.s32 $0xFFFFC000  }
0x1af: {  	[spmem:s2] =	stream.indirect.scatter.add.f32 [tilespmem:s23], [sflag:$0x2], $0x80, s13, s21, $0xb8;
	[tilespmem:$0x1F000] =	vst v63  }
0x1b0: {  	_ =	swait.ge [sflag:s25], $0x4000  }
0x1b1: {  	[sflag:s25] =	ssyncset.done $0x0  }
0x1b2: {  	[sflag:s25] =	ssyncadd.s32 $0xFFFFC000  }
0x1b3: {  	[tilespmem:s18], [sflag:$0x1] =	stream.indirect.gather [hbm4b:s4+s21], $0x80, s6, s21, $0xb8;
	[tilespmem:$0x1F000] =	vst v63  }
0x1b4: {  	_ =	swait.ge [sflag:s22], $0x4000  }
0x1b5: {  	[sflag:s22] =	ssyncset.done $0x0  }
0x1b6: {  	[sflag:s22] =	ssyncadd.s32 $0xFFFFC000  }
0x1b7: {  	_ =	swait.ge [sflag:s25], $0x4000  }
0x1b8: {  	[sflag:s25] =	ssyncset.done $0x0  }
0x1b9: {  	[sflag:s25] =	ssyncadd.s32 $0xFFFFC000  }
0x1ba: {  	[tilespmem:s23], [sflag:$0x1] =	stream.indirect.gather [hbm4b:s4+s21], $0x80, s7, s21, $0xb8;
	[tilespmem:$0x1F000] =	vst v63  }
0x1bb: {  	s13 =	simm.s32 $0x1D00  }
0x1bc: {  	[spmem:s2] =	stream.indirect.scatter.add.f32 [tilespmem:s18], [sflag:$0x2], $0x80, s13, s21, $0xb8;
	[tilespmem:$0x1F000] =	vst v63  }
0x1bd: {  	_ =	swait.ge [sflag:s22], $0x4000  }
0x1be: {  	[sflag:s22] =	ssyncset.done $0x0  }
0x1bf: {  	s13 =	simm.s32 $0x1D80;
	[sflag:s22] =	ssyncadd.s32 $0xFFFFC000  }
0x1c0: {  	[spmem:s2] =	stream.indirect.scatter.add.f32 [tilespmem:s23], [sflag:$0x2], $0x80, s13, s21, $0xb8;
	[tilespmem:$0x1F000] =	vst v63  }
0x1c1: {  	_ =	swait.ge [sflag:s25], $0x4000  }
0x1c2: {  	[sflag:s25] =	ssyncset.done $0x0  }
0x1c3: {  	[sflag:s25] =	ssyncadd.s32 $0xFFFFC000  }
0x1c4: {  	[tilespmem:s18], [sflag:$0x1] =	stream.indirect.gather [hbm4b:s4+s21], $0x80, s8, s21, $0xb8;
	[tilespmem:$0x1F000] =	vst v63  }
0x1c5: {  	_ =	swait.ge [sflag:s22], $0x4000  }
0x1c6: {  	[sflag:s22] =	ssyncset.done $0x0  }
0x1c7: {  	[sflag:s22] =	ssyncadd.s32 $0xFFFFC000  }
0x1c8: {  	_ =	swait.ge [sflag:s25], $0x4000  }
0x1c9: {  	[sflag:s25] =	ssyncset.done $0x0  }
0x1ca: {  	[sflag:s25] =	ssyncadd.s32 $0xFFFFC000  }
0x1cb: {  	[tilespmem:s23], [sflag:$0x1] =	stream.indirect.gather [hbm4b:s4+s21], $0x80, s20, s21, $0xb8;
	[tilespmem:$0x1F000] =	vst v63  }
0x1cc: {  	s13 =	simm.s32 $0x1E00  }
0x1cd: {  	[spmem:s2] =	stream.indirect.scatter.add.f32 [tilespmem:s18], [sflag:$0x2], $0x80, s13, s21, $0xb8;
	[tilespmem:$0x1F000] =	vst v63  }
0x1ce: {  	_ =	swait.ge [sflag:s22], $0x4000  }
0x1cf: {  	[sflag:s22] =	ssyncset.done $0x0  }
0x1d0: {  	s13 =	simm.s32 $0x1E80;
	[sflag:s22] =	ssyncadd.s32 $0xFFFFC000  }
0x1d1: {  	[spmem:s2] =	stream.indirect.scatter.add.f32 [tilespmem:s23], [sflag:$0x2], $0x80, s13, s21, $0xb8;
	[tilespmem:$0x1F000] =	vst v63  }
0x1d2: {  	_ =	swait.ge [sflag:s25], $0x4000  }
0x1d3: {  	[sflag:s25] =	ssyncset.done $0x0  }
0x1d4: {  	[sflag:s25] =	ssyncadd.s32 $0xFFFFC000  }
0x1d5: {  	[tilespmem:s18], [sflag:$0x1] =	stream.indirect.gather [hbm4b:s4+s21], $0x80, s9, s21, $0xb8;
	[tilespmem:$0x1F000] =	vst v63  }
0x1d6: {  	_ =	swait.ge [sflag:s22], $0x4000  }
0x1d7: {  	[sflag:s22] =	ssyncset.done $0x0  }
0x1d8: {  	[sflag:s22] =	ssyncadd.s32 $0xFFFFC000  }
0x1d9: {  	_ =	swait.ge [sflag:s25], $0x4000  }
0x1da: {  	[sflag:s25] =	ssyncset.done $0x0  }
0x1db: {  	[sflag:s25] =	ssyncadd.s32 $0xFFFFC000  }
0x1dc: {  	[tilespmem:s23], [sflag:$0x1] =	stream.indirect.gather [hbm4b:s4+s21], $0x80, s10, s21, $0xb8;
	[tilespmem:$0x1F000] =	vst v63  }
0x1dd: {  	s13 =	simm.s32 $0x1F00  }
0x1de: {  	[spmem:s2] =	stream.indirect.scatter.add.f32 [tilespmem:s18], [sflag:$0x2], $0x80, s13, s21, $0xb8;
	[tilespmem:$0x1F000] =	vst v63  }
0x1df: {  	_ =	swait.ge [sflag:s22], $0x4000  }
0x1e0: {  	[sflag:s22] =	ssyncset.done $0x0  }
0x1e1: {  	s13 =	simm.s32 $0x1F80;
	[sflag:s22] =	ssyncadd.s32 $0xFFFFC000  }
0x1e2: {  	[spmem:s2] =	stream.indirect.scatter.add.f32 [tilespmem:s23], [sflag:$0x2], $0x80, s13, s21, $0xb8;
	[tilespmem:$0x1F000] =	vst v63  }
0x1e3: {  	_ =	swait.ge [sflag:s25], $0x4000  }
0x1e4: {  	[sflag:s25] =	ssyncset.done $0x0  }
0x1e5: {  	[sflag:s25] =	ssyncadd.s32 $0xFFFFC000  }
0x1e6: {  	[tilespmem:s3], [sflag:$0x3] =	stream.linear.gather [hbm4b:s14+s3], $0x800, $0x38;
	[tilespmem:$0x1F000] =	vst v63  }
0x1e7: {  	_ =	swait.ge [sflag:s19], $0x800  }
0x1e8: {  	[sflag:s19] =	ssyncset.done $0x0  }
0x1e9: {  	[sflag:s19] =	ssyncadd.s32 $0xFFFFF800  }
0x1ea: {  	[tilespmem:s18], [sflag:$0x1] =	stream.indirect.gather [hbm4b:s4+s21], $0x80, s3, s21, $0xb8;
	[tilespmem:$0x1F000] =	vst v63  }
0x1eb: {  	_ =	swait.ge [sflag:s22], $0x4000  }
0x1ec: {  	[sflag:s22] =	ssyncset.done $0x0  }
0x1ed: {  	[sflag:s22] =	ssyncadd.s32 $0xFFFFC000  }
0x1ee: {  	_ =	swait.ge [sflag:s25], $0x4000  }
0x1ef: {  	[sflag:s25] =	ssyncset.done $0x0  }
0x1f0: {  	[sflag:s25] =	ssyncadd.s32 $0xFFFFC000  }
0x1f1: {  	[tilespmem:s23], [sflag:$0x1] =	stream.indirect.gather [hbm4b:s4+s21], $0x80, s21, s21, $0xb8;
	[tilespmem:$0x1F000] =	vst v63  }
0x1f2: {  	s13 =	simm.s32 $0x2000  }
0x1f3: {  	[spmem:s2] =	stream.indirect.scatter.add.f32 [tilespmem:s18], [sflag:$0x2], $0x80, s13, s21, $0xb8;
	[tilespmem:$0x1F000] =	vst v63  }
0x1f4: {  	_ =	swait.ge [sflag:s22], $0x4000  }
0x1f5: {  	[sflag:s22] =	ssyncset.done $0x0  }
0x1f6: {  	s13 =	simm.s32 $0x2080;
	[sflag:s22] =	ssyncadd.s32 $0xFFFFC000  }
0x1f7: {  	[spmem:s2] =	stream.indirect.scatter.add.f32 [tilespmem:s23], [sflag:$0x2], $0x80, s13, s21, $0xb8;
	[tilespmem:$0x1F000] =	vst v63  }
0x1f8: {  	_ =	swait.ge [sflag:s25], $0x4000  }
0x1f9: {  	[sflag:s25] =	ssyncset.done $0x0  }
0x1fa: {  	[sflag:s25] =	ssyncadd.s32 $0xFFFFC000  }
0x1fb: {  	[tilespmem:s18], [sflag:$0x1] =	stream.indirect.gather [hbm4b:s4+s21], $0x80, s26, s21, $0xb8;
	[tilespmem:$0x1F000] =	vst v63  }
0x1fc: {  	_ =	swait.ge [sflag:s22], $0x4000  }
0x1fd: {  	[sflag:s22] =	ssyncset.done $0x0  }
0x1fe: {  	[sflag:s22] =	ssyncadd.s32 $0xFFFFC000  }
0x1ff: {  	_ =	swait.ge [sflag:s25], $0x4000  }
0x200: {  	[sflag:s25] =	ssyncset.done $0x0  }
0x201: {  	[sflag:s25] =	ssyncadd.s32 $0xFFFFC000  }
0x202: {  	[tilespmem:s23], [sflag:$0x1] =	stream.indirect.gather [hbm4b:s4+s21], $0x80, s28, s21, $0xb8;
	[tilespmem:$0x1F000] =	vst v63  }
0x203: {  	s13 =	simm.s32 $0x2100  }
0x204: {  	[spmem:s2] =	stream.indirect.scatter.add.f32 [tilespmem:s18], [sflag:$0x2], $0x80, s13, s21, $0xb8;
	[tilespmem:$0x1F000] =	vst v63  }
0x205: {  	_ =	swait.ge [sflag:s22], $0x4000  }
0x206: {  	[sflag:s22] =	ssyncset.done $0x0  }
0x207: {  	s13 =	simm.s32 $0x2180;
	[sflag:s22] =	ssyncadd.s32 $0xFFFFC000  }
0x208: {  	[spmem:s2] =	stream.indirect.scatter.add.f32 [tilespmem:s23], [sflag:$0x2], $0x80, s13, s21, $0xb8;
	[tilespmem:$0x1F000] =	vst v63  }
0x209: {  	_ =	swait.ge [sflag:s25], $0x4000  }
0x20a: {  	[sflag:s25] =	ssyncset.done $0x0  }
0x20b: {  	[sflag:s25] =	ssyncadd.s32 $0xFFFFC000  }
0x20c: {  	[tilespmem:s18], [sflag:$0x1] =	stream.indirect.gather [hbm4b:s4+s21], $0x80, s31, s21, $0xb8;
	[tilespmem:$0x1F000] =	vst v63  }
0x20d: {  	_ =	swait.ge [sflag:s22], $0x4000  }
0x20e: {  	[sflag:s22] =	ssyncset.done $0x0  }
0x20f: {  	[sflag:s22] =	ssyncadd.s32 $0xFFFFC000  }
0x210: {  	_ =	swait.ge [sflag:s25], $0x4000  }
0x211: {  	[sflag:s25] =	ssyncset.done $0x0  }
0x212: {  	[sflag:s25] =	ssyncadd.s32 $0xFFFFC000  }
0x213: {  	[tilespmem:s23], [sflag:$0x1] =	stream.indirect.gather [hbm4b:s4+s21], $0x80, s1, s21, $0xb8;
	[tilespmem:$0x1F000] =	vst v63  }
0x214: {  	s13 =	simm.s32 $0x2200  }
0x215: {  	[spmem:s2] =	stream.indirect.scatter.add.f32 [tilespmem:s18], [sflag:$0x2], $0x80, s13, s21, $0xb8;
	[tilespmem:$0x1F000] =	vst v63  }
0x216: {  	_ =	swait.ge [sflag:s22], $0x4000  }
0x217: {  	[sflag:s22] =	ssyncset.done $0x0  }
0x218: {  	s13 =	simm.s32 $0x2280;
	[sflag:s22] =	ssyncadd.s32 $0xFFFFC000  }
0x219: {  	[spmem:s2] =	stream.indirect.scatter.add.f32 [tilespmem:s23], [sflag:$0x2], $0x80, s13, s21, $0xb8;
	[tilespmem:$0x1F000] =	vst v63  }
0x21a: {  	_ =	swait.ge [sflag:s25], $0x4000  }
0x21b: {  	[sflag:s25] =	ssyncset.done $0x0  }
0x21c: {  	[sflag:s25] =	ssyncadd.s32 $0xFFFFC000  }
0x21d: {  	[tilespmem:s18], [sflag:$0x1] =	stream.indirect.gather [hbm4b:s4+s21], $0x80, s30, s21, $0xb8;
	[tilespmem:$0x1F000] =	vst v63  }
0x21e: {  	_ =	swait.ge [sflag:s22], $0x4000  }
0x21f: {  	[sflag:s22] =	ssyncset.done $0x0  }
0x220: {  	[sflag:s22] =	ssyncadd.s32 $0xFFFFC000  }
0x221: {  	_ =	swait.ge [sflag:s25], $0x4000  }
0x222: {  	[sflag:s25] =	ssyncset.done $0x0  }
0x223: {  	[sflag:s25] =	ssyncadd.s32 $0xFFFFC000  }
0x224: {  	[tilespmem:s23], [sflag:$0x1] =	stream.indirect.gather [hbm4b:s4+s21], $0x80, s24, s21, $0xb8;
	[tilespmem:$0x1F000] =	vst v63  }
0x225: {  	s13 =	simm.s32 $0x2300  }
0x226: {  	[spmem:s2] =	stream.indirect.scatter.add.f32 [tilespmem:s18], [sflag:$0x2], $0x80, s13, s21, $0xb8;
	[tilespmem:$0x1F000] =	vst v63  }
0x227: {  	_ =	swait.ge [sflag:s22], $0x4000  }
0x228: {  	[sflag:s22] =	ssyncset.done $0x0  }
0x229: {  	s13 =	simm.s32 $0x2380;
	[sflag:s22] =	ssyncadd.s32 $0xFFFFC000  }
0x22a: {  	[spmem:s2] =	stream.indirect.scatter.add.f32 [tilespmem:s23], [sflag:$0x2], $0x80, s13, s21, $0xb8;
	[tilespmem:$0x1F000] =	vst v63  }
0x22b: {  	_ =	swait.ge [sflag:s25], $0x4000  }
0x22c: {  	[sflag:s25] =	ssyncset.done $0x0  }
0x22d: {  	[sflag:s25] =	ssyncadd.s32 $0xFFFFC000  }
0x22e: {  	[tilespmem:s18], [sflag:$0x1] =	stream.indirect.gather [hbm4b:s4+s21], $0x80, s29, s21, $0xb8;
	[tilespmem:$0x1F000] =	vst v63  }
0x22f: {  	_ =	swait.ge [sflag:s22], $0x4000  }
0x230: {  	[sflag:s22] =	ssyncset.done $0x0  }
0x231: {  	[sflag:s22] =	ssyncadd.s32 $0xFFFFC000  }
0x232: {  	_ =	swait.ge [sflag:s25], $0x4000  }
0x233: {  	[sflag:s25] =	ssyncset.done $0x0  }
0x234: {  	[sflag:s25] =	ssyncadd.s32 $0xFFFFC000  }
0x235: {  	[tilespmem:s23], [sflag:$0x1] =	stream.indirect.gather [hbm4b:s4+s21], $0x80, s0, s21, $0xb8;
	[tilespmem:$0x1F000] =	vst v63  }
0x236: {  	s13 =	simm.s32 $0x2400  }
0x237: {  	[spmem:s2] =	stream.indirect.scatter.add.f32 [tilespmem:s18], [sflag:$0x2], $0x80, s13, s21, $0xb8;
	[tilespmem:$0x1F000] =	vst v63  }
0x238: {  	_ =	swait.ge [sflag:s22], $0x4000  }
0x239: {  	[sflag:s22] =	ssyncset.done $0x0  }
0x23a: {  	s13 =	simm.s32 $0x2480;
	[sflag:s22] =	ssyncadd.s32 $0xFFFFC000  }
0x23b: {  	[spmem:s2] =	stream.indirect.scatter.add.f32 [tilespmem:s23], [sflag:$0x2], $0x80, s13, s21, $0xb8;
	[tilespmem:$0x1F000] =	vst v63  }
0x23c: {  	_ =	swait.ge [sflag:s25], $0x4000  }
0x23d: {  	[sflag:s25] =	ssyncset.done $0x0  }
0x23e: {  	[sflag:s25] =	ssyncadd.s32 $0xFFFFC000  }
0x23f: {  	[tilespmem:s18], [sflag:$0x1] =	stream.indirect.gather [hbm4b:s4+s21], $0x80, s6, s21, $0xb8;
	[tilespmem:$0x1F000] =	vst v63  }
0x240: {  	_ =	swait.ge [sflag:s22], $0x4000  }
0x241: {  	[sflag:s22] =	ssyncset.done $0x0  }
0x242: {  	[sflag:s22] =	ssyncadd.s32 $0xFFFFC000  }
0x243: {  	_ =	swait.ge [sflag:s25], $0x4000  }
0x244: {  	[sflag:s25] =	ssyncset.done $0x0  }
0x245: {  	[sflag:s25] =	ssyncadd.s32 $0xFFFFC000  }
0x246: {  	[tilespmem:s23], [sflag:$0x1] =	stream.indirect.gather [hbm4b:s4+s21], $0x80, s7, s21, $0xb8;
	[tilespmem:$0x1F000] =	vst v63  }
0x247: {  	s13 =	simm.s32 $0x2500  }
0x248: {  	[spmem:s2] =	stream.indirect.scatter.add.f32 [tilespmem:s18], [sflag:$0x2], $0x80, s13, s21, $0xb8;
	[tilespmem:$0x1F000] =	vst v63  }
0x249: {  	_ =	swait.ge [sflag:s22], $0x4000  }
0x24a: {  	[sflag:s22] =	ssyncset.done $0x0  }
0x24b: {  	s13 =	simm.s32 $0x2580;
	[sflag:s22] =	ssyncadd.s32 $0xFFFFC000  }
0x24c: {  	[spmem:s2] =	stream.indirect.scatter.add.f32 [tilespmem:s23], [sflag:$0x2], $0x80, s13, s21, $0xb8;
	[tilespmem:$0x1F000] =	vst v63  }
0x24d: {  	_ =	swait.ge [sflag:s25], $0x4000  }
0x24e: {  	[sflag:s25] =	ssyncset.done $0x0  }
0x24f: {  	[sflag:s25] =	ssyncadd.s32 $0xFFFFC000  }
0x250: {  	[tilespmem:s18], [sflag:$0x1] =	stream.indirect.gather [hbm4b:s4+s21], $0x80, s8, s21, $0xb8;
	[tilespmem:$0x1F000] =	vst v63  }
0x251: {  	_ =	swait.ge [sflag:s22], $0x4000  }
0x252: {  	[sflag:s22] =	ssyncset.done $0x0  }
0x253: {  	[sflag:s22] =	ssyncadd.s32 $0xFFFFC000  }
0x254: {  	_ =	swait.ge [sflag:s25], $0x4000  }
0x255: {  	[sflag:s25] =	ssyncset.done $0x0  }
0x256: {  	[sflag:s25] =	ssyncadd.s32 $0xFFFFC000  }
0x257: {  	[tilespmem:s23], [sflag:$0x1] =	stream.indirect.gather [hbm4b:s4+s21], $0x80, s20, s21, $0xb8;
	[tilespmem:$0x1F000] =	vst v63  }
0x258: {  	s13 =	simm.s32 $0x2600  }
0x259: {  	[spmem:s2] =	stream.indirect.scatter.add.f32 [tilespmem:s18], [sflag:$0x2], $0x80, s13, s21, $0xb8;
	[tilespmem:$0x1F000] =	vst v63  }
0x25a: {  	_ =	swait.ge [sflag:s22], $0x4000  }
0x25b: {  	[sflag:s22] =	ssyncset.done $0x0  }
0x25c: {  	s13 =	simm.s32 $0x2680;
	[sflag:s22] =	ssyncadd.s32 $0xFFFFC000  }
0x25d: {  	[spmem:s2] =	stream.indirect.scatter.add.f32 [tilespmem:s23], [sflag:$0x2], $0x80, s13, s21, $0xb8;
	[tilespmem:$0x1F000] =	vst v63  }
0x25e: {  	_ =	swait.ge [sflag:s25], $0x4000  }
0x25f: {  	[sflag:s25] =	ssyncset.done $0x0  }
0x260: {  	[sflag:s25] =	ssyncadd.s32 $0xFFFFC000  }
0x261: {  	[tilespmem:s18], [sflag:$0x1] =	stream.indirect.gather [hbm4b:s4+s21], $0x80, s9, s21, $0xb8;
	[tilespmem:$0x1F000] =	vst v63  }
0x262: {  	_ =	swait.ge [sflag:s22], $0x4000  }
0x263: {  	[sflag:s22] =	ssyncset.done $0x0  }
0x264: {  	[sflag:s22] =	ssyncadd.s32 $0xFFFFC000  }
0x265: {  	_ =	swait.ge [sflag:s25], $0x4000  }
0x266: {  	[sflag:s25] =	ssyncset.done $0x0  }
0x267: {  	[sflag:s25] =	ssyncadd.s32 $0xFFFFC000  }
0x268: {  	[tilespmem:s23], [sflag:$0x1] =	stream.indirect.gather [hbm4b:s4+s21], $0x80, s10, s21, $0xb8;
	[tilespmem:$0x1F000] =	vst v63  }
0x269: {  	s13 =	simm.s32 $0x2700  }
0x26a: {  	[spmem:s2] =	stream.indirect.scatter.add.f32 [tilespmem:s18], [sflag:$0x2], $0x80, s13, s21, $0xb8;
	[tilespmem:$0x1F000] =	vst v63  }
0x26b: {  	_ =	swait.ge [sflag:s22], $0x4000  }
0x26c: {  	[sflag:s22] =	ssyncset.done $0x0  }
0x26d: {  	s13 =	simm.s32 $0x2780;
	[sflag:s22] =	ssyncadd.s32 $0xFFFFC000  }
0x26e: {  	[spmem:s2] =	stream.indirect.scatter.add.f32 [tilespmem:s23], [sflag:$0x2], $0x80, s13, s21, $0xb8;
	[tilespmem:$0x1F000] =	vst v63  }
0x26f: {  	_ =	swait.ge [sflag:s25], $0x4000  }
0x270: {  	[sflag:s25] =	ssyncset.done $0x0  }
0x271: {  	[sflag:s25] =	ssyncadd.s32 $0xFFFFC000  }
0x272: {  	[tilespmem:s3], [sflag:$0x3] =	stream.linear.gather [hbm4b:s15+s3], $0x800, $0x38;
	[tilespmem:$0x1F000] =	vst v63  }
0x273: {  	_ =	swait.ge [sflag:s19], $0x800  }
0x274: {  	[sflag:s19] =	ssyncset.done $0x0  }
0x275: {  	[sflag:s19] =	ssyncadd.s32 $0xFFFFF800  }
0x276: {  	[tilespmem:s18], [sflag:$0x1] =	stream.indirect.gather [hbm4b:s4+s21], $0x80, s3, s21, $0xb8;
	[tilespmem:$0x1F000] =	vst v63  }
0x277: {  	_ =	swait.ge [sflag:s22], $0x4000  }
0x278: {  	[sflag:s22] =	ssyncset.done $0x0  }
0x279: {  	[sflag:s22] =	ssyncadd.s32 $0xFFFFC000  }
0x27a: {  	_ =	swait.ge [sflag:s25], $0x4000  }
0x27b: {  	[sflag:s25] =	ssyncset.done $0x0  }
0x27c: {  	[sflag:s25] =	ssyncadd.s32 $0xFFFFC000  }
0x27d: {  	[tilespmem:s23], [sflag:$0x1] =	stream.indirect.gather [hbm4b:s4+s21], $0x80, s21, s21, $0xb8;
	[tilespmem:$0x1F000] =	vst v63  }
0x27e: {  	s13 =	simm.s32 $0x2800  }
0x27f: {  	[spmem:s2] =	stream.indirect.scatter.add.f32 [tilespmem:s18], [sflag:$0x2], $0x80, s13, s21, $0xb8;
	[tilespmem:$0x1F000] =	vst v63  }
0x280: {  	_ =	swait.ge [sflag:s22], $0x4000  }
0x281: {  	[sflag:s22] =	ssyncset.done $0x0  }
0x282: {  	s13 =	simm.s32 $0x2880;
	[sflag:s22] =	ssyncadd.s32 $0xFFFFC000  }
0x283: {  	[spmem:s2] =	stream.indirect.scatter.add.f32 [tilespmem:s23], [sflag:$0x2], $0x80, s13, s21, $0xb8;
	[tilespmem:$0x1F000] =	vst v63  }
0x284: {  	_ =	swait.ge [sflag:s25], $0x4000  }
0x285: {  	[sflag:s25] =	ssyncset.done $0x0  }
0x286: {  	[sflag:s25] =	ssyncadd.s32 $0xFFFFC000  }
0x287: {  	[tilespmem:s18], [sflag:$0x1] =	stream.indirect.gather [hbm4b:s4+s21], $0x80, s26, s21, $0xb8;
	[tilespmem:$0x1F000] =	vst v63  }
0x288: {  	_ =	swait.ge [sflag:s22], $0x4000  }
0x289: {  	[sflag:s22] =	ssyncset.done $0x0  }
0x28a: {  	[sflag:s22] =	ssyncadd.s32 $0xFFFFC000  }
0x28b: {  	_ =	swait.ge [sflag:s25], $0x4000  }
0x28c: {  	[sflag:s25] =	ssyncset.done $0x0  }
0x28d: {  	[sflag:s25] =	ssyncadd.s32 $0xFFFFC000  }
0x28e: {  	[tilespmem:s23], [sflag:$0x1] =	stream.indirect.gather [hbm4b:s4+s21], $0x80, s28, s21, $0xb8;
	[tilespmem:$0x1F000] =	vst v63  }
0x28f: {  	s13 =	simm.s32 $0x2900  }
0x290: {  	[spmem:s2] =	stream.indirect.scatter.add.f32 [tilespmem:s18], [sflag:$0x2], $0x80, s13, s21, $0xb8;
	[tilespmem:$0x1F000] =	vst v63  }
0x291: {  	_ =	swait.ge [sflag:s22], $0x4000  }
0x292: {  	[sflag:s22] =	ssyncset.done $0x0  }
0x293: {  	s13 =	simm.s32 $0x2980;
	[sflag:s22] =	ssyncadd.s32 $0xFFFFC000  }
0x294: {  	[spmem:s2] =	stream.indirect.scatter.add.f32 [tilespmem:s23], [sflag:$0x2], $0x80, s13, s21, $0xb8;
	[tilespmem:$0x1F000] =	vst v63  }
0x295: {  	_ =	swait.ge [sflag:s25], $0x4000  }
0x296: {  	[sflag:s25] =	ssyncset.done $0x0  }
0x297: {  	[sflag:s25] =	ssyncadd.s32 $0xFFFFC000  }
0x298: {  	[tilespmem:s18], [sflag:$0x1] =	stream.indirect.gather [hbm4b:s4+s21], $0x80, s31, s21, $0xb8;
	[tilespmem:$0x1F000] =	vst v63  }
0x299: {  	_ =	swait.ge [sflag:s22], $0x4000  }
0x29a: {  	[sflag:s22] =	ssyncset.done $0x0  }
0x29b: {  	[sflag:s22] =	ssyncadd.s32 $0xFFFFC000  }
0x29c: {  	_ =	swait.ge [sflag:s25], $0x4000  }
0x29d: {  	[sflag:s25] =	ssyncset.done $0x0  }
0x29e: {  	[sflag:s25] =	ssyncadd.s32 $0xFFFFC000  }
0x29f: {  	[tilespmem:s23], [sflag:$0x1] =	stream.indirect.gather [hbm4b:s4+s21], $0x80, s1, s21, $0xb8;
	[tilespmem:$0x1F000] =	vst v63  }
0x2a0: {  	s13 =	simm.s32 $0x2A00  }
0x2a1: {  	[spmem:s2] =	stream.indirect.scatter.add.f32 [tilespmem:s18], [sflag:$0x2], $0x80, s13, s21, $0xb8;
	[tilespmem:$0x1F000] =	vst v63  }
0x2a2: {  	_ =	swait.ge [sflag:s22], $0x4000  }
0x2a3: {  	[sflag:s22] =	ssyncset.done $0x0  }
0x2a4: {  	s13 =	simm.s32 $0x2A80;
	[sflag:s22] =	ssyncadd.s32 $0xFFFFC000  }
0x2a5: {  	[spmem:s2] =	stream.indirect.scatter.add.f32 [tilespmem:s23], [sflag:$0x2], $0x80, s13, s21, $0xb8;
	[tilespmem:$0x1F000] =	vst v63  }
0x2a6: {  	_ =	swait.ge [sflag:s25], $0x4000  }
0x2a7: {  	[sflag:s25] =	ssyncset.done $0x0  }
0x2a8: {  	[sflag:s25] =	ssyncadd.s32 $0xFFFFC000  }
0x2a9: {  	[tilespmem:s18], [sflag:$0x1] =	stream.indirect.gather [hbm4b:s4+s21], $0x80, s30, s21, $0xb8;
	[tilespmem:$0x1F000] =	vst v63  }
0x2aa: {  	_ =	swait.ge [sflag:s22], $0x4000  }
0x2ab: {  	[sflag:s22] =	ssyncset.done $0x0  }
0x2ac: {  	[sflag:s22] =	ssyncadd.s32 $0xFFFFC000  }
0x2ad: {  	_ =	swait.ge [sflag:s25], $0x4000  }
0x2ae: {  	[sflag:s25] =	ssyncset.done $0x0  }
0x2af: {  	[sflag:s25] =	ssyncadd.s32 $0xFFFFC000  }
0x2b0: {  	[tilespmem:s23], [sflag:$0x1] =	stream.indirect.gather [hbm4b:s4+s21], $0x80, s24, s21, $0xb8;
	[tilespmem:$0x1F000] =	vst v63  }
0x2b1: {  	s13 =	simm.s32 $0x2B00  }
0x2b2: {  	[spmem:s2] =	stream.indirect.scatter.add.f32 [tilespmem:s18], [sflag:$0x2], $0x80, s13, s21, $0xb8;
	[tilespmem:$0x1F000] =	vst v63  }
0x2b3: {  	_ =	swait.ge [sflag:s22], $0x4000  }
0x2b4: {  	[sflag:s22] =	ssyncset.done $0x0  }
0x2b5: {  	s13 =	simm.s32 $0x2B80;
	[sflag:s22] =	ssyncadd.s32 $0xFFFFC000  }
0x2b6: {  	[spmem:s2] =	stream.indirect.scatter.add.f32 [tilespmem:s23], [sflag:$0x2], $0x80, s13, s21, $0xb8;
	[tilespmem:$0x1F000] =	vst v63  }
0x2b7: {  	_ =	swait.ge [sflag:s25], $0x4000  }
0x2b8: {  	[sflag:s25] =	ssyncset.done $0x0  }
0x2b9: {  	[sflag:s25] =	ssyncadd.s32 $0xFFFFC000  }
0x2ba: {  	[tilespmem:s18], [sflag:$0x1] =	stream.indirect.gather [hbm4b:s4+s21], $0x80, s29, s21, $0xb8;
	[tilespmem:$0x1F000] =	vst v63  }
0x2bb: {  	_ =	swait.ge [sflag:s22], $0x4000  }
0x2bc: {  	[sflag:s22] =	ssyncset.done $0x0  }
0x2bd: {  	[sflag:s22] =	ssyncadd.s32 $0xFFFFC000  }
0x2be: {  	_ =	swait.ge [sflag:s25], $0x4000  }
0x2bf: {  	[sflag:s25] =	ssyncset.done $0x0  }
0x2c0: {  	[sflag:s25] =	ssyncadd.s32 $0xFFFFC000  }
0x2c1: {  	[tilespmem:s23], [sflag:$0x1] =	stream.indirect.gather [hbm4b:s4+s21], $0x80, s0, s21, $0xb8;
	[tilespmem:$0x1F000] =	vst v63  }
0x2c2: {  	s13 =	simm.s32 $0x2C00  }
0x2c3: {  	[spmem:s2] =	stream.indirect.scatter.add.f32 [tilespmem:s18], [sflag:$0x2], $0x80, s13, s21, $0xb8;
	[tilespmem:$0x1F000] =	vst v63  }
0x2c4: {  	_ =	swait.ge [sflag:s22], $0x4000  }
0x2c5: {  	[sflag:s22] =	ssyncset.done $0x0  }
0x2c6: {  	s13 =	simm.s32 $0x2C80;
	[sflag:s22] =	ssyncadd.s32 $0xFFFFC000  }
0x2c7: {  	[spmem:s2] =	stream.indirect.scatter.add.f32 [tilespmem:s23], [sflag:$0x2], $0x80, s13, s21, $0xb8;
	[tilespmem:$0x1F000] =	vst v63  }
0x2c8: {  	_ =	swait.ge [sflag:s25], $0x4000  }
0x2c9: {  	[sflag:s25] =	ssyncset.done $0x0  }
0x2ca: {  	[sflag:s25] =	ssyncadd.s32 $0xFFFFC000  }
0x2cb: {  	[tilespmem:s18], [sflag:$0x1] =	stream.indirect.gather [hbm4b:s4+s21], $0x80, s6, s21, $0xb8;
	[tilespmem:$0x1F000] =	vst v63  }
0x2cc: {  	_ =	swait.ge [sflag:s22], $0x4000  }
0x2cd: {  	[sflag:s22] =	ssyncset.done $0x0  }
0x2ce: {  	[sflag:s22] =	ssyncadd.s32 $0xFFFFC000  }
0x2cf: {  	_ =	swait.ge [sflag:s25], $0x4000  }
0x2d0: {  	[sflag:s25] =	ssyncset.done $0x0  }
0x2d1: {  	[sflag:s25] =	ssyncadd.s32 $0xFFFFC000  }
0x2d2: {  	[tilespmem:s23], [sflag:$0x1] =	stream.indirect.gather [hbm4b:s4+s21], $0x80, s7, s21, $0xb8;
	[tilespmem:$0x1F000] =	vst v63  }
0x2d3: {  	s13 =	simm.s32 $0x2D00  }
0x2d4: {  	[spmem:s2] =	stream.indirect.scatter.add.f32 [tilespmem:s18], [sflag:$0x2], $0x80, s13, s21, $0xb8;
	[tilespmem:$0x1F000] =	vst v63  }
0x2d5: {  	_ =	swait.ge [sflag:s22], $0x4000  }
0x2d6: {  	[sflag:s22] =	ssyncset.done $0x0  }
0x2d7: {  	s13 =	simm.s32 $0x2D80;
	[sflag:s22] =	ssyncadd.s32 $0xFFFFC000  }
0x2d8: {  	[spmem:s2] =	stream.indirect.scatter.add.f32 [tilespmem:s23], [sflag:$0x2], $0x80, s13, s21, $0xb8;
	[tilespmem:$0x1F000] =	vst v63  }
0x2d9: {  	_ =	swait.ge [sflag:s25], $0x4000  }
0x2da: {  	[sflag:s25] =	ssyncset.done $0x0  }
0x2db: {  	[sflag:s25] =	ssyncadd.s32 $0xFFFFC000  }
0x2dc: {  	[tilespmem:s18], [sflag:$0x1] =	stream.indirect.gather [hbm4b:s4+s21], $0x80, s8, s21, $0xb8;
	[tilespmem:$0x1F000] =	vst v63  }
0x2dd: {  	_ =	swait.ge [sflag:s22], $0x4000  }
0x2de: {  	[sflag:s22] =	ssyncset.done $0x0  }
0x2df: {  	[sflag:s22] =	ssyncadd.s32 $0xFFFFC000  }
0x2e0: {  	_ =	swait.ge [sflag:s25], $0x4000  }
0x2e1: {  	[sflag:s25] =	ssyncset.done $0x0  }
0x2e2: {  	[sflag:s25] =	ssyncadd.s32 $0xFFFFC000  }
0x2e3: {  	[tilespmem:s23], [sflag:$0x1] =	stream.indirect.gather [hbm4b:s4+s21], $0x80, s20, s21, $0xb8;
	[tilespmem:$0x1F000] =	vst v63  }
0x2e4: {  	s13 =	simm.s32 $0x2E00  }
0x2e5: {  	[spmem:s2] =	stream.indirect.scatter.add.f32 [tilespmem:s18], [sflag:$0x2], $0x80, s13, s21, $0xb8;
	[tilespmem:$0x1F000] =	vst v63  }
0x2e6: {  	_ =	swait.ge [sflag:s22], $0x4000  }
0x2e7: {  	[sflag:s22] =	ssyncset.done $0x0  }
0x2e8: {  	s13 =	simm.s32 $0x2E80;
	[sflag:s22] =	ssyncadd.s32 $0xFFFFC000  }
0x2e9: {  	[spmem:s2] =	stream.indirect.scatter.add.f32 [tilespmem:s23], [sflag:$0x2], $0x80, s13, s21, $0xb8;
	[tilespmem:$0x1F000] =	vst v63  }
0x2ea: {  	_ =	swait.ge [sflag:s25], $0x4000  }
0x2eb: {  	[sflag:s25] =	ssyncset.done $0x0  }
0x2ec: {  	[sflag:s25] =	ssyncadd.s32 $0xFFFFC000  }
0x2ed: {  	[tilespmem:s18], [sflag:$0x1] =	stream.indirect.gather [hbm4b:s4+s21], $0x80, s9, s21, $0xb8;
	[tilespmem:$0x1F000] =	vst v63  }
0x2ee: {  	_ =	swait.ge [sflag:s22], $0x4000  }
0x2ef: {  	[sflag:s22] =	ssyncset.done $0x0  }
0x2f0: {  	[sflag:s22] =	ssyncadd.s32 $0xFFFFC000  }
0x2f1: {  	_ =	swait.ge [sflag:s25], $0x4000  }
0x2f2: {  	[sflag:s25] =	ssyncset.done $0x0  }
0x2f3: {  	[sflag:s25] =	ssyncadd.s32 $0xFFFFC000  }
0x2f4: {  	[tilespmem:s23], [sflag:$0x1] =	stream.indirect.gather [hbm4b:s4+s21], $0x80, s10, s21, $0xb8;
	[tilespmem:$0x1F000] =	vst v63  }
0x2f5: {  	s13 =	simm.s32 $0x2F00  }
0x2f6: {  	[spmem:s2] =	stream.indirect.scatter.add.f32 [tilespmem:s18], [sflag:$0x2], $0x80, s13, s21, $0xb8;
	[tilespmem:$0x1F000] =	vst v63  }
0x2f7: {  	_ =	swait.ge [sflag:s22], $0x4000  }
0x2f8: {  	[sflag:s22] =	ssyncset.done $0x0  }
0x2f9: {  	s13 =	simm.s32 $0x2F80;
	[sflag:s22] =	ssyncadd.s32 $0xFFFFC000  }
0x2fa: {  	[spmem:s2] =	stream.indirect.scatter.add.f32 [tilespmem:s23], [sflag:$0x2], $0x80, s13, s21, $0xb8;
	[tilespmem:$0x1F000] =	vst v63  }
0x2fb: {  	_ =	swait.ge [sflag:s25], $0x4000  }
0x2fc: {  	[sflag:s25] =	ssyncset.done $0x0  }
0x2fd: {  	[sflag:s25] =	ssyncadd.s32 $0xFFFFC000  }
0x2fe: {  	s11 =	sadd.s32 $0x1, s11;
	_ =	swait.ge [sflag:s25], $0x4000  }
0x2ff: {  	p0 =	sne.s32 s11, s17;
	s13 =	stileid.u32;
	[sflag:s25] =	ssyncset.done $0x0  }
0x300: {  	s12 =	sshll.u32 s13, $0x6;
	s13 =	sshrl.u32 s5, $0x3;
	[sflag:s25] =	ssyncadd.s32 $0xFFFFC000  }
.Ltmp1:
0x301: {  	s12 =	sor.u32 $0x1C03, s12;
	[bflag:$0x0] =	sbarrier.arrive $0xFFFF;
	(pc) =	sbr.rel @p0 .LBB2_1-.Ltmp1, $4  }
0x302: {  	[hbm:s16], [sflag:s12] =	dma.local [spmem:s13], $0x2800  }
0x303: {  	_ =	swait.ge [sflag:s19], $0x2800  }
0x304: {  	[sflag:s19] =	ssyncset.done $0x0  }
0x305: {  	[sflag:s19] =	ssyncadd.s32 $0xFFFFD800  }
0x306: {  	_ =	sfence.sel $0x180000  }
0x307: {  	[bflag:$0x0] =	sbarrier.arrive $0xFFFF  }
0x308: {  	_ =	strace $0x9000004A  }
0x309: {  	s0 =	stileid.u32;
	[bflag:$0x2] =	sbarrier.arrive $0xFFFF  }
0x30a: {  	p0 =	sne.s32 s0, $0x0;
	s0 =	rddreg [dreg:$0x2]  }
0x30b: {  	s0 =	sadd.s32 @!p0 $0x100000, s0  }
0x30c: {  	[sflag:s0] =	ssyncadd.tile.s32 @!p0 $0x1;
	_ =	shalt  }
.Lfunc_end2:
_tile_overlayer_lowered:
.L_overlay_start_2:
0x30d: {  	(tag) =	ssettag $0x2  }
0x30e: {  	s0 =	rddreg [dreg:$0x0];
	s2 =	stileid.u32  }
0x30f: {  	s1 =	rddreg [dreg:$0x1];
	p0 =	sne.s32 s2, $0x0  }
0x310: {  	s3 =	rddreg [dreg:$0x2];
	[bflag:$0x3] =	sbarrier.arrive $0xFFFF;
	s2 =	simm.s32 @!p0 $0x1C03  }
0x311: {  	[timem:s3], [sflag:s2] =	dma.local @!p0 [hbm:s0], s1  }
0x312: {  	s0 =	simm.s32 @!p0 $0x3  }
0x313: {  	_ =	swait.ge @!p0 [sflag:s0], s1  }
0x314: {  	s1 =	ssub.s32 @!p0 $0x0, s1;
	[sflag:s0] =	ssyncset.done @!p0 $0x0  }
0x315: {  	[sflag:s0] =	ssyncadd.s32 @!p0 s1  }
0x316: {  	[bflag:$0x3] =	sbarrier.arrive $0xFFFF  }
0x317: {  	_ =	shalt  }

// kernel: kernel.14.cloned.1.call-start
scs
__scs_entry_jumppad:
0x0: {  	(pc) =	sbr.rel $0x88, $3  }
0x1: {  	(tag) =	ssettag $0x0;
	lr =	simm.s32 $0x1  }
0x2: {  	[smem:$0x3F9B] =	sst lr;
	_ =	strace $0xD0000000  }
0x3: {  	_ = 	snop  }
0x4: {  	_ = 	snop  }
0x5: {  	_ = 	snop  }
0x6: {  	_ = 	snop  }
0x7: {  	_ = 	snop  }
__scs_overlays_trampoline_lowered:
0x8: {  	[smem:$0x3FAA] =	sst s0  }
0x9: {  	[smem:$0x3FAB] =	sst s1  }
0xa: {  	[smem:$0x3FAC] =	sst s2  }
0xb: {  	[smem:$0x3FAD] =	sst s3  }
0xc: {  	[smem:$0x3FAE] =	sst s4  }
0xd: {  	[smem:$0x3FAF] =	sst s5  }
0xe: {  	[smem:$0x3FB0] =	sst s6  }
0xf: {  	[smem:$0x3FB1] =	sst s7  }
0x10: {  	[smem:$0x3FB2] =	sst s8  }
0x11: {  	[smem:$0x3FB3] =	sst s9;
	s0 =	simm.s32 @!p0 $0x0  }
0x12: {  	s1 =	sld [smem:$0x3F99];
	s0 =	simm.s32 @p0 $0x1  }
0x13: {  	[smem:$0x3FB4] =	sst s0;
	s0 =	simm.s32 @!p1 $0x0  }
0x14: {  	s2 =	sld [smem:$0x3F98];
	s0 =	simm.s32 @p1 $0x1  }
0x15: {  	[smem:$0x3FB5] =	sst s0;
	s0 =	simm.s32 @!p2 $0x0  }
0x16: {  	s3 =	sld [smem:$0x3FDB];
	s0 =	simm.s32 @p2 $0x1  }
0x17: {  	s4 =	simm.s32 $0x1BF5;
	[smem:$0x3FB7] =	sst s0  }
0x18: {  	s0 =	sld [smem:$0x3F9A];
	_ =	swait.ge [sflag:s4], $0x0  }
0x19: {  	s7 =	sld [smem:$0x3F9B]  }
0x1a: {  	s8 =	sadd.s32 $0xFFFFE003, lr  }
0x1b: {  	s9 =	sadd.s32 $0xFFFFFEF7, lr;
	s5 =	simm.s32 $0xFFFFFFFF;
	p2 =	slt.u32 s8, $0xFFFFF086  }
0x1c: {  	p1 =	slt.u32 s9, $0xF7A;
	s5 =	simm.s32 @!p2 $0x0  }
0x1d: {  	s5 =	simm.s32 @p1 $0x1;
	p0 =	seq.s32 s7, s2  }
0x1e: {  	s7 =	smul.u32 @!p0 $0xF7A, s2;
	p2 =	seq.s32 @!p0 s5, $0x0  }
0x1f: {  	s9 =	smul.u32 $0xF7A, s1;
	s8 =	simm.s32 @!p0 $0x1BF5;
	p2 =	por !p2, p0  }
0x20: {  	[sflag:s8] =	ssyncset.s32 @!p0 $0xFFFFF086;
	s6 =	sadd.s32 @!p0 s3, s7;
	s7 =	simm.s32 @!p0 $0x108  }
0x21: {  	s3 =	sadd.s32 s3, s9;
	s6 =	sadd.s32 @!p0 $0x88, s6;
	s7 =	simm.s32 @p2 $0x1082  }
0x22: {  	[simem:s7], [sflag:s8] =	dma.local @!p0 [hbm:s6], $0xF7A  }
0x23: {  	s9 =	sor.u32 $0xD0000000, s2;
	s6 =	simm.s32 $0x108;
	_ =	swait.ge @!p0 [sflag:s8], $0x0  }
0x24: {  	s3 =	sadd.s32 $0x88, s3;
	s6 =	simm.s32 @!p1 $0x1082;
	[sflag:s4] =	ssyncset.s32 $0xFFFFF086  }
0x25: {  	[simem:s6], [sflag:s4] =	dma.local [hbm:s3], $0xF7A  }
0x26: {  	[smem:$0x3F9B] =	sst s1;
	(tag) =	ssettag s2;
	_ =	strace s9  }
0x27: {  	s1 =	sld [smem:$0x3FAB]  }
0x28: {  	s2 =	sld [smem:$0x3FAC]  }
0x29: {  	s4 =	sld [smem:$0x3FAE]  }
0x2a: {  	p0 =	seq.s32 s5, $0x0;
	s5 =	sld [smem:$0x3FAF]  }
0x2b: {  	s6 =	sld [smem:$0x3FB0]  }
0x2c: {  	s7 =	sld [smem:$0x3FB1]  }
0x2d: {  	s3 =	simm.s32 $0x108;
	s8 =	sld [smem:$0x3FB2]  }
0x2e: {  	s3 =	simm.s32 @!p0 $0x1082;
	s9 =	sld [smem:$0x3FB3]  }
0x2f: {  	lr =	sadd.s32 s0, s3;
	s0 =	sld [smem:$0x3FAA]  }
0x30: {  	s3 =	sld [smem:$0x3FAD]  }
0x31: {  	[smem:$0x3FB6] =	sst s10  }
0x32: {  	s10 =	sld [smem:$0x3FB4];
	_ =	sdelay $0x3  }
0x33: {  	p0 =	seq.s32 s10, $0x1;
	s10 =	sld [smem:$0x3FB6];
	_ =	sdelay $0x3  }
0x34: {  	[smem:$0x3FB6] =	sst s10  }
0x35: {  	s10 =	sld [smem:$0x3FB5];
	_ =	sdelay $0x3  }
0x36: {  	p1 =	seq.s32 s10, $0x1;
	s10 =	sld [smem:$0x3FB6];
	_ =	sdelay $0x3  }
0x37: {  	[smem:$0x3FB6] =	sst s10  }
0x38: {  	s10 =	sld [smem:$0x3FB7]  }
0x39: {  	_ = 	snop;
	(pc) =	sbr.ind lr, $3  }
0x3a: {  	_ = 	snop  }
0x3b: {  	_ = 	snop  }
0x3c: {  	p2 =	seq.s32 s10, $0x1;
	s10 =	sld [smem:$0x3FB6]  }
0x3d: {  	_ =	shalt  }
0x3e: {  	_ =	shalt  }
0x3f: {  	_ =	shalt  }
0x40: {  	_ =	shalt  }
0x41: {  	_ =	shalt  }
0x42: {  	_ =	shalt  }
0x43: {  	_ =	shalt  }
0x44: {  	_ =	shalt  }
0x45: {  	_ =	shalt  }
0x46: {  	_ =	shalt  }
0x47: {  	_ =	shalt  }
0x48: {  	_ =	shalt  }
0x49: {  	_ =	shalt  }
0x4a: {  	_ =	shalt  }
0x4b: {  	_ =	shalt  }
0x4c: {  	_ =	shalt  }
0x4d: {  	_ =	shalt  }
0x4e: {  	_ =	shalt  }
0x4f: {  	_ =	shalt  }
0x50: {  	_ =	shalt  }
0x51: {  	_ =	shalt  }
0x52: {  	_ =	shalt  }
0x53: {  	_ =	shalt  }
0x54: {  	_ =	shalt  }
0x55: {  	_ =	shalt  }
0x56: {  	_ =	shalt  }
0x57: {  	_ =	shalt  }
0x58: {  	_ =	shalt  }
0x59: {  	_ =	shalt  }
0x5a: {  	_ =	shalt  }
0x5b: {  	_ =	shalt  }
0x5c: {  	_ =	shalt  }
0x5d: {  	_ =	shalt  }
0x5e: {  	_ =	shalt  }
0x5f: {  	_ =	shalt  }
0x60: {  	_ =	shalt  }
0x61: {  	_ =	shalt  }
0x62: {  	_ =	shalt  }
0x63: {  	_ =	shalt  }
0x64: {  	_ =	shalt  }
0x65: {  	_ =	shalt  }
0x66: {  	_ =	shalt  }
0x67: {  	_ =	shalt  }
0x68: {  	_ =	shalt  }
0x69: {  	_ =	shalt  }
0x6a: {  	_ =	shalt  }
0x6b: {  	_ =	shalt  }
0x6c: {  	_ =	shalt  }
0x6d: {  	_ =	shalt  }
0x6e: {  	_ =	shalt  }
0x6f: {  	_ =	shalt  }
0x70: {  	_ =	shalt  }
0x71: {  	_ =	shalt  }
0x72: {  	_ =	shalt  }
0x73: {  	_ =	shalt  }
0x74: {  	_ =	shalt  }
0x75: {  	_ =	shalt  }
0x76: {  	_ =	shalt  }
0x77: {  	_ =	shalt  }
0x78: {  	_ =	shalt  }
0x79: {  	_ =	shalt  }
0x7a: {  	_ =	shalt  }
0x7b: {  	_ =	shalt  }
0x7c: {  	_ =	shalt  }
0x7d: {  	_ =	shalt  }
0x7e: {  	_ =	shalt  }
0x7f: {  	_ =	shalt  }
0x80: {  	_ =	shalt  }
0x81: {  	_ =	shalt  }
0x82: {  	_ =	shalt  }
0x83: {  	_ =	shalt  }
0x84: {  	_ =	shalt  }
0x85: {  	_ =	shalt  }
0x86: {  	_ =	shalt  }
0x87: {  	_ =	shalt  }
.Lfunc_end0:
.L_simem_size_0:
called_computation.2_lowered:
.L_overlay_start_0:
0x88: {  	s2 =	sld [smem:$0x3FD9]  }
0x89: {  	s3 =	sld [smem:$0x3FFE];
	_ =	sdelay $0x1  }
0x8a: {  	s1 =	srdreg.scid  }
0x8b: {  	s0 =	sand.u32 $0x1, s1  }
0x8c: {  	s16 =	sshll.u32 s0, $0xA;
	s2 =	sadd.s32 s3, s2  }
0x8d: {  	s2 =	sadd.s32 s2, s16  }
0x8e: {  	[smem:$0x3FC2] =	sst s2  }
0x8f: {  	_ = 	snop  }
0x90: {  	(tm) =	ssettm $0x1  }
0x91: {  	s17 =	sld [smem:$0x3FFB];
	_ =	sdelay $0x3  }
0x92: {  	_ =	strace s17  }
0x93: {  	s2 =	sld [smem:$0x3FFC];
	_ =	sdelay $0x3  }
0x94: {  	_ =	strace s2  }
0x95: {  	s2 =	sld [smem:$0x3FFD];
	_ =	sdelay $0x3  }
0x96: {  	_ =	strace s2  }
0x97: {  	_ =	strace $0x8FFFFFFF  }
0x98: {  	s18 =	sld [smem:$0x3FDB];
	_ =	sdelay $0x1  }
0x99: {  	s19 =	simm.s32 $_scs_section_size  }
0x9a: {  	s4 =	simm.s32 $_size__tile_overlayer_lowered;
	s5 =	simm.s32 $_tile_overlayer_lowered  }
0x9b: {  	s22 =	simm.s32 $0x1BFF;
	s21 =	sshll.u32 s5, $0x1;
	s2 =	sadd.s32 s19, s18  }
0x9c: {  	s6 =	simm.s32 $0x0;
	s20 =	sshll.u32 s4, $0x1;
	s4 =	sadd.s32 s21, s2  }
0x9d: {  	[timem:s6], [sflag:s22] =	dma.local [hbm:s4], s20  }
0x9e: {  	_ =	swait.ge [sflag:s22], s20  }
0x9f: {  	s3 =	ssub.s32 $0x0, s20;
	[sflag:s22] =	ssyncset.done $0x0  }
0xa0: {  	[sflag:s22] =	ssyncadd.s32 s3;
	_ =	sdelay $0x1  }
0xa1: {  	s23 =	simm.s32 $0x1B8B  }
0xa2: {  	_ =	swait.ge [sflag:s23], $0x1  }
0xa3: {  	[sflag:s23] =	ssyncset.done $0x0  }
0xa4: {  	s25 =	simm.s32 $0x1B8E;
	s24 =	sld [smem:$0x3FFE];
	[sflag:s23] =	ssyncadd.s32 $0xFFFFFFFF  }
0xa5: {  	s26 =	simm.s32 $execute0_lowered;
	[smem:$0x3FD2] =	sst s25  }
0xa6: {  	s4 =	sshll.u32 s26, $0x1;
	_ =	strace $0x8000004C;
	[dreg:$0x1] =	wrdreg $0xFFFFFFFF  }
0xa7: {  	s28 =	simm.s32 $_size_execute0_lowered;
	s2 =	sadd.s32 s2, s4;
	[dreg:$0x0] =	wrdreg $0x0  }
0xa8: {  	s4 =	sshll.u32 s28, $0x1;
	[dreg:$0x2] =	wrdreg s2  }
0xa9: {  	[dreg:$0x3] =	wrdreg s4  }
0xaa: {  	[dreg:$0x4] =	wrdreg $0xC0  }
0xab: {  	_ =	task [dreg:s6], $0x5FFFF  }
0xac: {  	[dreg:$0x1] =	wrdreg $0xFFFFFFFF  }
0xad: {  	[dreg:$0x0] =	wrdreg $0x60  }
0xae: {  	[dreg:$0x2] =	wrdreg s24  }
0xaf: {  	[dreg:$0x3] =	wrdreg $0x5E800  }
0xb0: {  	[dreg:$0x4] =	wrdreg $0x9  }
0xb1: {  	_ =	task.clear_ibuf [dreg:s6], $0x5FFFF;
	_ =	strace $0x9000004C  }
0xb2: {  	s29 =	simm.s32 $0x9;
	_ =	strace $0x8000004E  }
0xb3: {  	_ =	swait.ge [sflag:s29], $0x1  }
0xb4: {  	[sflag:s29] =	ssyncadd.s32 $0xFFFFFFFF  }
0xb5: {  	_ =	strace $0x9000004E  }
0xb6: {  	_ =	sfence  }
0xb7: {  	s30 =	sld [smem:$0x0];
	_ =	sdelay $0x2  }
0xb8: {  	s31 =	sshll.u32 s1, $0xD;
	s1 =	sshrl.u32 s1, $0x2  }
0xb9: {  	s3 =	sand.u32 $0x4000, s31;
	s1 =	sadd.s32 s1, s30  }
0xba: {  	s0 =	sor.u32 s3, s0;
	s1 =	sshll.u32 s1, $0x11  }
0xbb: {  	s0 =	sor.u32 s1, s0  }
0xbc: {  	s0 =	sadd.s32 $0x8F2B, s0  }
0xbd: {  	[sflag:s0] =	ssyncadd.remote.s32 $0x1  }
0xbe: {  	_ =	sfence.sel $0xFFFF  }
0xbf: {  	[dreg:$0x0] =	wrdreg $0xFFFFFFFF;
	(pc) =	sbr.abs _section_cstart, $3  }
0xc0: {  	[dreg:$0x1] =	wrdreg $0xFFFFFFFF  }
0xc1: {  	_ =	task.clear_ibuf [dreg:s6], $0x2FFFF;
	_ =	strace $0x9FFFFFFF  }
0xc2: {  	(tm) =	ssettm $0x7FFFFFFF  }
0xc3: {  	_ =	shalt  }
tec
execute0_lowered:
.L_overlay_start_1:
0x0: {  	(tag) =	ssettag $0x1  }
0x1: {  	s0 =	srdreg.scid;
	s1 =	rddreg [dreg:$0x0]  }
0x2: {  	s2 =	rddreg [dreg:$0x1];
	s7 =	stileid.u32;
	s4 =	simm.s32 $0x0  }
0x3: {  	s9 =	simm.s32 $0x3;
	s13 =	simm.s32 $0x80;
	s14 =	simm.s32 $0x5000  }
0x4: {  	s15 =	simm.s32 $0x5080;
	s16 =	simm.s32 $0x5100;
	s17 =	simm.s32 $0x5180  }
0x5: {  	s18 =	simm.s32 $0x5200;
	s19 =	simm.s32 $0x5280;
	s20 =	simm.s32 $0x5300  }
0x6: {  	s21 =	simm.s32 $0x5380;
	s22 =	simm.s32 $0x5400;
	s23 =	simm.s32 $0x5480  }
0x7: {  	s24 =	simm.s32 $0x1;
	s28 =	simm.s32 $0x5600;
	s29 =	simm.s32 $0x5680  }
0x8: {  	s30 =	simm.s32 $0x5700;
	s31 =	simm.s32 $0x5780;
	s10 =	simm.s32 $0x5880  }
0x9: {  	s12 =	simm.s32 $0x5900;
	s11 =	simm.s32 $0x20;
	s0 =	sand.u32 $0x1, s0  }
0xa: {  	[smem:$0x7FF] =	sst s4;
	s5 =	smul.u32 $0x500, s7;
	s4 =	sadd.s32 $0x3E000, s1  }
0xb: {  	s3 =	sshll.u32 s0, $0x4;
	s6 =	sshll.u32 s0, $0x7;
	s0 =	ssub.s32 $0x2, s0  }
0xc: {  	s3 =	sor.u32 s7, s3;
	s7 =	smul.u32 $0xA00, s7;
	s25 =	sshrl.u32 s0, $0x1  }
0xd: {  	_ =	strace $0x8000004D;
	s3 =	smul.u32 $0x500, s3;
	s0 =	ssub.s32 s0, s25  }
0xe: {  	s5 =	sor.u32 s6, s5;
	s7 =	sshrl.u32 s7, $0x2;
	s0 =	smax.u32 s0, $0x1  }
0xf: {  	s3 =	sadd.s32 s3, s1;
	s8 =	sadd.s32 s7, s2;
	[dreg:$0x7] =	wrdreg s0  }
0x10: {  	s5 =	sshrl.u32 s5, $0x3;
	s26 =	sadd.s32 $0x2000, s3;
	[dreg:$0x3] =	wrdreg s8  }
0x11: {  	s1 =	sadd.s32 s5, s1;
	s3 =	sadd.s32 $0xC000, s3;
	[dreg:$0x4] =	wrdreg s26  }
0x12: {  	s6 =	simm.s32 $0x0;
	s1 =	sadd.s32 $0x3E600, s1;
	[dreg:$0x5] =	wrdreg s3  }
0x13: {  	s25 =	simm.s32 $0x5500;
	s0 =	simm.s32 $0x5800;
	[dreg:$0x6] =	wrdreg s1  }
0x14: {  	v0 =	vimm.f32 $0.0e+00;
	s26 =	simm.s32 $0x5580;
	s1 =	simm.s32 $0x5980;
	s3 =	simm.s32 $0x2  }
.LBB2_1:
0x15: {  	[tilespmem:$0x5C00] =	vst v0  }
0x16: {  	[tilespmem:$0x5C10] =	vst v0  }
0x17: {  	[tilespmem:$0x5C20] =	vst v0  }
0x18: {  	[tilespmem:$0x5C30] =	vst v0  }
0x19: {  	[tilespmem:$0x5C40] =	vst v0  }
0x1a: {  	[tilespmem:$0x5C50] =	vst v0  }
0x1b: {  	[tilespmem:$0x5C60] =	vst v0  }
0x1c: {  	[tilespmem:$0x5C70] =	vst v0  }
0x1d: {  	[tilespmem:$0x5C80] =	vst v0  }
0x1e: {  	[tilespmem:$0x5C90] =	vst v0  }
0x1f: {  	[tilespmem:$0x5CA0] =	vst v0  }
0x20: {  	[tilespmem:$0x5CB0] =	vst v0  }
0x21: {  	[tilespmem:$0x5CC0] =	vst v0  }
0x22: {  	[tilespmem:$0x5CD0] =	vst v0  }
0x23: {  	[tilespmem:$0x5CE0] =	vst v0  }
0x24: {  	[tilespmem:$0x5CF0] =	vst v0  }
0x25: {  	[tilespmem:$0x5D00] =	vst v0  }
0x26: {  	[tilespmem:$0x5D10] =	vst v0  }
0x27: {  	[tilespmem:$0x5D20] =	vst v0  }
0x28: {  	[tilespmem:$0x5D30] =	vst v0  }
0x29: {  	[tilespmem:$0x5D40] =	vst v0  }
0x2a: {  	[tilespmem:$0x5D50] =	vst v0  }
0x2b: {  	[tilespmem:$0x5D60] =	vst v0  }
0x2c: {  	[tilespmem:$0x5D70] =	vst v0  }
0x2d: {  	[tilespmem:$0x5D80] =	vst v0  }
0x2e: {  	[tilespmem:$0x5D90] =	vst v0  }
0x2f: {  	[tilespmem:$0x5DA0] =	vst v0  }
0x30: {  	[tilespmem:$0x5DB0] =	vst v0  }
0x31: {  	[tilespmem:$0x5DC0] =	vst v0  }
0x32: {  	[tilespmem:$0x5DD0] =	vst v0  }
0x33: {  	[tilespmem:$0x5DE0] =	vst v0  }
0x34: {  	[tilespmem:$0x5DF0] =	vst v0  }
0x35: {  	[tilespmem:$0x5E00] =	vst v0  }
0x36: {  	[tilespmem:$0x5E10] =	vst v0  }
0x37: {  	[tilespmem:$0x5E20] =	vst v0  }
0x38: {  	[tilespmem:$0x5E30] =	vst v0  }
0x39: {  	[tilespmem:$0x5E40] =	vst v0  }
0x3a: {  	[tilespmem:$0x5E50] =	vst v0  }
0x3b: {  	[tilespmem:$0x5E60] =	vst v0  }
0x3c: {  	[dreg:$0x8] =	wrdreg s6;
	[tilespmem:$0x5E70] =	vst v0;
	s5 =	simm.s32 $0x5C00  }
0x3d: {  	[spmem:s8] =	stream.linear.scatter [tilespmem:s5], [sflag:$0x3], $0x280, $0x38;
	[tilespmem:$0x6100] =	vst v63  }
0x3e: {  	_ =	swait.ge [sflag:s9], $0x280  }
0x3f: {  	[sflag:s9] =	ssyncset.done $0x0  }
0x40: {  	[sflag:s9] =	ssyncadd.s32 $0xFFFFFD80  }
0x41: {  	[bflag:$0x0] =	sbarrier.arrive $0xFFFF  }
0x42: {  	s5 =	simm.s32 $0x0;
	s7 =	rddreg [dreg:$0x4]  }
0x43: {  	[tilespmem:s5], [sflag:$0x3] =	stream.linear.gather [hbm4b:s7+s5], $0x2800, $0x38;
	[tilespmem:$0x6100] =	vst v63  }
0x44: {  	_ =	swait.ge [sflag:s9], $0x2800  }
0x45: {  	[sflag:s9] =	ssyncset.done $0x0  }
0x46: {  	s6 =	simm.s32 $0x2800;
	s8 =	rddreg [dreg:$0x5];
	[sflag:s9] =	ssyncadd.s32 $0xFFFFD800  }
0x47: {  	[tilespmem:s6], [sflag:$0x3] =	stream.linear.gather [hbm4b:s8+s5], $0x2800, $0x38;
	[tilespmem:$0x6100] =	vst v63  }
0x48: {  	_ =	swait.ge [sflag:s9], $0x2800  }
0x49: {  	[sflag:s9] =	ssyncset.done $0x0  }
0x4a: {  	s6 =	simm.s32 $0x0;
	[sflag:s9] =	ssyncadd.s32 $0xFFFFD800  }
0x4b: {  	[tilespmem:s14], [sflag:$0x1] =	stream.indirect.gather [hbm4b:s4+s13], $0x1, s6, s13, $0xb8;
	[tilespmem:$0x6100] =	vst v63  }
0x4c: {  	s8 =	simm.s32 $0x80  }
0x4d: {  	[tilespmem:s15], [sflag:$0x1] =	stream.indirect.gather [hbm4b:s4+s13], $0x1, s8, s13, $0xb8;
	[tilespmem:$0x6100] =	vst v63  }
0x4e: {  	s9 =	simm.s32 $0x100  }
0x4f: {  	[tilespmem:s16], [sflag:$0x1] =	stream.indirect.gather [hbm4b:s4+s13], $0x1, s9, s13, $0xb8;
	[tilespmem:$0x6100] =	vst v63  }
0x50: {  	s5 =	simm.s32 $0x180  }
0x51: {  	[tilespmem:s17], [sflag:$0x1] =	stream.indirect.gather [hbm4b:s4+s13], $0x1, s5, s13, $0xb8;
	[tilespmem:$0x6100] =	vst v63  }
0x52: {  	s6 =	simm.s32 $0x200  }
0x53: {  	[tilespmem:s18], [sflag:$0x1] =	stream.indirect.gather [hbm4b:s4+s13], $0x1, s6, s13, $0xb8;
	[tilespmem:$0x6100] =	vst v63  }
0x54: {  	s8 =	simm.s32 $0x280  }
0x55: {  	[tilespmem:s19], [sflag:$0x1] =	stream.indirect.gather [hbm4b:s4+s13], $0x1, s8, s13, $0xb8;
	[tilespmem:$0x6100] =	vst v63  }
0x56: {  	s9 =	simm.s32 $0x300  }
0x57: {  	[tilespmem:s20], [sflag:$0x1] =	stream.indirect.gather [hbm4b:s4+s13], $0x1, s9, s13, $0xb8;
	[tilespmem:$0x6100] =	vst v63  }
0x58: {  	s5 =	simm.s32 $0x380  }
0x59: {  	[tilespmem:s21], [sflag:$0x1] =	stream.indirect.gather [hbm4b:s4+s13], $0x1, s5, s13, $0xb8;
	[tilespmem:$0x6100] =	vst v63  }
0x5a: {  	s6 =	simm.s32 $0x400  }
0x5b: {  	[tilespmem:s22], [sflag:$0x1] =	stream.indirect.gather [hbm4b:s4+s13], $0x1, s6, s13, $0xb8;
	[tilespmem:$0x6100] =	vst v63  }
0x5c: {  	s8 =	simm.s32 $0x480  }
0x5d: {  	[tilespmem:s23], [sflag:$0x1] =	stream.indirect.gather [hbm4b:s4+s13], $0x1, s8, s13, $0xb8;
	[tilespmem:$0x6100] =	vst v63  }
0x5e: {  	_ =	swait.ge [sflag:s24], $0x80  }
0x5f: {  	[sflag:s24] =	ssyncset.done $0x0  }
0x60: {  	[sflag:s24] =	ssyncadd.s32 $0xFFFFFF80  }
0x61: {  	_ =	swait.ge [sflag:s24], $0x80  }
0x62: {  	[sflag:s24] =	ssyncset.done $0x0  }
0x63: {  	[sflag:s24] =	ssyncadd.s32 $0xFFFFFF80  }
0x64: {  	_ =	swait.ge [sflag:s24], $0x80  }
0x65: {  	[sflag:s24] =	ssyncset.done $0x0  }
0x66: {  	[sflag:s24] =	ssyncadd.s32 $0xFFFFFF80  }
0x67: {  	_ =	swait.ge [sflag:s24], $0x80  }
0x68: {  	[sflag:s24] =	ssyncset.done $0x0  }
0x69: {  	[sflag:s24] =	ssyncadd.s32 $0xFFFFFF80  }
0x6a: {  	_ =	swait.ge [sflag:s24], $0x80  }
0x6b: {  	[sflag:s24] =	ssyncset.done $0x0  }
0x6c: {  	[sflag:s24] =	ssyncadd.s32 $0xFFFFFF80  }
0x6d: {  	_ =	swait.ge [sflag:s24], $0x80  }
0x6e: {  	[sflag:s24] =	ssyncset.done $0x0  }
0x6f: {  	[sflag:s24] =	ssyncadd.s32 $0xFFFFFF80  }
0x70: {  	_ =	swait.ge [sflag:s24], $0x80  }
0x71: {  	[sflag:s24] =	ssyncset.done $0x0  }
0x72: {  	[sflag:s24] =	ssyncadd.s32 $0xFFFFFF80  }
0x73: {  	_ =	swait.ge [sflag:s24], $0x80  }
0x74: {  	[sflag:s24] =	ssyncset.done $0x0  }
0x75: {  	[sflag:s24] =	ssyncadd.s32 $0xFFFFFF80  }
0x76: {  	_ =	swait.ge [sflag:s24], $0x80  }
0x77: {  	[sflag:s24] =	ssyncset.done $0x0  }
0x78: {  	[sflag:s24] =	ssyncadd.s32 $0xFFFFFF80  }
0x79: {  	_ =	swait.ge [sflag:s24], $0x80  }
0x7a: {  	p0 =	por $0x1, $0x1;
	[sflag:s24] =	ssyncset.done $0x0  }
0x7b: {  	s7 =	simm.s32 @!p0 $0x2;
	[sflag:s24] =	ssyncadd.s32 $0xFFFFFF80  }
0x7c: {  	_ =	swait.ge @!p0 [sflag:s7], $0x80  }
0x7d: {  	[sflag:s7] =	ssyncset.done @!p0 $0x0  }
0x7e: {  	[sflag:s7] =	ssyncadd.s32 @!p0 $0xFFFFFF80  }
0x7f: {  	_ =	swait.ge @!p0 [sflag:s7], $0x80  }
0x80: {  	[sflag:s7] =	ssyncset.done @!p0 $0x0  }
0x81: {  	[sflag:s7] =	ssyncadd.s32 @!p0 $0xFFFFFF80  }
0x82: {  	_ =	swait.ge @!p0 [sflag:s7], $0x80  }
0x83: {  	[sflag:s7] =	ssyncset.done @!p0 $0x0  }
0x84: {  	[sflag:s7] =	ssyncadd.s32 @!p0 $0xFFFFFF80  }
0x85: {  	_ =	swait.ge @!p0 [sflag:s7], $0x80  }
0x86: {  	[sflag:s7] =	ssyncset.done @!p0 $0x0  }
0x87: {  	[sflag:s7] =	ssyncadd.s32 @!p0 $0xFFFFFF80  }
0x88: {  	_ =	swait.ge @!p0 [sflag:s7], $0x80  }
0x89: {  	[sflag:s7] =	ssyncset.done @!p0 $0x0  }
0x8a: {  	[sflag:s7] =	ssyncadd.s32 @!p0 $0xFFFFFF80  }
0x8b: {  	_ =	swait.ge @!p0 [sflag:s7], $0x80  }
0x8c: {  	[sflag:s7] =	ssyncset.done @!p0 $0x0  }
0x8d: {  	[sflag:s7] =	ssyncadd.s32 @!p0 $0xFFFFFF80  }
0x8e: {  	_ =	swait.ge @!p0 [sflag:s7], $0x80  }
0x8f: {  	[sflag:s7] =	ssyncset.done @!p0 $0x0  }
0x90: {  	[sflag:s7] =	ssyncadd.s32 @!p0 $0xFFFFFF80  }
0x91: {  	_ =	swait.ge @!p0 [sflag:s7], $0x80  }
0x92: {  	[sflag:s7] =	ssyncset.done @!p0 $0x0  }
0x93: {  	[sflag:s7] =	ssyncadd.s32 @!p0 $0xFFFFFF80  }
0x94: {  	_ =	swait.ge @!p0 [sflag:s7], $0x80  }
0x95: {  	[sflag:s7] =	ssyncset.done @!p0 $0x0  }
0x96: {  	[sflag:s7] =	ssyncadd.s32 @!p0 $0xFFFFFF80  }
0x97: {  	_ =	swait.ge @!p0 [sflag:s7], $0x80  }
0x98: {  	[sflag:s7] =	ssyncset.done @!p0 $0x0  }
0x99: {  	s9 =	simm.s32 $0x2800;
	[sflag:s7] =	ssyncadd.s32 @!p0 $0xFFFFFF80  }
0x9a: {  	[spmem:s2] =	stream.indirect.scatter.add.f32 [tilespmem:s14], [sflag:$0x2], $0x1, s9, s13, $0xb8;
	[tilespmem:$0x6100] =	vst v63  }
0x9b: {  	s5 =	simm.s32 $0x2880  }
0x9c: {  	[spmem:s2] =	stream.indirect.scatter.add.f32 [tilespmem:s15], [sflag:$0x2], $0x1, s5, s13, $0xb8;
	[tilespmem:$0x6100] =	vst v63  }
0x9d: {  	s6 =	simm.s32 $0x2900  }
0x9e: {  	[spmem:s2] =	stream.indirect.scatter.add.f32 [tilespmem:s16], [sflag:$0x2], $0x1, s6, s13, $0xb8;
	[tilespmem:$0x6100] =	vst v63  }
0x9f: {  	s8 =	simm.s32 $0x2980  }
0xa0: {  	[spmem:s2] =	stream.indirect.scatter.add.f32 [tilespmem:s17], [sflag:$0x2], $0x1, s8, s13, $0xb8;
	[tilespmem:$0x6100] =	vst v63  }
0xa1: {  	s9 =	simm.s32 $0x2A00  }
0xa2: {  	[spmem:s2] =	stream.indirect.scatter.add.f32 [tilespmem:s18], [sflag:$0x2], $0x1, s9, s13, $0xb8;
	[tilespmem:$0x6100] =	vst v63  }
0xa3: {  	s5 =	simm.s32 $0x2A80  }
0xa4: {  	[spmem:s2] =	stream.indirect.scatter.add.f32 [tilespmem:s19], [sflag:$0x2], $0x1, s5, s13, $0xb8;
	[tilespmem:$0x6100] =	vst v63  }
0xa5: {  	s6 =	simm.s32 $0x2B00  }
0xa6: {  	[spmem:s2] =	stream.indirect.scatter.add.f32 [tilespmem:s20], [sflag:$0x2], $0x1, s6, s13, $0xb8;
	[tilespmem:$0x6100] =	vst v63  }
0xa7: {  	s8 =	simm.s32 $0x2B80  }
0xa8: {  	[spmem:s2] =	stream.indirect.scatter.add.f32 [tilespmem:s21], [sflag:$0x2], $0x1, s8, s13, $0xb8;
	[tilespmem:$0x6100] =	vst v63  }
0xa9: {  	s9 =	simm.s32 $0x2C00  }
0xaa: {  	[spmem:s2] =	stream.indirect.scatter.add.f32 [tilespmem:s22], [sflag:$0x2], $0x1, s9, s13, $0xb8;
	[tilespmem:$0x6100] =	vst v63  }
0xab: {  	s5 =	simm.s32 $0x2C80  }
0xac: {  	[spmem:s2] =	stream.indirect.scatter.add.f32 [tilespmem:s23], [sflag:$0x2], $0x1, s5, s13, $0xb8;
	[tilespmem:$0x6100] =	vst v63  }
0xad: {  	s6 =	simm.s32 $0x500  }
0xae: {  	[tilespmem:s25], [sflag:$0x1] =	stream.indirect.gather [hbm4b:s4+s13], $0x1, s6, s13, $0xb8;
	[tilespmem:$0x6100] =	vst v63  }
0xaf: {  	s8 =	simm.s32 $0x580  }
0xb0: {  	[tilespmem:s26], [sflag:$0x1] =	stream.indirect.gather [hbm4b:s4+s13], $0x1, s8, s13, $0xb8;
	[tilespmem:$0x6100] =	vst v63  }
0xb1: {  	s9 =	simm.s32 $0x600  }
0xb2: {  	[tilespmem:s28], [sflag:$0x1] =	stream.indirect.gather [hbm4b:s4+s13], $0x1, s9, s13, $0xb8;
	[tilespmem:$0x6100] =	vst v63  }
0xb3: {  	s5 =	simm.s32 $0x680  }
0xb4: {  	[tilespmem:s29], [sflag:$0x1] =	stream.indirect.gather [hbm4b:s4+s13], $0x1, s5, s13, $0xb8;
	[tilespmem:$0x6100] =	vst v63  }
0xb5: {  	s6 =	simm.s32 $0x700  }
0xb6: {  	[tilespmem:s30], [sflag:$0x1] =	stream.indirect.gather [hbm4b:s4+s13], $0x1, s6, s13, $0xb8;
	[tilespmem:$0x6100] =	vst v63  }
0xb7: {  	s8 =	simm.s32 $0x780  }
0xb8: {  	[tilespmem:s31], [sflag:$0x1] =	stream.indirect.gather [hbm4b:s4+s13], $0x1, s8, s13, $0xb8;
	[tilespmem:$0x6100] =	vst v63  }
0xb9: {  	s9 =	simm.s32 $0x800  }
0xba: {  	[tilespmem:s0], [sflag:$0x1] =	stream.indirect.gather [hbm4b:s4+s13], $0x1, s9, s13, $0xb8;
	[tilespmem:$0x6100] =	vst v63  }
0xbb: {  	s5 =	simm.s32 $0x880  }
0xbc: {  	[tilespmem:s10], [sflag:$0x1] =	stream.indirect.gather [hbm4b:s4+s13], $0x1, s5, s13, $0xb8;
	[tilespmem:$0x6100] =	vst v63  }
0xbd: {  	s6 =	simm.s32 $0x900  }
0xbe: {  	[tilespmem:s12], [sflag:$0x1] =	stream.indirect.gather [hbm4b:s4+s13], $0x1, s6, s13, $0xb8;
	[tilespmem:$0x6100] =	vst v63  }
0xbf: {  	s8 =	simm.s32 $0x980  }
0xc0: {  	[tilespmem:s1], [sflag:$0x1] =	stream.indirect.gather [hbm4b:s4+s13], $0x1, s8, s13, $0xb8;
	[tilespmem:$0x6100] =	vst v63  }
0xc1: {  	_ =	swait.ge [sflag:s24], $0x80  }
0xc2: {  	[sflag:s24] =	ssyncset.done $0x0  }
0xc3: {  	[sflag:s24] =	ssyncadd.s32 $0xFFFFFF80  }
0xc4: {  	_ =	swait.ge [sflag:s24], $0x80  }
0xc5: {  	[sflag:s24] =	ssyncset.done $0x0  }
0xc6: {  	[sflag:s24] =	ssyncadd.s32 $0xFFFFFF80  }
0xc7: {  	_ =	swait.ge [sflag:s24], $0x80  }
0xc8: {  	[sflag:s24] =	ssyncset.done $0x0  }
0xc9: {  	[sflag:s24] =	ssyncadd.s32 $0xFFFFFF80  }
0xca: {  	_ =	swait.ge [sflag:s24], $0x80  }
0xcb: {  	[sflag:s24] =	ssyncset.done $0x0  }
0xcc: {  	[sflag:s24] =	ssyncadd.s32 $0xFFFFFF80  }
0xcd: {  	_ =	swait.ge [sflag:s24], $0x80  }
0xce: {  	[sflag:s24] =	ssyncset.done $0x0  }
0xcf: {  	[sflag:s24] =	ssyncadd.s32 $0xFFFFFF80  }
0xd0: {  	_ =	swait.ge [sflag:s24], $0x80  }
0xd1: {  	[sflag:s24] =	ssyncset.done $0x0  }
0xd2: {  	[sflag:s24] =	ssyncadd.s32 $0xFFFFFF80  }
0xd3: {  	_ =	swait.ge [sflag:s24], $0x80  }
0xd4: {  	[sflag:s24] =	ssyncset.done $0x0  }
0xd5: {  	[sflag:s24] =	ssyncadd.s32 $0xFFFFFF80  }
0xd6: {  	_ =	swait.ge [sflag:s24], $0x80  }
0xd7: {  	[sflag:s24] =	ssyncset.done $0x0  }
0xd8: {  	[sflag:s24] =	ssyncadd.s32 $0xFFFFFF80  }
0xd9: {  	_ =	swait.ge [sflag:s24], $0x80  }
0xda: {  	[sflag:s24] =	ssyncset.done $0x0  }
0xdb: {  	[sflag:s24] =	ssyncadd.s32 $0xFFFFFF80  }
0xdc: {  	_ =	swait.ge [sflag:s24], $0x80  }
0xdd: {  	[sflag:s24] =	ssyncset.done $0x0  }
0xde: {  	[sflag:s24] =	ssyncadd.s32 $0xFFFFFF80  }
0xdf: {  	_ =	swait.ge [sflag:s3], $0x80  }
0xe0: {  	[sflag:s3] =	ssyncset.done $0x0  }
0xe1: {  	[sflag:s3] =	ssyncadd.s32 $0xFFFFFF80  }
0xe2: {  	_ =	swait.ge [sflag:s3], $0x80  }
0xe3: {  	[sflag:s3] =	ssyncset.done $0x0  }
0xe4: {  	[sflag:s3] =	ssyncadd.s32 $0xFFFFFF80  }
0xe5: {  	_ =	swait.ge [sflag:s3], $0x80  }
0xe6: {  	[sflag:s3] =	ssyncset.done $0x0  }
0xe7: {  	[sflag:s3] =	ssyncadd.s32 $0xFFFFFF80  }
0xe8: {  	_ =	swait.ge [sflag:s3], $0x80  }
0xe9: {  	[sflag:s3] =	ssyncset.done $0x0  }
0xea: {  	[sflag:s3] =	ssyncadd.s32 $0xFFFFFF80  }
0xeb: {  	_ =	swait.ge [sflag:s3], $0x80  }
0xec: {  	[sflag:s3] =	ssyncset.done $0x0  }
0xed: {  	[sflag:s3] =	ssyncadd.s32 $0xFFFFFF80  }
0xee: {  	_ =	swait.ge [sflag:s3], $0x80  }
0xef: {  	[sflag:s3] =	ssyncset.done $0x0  }
0xf0: {  	[sflag:s3] =	ssyncadd.s32 $0xFFFFFF80  }
0xf1: {  	_ =	swait.ge [sflag:s3], $0x80  }
0xf2: {  	[sflag:s3] =	ssyncset.done $0x0  }
0xf3: {  	[sflag:s3] =	ssyncadd.s32 $0xFFFFFF80  }
0xf4: {  	_ =	swait.ge [sflag:s3], $0x80  }
0xf5: {  	[sflag:s3] =	ssyncset.done $0x0  }
0xf6: {  	[sflag:s3] =	ssyncadd.s32 $0xFFFFFF80  }
0xf7: {  	_ =	swait.ge [sflag:s3], $0x80  }
0xf8: {  	[sflag:s3] =	ssyncset.done $0x0  }
0xf9: {  	[sflag:s3] =	ssyncadd.s32 $0xFFFFFF80  }
0xfa: {  	_ =	swait.ge [sflag:s3], $0x80  }
0xfb: {  	[sflag:s3] =	ssyncset.done $0x0  }
0xfc: {  	s9 =	simm.s32 $0x2D00;
	[sflag:s3] =	ssyncadd.s32 $0xFFFFFF80  }
0xfd: {  	[spmem:s2] =	stream.indirect.scatter.add.f32 [tilespmem:s25], [sflag:$0x2], $0x1, s9, s13, $0xb8;
	[tilespmem:$0x6100] =	vst v63  }
0xfe: {  	s5 =	simm.s32 $0x2D80  }
0xff: {  	[spmem:s2] =	stream.indirect.scatter.add.f32 [tilespmem:s26], [sflag:$0x2], $0x1, s5, s13, $0xb8;
	[tilespmem:$0x6100] =	vst v63  }
0x100: {  	s6 =	simm.s32 $0x2E00  }
0x101: {  	[spmem:s2] =	stream.indirect.scatter.add.f32 [tilespmem:s28], [sflag:$0x2], $0x1, s6, s13, $0xb8;
	[tilespmem:$0x6100] =	vst v63  }
0x102: {  	s8 =	simm.s32 $0x2E80  }
0x103: {  	[spmem:s2] =	stream.indirect.scatter.add.f32 [tilespmem:s29], [sflag:$0x2], $0x1, s8, s13, $0xb8;
	[tilespmem:$0x6100] =	vst v63  }
0x104: {  	s9 =	simm.s32 $0x2F00  }
0x105: {  	[spmem:s2] =	stream.indirect.scatter.add.f32 [tilespmem:s30], [sflag:$0x2], $0x1, s9, s13, $0xb8;
	[tilespmem:$0x6100] =	vst v63  }
0x106: {  	s5 =	simm.s32 $0x2F80  }
0x107: {  	[spmem:s2] =	stream.indirect.scatter.add.f32 [tilespmem:s31], [sflag:$0x2], $0x1, s5, s13, $0xb8;
	[tilespmem:$0x6100] =	vst v63  }
0x108: {  	s6 =	simm.s32 $0x3000  }
0x109: {  	[spmem:s2] =	stream.indirect.scatter.add.f32 [tilespmem:s0], [sflag:$0x2], $0x1, s6, s13, $0xb8;
	[tilespmem:$0x6100] =	vst v63  }
0x10a: {  	s8 =	simm.s32 $0x3080  }
0x10b: {  	[spmem:s2] =	stream.indirect.scatter.add.f32 [tilespmem:s10], [sflag:$0x2], $0x1, s8, s13, $0xb8;
	[tilespmem:$0x6100] =	vst v63  }
0x10c: {  	s7 =	simm.s32 $0x2800;
	s9 =	simm.s32 $0x3100;
	s8 =	simm.s32 $0x3180  }
0x10d: {  	[spmem:s2] =	stream.indirect.scatter.add.f32 [tilespmem:s12], [sflag:$0x2], $0x1, s9, s13, $0xb8;
	[tilespmem:$0x6100] =	vst v63  }
.LBB2_2:
0x10e: {  	[spmem:s2] =	stream.indirect.scatter.add.f32 [tilespmem:s1], [sflag:$0x2], $0x1, s8, s13, $0xb8;
	[tilespmem:$0x6100] =	vst v63  }
0x10f: {  	s8 =	sshra.s32 s7, $0x2;
	s9 =	smov.u32 s7;
	s7 =	sadd.s32 $0x2800, s7  }
0x110: {  	[tilespmem:s14], [sflag:$0x1] =	stream.indirect.gather [hbm4b:s4+s13], $0x1, s8, s13, $0xb8;
	[tilespmem:$0x6100] =	vst v63  }
0x111: {  	s5 =	sadd.s32 $0x80, s8;
	p0 =	sne.s32 s7, $0xA000  }
0x112: {  	[tilespmem:s15], [sflag:$0x1] =	stream.indirect.gather [hbm4b:s4+s13], $0x1, s5, s13, $0xb8;
	[tilespmem:$0x6100] =	vst v63  }
0x113: {  	s5 =	sadd.s32 $0x100, s8  }
0x114: {  	[tilespmem:s16], [sflag:$0x1] =	stream.indirect.gather [hbm4b:s4+s13], $0x1, s5, s13, $0xb8;
	[tilespmem:$0x6100] =	vst v63  }
0x115: {  	s5 =	sadd.s32 $0x180, s8  }
0x116: {  	[tilespmem:s17], [sflag:$0x1] =	stream.indirect.gather [hbm4b:s4+s13], $0x1, s5, s13, $0xb8;
	[tilespmem:$0x6100] =	vst v63  }
0x117: {  	s5 =	sadd.s32 $0x200, s8  }
0x118: {  	[tilespmem:s18], [sflag:$0x1] =	stream.indirect.gather [hbm4b:s4+s13], $0x1, s5, s13, $0xb8;
	[tilespmem:$0x6100] =	vst v63  }
0x119: {  	s5 =	sadd.s32 $0x280, s8  }
0x11a: {  	[tilespmem:s19], [sflag:$0x1] =	stream.indirect.gather [hbm4b:s4+s13], $0x1, s5, s13, $0xb8;
	[tilespmem:$0x6100] =	vst v63  }
0x11b: {  	s5 =	sadd.s32 $0x300, s8  }
0x11c: {  	[tilespmem:s20], [sflag:$0x1] =	stream.indirect.gather [hbm4b:s4+s13], $0x1, s5, s13, $0xb8;
	[tilespmem:$0x6100] =	vst v63  }
0x11d: {  	s5 =	sadd.s32 $0x380, s8  }
0x11e: {  	[tilespmem:s21], [sflag:$0x1] =	stream.indirect.gather [hbm4b:s4+s13], $0x1, s5, s13, $0xb8;
	[tilespmem:$0x6100] =	vst v63  }
0x11f: {  	s5 =	sadd.s32 $0x400, s8  }
0x120: {  	[tilespmem:s22], [sflag:$0x1] =	stream.indirect.gather [hbm4b:s4+s13], $0x1, s5, s13, $0xb8;
	[tilespmem:$0x6100] =	vst v63  }
0x121: {  	s5 =	sadd.s32 $0x480, s8  }
0x122: {  	[tilespmem:s23], [sflag:$0x1] =	stream.indirect.gather [hbm4b:s4+s13], $0x1, s5, s13, $0xb8;
	[tilespmem:$0x6100] =	vst v63  }
0x123: {  	_ =	swait.ge [sflag:s24], $0x80  }
0x124: {  	[sflag:s24] =	ssyncset.done $0x0  }
0x125: {  	[sflag:s24] =	ssyncadd.s32 $0xFFFFFF80  }
0x126: {  	_ =	swait.ge [sflag:s24], $0x80  }
0x127: {  	[sflag:s24] =	ssyncset.done $0x0  }
0x128: {  	[sflag:s24] =	ssyncadd.s32 $0xFFFFFF80  }
0x129: {  	_ =	swait.ge [sflag:s24], $0x80  }
0x12a: {  	[sflag:s24] =	ssyncset.done $0x0  }
0x12b: {  	[sflag:s24] =	ssyncadd.s32 $0xFFFFFF80  }
0x12c: {  	_ =	swait.ge [sflag:s24], $0x80  }
0x12d: {  	[sflag:s24] =	ssyncset.done $0x0  }
0x12e: {  	[sflag:s24] =	ssyncadd.s32 $0xFFFFFF80  }
0x12f: {  	_ =	swait.ge [sflag:s24], $0x80  }
0x130: {  	[sflag:s24] =	ssyncset.done $0x0  }
0x131: {  	[sflag:s24] =	ssyncadd.s32 $0xFFFFFF80  }
0x132: {  	_ =	swait.ge [sflag:s24], $0x80  }
0x133: {  	[sflag:s24] =	ssyncset.done $0x0  }
0x134: {  	[sflag:s24] =	ssyncadd.s32 $0xFFFFFF80  }
0x135: {  	_ =	swait.ge [sflag:s24], $0x80  }
0x136: {  	[sflag:s24] =	ssyncset.done $0x0  }
0x137: {  	[sflag:s24] =	ssyncadd.s32 $0xFFFFFF80  }
0x138: {  	_ =	swait.ge [sflag:s24], $0x80  }
0x139: {  	[sflag:s24] =	ssyncset.done $0x0  }
0x13a: {  	[sflag:s24] =	ssyncadd.s32 $0xFFFFFF80  }
0x13b: {  	_ =	swait.ge [sflag:s24], $0x80  }
0x13c: {  	[sflag:s24] =	ssyncset.done $0x0  }
0x13d: {  	[sflag:s24] =	ssyncadd.s32 $0xFFFFFF80  }
0x13e: {  	_ =	swait.ge [sflag:s24], $0x80  }
0x13f: {  	p1 =	seq.s32 s9, $0x0;
	[sflag:s24] =	ssyncset.done $0x0  }
0x140: {  	s5 =	simm.s32 @!p1 $0x2;
	[sflag:s24] =	ssyncadd.s32 $0xFFFFFF80  }
0x141: {  	_ =	swait.ge @!p1 [sflag:s5], $0x80  }
0x142: {  	[sflag:s5] =	ssyncset.done @!p1 $0x0  }
0x143: {  	[sflag:s5] =	ssyncadd.s32 @!p1 $0xFFFFFF80  }
0x144: {  	_ =	swait.ge @!p1 [sflag:s5], $0x80  }
0x145: {  	[sflag:s5] =	ssyncset.done @!p1 $0x0  }
0x146: {  	[sflag:s5] =	ssyncadd.s32 @!p1 $0xFFFFFF80  }
0x147: {  	_ =	swait.ge @!p1 [sflag:s5], $0x80  }
0x148: {  	[sflag:s5] =	ssyncset.done @!p1 $0x0  }
0x149: {  	[sflag:s5] =	ssyncadd.s32 @!p1 $0xFFFFFF80  }
0x14a: {  	_ =	swait.ge @!p1 [sflag:s5], $0x80  }
0x14b: {  	[sflag:s5] =	ssyncset.done @!p1 $0x0  }
0x14c: {  	[sflag:s5] =	ssyncadd.s32 @!p1 $0xFFFFFF80  }
0x14d: {  	_ =	swait.ge @!p1 [sflag:s5], $0x80  }
0x14e: {  	[sflag:s5] =	ssyncset.done @!p1 $0x0  }
0x14f: {  	[sflag:s5] =	ssyncadd.s32 @!p1 $0xFFFFFF80  }
0x150: {  	_ =	swait.ge @!p1 [sflag:s5], $0x80  }
0x151: {  	[sflag:s5] =	ssyncset.done @!p1 $0x0  }
0x152: {  	[sflag:s5] =	ssyncadd.s32 @!p1 $0xFFFFFF80  }
0x153: {  	_ =	swait.ge @!p1 [sflag:s5], $0x80  }
0x154: {  	[sflag:s5] =	ssyncset.done @!p1 $0x0  }
0x155: {  	[sflag:s5] =	ssyncadd.s32 @!p1 $0xFFFFFF80  }
0x156: {  	_ =	swait.ge @!p1 [sflag:s5], $0x80  }
0x157: {  	[sflag:s5] =	ssyncset.done @!p1 $0x0  }
0x158: {  	[sflag:s5] =	ssyncadd.s32 @!p1 $0xFFFFFF80  }
0x159: {  	_ =	swait.ge @!p1 [sflag:s5], $0x80  }
0x15a: {  	[sflag:s5] =	ssyncset.done @!p1 $0x0  }
0x15b: {  	[sflag:s5] =	ssyncadd.s32 @!p1 $0xFFFFFF80  }
0x15c: {  	_ =	swait.ge @!p1 [sflag:s5], $0x80  }
0x15d: {  	[sflag:s5] =	ssyncset.done @!p1 $0x0  }
0x15e: {  	[sflag:s5] =	ssyncadd.s32 @!p1 $0xFFFFFF80;
	s5 =	sadd.s32 $0x2800, s8  }
0x15f: {  	[spmem:s2] =	stream.indirect.scatter.add.f32 [tilespmem:s14], [sflag:$0x2], $0x1, s5, s13, $0xb8;
	[tilespmem:$0x6100] =	vst v63  }
0x160: {  	s5 =	sadd.s32 $0x2880, s8  }
0x161: {  	[spmem:s2] =	stream.indirect.scatter.add.f32 [tilespmem:s15], [sflag:$0x2], $0x1, s5, s13, $0xb8;
	[tilespmem:$0x6100] =	vst v63  }
0x162: {  	s5 =	sadd.s32 $0x2900, s8  }
0x163: {  	[spmem:s2] =	stream.indirect.scatter.add.f32 [tilespmem:s16], [sflag:$0x2], $0x1, s5, s13, $0xb8;
	[tilespmem:$0x6100] =	vst v63  }
0x164: {  	s5 =	sadd.s32 $0x2980, s8  }
0x165: {  	[spmem:s2] =	stream.indirect.scatter.add.f32 [tilespmem:s17], [sflag:$0x2], $0x1, s5, s13, $0xb8;
	[tilespmem:$0x6100] =	vst v63  }
0x166: {  	s5 =	sadd.s32 $0x2A00, s8  }
0x167: {  	[spmem:s2] =	stream.indirect.scatter.add.f32 [tilespmem:s18], [sflag:$0x2], $0x1, s5, s13, $0xb8;
	[tilespmem:$0x6100] =	vst v63  }
0x168: {  	s5 =	sadd.s32 $0x2A80, s8  }
0x169: {  	[spmem:s2] =	stream.indirect.scatter.add.f32 [tilespmem:s19], [sflag:$0x2], $0x1, s5, s13, $0xb8;
	[tilespmem:$0x6100] =	vst v63  }
0x16a: {  	s5 =	sadd.s32 $0x2B00, s8  }
0x16b: {  	[spmem:s2] =	stream.indirect.scatter.add.f32 [tilespmem:s20], [sflag:$0x2], $0x1, s5, s13, $0xb8;
	[tilespmem:$0x6100] =	vst v63  }
0x16c: {  	s5 =	sadd.s32 $0x2B80, s8  }
0x16d: {  	[spmem:s2] =	stream.indirect.scatter.add.f32 [tilespmem:s21], [sflag:$0x2], $0x1, s5, s13, $0xb8;
	[tilespmem:$0x6100] =	vst v63  }
0x16e: {  	s5 =	sadd.s32 $0x2C00, s8  }
0x16f: {  	[spmem:s2] =	stream.indirect.scatter.add.f32 [tilespmem:s22], [sflag:$0x2], $0x1, s5, s13, $0xb8;
	[tilespmem:$0x6100] =	vst v63  }
0x170: {  	s5 =	sadd.s32 $0x2C80, s8  }
0x171: {  	[spmem:s2] =	stream.indirect.scatter.add.f32 [tilespmem:s23], [sflag:$0x2], $0x1, s5, s13, $0xb8;
	[tilespmem:$0x6100] =	vst v63  }
0x172: {  	s5 =	sadd.s32 $0x500, s8  }
0x173: {  	[tilespmem:s25], [sflag:$0x1] =	stream.indirect.gather [hbm4b:s4+s13], $0x1, s5, s13, $0xb8;
	[tilespmem:$0x6100] =	vst v63  }
0x174: {  	s5 =	sadd.s32 $0x580, s8  }
0x175: {  	[tilespmem:s26], [sflag:$0x1] =	stream.indirect.gather [hbm4b:s4+s13], $0x1, s5, s13, $0xb8;
	[tilespmem:$0x6100] =	vst v63  }
0x176: {  	s5 =	sadd.s32 $0x600, s8  }
0x177: {  	[tilespmem:s28], [sflag:$0x1] =	stream.indirect.gather [hbm4b:s4+s13], $0x1, s5, s13, $0xb8;
	[tilespmem:$0x6100] =	vst v63  }
0x178: {  	s5 =	sadd.s32 $0x680, s8  }
0x179: {  	[tilespmem:s29], [sflag:$0x1] =	stream.indirect.gather [hbm4b:s4+s13], $0x1, s5, s13, $0xb8;
	[tilespmem:$0x6100] =	vst v63  }
0x17a: {  	s5 =	sadd.s32 $0x700, s8  }
0x17b: {  	[tilespmem:s30], [sflag:$0x1] =	stream.indirect.gather [hbm4b:s4+s13], $0x1, s5, s13, $0xb8;
	[tilespmem:$0x6100] =	vst v63  }
0x17c: {  	s5 =	sadd.s32 $0x780, s8  }
0x17d: {  	[tilespmem:s31], [sflag:$0x1] =	stream.indirect.gather [hbm4b:s4+s13], $0x1, s5, s13, $0xb8;
	[tilespmem:$0x6100] =	vst v63  }
0x17e: {  	s5 =	sadd.s32 $0x800, s8  }
0x17f: {  	[tilespmem:s0], [sflag:$0x1] =	stream.indirect.gather [hbm4b:s4+s13], $0x1, s5, s13, $0xb8;
	[tilespmem:$0x6100] =	vst v63  }
0x180: {  	s5 =	sadd.s32 $0x880, s8  }
0x181: {  	[tilespmem:s10], [sflag:$0x1] =	stream.indirect.gather [hbm4b:s4+s13], $0x1, s5, s13, $0xb8;
	[tilespmem:$0x6100] =	vst v63  }
0x182: {  	s5 =	sadd.s32 $0x900, s8  }
0x183: {  	[tilespmem:s12], [sflag:$0x1] =	stream.indirect.gather [hbm4b:s4+s13], $0x1, s5, s13, $0xb8;
	[tilespmem:$0x6100] =	vst v63  }
0x184: {  	s5 =	sadd.s32 $0x980, s8  }
0x185: {  	[tilespmem:s1], [sflag:$0x1] =	stream.indirect.gather [hbm4b:s4+s13], $0x1, s5, s13, $0xb8;
	[tilespmem:$0x6100] =	vst v63  }
0x186: {  	_ =	swait.ge [sflag:s24], $0x80  }
0x187: {  	[sflag:s24] =	ssyncset.done $0x0  }
0x188: {  	[sflag:s24] =	ssyncadd.s32 $0xFFFFFF80  }
0x189: {  	_ =	swait.ge [sflag:s24], $0x80  }
0x18a: {  	[sflag:s24] =	ssyncset.done $0x0  }
0x18b: {  	[sflag:s24] =	ssyncadd.s32 $0xFFFFFF80  }
0x18c: {  	_ =	swait.ge [sflag:s24], $0x80  }
0x18d: {  	[sflag:s24] =	ssyncset.done $0x0  }
0x18e: {  	[sflag:s24] =	ssyncadd.s32 $0xFFFFFF80  }
0x18f: {  	_ =	swait.ge [sflag:s24], $0x80  }
0x190: {  	[sflag:s24] =	ssyncset.done $0x0  }
0x191: {  	[sflag:s24] =	ssyncadd.s32 $0xFFFFFF80  }
0x192: {  	_ =	swait.ge [sflag:s24], $0x80  }
0x193: {  	[sflag:s24] =	ssyncset.done $0x0  }
0x194: {  	[sflag:s24] =	ssyncadd.s32 $0xFFFFFF80  }
0x195: {  	_ =	swait.ge [sflag:s24], $0x80  }
0x196: {  	[sflag:s24] =	ssyncset.done $0x0  }
0x197: {  	[sflag:s24] =	ssyncadd.s32 $0xFFFFFF80  }
0x198: {  	_ =	swait.ge [sflag:s24], $0x80  }
0x199: {  	[sflag:s24] =	ssyncset.done $0x0  }
0x19a: {  	[sflag:s24] =	ssyncadd.s32 $0xFFFFFF80  }
0x19b: {  	_ =	swait.ge [sflag:s24], $0x80  }
0x19c: {  	[sflag:s24] =	ssyncset.done $0x0  }
0x19d: {  	[sflag:s24] =	ssyncadd.s32 $0xFFFFFF80  }
0x19e: {  	_ =	swait.ge [sflag:s24], $0x80  }
0x19f: {  	[sflag:s24] =	ssyncset.done $0x0  }
0x1a0: {  	[sflag:s24] =	ssyncadd.s32 $0xFFFFFF80  }
0x1a1: {  	_ =	swait.ge [sflag:s24], $0x80  }
0x1a2: {  	[sflag:s24] =	ssyncset.done $0x0  }
0x1a3: {  	[sflag:s24] =	ssyncadd.s32 $0xFFFFFF80  }
0x1a4: {  	_ =	swait.ge [sflag:s3], $0x80  }
0x1a5: {  	[sflag:s3] =	ssyncset.done $0x0  }
0x1a6: {  	[sflag:s3] =	ssyncadd.s32 $0xFFFFFF80  }
0x1a7: {  	_ =	swait.ge [sflag:s3], $0x80  }
0x1a8: {  	[sflag:s3] =	ssyncset.done $0x0  }
0x1a9: {  	[sflag:s3] =	ssyncadd.s32 $0xFFFFFF80  }
0x1aa: {  	_ =	swait.ge [sflag:s3], $0x80  }
0x1ab: {  	[sflag:s3] =	ssyncset.done $0x0  }
0x1ac: {  	[sflag:s3] =	ssyncadd.s32 $0xFFFFFF80  }
0x1ad: {  	_ =	swait.ge [sflag:s3], $0x80  }
0x1ae: {  	[sflag:s3] =	ssyncset.done $0x0  }
0x1af: {  	[sflag:s3] =	ssyncadd.s32 $0xFFFFFF80  }
0x1b0: {  	_ =	swait.ge [sflag:s3], $0x80  }
0x1b1: {  	[sflag:s3] =	ssyncset.done $0x0  }
0x1b2: {  	[sflag:s3] =	ssyncadd.s32 $0xFFFFFF80  }
0x1b3: {  	_ =	swait.ge [sflag:s3], $0x80  }
0x1b4: {  	[sflag:s3] =	ssyncset.done $0x0  }
0x1b5: {  	[sflag:s3] =	ssyncadd.s32 $0xFFFFFF80  }
0x1b6: {  	_ =	swait.ge [sflag:s3], $0x80  }
0x1b7: {  	[sflag:s3] =	ssyncset.done $0x0  }
0x1b8: {  	[sflag:s3] =	ssyncadd.s32 $0xFFFFFF80  }
0x1b9: {  	_ =	swait.ge [sflag:s3], $0x80  }
0x1ba: {  	[sflag:s3] =	ssyncset.done $0x0  }
0x1bb: {  	[sflag:s3] =	ssyncadd.s32 $0xFFFFFF80  }
0x1bc: {  	_ =	swait.ge [sflag:s3], $0x80  }
0x1bd: {  	[sflag:s3] =	ssyncset.done $0x0  }
0x1be: {  	[sflag:s3] =	ssyncadd.s32 $0xFFFFFF80  }
0x1bf: {  	_ =	swait.ge [sflag:s3], $0x80  }
0x1c0: {  	[sflag:s3] =	ssyncset.done $0x0  }
0x1c1: {  	s5 =	sadd.s32 $0x2D00, s8;
	[sflag:s3] =	ssyncadd.s32 $0xFFFFFF80  }
0x1c2: {  	[spmem:s2] =	stream.indirect.scatter.add.f32 [tilespmem:s25], [sflag:$0x2], $0x1, s5, s13, $0xb8;
	[tilespmem:$0x6100] =	vst v63  }
0x1c3: {  	s5 =	sadd.s32 $0x2D80, s8  }
0x1c4: {  	[spmem:s2] =	stream.indirect.scatter.add.f32 [tilespmem:s26], [sflag:$0x2], $0x1, s5, s13, $0xb8;
	[tilespmem:$0x6100] =	vst v63  }
0x1c5: {  	s5 =	sadd.s32 $0x2E00, s8  }
0x1c6: {  	[spmem:s2] =	stream.indirect.scatter.add.f32 [tilespmem:s28], [sflag:$0x2], $0x1, s5, s13, $0xb8;
	[tilespmem:$0x6100] =	vst v63  }
0x1c7: {  	s5 =	sadd.s32 $0x2E80, s8  }
0x1c8: {  	[spmem:s2] =	stream.indirect.scatter.add.f32 [tilespmem:s29], [sflag:$0x2], $0x1, s5, s13, $0xb8;
	[tilespmem:$0x6100] =	vst v63  }
0x1c9: {  	s5 =	sadd.s32 $0x2F00, s8  }
0x1ca: {  	[spmem:s2] =	stream.indirect.scatter.add.f32 [tilespmem:s30], [sflag:$0x2], $0x1, s5, s13, $0xb8;
	[tilespmem:$0x6100] =	vst v63  }
0x1cb: {  	s5 =	sadd.s32 $0x2F80, s8  }
0x1cc: {  	[spmem:s2] =	stream.indirect.scatter.add.f32 [tilespmem:s31], [sflag:$0x2], $0x1, s5, s13, $0xb8;
	[tilespmem:$0x6100] =	vst v63  }
0x1cd: {  	s5 =	sadd.s32 $0x3000, s8  }
0x1ce: {  	[spmem:s2] =	stream.indirect.scatter.add.f32 [tilespmem:s0], [sflag:$0x2], $0x1, s5, s13, $0xb8;
	[tilespmem:$0x6100] =	vst v63  }
.Ltmp0:
0x1cf: {  	s5 =	sadd.s32 $0x3080, s8;
	(pc) =	sbr.rel @p0 .LBB2_2-.Ltmp0, $4  }
0x1d0: {  	[spmem:s2] =	stream.indirect.scatter.add.f32 [tilespmem:s10], [sflag:$0x2], $0x1, s5, s13, $0xb8;
	[tilespmem:$0x6100] =	vst v63  }
0x1d1: {  	s5 =	sadd.s32 $0x3100, s8  }
0x1d2: {  	[spmem:s2] =	stream.indirect.scatter.add.f32 [tilespmem:s12], [sflag:$0x2], $0x1, s5, s13, $0xb8;
	[tilespmem:$0x6100] =	vst v63  }
0x1d3: {  	s8 =	sadd.s32 $0x3180, s8  }
0x1d4: {  	[spmem:s2] =	stream.indirect.scatter.add.f32 [tilespmem:s1], [sflag:$0x2], $0x1, s8, s13, $0xb8;
	[tilespmem:$0x6100] =	vst v63  }
0x1d5: {  	_ =	swait.ge [sflag:s3], $0x80  }
0x1d6: {  	[sflag:s3] =	ssyncset.done $0x0  }
0x1d7: {  	[sflag:s3] =	ssyncadd.s32 $0xFFFFFF80  }
0x1d8: {  	_ =	swait.ge [sflag:s3], $0x80  }
0x1d9: {  	[sflag:s3] =	ssyncset.done $0x0  }
0x1da: {  	[sflag:s3] =	ssyncadd.s32 $0xFFFFFF80  }
0x1db: {  	_ =	swait.ge [sflag:s3], $0x80  }
0x1dc: {  	[sflag:s3] =	ssyncset.done $0x0  }
0x1dd: {  	[sflag:s3] =	ssyncadd.s32 $0xFFFFFF80  }
0x1de: {  	_ =	swait.ge [sflag:s3], $0x80  }
0x1df: {  	[sflag:s3] =	ssyncset.done $0x0  }
0x1e0: {  	[sflag:s3] =	ssyncadd.s32 $0xFFFFFF80  }
0x1e1: {  	_ =	swait.ge [sflag:s3], $0x80  }
0x1e2: {  	[sflag:s3] =	ssyncset.done $0x0  }
0x1e3: {  	[sflag:s3] =	ssyncadd.s32 $0xFFFFFF80  }
0x1e4: {  	_ =	swait.ge [sflag:s3], $0x80  }
0x1e5: {  	[sflag:s3] =	ssyncset.done $0x0  }
0x1e6: {  	[sflag:s3] =	ssyncadd.s32 $0xFFFFFF80  }
0x1e7: {  	_ =	swait.ge [sflag:s3], $0x80  }
0x1e8: {  	[sflag:s3] =	ssyncset.done $0x0  }
0x1e9: {  	[sflag:s3] =	ssyncadd.s32 $0xFFFFFF80  }
0x1ea: {  	_ =	swait.ge [sflag:s3], $0x80  }
0x1eb: {  	[sflag:s3] =	ssyncset.done $0x0  }
0x1ec: {  	[sflag:s3] =	ssyncadd.s32 $0xFFFFFF80  }
0x1ed: {  	_ =	swait.ge [sflag:s3], $0x80  }
0x1ee: {  	[sflag:s3] =	ssyncset.done $0x0  }
0x1ef: {  	[sflag:s3] =	ssyncadd.s32 $0xFFFFFF80  }
0x1f0: {  	_ =	swait.ge [sflag:s3], $0x80  }
0x1f1: {  	[sflag:s3] =	ssyncset.done $0x0  }
0x1f2: {  	[sflag:s3] =	ssyncadd.s32 $0xFFFFFF80  }
0x1f3: {  	s5 =	stileid.u32;
	[bflag:$0x0] =	sbarrier.arrive $0xFFFF  }
0x1f4: {  	s6 =	simm.s32 $0x10;
	s5 =	sshll.u32 s5, $0x6;
	s8 =	rddreg [dreg:$0x3]  }
0x1f5: {  	s5 =	sor.u32 $0x1C03, s5;
	s9 =	rddreg [dreg:$0x6];
	s7 =	sshrl.u32 s8, $0x3  }
0x1f6: {  	[hbm:s9@s11], [sflag:s5] =	dma.strided [spmem:s7@s6], $0x50, s24, $0x10   }
0x1f7: {  	s9 =	simm.s32 $0x3  }
0x1f8: {  	_ =	swait.ge [sflag:s9], $0x50  }
0x1f9: {  	s5 =	rddreg [dreg:$0x8]  }
0x1fa: {  	s7 =	rddreg [dreg:$0x7];
	s6 =	sadd.s32 $0x1, s5  }
0x1fb: {  	p0 =	sne.s32 s6, s7  }
.Ltmp1:
0x1fc: {  	_ = 	snop;
	(pc) =	sbr.rel @p0 .LBB2_1-.Ltmp1, $3  }
0x1fd: {  	_ =	sdelay $0x1  }
0x1fe: {  	[sflag:s9] =	ssyncset.done $0x0  }
0x1ff: {  	[sflag:s9] =	ssyncadd.s32 $0xFFFFFFB0  }
0x200: {  	_ =	sfence.sel $0x180000  }
0x201: {  	[bflag:$0x0] =	sbarrier.arrive $0xFFFF  }
0x202: {  	_ =	strace $0x9000004D  }
0x203: {  	s0 =	stileid.u32;
	[bflag:$0x2] =	sbarrier.arrive $0xFFFF  }
0x204: {  	p0 =	sne.s32 s0, $0x0;
	s0 =	rddreg [dreg:$0x2]  }
0x205: {  	s0 =	sadd.s32 @!p0 $0x100000, s0  }
0x206: {  	[sflag:s0] =	ssyncadd.tile.s32 @!p0 $0x1;
	_ =	shalt  }
.Lfunc_end2:
_tile_overlayer_lowered:
.L_overlay_start_2:
0x207: {  	(tag) =	ssettag $0x2  }
0x208: {  	s0 =	rddreg [dreg:$0x0];
	s2 =	stileid.u32  }
0x209: {  	s1 =	rddreg [dreg:$0x1];
	p0 =	sne.s32 s2, $0x0  }
0x20a: {  	s3 =	rddreg [dreg:$0x2];
	[bflag:$0x3] =	sbarrier.arrive $0xFFFF;
	s2 =	simm.s32 @!p0 $0x1C03  }
0x20b: {  	[timem:s3], [sflag:s2] =	dma.local @!p0 [hbm:s0], s1  }
0x20c: {  	s0 =	simm.s32 @!p0 $0x3  }
0x20d: {  	_ =	swait.ge @!p0 [sflag:s0], s1  }
0x20e: {  	s1 =	ssub.s32 @!p0 $0x0, s1;
	[sflag:s0] =	ssyncset.done @!p0 $0x0  }
0x20f: {  	[sflag:s0] =	ssyncadd.s32 @!p0 s1  }
0x210: {  	[bflag:$0x3] =	sbarrier.arrive $0xFFFF  }
0x211: {  	_ =	shalt  }

// kernel: kernel.8.cloned.1.call-start
scs
__scs_entry_jumppad:
0x0: {  	(pc) =	sbr.rel $0x88, $3  }
0x1: {  	(tag) =	ssettag $0x0;
	lr =	simm.s32 $0x1  }
0x2: {  	[smem:$0x3F9B] =	sst lr;
	_ =	strace $0xD0000000  }
0x3: {  	_ = 	snop  }
0x4: {  	_ = 	snop  }
0x5: {  	_ = 	snop  }
0x6: {  	_ = 	snop  }
0x7: {  	_ = 	snop  }
__scs_overlays_trampoline_lowered:
0x8: {  	[smem:$0x3FAA] =	sst s0  }
0x9: {  	[smem:$0x3FAB] =	sst s1  }
0xa: {  	[smem:$0x3FAC] =	sst s2  }
0xb: {  	[smem:$0x3FAD] =	sst s3  }
0xc: {  	[smem:$0x3FAE] =	sst s4  }
0xd: {  	[smem:$0x3FAF] =	sst s5  }
0xe: {  	[smem:$0x3FB0] =	sst s6  }
0xf: {  	[smem:$0x3FB1] =	sst s7  }
0x10: {  	[smem:$0x3FB2] =	sst s8  }
0x11: {  	[smem:$0x3FB3] =	sst s9;
	s0 =	simm.s32 @!p0 $0x0  }
0x12: {  	s1 =	sld [smem:$0x3F99];
	s0 =	simm.s32 @p0 $0x1  }
0x13: {  	[smem:$0x3FB4] =	sst s0;
	s0 =	simm.s32 @!p1 $0x0  }
0x14: {  	s2 =	sld [smem:$0x3F98];
	s0 =	simm.s32 @p1 $0x1  }
0x15: {  	[smem:$0x3FB5] =	sst s0;
	s0 =	simm.s32 @!p2 $0x0  }
0x16: {  	s3 =	sld [smem:$0x3FDB];
	s0 =	simm.s32 @p2 $0x1  }
0x17: {  	s4 =	simm.s32 $0x1BF5;
	[smem:$0x3FB7] =	sst s0  }
0x18: {  	s0 =	sld [smem:$0x3F9A];
	_ =	swait.ge [sflag:s4], $0x0  }
0x19: {  	s7 =	sld [smem:$0x3F9B]  }
0x1a: {  	s8 =	sadd.s32 $0xFFFFE003, lr  }
0x1b: {  	s9 =	sadd.s32 $0xFFFFFEF7, lr;
	s5 =	simm.s32 $0xFFFFFFFF;
	p2 =	slt.u32 s8, $0xFFFFF086  }
0x1c: {  	p1 =	slt.u32 s9, $0xF7A;
	s5 =	simm.s32 @!p2 $0x0  }
0x1d: {  	s5 =	simm.s32 @p1 $0x1;
	p0 =	seq.s32 s7, s2  }
0x1e: {  	s7 =	smul.u32 @!p0 $0xF7A, s2;
	p2 =	seq.s32 @!p0 s5, $0x0  }
0x1f: {  	s9 =	smul.u32 $0xF7A, s1;
	s8 =	simm.s32 @!p0 $0x1BF5;
	p2 =	por !p2, p0  }
0x20: {  	[sflag:s8] =	ssyncset.s32 @!p0 $0xFFFFF086;
	s6 =	sadd.s32 @!p0 s3, s7;
	s7 =	simm.s32 @!p0 $0x108  }
0x21: {  	s3 =	sadd.s32 s3, s9;
	s6 =	sadd.s32 @!p0 $0x88, s6;
	s7 =	simm.s32 @p2 $0x1082  }
0x22: {  	[simem:s7], [sflag:s8] =	dma.local @!p0 [hbm:s6], $0xF7A  }
0x23: {  	s9 =	sor.u32 $0xD0000000, s2;
	s6 =	simm.s32 $0x108;
	_ =	swait.ge @!p0 [sflag:s8], $0x0  }
0x24: {  	s3 =	sadd.s32 $0x88, s3;
	s6 =	simm.s32 @!p1 $0x1082;
	[sflag:s4] =	ssyncset.s32 $0xFFFFF086  }
0x25: {  	[simem:s6], [sflag:s4] =	dma.local [hbm:s3], $0xF7A  }
0x26: {  	[smem:$0x3F9B] =	sst s1;
	(tag) =	ssettag s2;
	_ =	strace s9  }
0x27: {  	s1 =	sld [smem:$0x3FAB]  }
0x28: {  	s2 =	sld [smem:$0x3FAC]  }
0x29: {  	s4 =	sld [smem:$0x3FAE]  }
0x2a: {  	p0 =	seq.s32 s5, $0x0;
	s5 =	sld [smem:$0x3FAF]  }
0x2b: {  	s6 =	sld [smem:$0x3FB0]  }
0x2c: {  	s7 =	sld [smem:$0x3FB1]  }
0x2d: {  	s3 =	simm.s32 $0x108;
	s8 =	sld [smem:$0x3FB2]  }
0x2e: {  	s3 =	simm.s32 @!p0 $0x1082;
	s9 =	sld [smem:$0x3FB3]  }
0x2f: {  	lr =	sadd.s32 s0, s3;
	s0 =	sld [smem:$0x3FAA]  }
0x30: {  	s3 =	sld [smem:$0x3FAD]  }
0x31: {  	[smem:$0x3FB6] =	sst s10  }
0x32: {  	s10 =	sld [smem:$0x3FB4];
	_ =	sdelay $0x3  }
0x33: {  	p0 =	seq.s32 s10, $0x1;
	s10 =	sld [smem:$0x3FB6];
	_ =	sdelay $0x3  }
0x34: {  	[smem:$0x3FB6] =	sst s10  }
0x35: {  	s10 =	sld [smem:$0x3FB5];
	_ =	sdelay $0x3  }
0x36: {  	p1 =	seq.s32 s10, $0x1;
	s10 =	sld [smem:$0x3FB6];
	_ =	sdelay $0x3  }
0x37: {  	[smem:$0x3FB6] =	sst s10  }
0x38: {  	s10 =	sld [smem:$0x3FB7]  }
0x39: {  	_ = 	snop;
	(pc) =	sbr.ind lr, $3  }
0x3a: {  	_ = 	snop  }
0x3b: {  	_ = 	snop  }
0x3c: {  	p2 =	seq.s32 s10, $0x1;
	s10 =	sld [smem:$0x3FB6]  }
0x3d: {  	_ =	shalt  }
0x3e: {  	_ =	shalt  }
0x3f: {  	_ =	shalt  }
0x40: {  	_ =	shalt  }
0x41: {  	_ =	shalt  }
0x42: {  	_ =	shalt  }
0x43: {  	_ =	shalt  }
0x44: {  	_ =	shalt  }
0x45: {  	_ =	shalt  }
0x46: {  	_ =	shalt  }
0x47: {  	_ =	shalt  }
0x48: {  	_ =	shalt  }
0x49: {  	_ =	shalt  }
0x4a: {  	_ =	shalt  }
0x4b: {  	_ =	shalt  }
0x4c: {  	_ =	shalt  }
0x4d: {  	_ =	shalt  }
0x4e: {  	_ =	shalt  }
0x4f: {  	_ =	shalt  }
0x50: {  	_ =	shalt  }
0x51: {  	_ =	shalt  }
0x52: {  	_ =	shalt  }
0x53: {  	_ =	shalt  }
0x54: {  	_ =	shalt  }
0x55: {  	_ =	shalt  }
0x56: {  	_ =	shalt  }
0x57: {  	_ =	shalt  }
0x58: {  	_ =	shalt  }
0x59: {  	_ =	shalt  }
0x5a: {  	_ =	shalt  }
0x5b: {  	_ =	shalt  }
0x5c: {  	_ =	shalt  }
0x5d: {  	_ =	shalt  }
0x5e: {  	_ =	shalt  }
0x5f: {  	_ =	shalt  }
0x60: {  	_ =	shalt  }
0x61: {  	_ =	shalt  }
0x62: {  	_ =	shalt  }
0x63: {  	_ =	shalt  }
0x64: {  	_ =	shalt  }
0x65: {  	_ =	shalt  }
0x66: {  	_ =	shalt  }
0x67: {  	_ =	shalt  }
0x68: {  	_ =	shalt  }
0x69: {  	_ =	shalt  }
0x6a: {  	_ =	shalt  }
0x6b: {  	_ =	shalt  }
0x6c: {  	_ =	shalt  }
0x6d: {  	_ =	shalt  }
0x6e: {  	_ =	shalt  }
0x6f: {  	_ =	shalt  }
0x70: {  	_ =	shalt  }
0x71: {  	_ =	shalt  }
0x72: {  	_ =	shalt  }
0x73: {  	_ =	shalt  }
0x74: {  	_ =	shalt  }
0x75: {  	_ =	shalt  }
0x76: {  	_ =	shalt  }
0x77: {  	_ =	shalt  }
0x78: {  	_ =	shalt  }
0x79: {  	_ =	shalt  }
0x7a: {  	_ =	shalt  }
0x7b: {  	_ =	shalt  }
0x7c: {  	_ =	shalt  }
0x7d: {  	_ =	shalt  }
0x7e: {  	_ =	shalt  }
0x7f: {  	_ =	shalt  }
0x80: {  	_ =	shalt  }
0x81: {  	_ =	shalt  }
0x82: {  	_ =	shalt  }
0x83: {  	_ =	shalt  }
0x84: {  	_ =	shalt  }
0x85: {  	_ =	shalt  }
0x86: {  	_ =	shalt  }
0x87: {  	_ =	shalt  }
.Lfunc_end0:
.L_simem_size_0:
called_computation_lowered:
.L_overlay_start_0:
0x88: {  	s2 =	sld [smem:$0x3FD9]  }
0x89: {  	s3 =	sld [smem:$0x3FFE];
	_ =	sdelay $0x1  }
0x8a: {  	s1 =	srdreg.scid  }
0x8b: {  	s0 =	sand.u32 $0x1, s1  }
0x8c: {  	s16 =	sshll.u32 s0, $0xA;
	s2 =	sadd.s32 s3, s2  }
0x8d: {  	s2 =	sadd.s32 s2, s16  }
0x8e: {  	[smem:$0x3FC2] =	sst s2  }
0x8f: {  	_ = 	snop  }
0x90: {  	(tm) =	ssettm $0x1  }
0x91: {  	s17 =	sld [smem:$0x3FFB];
	_ =	sdelay $0x3  }
0x92: {  	_ =	strace s17  }
0x93: {  	s2 =	sld [smem:$0x3FFC];
	_ =	sdelay $0x3  }
0x94: {  	_ =	strace s2  }
0x95: {  	s2 =	sld [smem:$0x3FFD];
	_ =	sdelay $0x3  }
0x96: {  	_ =	strace s2  }
0x97: {  	_ =	strace $0x8FFFFFFF  }
0x98: {  	s18 =	sld [smem:$0x3FDB];
	_ =	sdelay $0x1  }
0x99: {  	s19 =	simm.s32 $_scs_section_size  }
0x9a: {  	s4 =	simm.s32 $_size__tile_overlayer_lowered;
	s5 =	simm.s32 $_tile_overlayer_lowered  }
0x9b: {  	s22 =	simm.s32 $0x1BFF;
	s21 =	sshll.u32 s5, $0x1;
	s2 =	sadd.s32 s19, s18  }
0x9c: {  	s6 =	simm.s32 $0x0;
	s20 =	sshll.u32 s4, $0x1;
	s4 =	sadd.s32 s21, s2  }
0x9d: {  	[timem:s6], [sflag:s22] =	dma.local [hbm:s4], s20  }
0x9e: {  	_ =	swait.ge [sflag:s22], s20  }
0x9f: {  	s3 =	ssub.s32 $0x0, s20;
	[sflag:s22] =	ssyncset.done $0x0  }
0xa0: {  	[sflag:s22] =	ssyncadd.s32 s3;
	_ =	sdelay $0x1  }
0xa1: {  	s23 =	simm.s32 $0x1B8B  }
0xa2: {  	_ =	swait.ge [sflag:s23], $0x1  }
0xa3: {  	[sflag:s23] =	ssyncset.done $0x0  }
0xa4: {  	s25 =	simm.s32 $0x1B8E;
	s24 =	sld [smem:$0x3FFE];
	[sflag:s23] =	ssyncadd.s32 $0xFFFFFFFF  }
0xa5: {  	s26 =	simm.s32 $execute0_lowered;
	[smem:$0x3FD2] =	sst s25  }
0xa6: {  	s4 =	sshll.u32 s26, $0x1;
	_ =	strace $0x80000046;
	[dreg:$0x1] =	wrdreg $0xFFFFFFFF  }
0xa7: {  	s28 =	simm.s32 $_size_execute0_lowered;
	s2 =	sadd.s32 s2, s4;
	[dreg:$0x0] =	wrdreg $0x0  }
0xa8: {  	s4 =	sshll.u32 s28, $0x1;
	[dreg:$0x2] =	wrdreg s2  }
0xa9: {  	[dreg:$0x3] =	wrdreg s4  }
0xaa: {  	[dreg:$0x4] =	wrdreg $0xC0  }
0xab: {  	_ =	task [dreg:s6], $0x5FFFF  }
0xac: {  	[dreg:$0x1] =	wrdreg $0xFFFFFFFF  }
0xad: {  	[dreg:$0x0] =	wrdreg $0x60  }
0xae: {  	[dreg:$0x2] =	wrdreg s24  }
0xaf: {  	[dreg:$0x3] =	wrdreg $0x2B000  }
0xb0: {  	[dreg:$0x4] =	wrdreg $0x9  }
0xb1: {  	_ =	task.clear_ibuf [dreg:s6], $0x5FFFF;
	_ =	strace $0x90000046  }
0xb2: {  	s29 =	simm.s32 $0x9;
	_ =	strace $0x80000048  }
0xb3: {  	_ =	swait.ge [sflag:s29], $0x1  }
0xb4: {  	[sflag:s29] =	ssyncadd.s32 $0xFFFFFFFF  }
0xb5: {  	_ =	strace $0x90000048  }
0xb6: {  	_ =	sfence  }
0xb7: {  	s30 =	sld [smem:$0x0];
	_ =	sdelay $0x2  }
0xb8: {  	s31 =	sshll.u32 s1, $0xD;
	s1 =	sshrl.u32 s1, $0x2  }
0xb9: {  	s3 =	sand.u32 $0x4000, s31;
	s1 =	sadd.s32 s1, s30  }
0xba: {  	s0 =	sor.u32 s3, s0;
	s1 =	sshll.u32 s1, $0x11  }
0xbb: {  	s0 =	sor.u32 s1, s0  }
0xbc: {  	s0 =	sadd.s32 $0x8F2B, s0  }
0xbd: {  	[sflag:s0] =	ssyncadd.remote.s32 $0x1  }
0xbe: {  	_ =	sfence.sel $0xFFFF  }
0xbf: {  	[dreg:$0x0] =	wrdreg $0xFFFFFFFF;
	(pc) =	sbr.abs _section_cstart, $3  }
0xc0: {  	[dreg:$0x1] =	wrdreg $0xFFFFFFFF  }
0xc1: {  	_ =	task.clear_ibuf [dreg:s6], $0x2FFFF;
	_ =	strace $0x9FFFFFFF  }
0xc2: {  	(tm) =	ssettm $0x7FFFFFFF  }
0xc3: {  	_ =	shalt  }
tec
execute0_lowered:
.L_overlay_start_1:
0x0: {  	(tag) =	ssettag $0x1  }
0x1: {  	s4 =	rddreg [dreg:$0x0];
	s0 =	srdreg.scid  }
0x2: {  	s2 =	rddreg [dreg:$0x1];
	s1 =	stileid.u32  }
0x3: {  	s3 =	simm.s32 $0x0;
	s10 =	simm.s32 $0x80;
	s11 =	simm.s32 $0x2800  }
0x4: {  	s12 =	simm.s32 $0x100;
	s13 =	simm.s32 $0x180;
	s14 =	simm.s32 $0x200  }
0x5: {  	s15 =	simm.s32 $0x280;
	s16 =	simm.s32 $0x300;
	s17 =	simm.s32 $0x380  }
0x6: {  	s18 =	simm.s32 $0x400;
	s19 =	simm.s32 $0x480;
	s20 =	simm.s32 $0x1  }
0x7: {  	s23 =	simm.s32 $0x20;
	s24 =	simm.s32 $0x10;
	s25 =	simm.s32 $0x0  }
0x8: {  	s5 =	sand.u32 $0x1, s0;
	s0 =	rddreg [dreg:$0x2];
	s7 =	smul.u32 $0x500, s1  }
0x9: {  	[smem:$0x7FF] =	sst s3;
	s30 =	smul.u32 $0xA00, s1;
	s21 =	sshll.u32 s1, $0x6  }
0xa: {  	s6 =	sshll.u32 s5, $0x4;
	s8 =	sshll.u32 s5, $0x7;
	_ =	strace $0x80000047  }
0xb: {  	s5 =	ssub.s32 $0x2, s5;
	s21 =	sor.u32 $0x1C02, s21;
	s6 =	sor.u32 s1, s6  }
0xc: {  	s7 =	sor.u32 s8, s7;
	s31 =	sshrl.u32 s5, $0x1;
	s6 =	smul.u32 $0x500, s6  }
0xd: {  	s8 =	sshrl.u32 s30, $0x2;
	s7 =	sshrl.u32 s7, $0x3;
	s9 =	ssub.s32 s5, s31  }
0xe: {  	s7 =	sadd.s32 s7, s4;
	s6 =	sadd.s32 s6, s4;
	s4 =	sadd.s32 s8, s2  }
0xf: {  	s8 =	simm.s32 $0x2880;
	s5 =	sadd.s32 $0xC000, s6;
	s6 =	sadd.s32 $0x16000, s7  }
0x10: {  	v0 =	vimm.f32 $0.0e+00;
	v1 =	vimm.f32 $1.000000000e+00;
	s7 =	smax.u32 s9, $0x1;
	s9 =	simm.s32 $0x2;
	s22 =	sshrl.u32 s4, $0x3  }
.LBB2_1:
0x11: {  	[tilespmem:$0x2880] =	vst v0  }
0x12: {  	[tilespmem:$0x2890] =	vst v0  }
0x13: {  	[tilespmem:$0x28A0] =	vst v0  }
0x14: {  	[tilespmem:$0x28B0] =	vst v0  }
0x15: {  	[tilespmem:$0x28C0] =	vst v0  }
0x16: {  	[tilespmem:$0x28D0] =	vst v0  }
0x17: {  	[tilespmem:$0x28E0] =	vst v0  }
0x18: {  	[tilespmem:$0x28F0] =	vst v0  }
0x19: {  	[tilespmem:$0x2900] =	vst v0  }
0x1a: {  	[tilespmem:$0x2910] =	vst v0  }
0x1b: {  	[tilespmem:$0x2920] =	vst v0  }
0x1c: {  	[tilespmem:$0x2930] =	vst v0  }
0x1d: {  	[tilespmem:$0x2940] =	vst v0  }
0x1e: {  	[tilespmem:$0x2950] =	vst v0  }
0x1f: {  	[tilespmem:$0x2960] =	vst v0  }
0x20: {  	[tilespmem:$0x2970] =	vst v0  }
0x21: {  	[tilespmem:$0x2980] =	vst v0  }
0x22: {  	[tilespmem:$0x2990] =	vst v0  }
0x23: {  	[tilespmem:$0x29A0] =	vst v0  }
0x24: {  	[tilespmem:$0x29B0] =	vst v0  }
0x25: {  	[tilespmem:$0x29C0] =	vst v0  }
0x26: {  	[tilespmem:$0x29D0] =	vst v0  }
0x27: {  	[tilespmem:$0x29E0] =	vst v0  }
0x28: {  	[tilespmem:$0x29F0] =	vst v0  }
0x29: {  	[tilespmem:$0x2A00] =	vst v0  }
0x2a: {  	[tilespmem:$0x2A10] =	vst v0  }
0x2b: {  	[tilespmem:$0x2A20] =	vst v0  }
0x2c: {  	[tilespmem:$0x2A30] =	vst v0  }
0x2d: {  	[tilespmem:$0x2A40] =	vst v0  }
0x2e: {  	[tilespmem:$0x2A50] =	vst v0  }
0x2f: {  	[tilespmem:$0x2A60] =	vst v0  }
0x30: {  	[tilespmem:$0x2A70] =	vst v0  }
0x31: {  	[tilespmem:$0x2A80] =	vst v0  }
0x32: {  	[tilespmem:$0x2A90] =	vst v0  }
0x33: {  	[tilespmem:$0x2AA0] =	vst v0  }
0x34: {  	[tilespmem:$0x2AB0] =	vst v0  }
0x35: {  	[tilespmem:$0x2AC0] =	vst v0  }
0x36: {  	[tilespmem:$0x2AD0] =	vst v0  }
0x37: {  	[tilespmem:$0x2AE0] =	vst v0  }
0x38: {  	[tilespmem:$0x2AF0] =	vst v0  }
0x39: {  	[spmem:s4] =	stream.linear.scatter [tilespmem:s8], [sflag:$0x2], $0x280, $0x38;
	[tilespmem:$0x2D80] =	vst v63  }
0x3a: {  	_ =	swait.ge [sflag:s9], $0x280  }
0x3b: {  	[sflag:s9] =	ssyncset.done $0x0  }
0x3c: {  	[sflag:s9] =	ssyncadd.s32 $0xFFFFFD80  }
0x3d: {  	[tilespmem:$0x2800] =	vst v1  }
0x3e: {  	[tilespmem:$0x2810] =	vst v1  }
0x3f: {  	[tilespmem:$0x2820] =	vst v1  }
0x40: {  	[tilespmem:$0x2830] =	vst v1  }
0x41: {  	[tilespmem:$0x2840] =	vst v1  }
0x42: {  	[tilespmem:$0x2850] =	vst v1  }
0x43: {  	[tilespmem:$0x2860] =	vst v1  }
0x44: {  	[tilespmem:$0x2870] =	vst v1  }
0x45: {  	[bflag:$0x0] =	sbarrier.arrive $0xFFFF  }
0x46: {  	[tilespmem:s3], [sflag:$0x2] =	stream.linear.gather [hbm4b:s5+s3], $0x2800, $0x38;
	[tilespmem:$0x2D80] =	vst v63  }
0x47: {  	_ =	swait.ge [sflag:s9], $0x2800  }
0x48: {  	[sflag:s9] =	ssyncset.done $0x0  }
0x49: {  	[sflag:s9] =	ssyncadd.s32 $0xFFFFD800  }
0x4a: {  	[spmem:s2] =	stream.indirect.scatter.add.f32 [tilespmem:s11], [sflag:$0x1], $0x1, s3, s10, $0xb8;
	[tilespmem:$0x2D80] =	vst v63  }
0x4b: {  	_ = 	snop  }
0x4c: {  	[spmem:s2] =	stream.indirect.scatter.add.f32 [tilespmem:s11], [sflag:$0x1], $0x1, s10, s10, $0xb8;
	[tilespmem:$0x2D80] =	vst v63  }
0x4d: {  	_ = 	snop  }
0x4e: {  	[spmem:s2] =	stream.indirect.scatter.add.f32 [tilespmem:s11], [sflag:$0x1], $0x1, s12, s10, $0xb8;
	[tilespmem:$0x2D80] =	vst v63  }
0x4f: {  	_ = 	snop  }
0x50: {  	[spmem:s2] =	stream.indirect.scatter.add.f32 [tilespmem:s11], [sflag:$0x1], $0x1, s13, s10, $0xb8;
	[tilespmem:$0x2D80] =	vst v63  }
0x51: {  	_ = 	snop  }
0x52: {  	[spmem:s2] =	stream.indirect.scatter.add.f32 [tilespmem:s11], [sflag:$0x1], $0x1, s14, s10, $0xb8;
	[tilespmem:$0x2D80] =	vst v63  }
0x53: {  	_ = 	snop  }
0x54: {  	[spmem:s2] =	stream.indirect.scatter.add.f32 [tilespmem:s11], [sflag:$0x1], $0x1, s15, s10, $0xb8;
	[tilespmem:$0x2D80] =	vst v63  }
0x55: {  	_ = 	snop  }
0x56: {  	[spmem:s2] =	stream.indirect.scatter.add.f32 [tilespmem:s11], [sflag:$0x1], $0x1, s16, s10, $0xb8;
	[tilespmem:$0x2D80] =	vst v63  }
0x57: {  	_ = 	snop  }
0x58: {  	[spmem:s2] =	stream.indirect.scatter.add.f32 [tilespmem:s11], [sflag:$0x1], $0x1, s17, s10, $0xb8;
	[tilespmem:$0x2D80] =	vst v63  }
0x59: {  	_ = 	snop  }
0x5a: {  	[spmem:s2] =	stream.indirect.scatter.add.f32 [tilespmem:s11], [sflag:$0x1], $0x1, s18, s10, $0xb8;
	[tilespmem:$0x2D80] =	vst v63  }
0x5b: {  	_ = 	snop  }
0x5c: {  	[spmem:s2] =	stream.indirect.scatter.add.f32 [tilespmem:s11], [sflag:$0x1], $0x1, s19, s10, $0xb8;
	[tilespmem:$0x2D80] =	vst v63  }
0x5d: {  	_ =	swait.ge [sflag:s20], $0x80  }
0x5e: {  	[sflag:s20] =	ssyncset.done $0x0  }
0x5f: {  	[sflag:s20] =	ssyncadd.s32 $0xFFFFFF80  }
0x60: {  	_ =	swait.ge [sflag:s20], $0x80  }
0x61: {  	[sflag:s20] =	ssyncset.done $0x0  }
0x62: {  	[sflag:s20] =	ssyncadd.s32 $0xFFFFFF80  }
0x63: {  	_ =	swait.ge [sflag:s20], $0x80  }
0x64: {  	[sflag:s20] =	ssyncset.done $0x0  }
0x65: {  	[sflag:s20] =	ssyncadd.s32 $0xFFFFFF80  }
0x66: {  	_ =	swait.ge [sflag:s20], $0x80  }
0x67: {  	[sflag:s20] =	ssyncset.done $0x0  }
0x68: {  	[sflag:s20] =	ssyncadd.s32 $0xFFFFFF80  }
0x69: {  	_ =	swait.ge [sflag:s20], $0x80  }
0x6a: {  	[sflag:s20] =	ssyncset.done $0x0  }
0x6b: {  	[sflag:s20] =	ssyncadd.s32 $0xFFFFFF80  }
0x6c: {  	_ =	swait.ge [sflag:s20], $0x80  }
0x6d: {  	[sflag:s20] =	ssyncset.done $0x0  }
0x6e: {  	[sflag:s20] =	ssyncadd.s32 $0xFFFFFF80  }
0x6f: {  	_ =	swait.ge [sflag:s20], $0x80  }
0x70: {  	[sflag:s20] =	ssyncset.done $0x0  }
0x71: {  	[sflag:s20] =	ssyncadd.s32 $0xFFFFFF80  }
0x72: {  	_ =	swait.ge [sflag:s20], $0x80  }
0x73: {  	[sflag:s20] =	ssyncset.done $0x0  }
0x74: {  	[sflag:s20] =	ssyncadd.s32 $0xFFFFFF80  }
0x75: {  	_ =	swait.ge [sflag:s20], $0x80  }
0x76: {  	[sflag:s20] =	ssyncset.done $0x0  }
0x77: {  	[sflag:s20] =	ssyncadd.s32 $0xFFFFFF80  }
0x78: {  	_ =	swait.ge [sflag:s20], $0x80  }
0x79: {  	[sflag:s20] =	ssyncset.done $0x0  }
0x7a: {  	s26 =	simm.s32 $0x500;
	[sflag:s20] =	ssyncadd.s32 $0xFFFFFF80  }
0x7b: {  	[spmem:s2] =	stream.indirect.scatter.add.f32 [tilespmem:s11], [sflag:$0x1], $0x1, s26, s10, $0xb8;
	[tilespmem:$0x2D80] =	vst v63  }
0x7c: {  	s30 =	simm.s32 $0x580  }
0x7d: {  	[spmem:s2] =	stream.indirect.scatter.add.f32 [tilespmem:s11], [sflag:$0x1], $0x1, s30, s10, $0xb8;
	[tilespmem:$0x2D80] =	vst v63  }
0x7e: {  	s31 =	simm.s32 $0x600  }
0x7f: {  	[spmem:s2] =	stream.indirect.scatter.add.f32 [tilespmem:s11], [sflag:$0x1], $0x1, s31, s10, $0xb8;
	[tilespmem:$0x2D80] =	vst v63  }
0x80: {  	s29 =	simm.s32 $0x680  }
0x81: {  	[spmem:s2] =	stream.indirect.scatter.add.f32 [tilespmem:s11], [sflag:$0x1], $0x1, s29, s10, $0xb8;
	[tilespmem:$0x2D80] =	vst v63  }
0x82: {  	s30 =	simm.s32 $0x700  }
0x83: {  	[spmem:s2] =	stream.indirect.scatter.add.f32 [tilespmem:s11], [sflag:$0x1], $0x1, s30, s10, $0xb8;
	[tilespmem:$0x2D80] =	vst v63  }
0x84: {  	s31 =	simm.s32 $0x780  }
0x85: {  	[spmem:s2] =	stream.indirect.scatter.add.f32 [tilespmem:s11], [sflag:$0x1], $0x1, s31, s10, $0xb8;
	[tilespmem:$0x2D80] =	vst v63  }
0x86: {  	s29 =	simm.s32 $0x800  }
0x87: {  	[spmem:s2] =	stream.indirect.scatter.add.f32 [tilespmem:s11], [sflag:$0x1], $0x1, s29, s10, $0xb8;
	[tilespmem:$0x2D80] =	vst v63  }
0x88: {  	s30 =	simm.s32 $0x880  }
0x89: {  	[spmem:s2] =	stream.indirect.scatter.add.f32 [tilespmem:s11], [sflag:$0x1], $0x1, s30, s10, $0xb8;
	[tilespmem:$0x2D80] =	vst v63  }
0x8a: {  	s28 =	simm.s32 $0x980;
	s26 =	simm.s32 $0x1400;
	s31 =	simm.s32 $0x900  }
0x8b: {  	[spmem:s2] =	stream.indirect.scatter.add.f32 [tilespmem:s11], [sflag:$0x1], $0x1, s31, s10, $0xb8;
	[tilespmem:$0x2D80] =	vst v63  }
.LBB2_2:
0x8c: {  	[spmem:s2] =	stream.indirect.scatter.add.f32 [tilespmem:s11], [sflag:$0x1], $0x1, s28, s10, $0xb8;
	[tilespmem:$0x2D80] =	vst v63  }
0x8d: {  	s28 =	smov.u32 s26  }
0x8e: {  	p0 =	sne.s32 s26, $0x7800;
	s26 =	sadd.s32 $0x1400, s26;
	_ =	swait.ge [sflag:s20], $0x80  }
0x8f: {  	[sflag:s20] =	ssyncset.done $0x0  }
0x90: {  	[sflag:s20] =	ssyncadd.s32 $0xFFFFFF80  }
0x91: {  	_ =	swait.ge [sflag:s20], $0x80  }
0x92: {  	[sflag:s20] =	ssyncset.done $0x0  }
0x93: {  	[sflag:s20] =	ssyncadd.s32 $0xFFFFFF80  }
0x94: {  	_ =	swait.ge [sflag:s20], $0x80  }
0x95: {  	[sflag:s20] =	ssyncset.done $0x0  }
0x96: {  	[sflag:s20] =	ssyncadd.s32 $0xFFFFFF80  }
0x97: {  	_ =	swait.ge [sflag:s20], $0x80  }
0x98: {  	[sflag:s20] =	ssyncset.done $0x0  }
0x99: {  	[sflag:s20] =	ssyncadd.s32 $0xFFFFFF80  }
0x9a: {  	_ =	swait.ge [sflag:s20], $0x80  }
0x9b: {  	[sflag:s20] =	ssyncset.done $0x0  }
0x9c: {  	[sflag:s20] =	ssyncadd.s32 $0xFFFFFF80  }
0x9d: {  	_ =	swait.ge [sflag:s20], $0x80  }
0x9e: {  	[sflag:s20] =	ssyncset.done $0x0  }
0x9f: {  	[sflag:s20] =	ssyncadd.s32 $0xFFFFFF80  }
0xa0: {  	_ =	swait.ge [sflag:s20], $0x80  }
0xa1: {  	[sflag:s20] =	ssyncset.done $0x0  }
0xa2: {  	[sflag:s20] =	ssyncadd.s32 $0xFFFFFF80  }
0xa3: {  	_ =	swait.ge [sflag:s20], $0x80  }
0xa4: {  	[sflag:s20] =	ssyncset.done $0x0  }
0xa5: {  	[sflag:s20] =	ssyncadd.s32 $0xFFFFFF80  }
0xa6: {  	_ =	swait.ge [sflag:s20], $0x80  }
0xa7: {  	[sflag:s20] =	ssyncset.done $0x0  }
0xa8: {  	[sflag:s20] =	ssyncadd.s32 $0xFFFFFF80  }
0xa9: {  	_ =	swait.ge [sflag:s20], $0x80  }
0xaa: {  	s28 =	sshra.s32 s28, $0x2;
	[sflag:s20] =	ssyncset.done $0x0  }
0xab: {  	s29 =	sadd.s32 $0x500, s28;
	[sflag:s20] =	ssyncadd.s32 $0xFFFFFF80  }
0xac: {  	[spmem:s2] =	stream.indirect.scatter.add.f32 [tilespmem:s11], [sflag:$0x1], $0x1, s29, s10, $0xb8;
	[tilespmem:$0x2D80] =	vst v63  }
0xad: {  	s29 =	sadd.s32 $0x580, s28  }
0xae: {  	[spmem:s2] =	stream.indirect.scatter.add.f32 [tilespmem:s11], [sflag:$0x1], $0x1, s29, s10, $0xb8;
	[tilespmem:$0x2D80] =	vst v63  }
0xaf: {  	s29 =	sadd.s32 $0x600, s28  }
0xb0: {  	[spmem:s2] =	stream.indirect.scatter.add.f32 [tilespmem:s11], [sflag:$0x1], $0x1, s29, s10, $0xb8;
	[tilespmem:$0x2D80] =	vst v63  }
0xb1: {  	s29 =	sadd.s32 $0x680, s28  }
0xb2: {  	[spmem:s2] =	stream.indirect.scatter.add.f32 [tilespmem:s11], [sflag:$0x1], $0x1, s29, s10, $0xb8;
	[tilespmem:$0x2D80] =	vst v63  }
0xb3: {  	s29 =	sadd.s32 $0x700, s28  }
0xb4: {  	[spmem:s2] =	stream.indirect.scatter.add.f32 [tilespmem:s11], [sflag:$0x1], $0x1, s29, s10, $0xb8;
	[tilespmem:$0x2D80] =	vst v63  }
0xb5: {  	s29 =	sadd.s32 $0x780, s28  }
0xb6: {  	[spmem:s2] =	stream.indirect.scatter.add.f32 [tilespmem:s11], [sflag:$0x1], $0x1, s29, s10, $0xb8;
	[tilespmem:$0x2D80] =	vst v63  }
0xb7: {  	s29 =	sadd.s32 $0x800, s28  }
0xb8: {  	[spmem:s2] =	stream.indirect.scatter.add.f32 [tilespmem:s11], [sflag:$0x1], $0x1, s29, s10, $0xb8;
	[tilespmem:$0x2D80] =	vst v63  }
.Ltmp0:
0xb9: {  	s29 =	sadd.s32 $0x880, s28;
	(pc) =	sbr.rel @p0 .LBB2_2-.Ltmp0, $4  }
0xba: {  	[spmem:s2] =	stream.indirect.scatter.add.f32 [tilespmem:s11], [sflag:$0x1], $0x1, s29, s10, $0xb8;
	[tilespmem:$0x2D80] =	vst v63  }
0xbb: {  	s29 =	sadd.s32 $0x900, s28  }
0xbc: {  	[spmem:s2] =	stream.indirect.scatter.add.f32 [tilespmem:s11], [sflag:$0x1], $0x1, s29, s10, $0xb8;
	[tilespmem:$0x2D80] =	vst v63  }
0xbd: {  	s28 =	sadd.s32 $0x980, s28  }
0xbe: {  	[spmem:s2] =	stream.indirect.scatter.add.f32 [tilespmem:s11], [sflag:$0x1], $0x1, s28, s10, $0xb8;
	[tilespmem:$0x2D80] =	vst v63  }
0xbf: {  	_ =	swait.ge [sflag:s20], $0x80  }
0xc0: {  	[sflag:s20] =	ssyncset.done $0x0  }
0xc1: {  	[sflag:s20] =	ssyncadd.s32 $0xFFFFFF80  }
0xc2: {  	_ =	swait.ge [sflag:s20], $0x80  }
0xc3: {  	[sflag:s20] =	ssyncset.done $0x0  }
0xc4: {  	[sflag:s20] =	ssyncadd.s32 $0xFFFFFF80  }
0xc5: {  	_ =	swait.ge [sflag:s20], $0x80  }
0xc6: {  	[sflag:s20] =	ssyncset.done $0x0  }
0xc7: {  	[sflag:s20] =	ssyncadd.s32 $0xFFFFFF80  }
0xc8: {  	_ =	swait.ge [sflag:s20], $0x80  }
0xc9: {  	[sflag:s20] =	ssyncset.done $0x0  }
0xca: {  	[sflag:s20] =	ssyncadd.s32 $0xFFFFFF80  }
0xcb: {  	_ =	swait.ge [sflag:s20], $0x80  }
0xcc: {  	[sflag:s20] =	ssyncset.done $0x0  }
0xcd: {  	[sflag:s20] =	ssyncadd.s32 $0xFFFFFF80  }
0xce: {  	_ =	swait.ge [sflag:s20], $0x80  }
0xcf: {  	[sflag:s20] =	ssyncset.done $0x0  }
0xd0: {  	[sflag:s20] =	ssyncadd.s32 $0xFFFFFF80  }
0xd1: {  	_ =	swait.ge [sflag:s20], $0x80  }
0xd2: {  	[sflag:s20] =	ssyncset.done $0x0  }
0xd3: {  	[sflag:s20] =	ssyncadd.s32 $0xFFFFFF80  }
0xd4: {  	_ =	swait.ge [sflag:s20], $0x80  }
0xd5: {  	[sflag:s20] =	ssyncset.done $0x0  }
0xd6: {  	[sflag:s20] =	ssyncadd.s32 $0xFFFFFF80  }
0xd7: {  	_ =	swait.ge [sflag:s20], $0x80  }
0xd8: {  	[sflag:s20] =	ssyncset.done $0x0  }
0xd9: {  	[sflag:s20] =	ssyncadd.s32 $0xFFFFFF80  }
0xda: {  	_ =	swait.ge [sflag:s20], $0x80  }
0xdb: {  	s25 =	sadd.s32 $0x1, s25;
	[sflag:s20] =	ssyncset.done $0x0  }
0xdc: {  	p0 =	sne.s32 s25, s7;
	[sflag:s20] =	ssyncadd.s32 $0xFFFFFF80  }
.Ltmp1:
0xdd: {  	[bflag:$0x0] =	sbarrier.arrive $0xFFFF;
	(pc) =	sbr.rel @p0 .LBB2_1-.Ltmp1, $4  }
0xde: {  	[hbm:s6@s23], [sflag:s21] =	dma.strided [spmem:s22@s24], $0x50, s20, $0x10   }
0xdf: {  	_ =	swait.ge [sflag:s9], $0x50  }
0xe0: {  	[sflag:s9] =	ssyncset.done $0x0  }
0xe1: {  	[sflag:s9] =	ssyncadd.s32 $0xFFFFFFB0  }
0xe2: {  	_ =	sfence.sel $0x180000  }
0xe3: {  	[bflag:$0x0] =	sbarrier.arrive $0xFFFF  }
0xe4: {  	p0 =	sne.s32 s1, $0x0;
	_ =	strace $0x90000047  }
0xe5: {  	s0 =	sadd.s32 @!p0 $0x100000, s0;
	[bflag:$0x2] =	sbarrier.arrive $0xFFFF  }
0xe6: {  	[sflag:s0] =	ssyncadd.tile.s32 @!p0 $0x1;
	_ =	shalt  }
.Lfunc_end2:
_tile_overlayer_lowered:
.L_overlay_start_2:
0xe7: {  	(tag) =	ssettag $0x2  }
0xe8: {  	s0 =	rddreg [dreg:$0x0];
	s2 =	stileid.u32  }
0xe9: {  	s1 =	rddreg [dreg:$0x1];
	p0 =	sne.s32 s2, $0x0  }
0xea: {  	s3 =	rddreg [dreg:$0x2];
	[bflag:$0x3] =	sbarrier.arrive $0xFFFF;
	s2 =	simm.s32 @!p0 $0x1C02  }
0xeb: {  	[timem:s3], [sflag:s2] =	dma.local @!p0 [hbm:s0], s1  }
0xec: {  	s0 =	simm.s32 @!p0 $0x2  }
0xed: {  	_ =	swait.ge @!p0 [sflag:s0], s1  }
0xee: {  	s1 =	ssub.s32 @!p0 $0x0, s1;
	[sflag:s0] =	ssyncset.done @!p0 $0x0  }
0xef: {  	[sflag:s0] =	ssyncadd.s32 @!p0 s1  }
0xf0: {  	[bflag:$0x3] =	sbarrier.arrive $0xFFFF  }
0xf1: {  	_ =	shalt  }

</sc_bundles>
